<compile_context>
chip_gen: v7x
topology: tpu7x:2x2x1
jax: 0.10.2.dev20260603
libtpu: 0.0.44.dev20260713+nightly
codegen_flags: <defaults>
</compile_context>

<pallas_src>
import functools

import jax
import jax.numpy as jnp
from jax import lax
from jax.experimental import pallas as pl
from jax.experimental.pallas import tpu as pltpu
from jax.experimental.pallas import tpu_sc as plsc

MAXZ1 = 102
NCFG = 20
D = 64
B = 4096
S = 200
N = B * S
TROWS = 208
TSTR = 65
EMB_OFF = MAXZ1 * TSTR
NC = 2
NS = 16
NW = NC * NS
BW = B // NW
SCH = 4
NCHUNK = S // SCH


def _build_table(embedding_weight, electron_config, config_w, config_b):
    emb_p = (jnp.zeros((TROWS, D), jnp.float32)
             .at[:MAXZ1].set(embedding_weight)
             .at[MAXZ1:2 * MAXZ1].set(embedding_weight))
    ec_p = jnp.zeros((TROWS, 128), jnp.float32).at[:MAXZ1, :NCFG].set(electron_config)
    wt_p = jnp.zeros((128, D), jnp.float32).at[:NCFG].set(config_w.T)
    b_p = jnp.broadcast_to(config_b[None, :], (8, D))
    bmask = (lax.broadcasted_iota(jnp.int32, (TROWS, 1), 0) < MAXZ1).astype(jnp.float32)
    def body(emb_ref, ec_ref, wt_ref, b_ref, m_ref, out_ref):
        elec = jnp.dot(ec_ref[...], wt_ref[...], preferred_element_type=jnp.float32)
        out_ref[:, 0:D] = emb_ref[...] + elec + b_ref[0:1, :] * m_ref[...]
        out_ref[:, D:TSTR] = jnp.zeros((TROWS, TSTR - D), jnp.float32)
    return pl.pallas_call(
        body,
        out_shape=jax.ShapeDtypeStruct((TROWS, TSTR), jnp.float32),
    )(emb_p, ec_p, wt_p, b_p, bmask)


def _gather_body(tab_hbm, idx_hbm, out_hbm, tab_v, idx_v, out_v0, out_v1,
                 sem0, sem1):
    wid = lax.axis_index("s") * NC + lax.axis_index("c")
    b0 = wid * BW
    pltpu.sync_copy(tab_hbm, tab_v)
    pltpu.sync_copy(idx_hbm.at[pl.ds(b0 * S, BW * S)], idx_v)
    lanes = lax.broadcasted_iota(jnp.int32, (16,), 0)

    out_vs = (out_v0, out_v1)
    sems = (sem0, sem1)

    def fill(c, out_v):
        for s_loc in range(SCH):
            s = c * SCH + s_loc
            off = jnp.where(s == 0, EMB_OFF, 0)
            @plsc.parallel_loop(0, BW // 16, unroll=4)
            def bgroup(bg):
                bvec = bg * 16 + lanes
                z16 = plsc.load_gather(idx_v, [bvec * S + s])
                base = z16 * TSTR + off
                for d in range(0, D, 2):
                    vals = plsc.load_gather(tab_v, [base + d])
                    out_v[s_loc, d, pl.ds(bg * 16, 16)] = vals

    def chunk2(k, carry):
        for par in range(2):
            c = 2 * k + par
            @pl.when(k > 0)
            def _drain():
                pltpu.make_async_copy(
                    out_vs[par],
                    out_hbm.at[pl.ds(0, SCH), :, pl.ds(b0, BW)],
                    sems[par]).wait()
            fill(c, out_vs[par])
            pltpu.async_copy(
                out_vs[par],
                out_hbm.at[pl.ds(c * SCH, SCH), :, pl.ds(b0, BW)],
                sems[par])
        return carry

    lax.fori_loop(0, NCHUNK // 2, chunk2, 0)
    for par in range(2):
        pltpu.make_async_copy(
            out_vs[par],
            out_hbm.at[pl.ds(0, SCH), :, pl.ds(b0, BW)],
            sems[par]).wait()


@functools.partial(
    pl.kernel,
    mesh=plsc.VectorSubcoreMesh(core_axis_name="c", subcore_axis_name="s"),
    compiler_params=pltpu.CompilerParams(needs_layout_passes=False,
                                         disable_bounds_checks=True),
    out_type=jax.ShapeDtypeStruct((S, D, B), jnp.float32),
    scratch_types=[
        pltpu.VMEM((TROWS * TSTR,), jnp.float32),
        pltpu.VMEM((BW * S,), jnp.int32),
        pltpu.VMEM((SCH, D, BW), jnp.float32),
        pltpu.VMEM((SCH, D, BW), jnp.float32),
        pltpu.SemaphoreType.DMA,
        pltpu.SemaphoreType.DMA,
    ],
)
def _sc_gather_t(tab_hbm, idx_hbm, out_hbm, tab_v, idx_v, out_v0, out_v1,
                 sem0, sem1):
    _gather_body(tab_hbm, idx_hbm, out_hbm, tab_v, idx_v, out_v0, out_v1,
                 sem0, sem1)


def kernel(atomic_numbers, embedding_weight, electron_config, config_w, config_b):
    table = _build_table(embedding_weight, electron_config, config_w, config_b)
    out_t = _sc_gather_t(table.reshape(TROWS * TSTR), atomic_numbers.reshape(N))
    return jnp.transpose(out_t, (2, 0, 1))

# --- scband reference (transcript-rebuilt; emitter-appended) ---
"""Pipeline reference for scband-nuclear-embedding-43585328120342 (READ-ONLY COPY).

The authoritative reference and input builder live on the scoring server;
editing this copy changes nothing except your own understanding.
"""

import jax, jax.numpy as jnp
import numpy as np
import math

MAX_Z = 101
N_CONFIG = 20
EMBED_DIM = 64
BATCH = 4096
SEQ = 200


def setup_inputs(seed: int = 0) -> dict:
    key = jax.random.key(seed)
    k1, k2, k3, k4 = jax.random.split(key, 4)
    atomic_numbers = jax.random.randint(k1, (BATCH, SEQ), 0, MAX_Z + 1, dtype=jnp.int32)
    # nn.Embedding(MAX_Z + 1, embedding_dim) with uniform(-sqrt(3), sqrt(3)) init (zero_init=False)
    embedding_weight = jax.random.uniform(k2, (MAX_Z + 1, EMBED_DIM), minval=-math.sqrt(3.0), maxval=math.sqrt(3.0), dtype=jnp.float32)
    # electron_config buffer, normalized columnwise by its max (as in the original module preamble)
    ec_raw = jax.random.uniform(k3, (MAX_Z + 1, N_CONFIG), minval=0.0, maxval=1.0, dtype=jnp.float32) + 1e-3
    electron_config = ec_raw / jnp.max(ec_raw, axis=0)
    # config_linear: Linear(N_CONFIG -> EMBED_DIM), orthogonal-ish init approximated by scaled normal
    config_w = jax.random.normal(k4, (EMBED_DIM, N_CONFIG), dtype=jnp.float32) * (1.0 / math.sqrt(N_CONFIG))
    config_b = jnp.zeros((EMBED_DIM,), dtype=jnp.float32)
    return {
        'atomic_numbers': atomic_numbers,
        'embedding_weight': embedding_weight,
        'electron_config': electron_config,
        'config_w': config_w,
        'config_b': config_b,
    }


def reference(atomic_numbers, embedding_weight, electron_config, config_w, config_b):
    # embedding = self.embedding(atomic_numbers)
    embedding = jnp.take(embedding_weight, atomic_numbers, axis=0)
    # electronic_embedding = self.config_linear(self.electron_config[atomic_numbers.long()])
    ec = jnp.take(electron_config, atomic_numbers, axis=0)
    electronic_embedding = jnp.einsum('bsc,dc->bsd', ec, config_w) + config_b
    # cls_token=True: zero out position 0 along the sequence axis
    electronic_embedding = electronic_embedding.at[:, 0, :].set(0.0)
    return embedding + electronic_embedding

if __name__ == "__main__":
    import jax
    _d = setup_inputs()
    print(jax.jit(kernel)(*tuple(_d.values())))

</pallas_src>

<mosaic_0001>
#map = affine_map<(d0, d1) -> (0)>
#map1 = affine_map<(d0, d1) -> (0, 0, 0)>
module attributes {stable_mosaic.version = 14 : i64} {
  func.func @_sc_gather_t(%arg0: i32, %arg1: i32, %arg2: memref<13520xf32, #tpu.memory_space<hbm>>, %arg3: memref<819200xi32, #tpu.memory_space<hbm>>, %arg4: memref<200x64x4096xf32, #tpu.memory_space<hbm>>, %arg5: memref<13520xf32, #tpu.memory_space<vmem>>, %arg6: memref<25600xi32, #tpu.memory_space<vmem>>, %arg7: memref<4x64x128xf32, #tpu.memory_space<vmem>>, %arg8: memref<4x64x128xf32, #tpu.memory_space<vmem>>, %arg9: memref<!tpu.dma_semaphore, #tpu.memory_space<semaphore_mem>>, %arg10: memref<!tpu.dma_semaphore, #tpu.memory_space<semaphore_mem>>) attributes {dimension_semantics = [#tpu.dimension_semantics<core_parallel>, #tpu.dimension_semantics<subcore_parallel>], iteration_bounds = array<i64: 2, 16>, scalar_prefetch = 0 : i64, scratch_operands = 6 : i64, tpu.core_type = #tpu.core_type<sc_vector_subcore>, window_params = [{transform_indices = #map}, {transform_indices = #map}, {transform_indices = #map1}]} {
    %mul3A = arith.constant 2 : i32
    %mul3A_0 = arith.muli %arg1, %mul3A : i32
    %add3A = arith.addi %mul3A_0, %arg0 : i32
    %mul3A_1 = arith.constant 128 : i32
    %mul3A_2 = arith.muli %add3A, %mul3A_1 : i32
    "tpu.region"() ({
      %run_scoped3A = tpu.sem_alloc : memref<!tpu.dma_semaphore, #tpu.memory_space<semaphore_mem>>
      tpu.enqueue_dma source(%arg2 : memref<13520xf32, #tpu.memory_space<hbm>>) target(%arg5 : memref<13520xf32, #tpu.memory_space<vmem>>) target_semaphore(%run_scoped3A : memref<!tpu.dma_semaphore, #tpu.memory_space<semaphore_mem>>)
      tpu.wait_dma2 semaphore(%run_scoped3A : memref<!tpu.dma_semaphore, #tpu.memory_space<semaphore_mem>>) src(%arg2 : memref<13520xf32, #tpu.memory_space<hbm>>) dst(%arg5 : memref<13520xf32, #tpu.memory_space<vmem>>)
      tpu.yield
    }) : () -> ()
    %mul3A_3 = arith.constant 200 : i32
    %mul3A_4 = arith.muli %mul3A_2, %mul3A_3 : i32
    "tpu.region"() ({
      %run_scoped3A = tpu.sem_alloc : memref<!tpu.dma_semaphore, #tpu.memory_space<semaphore_mem>>
      %dma_start3A = tpu.memref_slice %arg3[%mul3A_4] : memref<819200xi32, #tpu.memory_space<hbm>> -> memref<25600xi32, #tpu.memory_space<hbm>>
      %dma_start3A_21 = tpu.memref_slice %arg3[%mul3A_4] : memref<819200xi32, #tpu.memory_space<hbm>> -> memref<25600xi32, #tpu.memory_space<hbm>>
      tpu.enqueue_dma source(%dma_start3A_21 : memref<25600xi32, #tpu.memory_space<hbm>>) target(%arg6 : memref<25600xi32, #tpu.memory_space<vmem>>) target_semaphore(%run_scoped3A : memref<!tpu.dma_semaphore, #tpu.memory_space<semaphore_mem>>)
      %dma_wait3A_22 = tpu.memref_slice %arg3[%mul3A_4] : memref<819200xi32, #tpu.memory_space<hbm>> -> memref<25600xi32, #tpu.memory_space<hbm>>
      %dma_wait3A_23 = tpu.memref_slice %arg3[%mul3A_4] : memref<819200xi32, #tpu.memory_space<hbm>> -> memref<25600xi32, #tpu.memory_space<hbm>>
      tpu.wait_dma2 semaphore(%run_scoped3A : memref<!tpu.dma_semaphore, #tpu.memory_space<semaphore_mem>>) src(%dma_wait3A_23 : memref<25600xi32, #tpu.memory_space<hbm>>) dst(%arg6 : memref<25600xi32, #tpu.memory_space<vmem>>)
      tpu.yield
    }) : () -> ()
    %iota3A = tpu.iota {dimensions = array<i32: 0>} : vector<16xi32>
    %scan3A = arith.constant 0 : i32
    %scan3A_5 = arith.constant 0 : i32
    %scan3A_6 = arith.constant 25 : i32
    %scan3A_7 = arith.addi %scan3A_5, %scan3A_6 : i32
    %scan3A_8 = arith.constant 1 : i32
    scf.for %scan3A_21 = %scan3A_5 to %scan3A_7 step %scan3A_8  : i32 {
      %mul3A_22 = arith.constant 2 : i32
      %mul3A_23 = arith.muli %mul3A_22, %scan3A_21 : i32
      %add3A_24 = arith.constant 0 : i32
      %add3A_25 = arith.addi %mul3A_23, %add3A_24 : i32
      %gt3A = arith.constant 0 : i32
      %gt3A_26 = arith.cmpi sgt, %scan3A_21, %gt3A : i32
      %convert_element_type3A = arith.extui %gt3A_26 : i1 to i32
      %cond3A = arith.constant 0 : i32
      %cond3A_27 = arith.cmpi ne, %convert_element_type3A, %cond3A : i32
      scf.if %cond3A_27 {
        %dma_wait3A_140 = arith.constant 0 : i32
        %dma_wait3A_141 = arith.constant 0 : i32
        %dma_wait3A_142 = tpu.memref_slice %arg4[%dma_wait3A_140, %dma_wait3A_141, %mul3A_2] : memref<200x64x4096xf32, #tpu.memory_space<hbm>> -> memref<4x64x128xf32, #tpu.memory_space<hbm>>
        %dma_wait3A_143 = arith.constant 0 : i32
        %dma_wait3A_144 = arith.constant 0 : i32
        %dma_wait3A_145 = tpu.memref_slice %arg4[%dma_wait3A_143, %dma_wait3A_144, %mul3A_2] : memref<200x64x4096xf32, #tpu.memory_space<hbm>> -> memref<4x64x128xf32, #tpu.memory_space<hbm>>
        tpu.wait_dma2 semaphore(%arg9 : memref<!tpu.dma_semaphore, #tpu.memory_space<semaphore_mem>>) src(%arg7 : memref<4x64x128xf32, #tpu.memory_space<vmem>>) dst(%dma_wait3A_145 : memref<4x64x128xf32, #tpu.memory_space<hbm>>)
      } else {
      }
      %mul3A_28 = arith.constant 4 : i32
      %mul3A_29 = arith.muli %add3A_25, %mul3A_28 : i32
      %add3A_30 = arith.constant 0 : i32
      %add3A_31 = arith.addi %mul3A_29, %add3A_30 : i32
      %eq3A = arith.constant 0 : i32
      %eq3A_32 = arith.cmpi eq, %add3A_31, %eq3A : i32
      %jit3A = arith.constant 6630 : i32
      %jit3A_33 = arith.constant 0 : i32
      %select_n3A = arith.select %eq3A_32, %jit3A, %jit3A_33 : i32
      %parallel_loop3A = arith.constant 0 : i32
      %parallel_loop3A_34 = arith.constant 8 : i32
      %parallel_loop3A_35 = arith.constant 1 : i32
      scf.for %parallel_loop3A_140 = %parallel_loop3A to %parallel_loop3A_34 step %parallel_loop3A_35  : i32 {
        %parallel_loop3A_141 = arith.constant 16 : i32
        %parallel_loop3A_142 = arith.muli %parallel_loop3A_140, %parallel_loop3A_141 : i32
        %parallel_loop3A_143 = vector.broadcast %parallel_loop3A_142 : i32 to vector<16xi32>
        %parallel_loop3A_144 = arith.addi %parallel_loop3A_143, %iota3A : vector<16xi32>
        %parallel_loop3A_145 = arith.constant 200 : i32
        %parallel_loop3A_146 = vector.broadcast %parallel_loop3A_145 : i32 to vector<16xi32>
        %parallel_loop3A_147 = arith.muli %parallel_loop3A_144, %parallel_loop3A_146 : vector<16xi32>
        %parallel_loop3A_148 = vector.broadcast %add3A_31 : i32 to vector<16xi32>
        %parallel_loop3A_149 = arith.addi %parallel_loop3A_147, %parallel_loop3A_148 : vector<16xi32>
        %parallel_loop3A_150 = tpu.vector_load_idx %arg6[%parallel_loop3A_149] : memref<25600xi32, #tpu.memory_space<vmem>>[vector<16xi32>], vector<16xi32>,
        %parallel_loop3A_151 = arith.constant 65 : i32
        %parallel_loop3A_152 = vector.broadcast %parallel_loop3A_151 : i32 to vector<16xi32>
        %parallel_loop3A_153 = arith.muli %parallel_loop3A_150, %parallel_loop3A_152 : vector<16xi32>
        %parallel_loop3A_154 = vector.broadcast %select_n3A : i32 to vector<16xi32>
        %parallel_loop3A_155 = arith.addi %parallel_loop3A_153, %parallel_loop3A_154 : vector<16xi32>
        %parallel_loop3A_156 = arith.constant 0 : i32
        %parallel_loop3A_157 = vector.broadcast %parallel_loop3A_156 : i32 to vector<16xi32>
        %parallel_loop3A_158 = arith.addi %parallel_loop3A_155, %parallel_loop3A_157 : vector<16xi32>
        %parallel_loop3A_159 = tpu.vector_load_idx %arg5[%parallel_loop3A_158] : memref<13520xf32, #tpu.memory_space<vmem>>[vector<16xi32>], vector<16xf32>,
        %parallel_loop3A_160 = arith.constant 16 : i32
        %parallel_loop3A_161 = arith.muli %parallel_loop3A_140, %parallel_loop3A_160 : i32
        %parallel_loop3A_162 = arith.constant 0 : i32
        %parallel_loop3A_163 = arith.constant 0 : i32
        %parallel_loop3A_164 = arith.index_cast %parallel_loop3A_162 : i32 to index
        %parallel_loop3A_165 = arith.index_cast %parallel_loop3A_163 : i32 to index
        %parallel_loop3A_166 = arith.index_cast %parallel_loop3A_161 : i32 to index
        %parallel_loop3A_167 = tpu.vector_load %arg7[%parallel_loop3A_164, %parallel_loop3A_165, %parallel_loop3A_166] {strides = array<i32>} : memref<4x64x128xf32, #tpu.memory_space<vmem>>, vector<16xf32>,
        tpu.vector_store %arg7[%parallel_loop3A_164, %parallel_loop3A_165, %parallel_loop3A_166], %parallel_loop3A_159 {strides = array<i32>} : memref<4x64x128xf32, #tpu.memory_space<vmem>>, vector<16xf32>,
        %parallel_loop3A_168 = arith.constant 2 : i32
        %parallel_loop3A_169 = vector.broadcast %parallel_loop3A_168 : i32 to vector<16xi32>
        %parallel_loop3A_170 = arith.addi %parallel_loop3A_155, %parallel_loop3A_169 : vector<16xi32>
        %parallel_loop3A_171 = tpu.vector_load_idx %arg5[%parallel_loop3A_170] : memref<13520xf32, #tpu.memory_space<vmem>>[vector<16xi32>], vector<16xf32>,
        %parallel_loop3A_172 = arith.constant 16 : i32
        %parallel_loop3A_173 = arith.muli %parallel_loop3A_140, %parallel_loop3A_172 : i32
        %parallel_loop3A_174 = arith.constant 0 : i32
        %parallel_loop3A_175 = arith.constant 2 : i32
        %parallel_loop3A_176 = arith.index_cast %parallel_loop3A_174 : i32 to index
        %parallel_loop3A_177 = arith.index_cast %parallel_loop3A_175 : i32 to index
        %parallel_loop3A_178 = arith.index_cast %parallel_loop3A_173 : i32 to index
        %parallel_loop3A_179 = tpu.vector_load %arg7[%parallel_loop3A_176, %parallel_loop3A_177, %parallel_loop3A_178] {strides = array<i32>} : memref<4x64x128xf32, #tpu.memory_space<vmem>>, vector<16xf32>,
        tpu.vector_store %arg7[%parallel_loop3A_176, %parallel_loop3A_177, %parallel_loop3A_178], %parallel_loop3A_171 {strides = array<i32>} : memref<4x64x128xf32, #tpu.memory_space<vmem>>, vector<16xf32>,
        %parallel_loop3A_180 = arith.constant 4 : i32
        %parallel_loop3A_181 = vector.broadcast %parallel_loop3A_180 : i32 to vector<16xi32>
        %parallel_loop3A_182 = arith.addi %parallel_loop3A_155, %parallel_loop3A_181 : vector<16xi32>
        %parallel_loop3A_183 = tpu.vector_load_idx %arg5[%parallel_loop3A_182] : memref<13520xf32, #tpu.memory_space<vmem>>[vector<16xi32>], vector<16xf32>,
        %parallel_loop3A_184 = arith.constant 16 : i32
        %parallel_loop3A_185 = arith.muli %parallel_loop3A_140, %parallel_loop3A_184 : i32
        %parallel_loop3A_186 = arith.constant 0 : i32
        %parallel_loop3A_187 = arith.constant 4 : i32
        %parallel_loop3A_188 = arith.index_cast %parallel_loop3A_186 : i32 to index
        %parallel_loop3A_189 = arith.index_cast %parallel_loop3A_187 : i32 to index
        %parallel_loop3A_190 = arith.index_cast %parallel_loop3A_185 : i32 to index
        %parallel_loop3A_191 = tpu.vector_load %arg7[%parallel_loop3A_188, %parallel_loop3A_189, %parallel_loop3A_190] {strides = array<i32>} : memref<4x64x128xf32, #tpu.memory_space<vmem>>, vector<16xf32>,
        tpu.vector_store %arg7[%parallel_loop3A_188, %parallel_loop3A_189, %parallel_loop3A_190], %parallel_loop3A_183 {strides = array<i32>} : memref<4x64x128xf32, #tpu.memory_space<vmem>>, vector<16xf32>,
        %parallel_loop3A_192 = arith.constant 6 : i32
        %parallel_loop3A_193 = vector.broadcast %parallel_loop3A_192 : i32 to vector<16xi32>
        %parallel_loop3A_194 = arith.addi %parallel_loop3A_155, %parallel_loop3A_193 : vector<16xi32>
        %parallel_loop3A_195 = tpu.vector_load_idx %arg5[%parallel_loop3A_194] : memref<13520xf32, #tpu.memory_space<vmem>>[vector<16xi32>], vector<16xf32>,
        %parallel_loop3A_196 = arith.constant 16 : i32
        %parallel_loop3A_197 = arith.muli %parallel_loop3A_140, %parallel_loop3A_196 : i32
        %parallel_loop3A_198 = arith.constant 0 : i32
        %parallel_loop3A_199 = arith.constant 6 : i32
        %parallel_loop3A_200 = arith.index_cast %parallel_loop3A_198 : i32 to index
        %parallel_loop3A_201 = arith.index_cast %parallel_loop3A_199 : i32 to index
        %parallel_loop3A_202 = arith.index_cast %parallel_loop3A_197 : i32 to index
        %parallel_loop3A_203 = tpu.vector_load %arg7[%parallel_loop3A_200, %parallel_loop3A_201, %parallel_loop3A_202] {strides = array<i32>} : memref<4x64x128xf32, #tpu.memory_space<vmem>>, vector<16xf32>,
        tpu.vector_store %arg7[%parallel_loop3A_200, %parallel_loop3A_201, %parallel_loop3A_202], %parallel_loop3A_195 {strides = array<i32>} : memref<4x64x128xf32, #tpu.memory_space<vmem>>, vector<16xf32>,
        %parallel_loop3A_204 = arith.constant 8 : i32
        %parallel_loop3A_205 = vector.broadcast %parallel_loop3A_204 : i32 to vector<16xi32>
        %parallel_loop3A_206 = arith.addi %parallel_loop3A_155, %parallel_loop3A_205 : vector<16xi32>
        %parallel_loop3A_207 = tpu.vector_load_idx %arg5[%parallel_loop3A_206] : memref<13520xf32, #tpu.memory_space<vmem>>[vector<16xi32>], vector<16xf32>,
        %parallel_loop3A_208 = arith.constant 16 : i32
        %parallel_loop3A_209 = arith.muli %parallel_loop3A_140, %parallel_loop3A_208 : i32
        %parallel_loop3A_210 = arith.constant 0 : i32
        %parallel_loop3A_211 = arith.constant 8 : i32
        %parallel_loop3A_212 = arith.index_cast %parallel_loop3A_210 : i32 to index
        %parallel_loop3A_213 = arith.index_cast %parallel_loop3A_211 : i32 to index
        %parallel_loop3A_214 = arith.index_cast %parallel_loop3A_209 : i32 to index
        %parallel_loop3A_215 = tpu.vector_load %arg7[%parallel_loop3A_212, %parallel_loop3A_213, %parallel_loop3A_214] {strides = array<i32>} : memref<4x64x128xf32, #tpu.memory_space<vmem>>, vector<16xf32>,
        tpu.vector_store %arg7[%parallel_loop3A_212, %parallel_loop3A_213, %parallel_loop3A_214], %parallel_loop3A_207 {strides = array<i32>} : memref<4x64x128xf32, #tpu.memory_space<vmem>>, vector<16xf32>,
        %parallel_loop3A_216 = arith.constant 10 : i32
        %parallel_loop3A_217 = vector.broadcast %parallel_loop3A_216 : i32 to vector<16xi32>
        %parallel_loop3A_218 = arith.addi %parallel_loop3A_155, %parallel_loop3A_217 : vector<16xi32>
        %parallel_loop3A_219 = tpu.vector_load_idx %arg5[%parallel_loop3A_218] : memref<13520xf32, #tpu.memory_space<vmem>>[vector<16xi32>], vector<16xf32>,
        %parallel_loop3A_220 = arith.constant 16 : i32
        %parallel_loop3A_221 = arith.muli %parallel_loop3A_140, %parallel_loop3A_220 : i32
        %parallel_loop3A_222 = arith.constant 0 : i32
        %parallel_loop3A_223 = arith.constant 10 : i32
        %parallel_loop3A_224 = arith.index_cast %parallel_loop3A_222 : i32 to index
        %parallel_loop3A_225 = arith.index_cast %parallel_loop3A_223 : i32 to index
        %parallel_loop3A_226 = arith.index_cast %parallel_loop3A_221 : i32 to index
        %parallel_loop3A_227 = tpu.vector_load %arg7[%parallel_loop3A_224, %parallel_loop3A_225, %parallel_loop3A_226] {strides = array<i32>} : memref<4x64x128xf32, #tpu.memory_space<vmem>>, vector<16xf32>,
        tpu.vector_store %arg7[%parallel_loop3A_224, %parallel_loop3A_225, %parallel_loop3A_226], %parallel_loop3A_219 {strides = array<i32>} : memref<4x64x128xf32, #tpu.memory_space<vmem>>, vector<16xf32>,
        %parallel_loop3A_228 = arith.constant 12 : i32
        %parallel_loop3A_229 = vector.broadcast %parallel_loop3A_228 : i32 to vector<16xi32>
        %parallel_loop3A_230 = arith.addi %parallel_loop3A_155, %parallel_loop3A_229 : vector<16xi32>
        %parallel_loop3A_231 = tpu.vector_load_idx %arg5[%parallel_loop3A_230] : memref<13520xf32, #tpu.memory_space<vmem>>[vector<16xi32>], vector<16xf32>,
        %parallel_loop3A_232 = arith.constant 16 : i32
        %parallel_loop3A_233 = arith.muli %parallel_loop3A_140, %parallel_loop3A_232 : i32
        %parallel_loop3A_234 = arith.constant 0 : i32
        %parallel_loop3A_235 = arith.constant 12 : i32
        %parallel_loop3A_236 = arith.index_cast %parallel_loop3A_234 : i32 to index
        %parallel_loop3A_237 = arith.index_cast %parallel_loop3A_235 : i32 to index
        %parallel_loop3A_238 = arith.index_cast %parallel_loop3A_233 : i32 to index
        %parallel_loop3A_239 = tpu.vector_load %arg7[%parallel_loop3A_236, %parallel_loop3A_237, %parallel_loop3A_238] {strides = array<i32>} : memref<4x64x128xf32, #tpu.memory_space<vmem>>, vector<16xf32>,
        tpu.vector_store %arg7[%parallel_loop3A_236, %parallel_loop3A_237, %parallel_loop3A_238], %parallel_loop3A_231 {strides = array<i32>} : memref<4x64x128xf32, #tpu.memory_space<vmem>>, vector<16xf32>,
        %parallel_loop3A_240 = arith.constant 14 : i32
        %parallel_loop3A_241 = vector.broadcast %parallel_loop3A_240 : i32 to vector<16xi32>
        %parallel_loop3A_242 = arith.addi %parallel_loop3A_155, %parallel_loop3A_241 : vector<16xi32>
        %parallel_loop3A_243 = tpu.vector_load_idx %arg5[%parallel_loop3A_242] : memref<13520xf32, #tpu.memory_space<vmem>>[vector<16xi32>], vector<16xf32>,
        %parallel_loop3A_244 = arith.constant 16 : i32
        %parallel_loop3A_245 = arith.muli %parallel_loop3A_140, %parallel_loop3A_244 : i32
        %parallel_loop3A_246 = arith.constant 0 : i32
        %parallel_loop3A_247 = arith.constant 14 : i32
        %parallel_loop3A_248 = arith.index_cast %parallel_loop3A_246 : i32 to index
        %parallel_loop3A_249 = arith.index_cast %parallel_loop3A_247 : i32 to index
        %parallel_loop3A_250 = arith.index_cast %parallel_loop3A_245 : i32 to index
        %parallel_loop3A_251 = tpu.vector_load %arg7[%parallel_loop3A_248, %parallel_loop3A_249, %parallel_loop3A_250] {strides = array<i32>} : memref<4x64x128xf32, #tpu.memory_space<vmem>>, vector<16xf32>,
        tpu.vector_store %arg7[%parallel_loop3A_248, %parallel_loop3A_249, %parallel_loop3A_250], %parallel_loop3A_243 {strides = array<i32>} : memref<4x64x128xf32, #tpu.memory_space<vmem>>, vector<16xf32>,
        %parallel_loop3A_252 = arith.constant 16 : i32
        %parallel_loop3A_253 = vector.broadcast %parallel_loop3A_252 : i32 to vector<16xi32>
        %parallel_loop3A_254 = arith.addi %parallel_loop3A_155, %parallel_loop3A_253 : vector<16xi32>
        %parallel_loop3A_255 = tpu.vector_load_idx %arg5[%parallel_loop3A_254] : memref<13520xf32, #tpu.memory_space<vmem>>[vector<16xi32>], vector<16xf32>,
        %parallel_loop3A_256 = arith.constant 16 : i32
        %parallel_loop3A_257 = arith.muli %parallel_loop3A_140, %parallel_loop3A_256 : i32
        %parallel_loop3A_258 = arith.constant 0 : i32
        %parallel_loop3A_259 = arith.constant 16 : i32
        %parallel_loop3A_260 = arith.index_cast %parallel_loop3A_258 : i32 to index
        %parallel_loop3A_261 = arith.index_cast %parallel_loop3A_259 : i32 to index
        %parallel_loop3A_262 = arith.index_cast %parallel_loop3A_257 : i32 to index
        %parallel_loop3A_263 = tpu.vector_load %arg7[%parallel_loop3A_260, %parallel_loop3A_261, %parallel_loop3A_262] {strides = array<i32>} : memref<4x64x128xf32, #tpu.memory_space<vmem>>, vector<16xf32>,
        tpu.vector_store %arg7[%parallel_loop3A_260, %parallel_loop3A_261, %parallel_loop3A_262], %parallel_loop3A_255 {strides = array<i32>} : memref<4x64x128xf32, #tpu.memory_space<vmem>>, vector<16xf32>,
        %parallel_loop3A_264 = arith.constant 18 : i32
        %parallel_loop3A_265 = vector.broadcast %parallel_loop3A_264 : i32 to vector<16xi32>
        %parallel_loop3A_266 = arith.addi %parallel_loop3A_155, %parallel_loop3A_265 : vector<16xi32>
        %parallel_loop3A_267 = tpu.vector_load_idx %arg5[%parallel_loop3A_266] : memref<13520xf32, #tpu.memory_space<vmem>>[vector<16xi32>], vector<16xf32>,
        %parallel_loop3A_268 = arith.constant 16 : i32
        %parallel_loop3A_269 = arith.muli %parallel_loop3A_140, %parallel_loop3A_268 : i32
        %parallel_loop3A_270 = arith.constant 0 : i32
        %parallel_loop3A_271 = arith.constant 18 : i32
        %parallel_loop3A_272 = arith.index_cast %parallel_loop3A_270 : i32 to index
        %parallel_loop3A_273 = arith.index_cast %parallel_loop3A_271 : i32 to index
        %parallel_loop3A_274 = arith.index_cast %parallel_loop3A_269 : i32 to index
        %parallel_loop3A_275 = tpu.vector_load %arg7[%parallel_loop3A_272, %parallel_loop3A_273, %parallel_loop3A_274] {strides = array<i32>} : memref<4x64x128xf32, #tpu.memory_space<vmem>>, vector<16xf32>,
        tpu.vector_store %arg7[%parallel_loop3A_272, %parallel_loop3A_273, %parallel_loop3A_274], %parallel_loop3A_267 {strides = array<i32>} : memref<4x64x128xf32, #tpu.memory_space<vmem>>, vector<16xf32>,
        %parallel_loop3A_276 = arith.constant 20 : i32
        %parallel_loop3A_277 = vector.broadcast %parallel_loop3A_276 : i32 to vector<16xi32>
        %parallel_loop3A_278 = arith.addi %parallel_loop3A_155, %parallel_loop3A_277 : vector<16xi32>
        %parallel_loop3A_279 = tpu.vector_load_idx %arg5[%parallel_loop3A_278] : memref<13520xf32, #tpu.memory_space<vmem>>[vector<16xi32>], vector<16xf32>,
        %parallel_loop3A_280 = arith.constant 16 : i32
        %parallel_loop3A_281 = arith.muli %parallel_loop3A_140, %parallel_loop3A_280 : i32
        %parallel_loop3A_282 = arith.constant 0 : i32
        %parallel_loop3A_283 = arith.constant 20 : i32
        %parallel_loop3A_284 = arith.index_cast %parallel_loop3A_282 : i32 to index
        %parallel_loop3A_285 = arith.index_cast %parallel_loop3A_283 : i32 to index
        %parallel_loop3A_286 = arith.index_cast %parallel_loop3A_281 : i32 to index
        %parallel_loop3A_287 = tpu.vector_load %arg7[%parallel_loop3A_284, %parallel_loop3A_285, %parallel_loop3A_286] {strides = array<i32>} : memref<4x64x128xf32, #tpu.memory_space<vmem>>, vector<16xf32>,
        tpu.vector_store %arg7[%parallel_loop3A_284, %parallel_loop3A_285, %parallel_loop3A_286], %parallel_loop3A_279 {strides = array<i32>} : memref<4x64x128xf32, #tpu.memory_space<vmem>>, vector<16xf32>,
        %parallel_loop3A_288 = arith.constant 22 : i32
        %parallel_loop3A_289 = vector.broadcast %parallel_loop3A_288 : i32 to vector<16xi32>
        %parallel_loop3A_290 = arith.addi %parallel_loop3A_155, %parallel_loop3A_289 : vector<16xi32>
        %parallel_loop3A_291 = tpu.vector_load_idx %arg5[%parallel_loop3A_290] : memref<13520xf32, #tpu.memory_space<vmem>>[vector<16xi32>], vector<16xf32>,
        %parallel_loop3A_292 = arith.constant 16 : i32
        %parallel_loop3A_293 = arith.muli %parallel_loop3A_140, %parallel_loop3A_292 : i32
        %parallel_loop3A_294 = arith.constant 0 : i32
        %parallel_loop3A_295 = arith.constant 22 : i32
        %parallel_loop3A_296 = arith.index_cast %parallel_loop3A_294 : i32 to index
        %parallel_loop3A_297 = arith.index_cast %parallel_loop3A_295 : i32 to index
        %parallel_loop3A_298 = arith.index_cast %parallel_loop3A_293 : i32 to index
        %parallel_loop3A_299 = tpu.vector_load %arg7[%parallel_loop3A_296, %parallel_loop3A_297, %parallel_loop3A_298] {strides = array<i32>} : memref<4x64x128xf32, #tpu.memory_space<vmem>>, vector<16xf32>,
        tpu.vector_store %arg7[%parallel_loop3A_296, %parallel_loop3A_297, %parallel_loop3A_298], %parallel_loop3A_291 {strides = array<i32>} : memref<4x64x128xf32, #tpu.memory_space<vmem>>, vector<16xf32>,
        %parallel_loop3A_300 = arith.constant 24 : i32
        %parallel_loop3A_301 = vector.broadcast %parallel_loop3A_300 : i32 to vector<16xi32>
        %parallel_loop3A_302 = arith.addi %parallel_loop3A_155, %parallel_loop3A_301 : vector<16xi32>
        %parallel_loop3A_303 = tpu.vector_load_idx %arg5[%parallel_loop3A_302] : memref<13520xf32, #tpu.memory_space<vmem>>[vector<16xi32>], vector<16xf32>,
        %parallel_loop3A_304 = arith.constant 16 : i32
        %parallel_loop3A_305 = arith.muli %parallel_loop3A_140, %parallel_loop3A_304 : i32
        %parallel_loop3A_306 = arith.constant 0 : i32
        %parallel_loop3A_307 = arith.constant 24 : i32
        %parallel_loop3A_308 = arith.index_cast %parallel_loop3A_306 : i32 to index
        %parallel_loop3A_309 = arith.index_cast %parallel_loop3A_307 : i32 to index
        %parallel_loop3A_310 = arith.index_cast %parallel_loop3A_305 : i32 to index
        %parallel_loop3A_311 = tpu.vector_load %arg7[%parallel_loop3A_308, %parallel_loop3A_309, %parallel_loop3A_310] {strides = array<i32>} : memref<4x64x128xf32, #tpu.memory_space<vmem>>, vector<16xf32>,
        tpu.vector_store %arg7[%parallel_loop3A_308, %parallel_loop3A_309, %parallel_loop3A_310], %parallel_loop3A_303 {strides = array<i32>} : memref<4x64x128xf32, #tpu.memory_space<vmem>>, vector<16xf32>,
        %parallel_loop3A_312 = arith.constant 26 : i32
        %parallel_loop3A_313 = vector.broadcast %parallel_loop3A_312 : i32 to vector<16xi32>
        %parallel_loop3A_314 = arith.addi %parallel_loop3A_155, %parallel_loop3A_313 : vector<16xi32>
        %parallel_loop3A_315 = tpu.vector_load_idx %arg5[%parallel_loop3A_314] : memref<13520xf32, #tpu.memory_space<vmem>>[vector<16xi32>], vector<16xf32>,
        %parallel_loop3A_316 = arith.constant 16 : i32
        %parallel_loop3A_317 = arith.muli %parallel_loop3A_140, %parallel_loop3A_316 : i32
        %parallel_loop3A_318 = arith.constant 0 : i32
        %parallel_loop3A_319 = arith.constant 26 : i32
        %parallel_loop3A_320 = arith.index_cast %parallel_loop3A_318 : i32 to index
        %parallel_loop3A_321 = arith.index_cast %parallel_loop3A_319 : i32 to index
        %parallel_loop3A_322 = arith.index_cast %parallel_loop3A_317 : i32 to index
        %parallel_loop3A_323 = tpu.vector_load %arg7[%parallel_loop3A_320, %parallel_loop3A_321, %parallel_loop3A_322] {strides = array<i32>} : memref<4x64x128xf32, #tpu.memory_space<vmem>>, vector<16xf32>,
        tpu.vector_store %arg7[%parallel_loop3A_320, %parallel_loop3A_321, %parallel_loop3A_322], %parallel_loop3A_315 {strides = array<i32>} : memref<4x64x128xf32, #tpu.memory_space<vmem>>, vector<16xf32>,
        %parallel_loop3A_324 = arith.constant 28 : i32
        %parallel_loop3A_325 = vector.broadcast %parallel_loop3A_324 : i32 to vector<16xi32>
        %parallel_loop3A_326 = arith.addi %parallel_loop3A_155, %parallel_loop3A_325 : vector<16xi32>
        %parallel_loop3A_327 = tpu.vector_load_idx %arg5[%parallel_loop3A_326] : memref<13520xf32, #tpu.memory_space<vmem>>[vector<16xi32>], vector<16xf32>,
        %parallel_loop3A_328 = arith.constant 16 : i32
        %parallel_loop3A_329 = arith.muli %parallel_loop3A_140, %parallel_loop3A_328 : i32
        %parallel_loop3A_330 = arith.constant 0 : i32
        %parallel_loop3A_331 = arith.constant 28 : i32
        %parallel_loop3A_332 = arith.index_cast %parallel_loop3A_330 : i32 to index
        %parallel_loop3A_333 = arith.index_cast %parallel_loop3A_331 : i32 to index
        %parallel_loop3A_334 = arith.index_cast %parallel_loop3A_329 : i32 to index
        %parallel_loop3A_335 = tpu.vector_load %arg7[%parallel_loop3A_332, %parallel_loop3A_333, %parallel_loop3A_334] {strides = array<i32>} : memref<4x64x128xf32, #tpu.memory_space<vmem>>, vector<16xf32>,
        tpu.vector_store %arg7[%parallel_loop3A_332, %parallel_loop3A_333, %parallel_loop3A_334], %parallel_loop3A_327 {strides = array<i32>} : memref<4x64x128xf32, #tpu.memory_space<vmem>>, vector<16xf32>,
        %parallel_loop3A_336 = arith.constant 30 : i32
        %parallel_loop3A_337 = vector.broadcast %parallel_loop3A_336 : i32 to vector<16xi32>
        %parallel_loop3A_338 = arith.addi %parallel_loop3A_155, %parallel_loop3A_337 : vector<16xi32>
        %parallel_loop3A_339 = tpu.vector_load_idx %arg5[%parallel_loop3A_338] : memref<13520xf32, #tpu.memory_space<vmem>>[vector<16xi32>], vector<16xf32>,
        %parallel_loop3A_340 = arith.constant 16 : i32
        %parallel_loop3A_341 = arith.muli %parallel_loop3A_140, %parallel_loop3A_340 : i32
        %parallel_loop3A_342 = arith.constant 0 : i32
        %parallel_loop3A_343 = arith.constant 30 : i32
        %parallel_loop3A_344 = arith.index_cast %parallel_loop3A_342 : i32 to index
        %parallel_loop3A_345 = arith.index_cast %parallel_loop3A_343 : i32 to index
        %parallel_loop3A_346 = arith.index_cast %parallel_loop3A_341 : i32 to index
        %parallel_loop3A_347 = tpu.vector_load %arg7[%parallel_loop3A_344, %parallel_loop3A_345, %parallel_loop3A_346] {strides = array<i32>} : memref<4x64x128xf32, #tpu.memory_space<vmem>>, vector<16xf32>,
        tpu.vector_store %arg7[%parallel_loop3A_344, %parallel_loop3A_345, %parallel_loop3A_346], %parallel_loop3A_339 {strides = array<i32>} : memref<4x64x128xf32, #tpu.memory_space<vmem>>, vector<16xf32>,
        %parallel_loop3A_348 = arith.constant 32 : i32
        %parallel_loop3A_349 = vector.broadcast %parallel_loop3A_348 : i32 to vector<16xi32>
        %parallel_loop3A_350 = arith.addi %parallel_loop3A_155, %parallel_loop3A_349 : vector<16xi32>
        %parallel_loop3A_351 = tpu.vector_load_idx %arg5[%parallel_loop3A_350] : memref<13520xf32, #tpu.memory_space<vmem>>[vector<16xi32>], vector<16xf32>,
        %parallel_loop3A_352 = arith.constant 16 : i32
        %parallel_loop3A_353 = arith.muli %parallel_loop3A_140, %parallel_loop3A_352 : i32
        %parallel_loop3A_354 = arith.constant 0 : i32
        %parallel_loop3A_355 = arith.constant 32 : i32
        %parallel_loop3A_356 = arith.index_cast %parallel_loop3A_354 : i32 to index
        %parallel_loop3A_357 = arith.index_cast %parallel_loop3A_355 : i32 to index
        %parallel_loop3A_358 = arith.index_cast %parallel_loop3A_353 : i32 to index
        %parallel_loop3A_359 = tpu.vector_load %arg7[%parallel_loop3A_356, %parallel_loop3A_357, %parallel_loop3A_358] {strides = array<i32>} : memref<4x64x128xf32, #tpu.memory_space<vmem>>, vector<16xf32>,
        tpu.vector_store %arg7[%parallel_loop3A_356, %parallel_loop3A_357, %parallel_loop3A_358], %parallel_loop3A_351 {strides = array<i32>} : memref<4x64x128xf32, #tpu.memory_space<vmem>>, vector<16xf32>,
        %parallel_loop3A_360 = arith.constant 34 : i32
        %parallel_loop3A_361 = vector.broadcast %parallel_loop3A_360 : i32 to vector<16xi32>
        %parallel_loop3A_362 = arith.addi %parallel_loop3A_155, %parallel_loop3A_361 : vector<16xi32>
        %parallel_loop3A_363 = tpu.vector_load_idx %arg5[%parallel_loop3A_362] : memref<13520xf32, #tpu.memory_space<vmem>>[vector<16xi32>], vector<16xf32>,
        %parallel_loop3A_364 = arith.constant 16 : i32
        %parallel_loop3A_365 = arith.muli %parallel_loop3A_140, %parallel_loop3A_364 : i32
        %parallel_loop3A_366 = arith.constant 0 : i32
        %parallel_loop3A_367 = arith.constant 34 : i32
        %parallel_loop3A_368 = arith.index_cast %parallel_loop3A_366 : i32 to index
        %parallel_loop3A_369 = arith.index_cast %parallel_loop3A_367 : i32 to index
        %parallel_loop3A_370 = arith.index_cast %parallel_loop3A_365 : i32 to index
        %parallel_loop3A_371 = tpu.vector_load %arg7[%parallel_loop3A_368, %parallel_loop3A_369, %parallel_loop3A_370] {strides = array<i32>} : memref<4x64x128xf32, #tpu.memory_space<vmem>>, vector<16xf32>,
        tpu.vector_store %arg7[%parallel_loop3A_368, %parallel_loop3A_369, %parallel_loop3A_370], %parallel_loop3A_363 {strides = array<i32>} : memref<4x64x128xf32, #tpu.memory_space<vmem>>, vector<16xf32>,
        %parallel_loop3A_372 = arith.constant 36 : i32
        %parallel_loop3A_373 = vector.broadcast %parallel_loop3A_372 : i32 to vector<16xi32>
        %parallel_loop3A_374 = arith.addi %parallel_loop3A_155, %parallel_loop3A_373 : vector<16xi32>
        %parallel_loop3A_375 = tpu.vector_load_idx %arg5[%parallel_loop3A_374] : memref<13520xf32, #tpu.memory_space<vmem>>[vector<16xi32>], vector<16xf32>,
        %parallel_loop3A_376 = arith.constant 16 : i32
        %parallel_loop3A_377 = arith.muli %parallel_loop3A_140, %parallel_loop3A_376 : i32
        %parallel_loop3A_378 = arith.constant 0 : i32
        %parallel_loop3A_379 = arith.constant 36 : i32
        %parallel_loop3A_380 = arith.index_cast %parallel_loop3A_378 : i32 to index
        %parallel_loop3A_381 = arith.index_cast %parallel_loop3A_379 : i32 to index
        %parallel_loop3A_382 = arith.index_cast %parallel_loop3A_377 : i32 to index
        %parallel_loop3A_383 = tpu.vector_load %arg7[%parallel_loop3A_380, %parallel_loop3A_381, %parallel_loop3A_382] {strides = array<i32>} : memref<4x64x128xf32, #tpu.memory_space<vmem>>, vector<16xf32>,
        tpu.vector_store %arg7[%parallel_loop3A_380, %parallel_loop3A_381, %parallel_loop3A_382], %parallel_loop3A_375 {strides = array<i32>} : memref<4x64x128xf32, #tpu.memory_space<vmem>>, vector<16xf32>,
        %parallel_loop3A_384 = arith.constant 38 : i32
        %parallel_loop3A_385 = vector.broadcast %parallel_loop3A_384 : i32 to vector<16xi32>
        %parallel_loop3A_386 = arith.addi %parallel_loop3A_155, %parallel_loop3A_385 : vector<16xi32>
        %parallel_loop3A_387 = tpu.vector_load_idx %arg5[%parallel_loop3A_386] : memref<13520xf32, #tpu.memory_space<vmem>>[vector<16xi32>], vector<16xf32>,
        %parallel_loop3A_388 = arith.constant 16 : i32
        %parallel_loop3A_389 = arith.muli %parallel_loop3A_140, %parallel_loop3A_388 : i32
        %parallel_loop3A_390 = arith.constant 0 : i32
        %parallel_loop3A_391 = arith.constant 38 : i32
        %parallel_loop3A_392 = arith.index_cast %parallel_loop3A_390 : i32 to index
        %parallel_loop3A_393 = arith.index_cast %parallel_loop3A_391 : i32 to index
        %parallel_loop3A_394 = arith.index_cast %parallel_loop3A_389 : i32 to index
        %parallel_loop3A_395 = tpu.vector_load %arg7[%parallel_loop3A_392, %parallel_loop3A_393, %parallel_loop3A_394] {strides = array<i32>} : memref<4x64x128xf32, #tpu.memory_space<vmem>>, vector<16xf32>,
        tpu.vector_store %arg7[%parallel_loop3A_392, %parallel_loop3A_393, %parallel_loop3A_394], %parallel_loop3A_387 {strides = array<i32>} : memref<4x64x128xf32, #tpu.memory_space<vmem>>, vector<16xf32>,
        %parallel_loop3A_396 = arith.constant 40 : i32
        %parallel_loop3A_397 = vector.broadcast %parallel_loop3A_396 : i32 to vector<16xi32>
        %parallel_loop3A_398 = arith.addi %parallel_loop3A_155, %parallel_loop3A_397 : vector<16xi32>
        %parallel_loop3A_399 = tpu.vector_load_idx %arg5[%parallel_loop3A_398] : memref<13520xf32, #tpu.memory_space<vmem>>[vector<16xi32>], vector<16xf32>,
        %parallel_loop3A_400 = arith.constant 16 : i32
        %parallel_loop3A_401 = arith.muli %parallel_loop3A_140, %parallel_loop3A_400 : i32
        %parallel_loop3A_402 = arith.constant 0 : i32
        %parallel_loop3A_403 = arith.constant 40 : i32
        %parallel_loop3A_404 = arith.index_cast %parallel_loop3A_402 : i32 to index
        %parallel_loop3A_405 = arith.index_cast %parallel_loop3A_403 : i32 to index
        %parallel_loop3A_406 = arith.index_cast %parallel_loop3A_401 : i32 to index
        %parallel_loop3A_407 = tpu.vector_load %arg7[%parallel_loop3A_404, %parallel_loop3A_405, %parallel_loop3A_406] {strides = array<i32>} : memref<4x64x128xf32, #tpu.memory_space<vmem>>, vector<16xf32>,
        tpu.vector_store %arg7[%parallel_loop3A_404, %parallel_loop3A_405, %parallel_loop3A_406], %parallel_loop3A_399 {strides = array<i32>} : memref<4x64x128xf32, #tpu.memory_space<vmem>>, vector<16xf32>,
        %parallel_loop3A_408 = arith.constant 42 : i32
        %parallel_loop3A_409 = vector.broadcast %parallel_loop3A_408 : i32 to vector<16xi32>
        %parallel_loop3A_410 = arith.addi %parallel_loop3A_155, %parallel_loop3A_409 : vector<16xi32>
        %parallel_loop3A_411 = tpu.vector_load_idx %arg5[%parallel_loop3A_410] : memref<13520xf32, #tpu.memory_space<vmem>>[vector<16xi32>], vector<16xf32>,
        %parallel_loop3A_412 = arith.constant 16 : i32
        %parallel_loop3A_413 = arith.muli %parallel_loop3A_140, %parallel_loop3A_412 : i32
        %parallel_loop3A_414 = arith.constant 0 : i32
        %parallel_loop3A_415 = arith.constant 42 : i32
        %parallel_loop3A_416 = arith.index_cast %parallel_loop3A_414 : i32 to index
        %parallel_loop3A_417 = arith.index_cast %parallel_loop3A_415 : i32 to index
        %parallel_loop3A_418 = arith.index_cast %parallel_loop3A_413 : i32 to index
        %parallel_loop3A_419 = tpu.vector_load %arg7[%parallel_loop3A_416, %parallel_loop3A_417, %parallel_loop3A_418] {strides = array<i32>} : memref<4x64x128xf32, #tpu.memory_space<vmem>>, vector<16xf32>,
        tpu.vector_store %arg7[%parallel_loop3A_416, %parallel_loop3A_417, %parallel_loop3A_418], %parallel_loop3A_411 {strides = array<i32>} : memref<4x64x128xf32, #tpu.memory_space<vmem>>, vector<16xf32>,
        %parallel_loop3A_420 = arith.constant 44 : i32
        %parallel_loop3A_421 = vector.broadcast %parallel_loop3A_420 : i32 to vector<16xi32>
        %parallel_loop3A_422 = arith.addi %parallel_loop3A_155, %parallel_loop3A_421 : vector<16xi32>
        %parallel_loop3A_423 = tpu.vector_load_idx %arg5[%parallel_loop3A_422] : memref<13520xf32, #tpu.memory_space<vmem>>[vector<16xi32>], vector<16xf32>,
        %parallel_loop3A_424 = arith.constant 16 : i32
        %parallel_loop3A_425 = arith.muli %parallel_loop3A_140, %parallel_loop3A_424 : i32
        %parallel_loop3A_426 = arith.constant 0 : i32
        %parallel_loop3A_427 = arith.constant 44 : i32
        %parallel_loop3A_428 = arith.index_cast %parallel_loop3A_426 : i32 to index
        %parallel_loop3A_429 = arith.index_cast %parallel_loop3A_427 : i32 to index
        %parallel_loop3A_430 = arith.index_cast %parallel_loop3A_425 : i32 to index
        %parallel_loop3A_431 = tpu.vector_load %arg7[%parallel_loop3A_428, %parallel_loop3A_429, %parallel_loop3A_430] {strides = array<i32>} : memref<4x64x128xf32, #tpu.memory_space<vmem>>, vector<16xf32>,
        tpu.vector_store %arg7[%parallel_loop3A_428, %parallel_loop3A_429, %parallel_loop3A_430], %parallel_loop3A_423 {strides = array<i32>} : memref<4x64x128xf32, #tpu.memory_space<vmem>>, vector<16xf32>,
        %parallel_loop3A_432 = arith.constant 46 : i32
        %parallel_loop3A_433 = vector.broadcast %parallel_loop3A_432 : i32 to vector<16xi32>
        %parallel_loop3A_434 = arith.addi %parallel_loop3A_155, %parallel_loop3A_433 : vector<16xi32>
        %parallel_loop3A_435 = tpu.vector_load_idx %arg5[%parallel_loop3A_434] : memref<13520xf32, #tpu.memory_space<vmem>>[vector<16xi32>], vector<16xf32>,
        %parallel_loop3A_436 = arith.constant 16 : i32
        %parallel_loop3A_437 = arith.muli %parallel_loop3A_140, %parallel_loop3A_436 : i32
        %parallel_loop3A_438 = arith.constant 0 : i32
        %parallel_loop3A_439 = arith.constant 46 : i32
        %parallel_loop3A_440 = arith.index_cast %parallel_loop3A_438 : i32 to index
        %parallel_loop3A_441 = arith.index_cast %parallel_loop3A_439 : i32 to index
        %parallel_loop3A_442 = arith.index_cast %parallel_loop3A_437 : i32 to index
        %parallel_loop3A_443 = tpu.vector_load %arg7[%parallel_loop3A_440, %parallel_loop3A_441, %parallel_loop3A_442] {strides = array<i32>} : memref<4x64x128xf32, #tpu.memory_space<vmem>>, vector<16xf32>,
        tpu.vector_store %arg7[%parallel_loop3A_440, %parallel_loop3A_441, %parallel_loop3A_442], %parallel_loop3A_435 {strides = array<i32>} : memref<4x64x128xf32, #tpu.memory_space<vmem>>, vector<16xf32>,
        %parallel_loop3A_444 = arith.constant 48 : i32
        %parallel_loop3A_445 = vector.broadcast %parallel_loop3A_444 : i32 to vector<16xi32>
        %parallel_loop3A_446 = arith.addi %parallel_loop3A_155, %parallel_loop3A_445 : vector<16xi32>
        %parallel_loop3A_447 = tpu.vector_load_idx %arg5[%parallel_loop3A_446] : memref<13520xf32, #tpu.memory_space<vmem>>[vector<16xi32>], vector<16xf32>,
        %parallel_loop3A_448 = arith.constant 16 : i32
        %parallel_loop3A_449 = arith.muli %parallel_loop3A_140, %parallel_loop3A_448 : i32
        %parallel_loop3A_450 = arith.constant 0 : i32
        %parallel_loop3A_451 = arith.constant 48 : i32
        %parallel_loop3A_452 = arith.index_cast %parallel_loop3A_450 : i32 to index
        %parallel_loop3A_453 = arith.index_cast %parallel_loop3A_451 : i32 to index
        %parallel_loop3A_454 = arith.index_cast %parallel_loop3A_449 : i32 to index
        %parallel_loop3A_455 = tpu.vector_load %arg7[%parallel_loop3A_452, %parallel_loop3A_453, %parallel_loop3A_454] {strides = array<i32>} : memref<4x64x128xf32, #tpu.memory_space<vmem>>, vector<16xf32>,
        tpu.vector_store %arg7[%parallel_loop3A_452, %parallel_loop3A_453, %parallel_loop3A_454], %parallel_loop3A_447 {strides = array<i32>} : memref<4x64x128xf32, #tpu.memory_space<vmem>>, vector<16xf32>,
        %parallel_loop3A_456 = arith.constant 50 : i32
        %parallel_loop3A_457 = vector.broadcast %parallel_loop3A_456 : i32 to vector<16xi32>
        %parallel_loop3A_458 = arith.addi %parallel_loop3A_155, %parallel_loop3A_457 : vector<16xi32>
        %parallel_loop3A_459 = tpu.vector_load_idx %arg5[%parallel_loop3A_458] : memref<13520xf32, #tpu.memory_space<vmem>>[vector<16xi32>], vector<16xf32>,
        %parallel_loop3A_460 = arith.constant 16 : i32
        %parallel_loop3A_461 = arith.muli %parallel_loop3A_140, %parallel_loop3A_460 : i32
        %parallel_loop3A_462 = arith.constant 0 : i32
        %parallel_loop3A_463 = arith.constant 50 : i32
        %parallel_loop3A_464 = arith.index_cast %parallel_loop3A_462 : i32 to index
        %parallel_loop3A_465 = arith.index_cast %parallel_loop3A_463 : i32 to index
        %parallel_loop3A_466 = arith.index_cast %parallel_loop3A_461 : i32 to index
        %parallel_loop3A_467 = tpu.vector_load %arg7[%parallel_loop3A_464, %parallel_loop3A_465, %parallel_loop3A_466] {strides = array<i32>} : memref<4x64x128xf32, #tpu.memory_space<vmem>>, vector<16xf32>,
        tpu.vector_store %arg7[%parallel_loop3A_464, %parallel_loop3A_465, %parallel_loop3A_466], %parallel_loop3A_459 {strides = array<i32>} : memref<4x64x128xf32, #tpu.memory_space<vmem>>, vector<16xf32>,
        %parallel_loop3A_468 = arith.constant 52 : i32
        %parallel_loop3A_469 = vector.broadcast %parallel_loop3A_468 : i32 to vector<16xi32>
        %parallel_loop3A_470 = arith.addi %parallel_loop3A_155, %parallel_loop3A_469 : vector<16xi32>
        %parallel_loop3A_471 = tpu.vector_load_idx %arg5[%parallel_loop3A_470] : memref<13520xf32, #tpu.memory_space<vmem>>[vector<16xi32>], vector<16xf32>,
        %parallel_loop3A_472 = arith.constant 16 : i32
        %parallel_loop3A_473 = arith.muli %parallel_loop3A_140, %parallel_loop3A_472 : i32
        %parallel_loop3A_474 = arith.constant 0 : i32
        %parallel_loop3A_475 = arith.constant 52 : i32
        %parallel_loop3A_476 = arith.index_cast %parallel_loop3A_474 : i32 to index
        %parallel_loop3A_477 = arith.index_cast %parallel_loop3A_475 : i32 to index
        %parallel_loop3A_478 = arith.index_cast %parallel_loop3A_473 : i32 to index
        %parallel_loop3A_479 = tpu.vector_load %arg7[%parallel_loop3A_476, %parallel_loop3A_477, %parallel_loop3A_478] {strides = array<i32>} : memref<4x64x128xf32, #tpu.memory_space<vmem>>, vector<16xf32>,
        tpu.vector_store %arg7[%parallel_loop3A_476, %parallel_loop3A_477, %parallel_loop3A_478], %parallel_loop3A_471 {strides = array<i32>} : memref<4x64x128xf32, #tpu.memory_space<vmem>>, vector<16xf32>,
        %parallel_loop3A_480 = arith.constant 54 : i32
        %parallel_loop3A_481 = vector.broadcast %parallel_loop3A_480 : i32 to vector<16xi32>
        %parallel_loop3A_482 = arith.addi %parallel_loop3A_155, %parallel_loop3A_481 : vector<16xi32>
        %parallel_loop3A_483 = tpu.vector_load_idx %arg5[%parallel_loop3A_482] : memref<13520xf32, #tpu.memory_space<vmem>>[vector<16xi32>], vector<16xf32>,
        %parallel_loop3A_484 = arith.constant 16 : i32
        %parallel_loop3A_485 = arith.muli %parallel_loop3A_140, %parallel_loop3A_484 : i32
        %parallel_loop3A_486 = arith.constant 0 : i32
        %parallel_loop3A_487 = arith.constant 54 : i32
        %parallel_loop3A_488 = arith.index_cast %parallel_loop3A_486 : i32 to index
        %parallel_loop3A_489 = arith.index_cast %parallel_loop3A_487 : i32 to index
        %parallel_loop3A_490 = arith.index_cast %parallel_loop3A_485 : i32 to index
        %parallel_loop3A_491 = tpu.vector_load %arg7[%parallel_loop3A_488, %parallel_loop3A_489, %parallel_loop3A_490] {strides = array<i32>} : memref<4x64x128xf32, #tpu.memory_space<vmem>>, vector<16xf32>,
        tpu.vector_store %arg7[%parallel_loop3A_488, %parallel_loop3A_489, %parallel_loop3A_490], %parallel_loop3A_483 {strides = array<i32>} : memref<4x64x128xf32, #tpu.memory_space<vmem>>, vector<16xf32>,
        %parallel_loop3A_492 = arith.constant 56 : i32
        %parallel_loop3A_493 = vector.broadcast %parallel_loop3A_492 : i32 to vector<16xi32>
        %parallel_loop3A_494 = arith.addi %parallel_loop3A_155, %parallel_loop3A_493 : vector<16xi32>
        %parallel_loop3A_495 = tpu.vector_load_idx %arg5[%parallel_loop3A_494] : memref<13520xf32, #tpu.memory_space<vmem>>[vector<16xi32>], vector<16xf32>,
        %parallel_loop3A_496 = arith.constant 16 : i32
        %parallel_loop3A_497 = arith.muli %parallel_loop3A_140, %parallel_loop3A_496 : i32
        %parallel_loop3A_498 = arith.constant 0 : i32
        %parallel_loop3A_499 = arith.constant 56 : i32
        %parallel_loop3A_500 = arith.index_cast %parallel_loop3A_498 : i32 to index
        %parallel_loop3A_501 = arith.index_cast %parallel_loop3A_499 : i32 to index
        %parallel_loop3A_502 = arith.index_cast %parallel_loop3A_497 : i32 to index
        %parallel_loop3A_503 = tpu.vector_load %arg7[%parallel_loop3A_500, %parallel_loop3A_501, %parallel_loop3A_502] {strides = array<i32>} : memref<4x64x128xf32, #tpu.memory_space<vmem>>, vector<16xf32>,
        tpu.vector_store %arg7[%parallel_loop3A_500, %parallel_loop3A_501, %parallel_loop3A_502], %parallel_loop3A_495 {strides = array<i32>} : memref<4x64x128xf32, #tpu.memory_space<vmem>>, vector<16xf32>,
        %parallel_loop3A_504 = arith.constant 58 : i32
        %parallel_loop3A_505 = vector.broadcast %parallel_loop3A_504 : i32 to vector<16xi32>
        %parallel_loop3A_506 = arith.addi %parallel_loop3A_155, %parallel_loop3A_505 : vector<16xi32>
        %parallel_loop3A_507 = tpu.vector_load_idx %arg5[%parallel_loop3A_506] : memref<13520xf32, #tpu.memory_space<vmem>>[vector<16xi32>], vector<16xf32>,
        %parallel_loop3A_508 = arith.constant 16 : i32
        %parallel_loop3A_509 = arith.muli %parallel_loop3A_140, %parallel_loop3A_508 : i32
        %parallel_loop3A_510 = arith.constant 0 : i32
        %parallel_loop3A_511 = arith.constant 58 : i32
        %parallel_loop3A_512 = arith.index_cast %parallel_loop3A_510 : i32 to index
        %parallel_loop3A_513 = arith.index_cast %parallel_loop3A_511 : i32 to index
        %parallel_loop3A_514 = arith.index_cast %parallel_loop3A_509 : i32 to index
        %parallel_loop3A_515 = tpu.vector_load %arg7[%parallel_loop3A_512, %parallel_loop3A_513, %parallel_loop3A_514] {strides = array<i32>} : memref<4x64x128xf32, #tpu.memory_space<vmem>>, vector<16xf32>,
        tpu.vector_store %arg7[%parallel_loop3A_512, %parallel_loop3A_513, %parallel_loop3A_514], %parallel_loop3A_507 {strides = array<i32>} : memref<4x64x128xf32, #tpu.memory_space<vmem>>, vector<16xf32>,
        %parallel_loop3A_516 = arith.constant 60 : i32
        %parallel_loop3A_517 = vector.broadcast %parallel_loop3A_516 : i32 to vector<16xi32>
        %parallel_loop3A_518 = arith.addi %parallel_loop3A_155, %parallel_loop3A_517 : vector<16xi32>
        %parallel_loop3A_519 = tpu.vector_load_idx %arg5[%parallel_loop3A_518] : memref<13520xf32, #tpu.memory_space<vmem>>[vector<16xi32>], vector<16xf32>,
        %parallel_loop3A_520 = arith.constant 16 : i32
        %parallel_loop3A_521 = arith.muli %parallel_loop3A_140, %parallel_loop3A_520 : i32
        %parallel_loop3A_522 = arith.constant 0 : i32
        %parallel_loop3A_523 = arith.constant 60 : i32
        %parallel_loop3A_524 = arith.index_cast %parallel_loop3A_522 : i32 to index
        %parallel_loop3A_525 = arith.index_cast %parallel_loop3A_523 : i32 to index
        %parallel_loop3A_526 = arith.index_cast %parallel_loop3A_521 : i32 to index
        %parallel_loop3A_527 = tpu.vector_load %arg7[%parallel_loop3A_524, %parallel_loop3A_525, %parallel_loop3A_526] {strides = array<i32>} : memref<4x64x128xf32, #tpu.memory_space<vmem>>, vector<16xf32>,
        tpu.vector_store %arg7[%parallel_loop3A_524, %parallel_loop3A_525, %parallel_loop3A_526], %parallel_loop3A_519 {strides = array<i32>} : memref<4x64x128xf32, #tpu.memory_space<vmem>>, vector<16xf32>,
        %parallel_loop3A_528 = arith.constant 62 : i32
        %parallel_loop3A_529 = vector.broadcast %parallel_loop3A_528 : i32 to vector<16xi32>
        %parallel_loop3A_530 = arith.addi %parallel_loop3A_155, %parallel_loop3A_529 : vector<16xi32>
        %parallel_loop3A_531 = tpu.vector_load_idx %arg5[%parallel_loop3A_530] : memref<13520xf32, #tpu.memory_space<vmem>>[vector<16xi32>], vector<16xf32>,
        %parallel_loop3A_532 = arith.constant 16 : i32
        %parallel_loop3A_533 = arith.muli %parallel_loop3A_140, %parallel_loop3A_532 : i32
        %parallel_loop3A_534 = arith.constant 0 : i32
        %parallel_loop3A_535 = arith.constant 62 : i32
        %parallel_loop3A_536 = arith.index_cast %parallel_loop3A_534 : i32 to index
        %parallel_loop3A_537 = arith.index_cast %parallel_loop3A_535 : i32 to index
        %parallel_loop3A_538 = arith.index_cast %parallel_loop3A_533 : i32 to index
        %parallel_loop3A_539 = tpu.vector_load %arg7[%parallel_loop3A_536, %parallel_loop3A_537, %parallel_loop3A_538] {strides = array<i32>} : memref<4x64x128xf32, #tpu.memory_space<vmem>>, vector<16xf32>,
        tpu.vector_store %arg7[%parallel_loop3A_536, %parallel_loop3A_537, %parallel_loop3A_538], %parallel_loop3A_531 {strides = array<i32>} : memref<4x64x128xf32, #tpu.memory_space<vmem>>, vector<16xf32>,
      } {sc.loop_unroll_factor = 4 : i64, sc.parallel_access}
      %mul3A_36 = arith.constant 4 : i32
      %mul3A_37 = arith.muli %add3A_25, %mul3A_36 : i32
      %add3A_38 = arith.constant 1 : i32
      %add3A_39 = arith.addi %mul3A_37, %add3A_38 : i32
      %eq3A_40 = arith.constant 0 : i32
      %eq3A_41 = arith.cmpi eq, %add3A_39, %eq3A_40 : i32
      %jit3A_42 = arith.constant 6630 : i32
      %jit3A_43 = arith.constant 0 : i32
      %select_n3A_44 = arith.select %eq3A_41, %jit3A_42, %jit3A_43 : i32
      %parallel_loop3A_45 = arith.constant 0 : i32
      %parallel_loop3A_46 = arith.constant 8 : i32
      %parallel_loop3A_47 = arith.constant 1 : i32
      scf.for %parallel_loop3A_140 = %parallel_loop3A_45 to %parallel_loop3A_46 step %parallel_loop3A_47  : i32 {
        %parallel_loop3A_141 = arith.constant 16 : i32
        %parallel_loop3A_142 = arith.muli %parallel_loop3A_140, %parallel_loop3A_141 : i32
        %parallel_loop3A_143 = vector.broadcast %parallel_loop3A_142 : i32 to vector<16xi32>
        %parallel_loop3A_144 = arith.addi %parallel_loop3A_143, %iota3A : vector<16xi32>
        %parallel_loop3A_145 = arith.constant 200 : i32
        %parallel_loop3A_146 = vector.broadcast %parallel_loop3A_145 : i32 to vector<16xi32>
        %parallel_loop3A_147 = arith.muli %parallel_loop3A_144, %parallel_loop3A_146 : vector<16xi32>
        %parallel_loop3A_148 = vector.broadcast %add3A_39 : i32 to vector<16xi32>
        %parallel_loop3A_149 = arith.addi %parallel_loop3A_147, %parallel_loop3A_148 : vector<16xi32>
        %parallel_loop3A_150 = tpu.vector_load_idx %arg6[%parallel_loop3A_149] : memref<25600xi32, #tpu.memory_space<vmem>>[vector<16xi32>], vector<16xi32>,
        %parallel_loop3A_151 = arith.constant 65 : i32
        %parallel_loop3A_152 = vector.broadcast %parallel_loop3A_151 : i32 to vector<16xi32>
        %parallel_loop3A_153 = arith.muli %parallel_loop3A_150, %parallel_loop3A_152 : vector<16xi32>
        %parallel_loop3A_154 = vector.broadcast %select_n3A_44 : i32 to vector<16xi32>
        %parallel_loop3A_155 = arith.addi %parallel_loop3A_153, %parallel_loop3A_154 : vector<16xi32>
        %parallel_loop3A_156 = arith.constant 0 : i32
        %parallel_loop3A_157 = vector.broadcast %parallel_loop3A_156 : i32 to vector<16xi32>
        %parallel_loop3A_158 = arith.addi %parallel_loop3A_155, %parallel_loop3A_157 : vector<16xi32>
        %parallel_loop3A_159 = tpu.vector_load_idx %arg5[%parallel_loop3A_158] : memref<13520xf32, #tpu.memory_space<vmem>>[vector<16xi32>], vector<16xf32>,
        %parallel_loop3A_160 = arith.constant 16 : i32
        %parallel_loop3A_161 = arith.muli %parallel_loop3A_140, %parallel_loop3A_160 : i32
        %parallel_loop3A_162 = arith.constant 1 : i32
        %parallel_loop3A_163 = arith.constant 0 : i32
        %parallel_loop3A_164 = arith.index_cast %parallel_loop3A_162 : i32 to index
        %parallel_loop3A_165 = arith.index_cast %parallel_loop3A_163 : i32 to index
        %parallel_loop3A_166 = arith.index_cast %parallel_loop3A_161 : i32 to index
        %parallel_loop3A_167 = tpu.vector_load %arg7[%parallel_loop3A_164, %parallel_loop3A_165, %parallel_loop3A_166] {strides = array<i32>} : memref<4x64x128xf32, #tpu.memory_space<vmem>>, vector<16xf32>,
        tpu.vector_store %arg7[%parallel_loop3A_164, %parallel_loop3A_165, %parallel_loop3A_166], %parallel_loop3A_159 {strides = array<i32>} : memref<4x64x128xf32, #tpu.memory_space<vmem>>, vector<16xf32>,
        %parallel_loop3A_168 = arith.constant 2 : i32
        %parallel_loop3A_169 = vector.broadcast %parallel_loop3A_168 : i32 to vector<16xi32>
        %parallel_loop3A_170 = arith.addi %parallel_loop3A_155, %parallel_loop3A_169 : vector<16xi32>
        %parallel_loop3A_171 = tpu.vector_load_idx %arg5[%parallel_loop3A_170] : memref<13520xf32, #tpu.memory_space<vmem>>[vector<16xi32>], vector<16xf32>,
        %parallel_loop3A_172 = arith.constant 16 : i32
        %parallel_loop3A_173 = arith.muli %parallel_loop3A_140, %parallel_loop3A_172 : i32
        %parallel_loop3A_174 = arith.constant 1 : i32
        %parallel_loop3A_175 = arith.constant 2 : i32
        %parallel_loop3A_176 = arith.index_cast %parallel_loop3A_174 : i32 to index
        %parallel_loop3A_177 = arith.index_cast %parallel_loop3A_175 : i32 to index
        %parallel_loop3A_178 = arith.index_cast %parallel_loop3A_173 : i32 to index
        %parallel_loop3A_179 = tpu.vector_load %arg7[%parallel_loop3A_176, %parallel_loop3A_177, %parallel_loop3A_178] {strides = array<i32>} : memref<4x64x128xf32, #tpu.memory_space<vmem>>, vector<16xf32>,
        tpu.vector_store %arg7[%parallel_loop3A_176, %parallel_loop3A_177, %parallel_loop3A_178], %parallel_loop3A_171 {strides = array<i32>} : memref<4x64x128xf32, #tpu.memory_space<vmem>>, vector<16xf32>,
        %parallel_loop3A_180 = arith.constant 4 : i32
        %parallel_loop3A_181 = vector.broadcast %parallel_loop3A_180 : i32 to vector<16xi32>
        %parallel_loop3A_182 = arith.addi %parallel_loop3A_155, %parallel_loop3A_181 : vector<16xi32>
        %parallel_loop3A_183 = tpu.vector_load_idx %arg5[%parallel_loop3A_182] : memref<13520xf32, #tpu.memory_space<vmem>>[vector<16xi32>], vector<16xf32>,
        %parallel_loop3A_184 = arith.constant 16 : i32
        %parallel_loop3A_185 = arith.muli %parallel_loop3A_140, %parallel_loop3A_184 : i32
        %parallel_loop3A_186 = arith.constant 1 : i32
        %parallel_loop3A_187 = arith.constant 4 : i32
        %parallel_loop3A_188 = arith.index_cast %parallel_loop3A_186 : i32 to index
        %parallel_loop3A_189 = arith.index_cast %parallel_loop3A_187 : i32 to index
        %parallel_loop3A_190 = arith.index_cast %parallel_loop3A_185 : i32 to index
        %parallel_loop3A_191 = tpu.vector_load %arg7[%parallel_loop3A_188, %parallel_loop3A_189, %parallel_loop3A_190] {strides = array<i32>} : memref<4x64x128xf32, #tpu.memory_space<vmem>>, vector<16xf32>,
        tpu.vector_store %arg7[%parallel_loop3A_188, %parallel_loop3A_189, %parallel_loop3A_190], %parallel_loop3A_183 {strides = array<i32>} : memref<4x64x128xf32, #tpu.memory_space<vmem>>, vector<16xf32>,
        %parallel_loop3A_192 = arith.constant 6 : i32
        %parallel_loop3A_193 = vector.broadcast %parallel_loop3A_192 : i32 to vector<16xi32>
        %parallel_loop3A_194 = arith.addi %parallel_loop3A_155, %parallel_loop3A_193 : vector<16xi32>
        %parallel_loop3A_195 = tpu.vector_load_idx %arg5[%parallel_loop3A_194] : memref<13520xf32, #tpu.memory_space<vmem>>[vector<16xi32>], vector<16xf32>,
        %parallel_loop3A_196 = arith.constant 16 : i32
        %parallel_loop3A_197 = arith.muli %parallel_loop3A_140, %parallel_loop3A_196 : i32
        %parallel_loop3A_198 = arith.constant 1 : i32
        %parallel_loop3A_199 = arith.constant 6 : i32
        %parallel_loop3A_200 = arith.index_cast %parallel_loop3A_198 : i32 to index
        %parallel_loop3A_201 = arith.index_cast %parallel_loop3A_199 : i32 to index
        %parallel_loop3A_202 = arith.index_cast %parallel_loop3A_197 : i32 to index
        %parallel_loop3A_203 = tpu.vector_load %arg7[%parallel_loop3A_200, %parallel_loop3A_201, %parallel_loop3A_202] {strides = array<i32>} : memref<4x64x128xf32, #tpu.memory_space<vmem>>, vector<16xf32>,
        tpu.vector_store %arg7[%parallel_loop3A_200, %parallel_loop3A_201, %parallel_loop3A_202], %parallel_loop3A_195 {strides = array<i32>} : memref<4x64x128xf32, #tpu.memory_space<vmem>>, vector<16xf32>,
        %parallel_loop3A_204 = arith.constant 8 : i32
        %parallel_loop3A_205 = vector.broadcast %parallel_loop3A_204 : i32 to vector<16xi32>
        %parallel_loop3A_206 = arith.addi %parallel_loop3A_155, %parallel_loop3A_205 : vector<16xi32>
        %parallel_loop3A_207 = tpu.vector_load_idx %arg5[%parallel_loop3A_206] : memref<13520xf32, #tpu.memory_space<vmem>>[vector<16xi32>], vector<16xf32>,
        %parallel_loop3A_208 = arith.constant 16 : i32
        %parallel_loop3A_209 = arith.muli %parallel_loop3A_140, %parallel_loop3A_208 : i32
        %parallel_loop3A_210 = arith.constant 1 : i32
        %parallel_loop3A_211 = arith.constant 8 : i32
        %parallel_loop3A_212 = arith.index_cast %parallel_loop3A_210 : i32 to index
        %parallel_loop3A_213 = arith.index_cast %parallel_loop3A_211 : i32 to index
        %parallel_loop3A_214 = arith.index_cast %parallel_loop3A_209 : i32 to index
        %parallel_loop3A_215 = tpu.vector_load %arg7[%parallel_loop3A_212, %parallel_loop3A_213, %parallel_loop3A_214] {strides = array<i32>} : memref<4x64x128xf32, #tpu.memory_space<vmem>>, vector<16xf32>,
        tpu.vector_store %arg7[%parallel_loop3A_212, %parallel_loop3A_213, %parallel_loop3A_214], %parallel_loop3A_207 {strides = array<i32>} : memref<4x64x128xf32, #tpu.memory_space<vmem>>, vector<16xf32>,
        %parallel_loop3A_216 = arith.constant 10 : i32
        %parallel_loop3A_217 = vector.broadcast %parallel_loop3A_216 : i32 to vector<16xi32>
        %parallel_loop3A_218 = arith.addi %parallel_loop3A_155, %parallel_loop3A_217 : vector<16xi32>
        %parallel_loop3A_219 = tpu.vector_load_idx %arg5[%parallel_loop3A_218] : memref<13520xf32, #tpu.memory_space<vmem>>[vector<16xi32>], vector<16xf32>,
        %parallel_loop3A_220 = arith.constant 16 : i32
        %parallel_loop3A_221 = arith.muli %parallel_loop3A_140, %parallel_loop3A_220 : i32
        %parallel_loop3A_222 = arith.constant 1 : i32
        %parallel_loop3A_223 = arith.constant 10 : i32
        %parallel_loop3A_224 = arith.index_cast %parallel_loop3A_222 : i32 to index
        %parallel_loop3A_225 = arith.index_cast %parallel_loop3A_223 : i32 to index
        %parallel_loop3A_226 = arith.index_cast %parallel_loop3A_221 : i32 to index
        %parallel_loop3A_227 = tpu.vector_load %arg7[%parallel_loop3A_224, %parallel_loop3A_225, %parallel_loop3A_226] {strides = array<i32>} : memref<4x64x128xf32, #tpu.memory_space<vmem>>, vector<16xf32>,
        tpu.vector_store %arg7[%parallel_loop3A_224, %parallel_loop3A_225, %parallel_loop3A_226], %parallel_loop3A_219 {strides = array<i32>} : memref<4x64x128xf32, #tpu.memory_space<vmem>>, vector<16xf32>,
        %parallel_loop3A_228 = arith.constant 12 : i32
        %parallel_loop3A_229 = vector.broadcast %parallel_loop3A_228 : i32 to vector<16xi32>
        %parallel_loop3A_230 = arith.addi %parallel_loop3A_155, %parallel_loop3A_229 : vector<16xi32>
        %parallel_loop3A_231 = tpu.vector_load_idx %arg5[%parallel_loop3A_230] : memref<13520xf32, #tpu.memory_space<vmem>>[vector<16xi32>], vector<16xf32>,
        %parallel_loop3A_232 = arith.constant 16 : i32
        %parallel_loop3A_233 = arith.muli %parallel_loop3A_140, %parallel_loop3A_232 : i32
        %parallel_loop3A_234 = arith.constant 1 : i32
        %parallel_loop3A_235 = arith.constant 12 : i32
        %parallel_loop3A_236 = arith.index_cast %parallel_loop3A_234 : i32 to index
        %parallel_loop3A_237 = arith.index_cast %parallel_loop3A_235 : i32 to index
        %parallel_loop3A_238 = arith.index_cast %parallel_loop3A_233 : i32 to index
        %parallel_loop3A_239 = tpu.vector_load %arg7[%parallel_loop3A_236, %parallel_loop3A_237, %parallel_loop3A_238] {strides = array<i32>} : memref<4x64x128xf32, #tpu.memory_space<vmem>>, vector<16xf32>,
        tpu.vector_store %arg7[%parallel_loop3A_236, %parallel_loop3A_237, %parallel_loop3A_238], %parallel_loop3A_231 {strides = array<i32>} : memref<4x64x128xf32, #tpu.memory_space<vmem>>, vector<16xf32>,
        %parallel_loop3A_240 = arith.constant 14 : i32
        %parallel_loop3A_241 = vector.broadcast %parallel_loop3A_240 : i32 to vector<16xi32>
        %parallel_loop3A_242 = arith.addi %parallel_loop3A_155, %parallel_loop3A_241 : vector<16xi32>
        %parallel_loop3A_243 = tpu.vector_load_idx %arg5[%parallel_loop3A_242] : memref<13520xf32, #tpu.memory_space<vmem>>[vector<16xi32>], vector<16xf32>,
        %parallel_loop3A_244 = arith.constant 16 : i32
        %parallel_loop3A_245 = arith.muli %parallel_loop3A_140, %parallel_loop3A_244 : i32
        %parallel_loop3A_246 = arith.constant 1 : i32
        %parallel_loop3A_247 = arith.constant 14 : i32
        %parallel_loop3A_248 = arith.index_cast %parallel_loop3A_246 : i32 to index
        %parallel_loop3A_249 = arith.index_cast %parallel_loop3A_247 : i32 to index
        %parallel_loop3A_250 = arith.index_cast %parallel_loop3A_245 : i32 to index
        %parallel_loop3A_251 = tpu.vector_load %arg7[%parallel_loop3A_248, %parallel_loop3A_249, %parallel_loop3A_250] {strides = array<i32>} : memref<4x64x128xf32, #tpu.memory_space<vmem>>, vector<16xf32>,
        tpu.vector_store %arg7[%parallel_loop3A_248, %parallel_loop3A_249, %parallel_loop3A_250], %parallel_loop3A_243 {strides = array<i32>} : memref<4x64x128xf32, #tpu.memory_space<vmem>>, vector<16xf32>,
        %parallel_loop3A_252 = arith.constant 16 : i32
        %parallel_loop3A_253 = vector.broadcast %parallel_loop3A_252 : i32 to vector<16xi32>
        %parallel_loop3A_254 = arith.addi %parallel_loop3A_155, %parallel_loop3A_253 : vector<16xi32>
        %parallel_loop3A_255 = tpu.vector_load_idx %arg5[%parallel_loop3A_254] : memref<13520xf32, #tpu.memory_space<vmem>>[vector<16xi32>], vector<16xf32>,
        %parallel_loop3A_256 = arith.constant 16 : i32
        %parallel_loop3A_257 = arith.muli %parallel_loop3A_140, %parallel_loop3A_256 : i32
        %parallel_loop3A_258 = arith.constant 1 : i32
        %parallel_loop3A_259 = arith.constant 16 : i32
        %parallel_loop3A_260 = arith.index_cast %parallel_loop3A_258 : i32 to index
        %parallel_loop3A_261 = arith.index_cast %parallel_loop3A_259 : i32 to index
        %parallel_loop3A_262 = arith.index_cast %parallel_loop3A_257 : i32 to index
        %parallel_loop3A_263 = tpu.vector_load %arg7[%parallel_loop3A_260, %parallel_loop3A_261, %parallel_loop3A_262] {strides = array<i32>} : memref<4x64x128xf32, #tpu.memory_space<vmem>>, vector<16xf32>,
        tpu.vector_store %arg7[%parallel_loop3A_260, %parallel_loop3A_261, %parallel_loop3A_262], %parallel_loop3A_255 {strides = array<i32>} : memref<4x64x128xf32, #tpu.memory_space<vmem>>, vector<16xf32>,
        %parallel_loop3A_264 = arith.constant 18 : i32
        %parallel_loop3A_265 = vector.broadcast %parallel_loop3A_264 : i32 to vector<16xi32>
        %parallel_loop3A_266 = arith.addi %parallel_loop3A_155, %parallel_loop3A_265 : vector<16xi32>
        %parallel_loop3A_267 = tpu.vector_load_idx %arg5[%parallel_loop3A_266] : memref<13520xf32, #tpu.memory_space<vmem>>[vector<16xi32>], vector<16xf32>,
        %parallel_loop3A_268 = arith.constant 16 : i32
        %parallel_loop3A_269 = arith.muli %parallel_loop3A_140, %parallel_loop3A_268 : i32
        %parallel_loop3A_270 = arith.constant 1 : i32
        %parallel_loop3A_271 = arith.constant 18 : i32
        %parallel_loop3A_272 = arith.index_cast %parallel_loop3A_270 : i32 to index
        %parallel_loop3A_273 = arith.index_cast %parallel_loop3A_271 : i32 to index
        %parallel_loop3A_274 = arith.index_cast %parallel_loop3A_269 : i32 to index
        %parallel_loop3A_275 = tpu.vector_load %arg7[%parallel_loop3A_272, %parallel_loop3A_273, %parallel_loop3A_274] {strides = array<i32>} : memref<4x64x128xf32, #tpu.memory_space<vmem>>, vector<16xf32>,
        tpu.vector_store %arg7[%parallel_loop3A_272, %parallel_loop3A_273, %parallel_loop3A_274], %parallel_loop3A_267 {strides = array<i32>} : memref<4x64x128xf32, #tpu.memory_space<vmem>>, vector<16xf32>,
        %parallel_loop3A_276 = arith.constant 20 : i32
        %parallel_loop3A_277 = vector.broadcast %parallel_loop3A_276 : i32 to vector<16xi32>
        %parallel_loop3A_278 = arith.addi %parallel_loop3A_155, %parallel_loop3A_277 : vector<16xi32>
        %parallel_loop3A_279 = tpu.vector_load_idx %arg5[%parallel_loop3A_278] : memref<13520xf32, #tpu.memory_space<vmem>>[vector<16xi32>], vector<16xf32>,
        %parallel_loop3A_280 = arith.constant 16 : i32
        %parallel_loop3A_281 = arith.muli %parallel_loop3A_140, %parallel_loop3A_280 : i32
        %parallel_loop3A_282 = arith.constant 1 : i32
        %parallel_loop3A_283 = arith.constant 20 : i32
        %parallel_loop3A_284 = arith.index_cast %parallel_loop3A_282 : i32 to index
        %parallel_loop3A_285 = arith.index_cast %parallel_loop3A_283 : i32 to index
        %parallel_loop3A_286 = arith.index_cast %parallel_loop3A_281 : i32 to index
        %parallel_loop3A_287 = tpu.vector_load %arg7[%parallel_loop3A_284, %parallel_loop3A_285, %parallel_loop3A_286] {strides = array<i32>} : memref<4x64x128xf32, #tpu.memory_space<vmem>>, vector<16xf32>,
        tpu.vector_store %arg7[%parallel_loop3A_284, %parallel_loop3A_285, %parallel_loop3A_286], %parallel_loop3A_279 {strides = array<i32>} : memref<4x64x128xf32, #tpu.memory_space<vmem>>, vector<16xf32>,
        %parallel_loop3A_288 = arith.constant 22 : i32
        %parallel_loop3A_289 = vector.broadcast %parallel_loop3A_288 : i32 to vector<16xi32>
        %parallel_loop3A_290 = arith.addi %parallel_loop3A_155, %parallel_loop3A_289 : vector<16xi32>
        %parallel_loop3A_291 = tpu.vector_load_idx %arg5[%parallel_loop3A_290] : memref<13520xf32, #tpu.memory_space<vmem>>[vector<16xi32>], vector<16xf32>,
        %parallel_loop3A_292 = arith.constant 16 : i32
        %parallel_loop3A_293 = arith.muli %parallel_loop3A_140, %parallel_loop3A_292 : i32
        %parallel_loop3A_294 = arith.constant 1 : i32
        %parallel_loop3A_295 = arith.constant 22 : i32
        %parallel_loop3A_296 = arith.index_cast %parallel_loop3A_294 : i32 to index
        %parallel_loop3A_297 = arith.index_cast %parallel_loop3A_295 : i32 to index
        %parallel_loop3A_298 = arith.index_cast %parallel_loop3A_293 : i32 to index
        %parallel_loop3A_299 = tpu.vector_load %arg7[%parallel_loop3A_296, %parallel_loop3A_297, %parallel_loop3A_298] {strides = array<i32>} : memref<4x64x128xf32, #tpu.memory_space<vmem>>, vector<16xf32>,
        tpu.vector_store %arg7[%parallel_loop3A_296, %parallel_loop3A_297, %parallel_loop3A_298], %parallel_loop3A_291 {strides = array<i32>} : memref<4x64x128xf32, #tpu.memory_space<vmem>>, vector<16xf32>,
        %parallel_loop3A_300 = arith.constant 24 : i32
        %parallel_loop3A_301 = vector.broadcast %parallel_loop3A_300 : i32 to vector<16xi32>
        %parallel_loop3A_302 = arith.addi %parallel_loop3A_155, %parallel_loop3A_301 : vector<16xi32>
        %parallel_loop3A_303 = tpu.vector_load_idx %arg5[%parallel_loop3A_302] : memref<13520xf32, #tpu.memory_space<vmem>>[vector<16xi32>], vector<16xf32>,
        %parallel_loop3A_304 = arith.constant 16 : i32
        %parallel_loop3A_305 = arith.muli %parallel_loop3A_140, %parallel_loop3A_304 : i32
        %parallel_loop3A_306 = arith.constant 1 : i32
        %parallel_loop3A_307 = arith.constant 24 : i32
        %parallel_loop3A_308 = arith.index_cast %parallel_loop3A_306 : i32 to index
        %parallel_loop3A_309 = arith.index_cast %parallel_loop3A_307 : i32 to index
        %parallel_loop3A_310 = arith.index_cast %parallel_loop3A_305 : i32 to index
        %parallel_loop3A_311 = tpu.vector_load %arg7[%parallel_loop3A_308, %parallel_loop3A_309, %parallel_loop3A_310] {strides = array<i32>} : memref<4x64x128xf32, #tpu.memory_space<vmem>>, vector<16xf32>,
        tpu.vector_store %arg7[%parallel_loop3A_308, %parallel_loop3A_309, %parallel_loop3A_310], %parallel_loop3A_303 {strides = array<i32>} : memref<4x64x128xf32, #tpu.memory_space<vmem>>, vector<16xf32>,
        %parallel_loop3A_312 = arith.constant 26 : i32
        %parallel_loop3A_313 = vector.broadcast %parallel_loop3A_312 : i32 to vector<16xi32>
        %parallel_loop3A_314 = arith.addi %parallel_loop3A_155, %parallel_loop3A_313 : vector<16xi32>
        %parallel_loop3A_315 = tpu.vector_load_idx %arg5[%parallel_loop3A_314] : memref<13520xf32, #tpu.memory_space<vmem>>[vector<16xi32>], vector<16xf32>,
        %parallel_loop3A_316 = arith.constant 16 : i32
        %parallel_loop3A_317 = arith.muli %parallel_loop3A_140, %parallel_loop3A_316 : i32
        %parallel_loop3A_318 = arith.constant 1 : i32
        %parallel_loop3A_319 = arith.constant 26 : i32
        %parallel_loop3A_320 = arith.index_cast %parallel_loop3A_318 : i32 to index
        %parallel_loop3A_321 = arith.index_cast %parallel_loop3A_319 : i32 to index
        %parallel_loop3A_322 = arith.index_cast %parallel_loop3A_317 : i32 to index
        %parallel_loop3A_323 = tpu.vector_load %arg7[%parallel_loop3A_320, %parallel_loop3A_321, %parallel_loop3A_322] {strides = array<i32>} : memref<4x64x128xf32, #tpu.memory_space<vmem>>, vector<16xf32>,
        tpu.vector_store %arg7[%parallel_loop3A_320, %parallel_loop3A_321, %parallel_loop3A_322], %parallel_loop3A_315 {strides = array<i32>} : memref<4x64x128xf32, #tpu.memory_space<vmem>>, vector<16xf32>,
        %parallel_loop3A_324 = arith.constant 28 : i32
        %parallel_loop3A_325 = vector.broadcast %parallel_loop3A_324 : i32 to vector<16xi32>
        %parallel_loop3A_326 = arith.addi %parallel_loop3A_155, %parallel_loop3A_325 : vector<16xi32>
        %parallel_loop3A_327 = tpu.vector_load_idx %arg5[%parallel_loop3A_326] : memref<13520xf32, #tpu.memory_space<vmem>>[vector<16xi32>], vector<16xf32>,
        %parallel_loop3A_328 = arith.constant 16 : i32
        %parallel_loop3A_329 = arith.muli %parallel_loop3A_140, %parallel_loop3A_328 : i32
        %parallel_loop3A_330 = arith.constant 1 : i32
        %parallel_loop3A_331 = arith.constant 28 : i32
        %parallel_loop3A_332 = arith.index_cast %parallel_loop3A_330 : i32 to index
        %parallel_loop3A_333 = arith.index_cast %parallel_loop3A_331 : i32 to index
        %parallel_loop3A_334 = arith.index_cast %parallel_loop3A_329 : i32 to index
        %parallel_loop3A_335 = tpu.vector_load %arg7[%parallel_loop3A_332, %parallel_loop3A_333, %parallel_loop3A_334] {strides = array<i32>} : memref<4x64x128xf32, #tpu.memory_space<vmem>>, vector<16xf32>,
        tpu.vector_store %arg7[%parallel_loop3A_332, %parallel_loop3A_333, %parallel_loop3A_334], %parallel_loop3A_327 {strides = array<i32>} : memref<4x64x128xf32, #tpu.memory_space<vmem>>, vector<16xf32>,
        %parallel_loop3A_336 = arith.constant 30 : i32
        %parallel_loop3A_337 = vector.broadcast %parallel_loop3A_336 : i32 to vector<16xi32>
        %parallel_loop3A_338 = arith.addi %parallel_loop3A_155, %parallel_loop3A_337 : vector<16xi32>
        %parallel_loop3A_339 = tpu.vector_load_idx %arg5[%parallel_loop3A_338] : memref<13520xf32, #tpu.memory_space<vmem>>[vector<16xi32>], vector<16xf32>,
        %parallel_loop3A_340 = arith.constant 16 : i32
        %parallel_loop3A_341 = arith.muli %parallel_loop3A_140, %parallel_loop3A_340 : i32
        %parallel_loop3A_342 = arith.constant 1 : i32
        %parallel_loop3A_343 = arith.constant 30 : i32
        %parallel_loop3A_344 = arith.index_cast %parallel_loop3A_342 : i32 to index
        %parallel_loop3A_345 = arith.index_cast %parallel_loop3A_343 : i32 to index
        %parallel_loop3A_346 = arith.index_cast %parallel_loop3A_341 : i32 to index
        %parallel_loop3A_347 = tpu.vector_load %arg7[%parallel_loop3A_344, %parallel_loop3A_345, %parallel_loop3A_346] {strides = array<i32>} : memref<4x64x128xf32, #tpu.memory_space<vmem>>, vector<16xf32>,
        tpu.vector_store %arg7[%parallel_loop3A_344, %parallel_loop3A_345, %parallel_loop3A_346], %parallel_loop3A_339 {strides = array<i32>} : memref<4x64x128xf32, #tpu.memory_space<vmem>>, vector<16xf32>,
        %parallel_loop3A_348 = arith.constant 32 : i32
        %parallel_loop3A_349 = vector.broadcast %parallel_loop3A_348 : i32 to vector<16xi32>
        %parallel_loop3A_350 = arith.addi %parallel_loop3A_155, %parallel_loop3A_349 : vector<16xi32>
        %parallel_loop3A_351 = tpu.vector_load_idx %arg5[%parallel_loop3A_350] : memref<13520xf32, #tpu.memory_space<vmem>>[vector<16xi32>], vector<16xf32>,
        %parallel_loop3A_352 = arith.constant 16 : i32
        %parallel_loop3A_353 = arith.muli %parallel_loop3A_140, %parallel_loop3A_352 : i32
        %parallel_loop3A_354 = arith.constant 1 : i32
        %parallel_loop3A_355 = arith.constant 32 : i32
        %parallel_loop3A_356 = arith.index_cast %parallel_loop3A_354 : i32 to index
        %parallel_loop3A_357 = arith.index_cast %parallel_loop3A_355 : i32 to index
        %parallel_loop3A_358 = arith.index_cast %parallel_loop3A_353 : i32 to index
        %parallel_loop3A_359 = tpu.vector_load %arg7[%parallel_loop3A_356, %parallel_loop3A_357, %parallel_loop3A_358] {strides = array<i32>} : memref<4x64x128xf32, #tpu.memory_space<vmem>>, vector<16xf32>,
        tpu.vector_store %arg7[%parallel_loop3A_356, %parallel_loop3A_357, %parallel_loop3A_358], %parallel_loop3A_351 {strides = array<i32>} : memref<4x64x128xf32, #tpu.memory_space<vmem>>, vector<16xf32>,
        %parallel_loop3A_360 = arith.constant 34 : i32
        %parallel_loop3A_361 = vector.broadcast %parallel_loop3A_360 : i32 to vector<16xi32>
        %parallel_loop3A_362 = arith.addi %parallel_loop3A_155, %parallel_loop3A_361 : vector<16xi32>
        %parallel_loop3A_363 = tpu.vector_load_idx %arg5[%parallel_loop3A_362] : memref<13520xf32, #tpu.memory_space<vmem>>[vector<16xi32>], vector<16xf32>,
        %parallel_loop3A_364 = arith.constant 16 : i32
        %parallel_loop3A_365 = arith.muli %parallel_loop3A_140, %parallel_loop3A_364 : i32
        %parallel_loop3A_366 = arith.constant 1 : i32
        %parallel_loop3A_367 = arith.constant 34 : i32
        %parallel_loop3A_368 = arith.index_cast %parallel_loop3A_366 : i32 to index
        %parallel_loop3A_369 = arith.index_cast %parallel_loop3A_367 : i32 to index
        %parallel_loop3A_370 = arith.index_cast %parallel_loop3A_365 : i32 to index
        %parallel_loop3A_371 = tpu.vector_load %arg7[%parallel_loop3A_368, %parallel_loop3A_369, %parallel_loop3A_370] {strides = array<i32>} : memref<4x64x128xf32, #tpu.memory_space<vmem>>, vector<16xf32>,
        tpu.vector_store %arg7[%parallel_loop3A_368, %parallel_loop3A_369, %parallel_loop3A_370], %parallel_loop3A_363 {strides = array<i32>} : memref<4x64x128xf32, #tpu.memory_space<vmem>>, vector<16xf32>,
        %parallel_loop3A_372 = arith.constant 36 : i32
        %parallel_loop3A_373 = vector.broadcast %parallel_loop3A_372 : i32 to vector<16xi32>
        %parallel_loop3A_374 = arith.addi %parallel_loop3A_155, %parallel_loop3A_373 : vector<16xi32>
        %parallel_loop3A_375 = tpu.vector_load_idx %arg5[%parallel_loop3A_374] : memref<13520xf32, #tpu.memory_space<vmem>>[vector<16xi32>], vector<16xf32>,
        %parallel_loop3A_376 = arith.constant 16 : i32
        %parallel_loop3A_377 = arith.muli %parallel_loop3A_140, %parallel_loop3A_376 : i32
        %parallel_loop3A_378 = arith.constant 1 : i32
        %parallel_loop3A_379 = arith.constant 36 : i32
        %parallel_loop3A_380 = arith.index_cast %parallel_loop3A_378 : i32 to index
        %parallel_loop3A_381 = arith.index_cast %parallel_loop3A_379 : i32 to index
        %parallel_loop3A_382 = arith.index_cast %parallel_loop3A_377 : i32 to index
        %parallel_loop3A_383 = tpu.vector_load %arg7[%parallel_loop3A_380, %parallel_loop3A_381, %parallel_loop3A_382] {strides = array<i32>} : memref<4x64x128xf32, #tpu.memory_space<vmem>>, vector<16xf32>,
        tpu.vector_store %arg7[%parallel_loop3A_380, %parallel_loop3A_381, %parallel_loop3A_382], %parallel_loop3A_375 {strides = array<i32>} : memref<4x64x128xf32, #tpu.memory_space<vmem>>, vector<16xf32>,
        %parallel_loop3A_384 = arith.constant 38 : i32
        %parallel_loop3A_385 = vector.broadcast %parallel_loop3A_384 : i32 to vector<16xi32>
        %parallel_loop3A_386 = arith.addi %parallel_loop3A_155, %parallel_loop3A_385 : vector<16xi32>
        %parallel_loop3A_387 = tpu.vector_load_idx %arg5[%parallel_loop3A_386] : memref<13520xf32, #tpu.memory_space<vmem>>[vector<16xi32>], vector<16xf32>,
        %parallel_loop3A_388 = arith.constant 16 : i32
        %parallel_loop3A_389 = arith.muli %parallel_loop3A_140, %parallel_loop3A_388 : i32
        %parallel_loop3A_390 = arith.constant 1 : i32
        %parallel_loop3A_391 = arith.constant 38 : i32
        %parallel_loop3A_392 = arith.index_cast %parallel_loop3A_390 : i32 to index
        %parallel_loop3A_393 = arith.index_cast %parallel_loop3A_391 : i32 to index
        %parallel_loop3A_394 = arith.index_cast %parallel_loop3A_389 : i32 to index
        %parallel_loop3A_395 = tpu.vector_load %arg7[%parallel_loop3A_392, %parallel_loop3A_393, %parallel_loop3A_394] {strides = array<i32>} : memref<4x64x128xf32, #tpu.memory_space<vmem>>, vector<16xf32>,
        tpu.vector_store %arg7[%parallel_loop3A_392, %parallel_loop3A_393, %parallel_loop3A_394], %parallel_loop3A_387 {strides = array<i32>} : memref<4x64x128xf32, #tpu.memory_space<vmem>>, vector<16xf32>,
        %parallel_loop3A_396 = arith.constant 40 : i32
        %parallel_loop3A_397 = vector.broadcast %parallel_loop3A_396 : i32 to vector<16xi32>
        %parallel_loop3A_398 = arith.addi %parallel_loop3A_155, %parallel_loop3A_397 : vector<16xi32>
        %parallel_loop3A_399 = tpu.vector_load_idx %arg5[%parallel_loop3A_398] : memref<13520xf32, #tpu.memory_space<vmem>>[vector<16xi32>], vector<16xf32>,
        %parallel_loop3A_400 = arith.constant 16 : i32
        %parallel_loop3A_401 = arith.muli %parallel_loop3A_140, %parallel_loop3A_400 : i32
        %parallel_loop3A_402 = arith.constant 1 : i32
        %parallel_loop3A_403 = arith.constant 40 : i32
        %parallel_loop3A_404 = arith.index_cast %parallel_loop3A_402 : i32 to index
        %parallel_loop3A_405 = arith.index_cast %parallel_loop3A_403 : i32 to index
        %parallel_loop3A_406 = arith.index_cast %parallel_loop3A_401 : i32 to index
        %parallel_loop3A_407 = tpu.vector_load %arg7[%parallel_loop3A_404, %parallel_loop3A_405, %parallel_loop3A_406] {strides = array<i32>} : memref<4x64x128xf32, #tpu.memory_space<vmem>>, vector<16xf32>,
        tpu.vector_store %arg7[%parallel_loop3A_404, %parallel_loop3A_405, %parallel_loop3A_406], %parallel_loop3A_399 {strides = array<i32>} : memref<4x64x128xf32, #tpu.memory_space<vmem>>, vector<16xf32>,
        %parallel_loop3A_408 = arith.constant 42 : i32
        %parallel_loop3A_409 = vector.broadcast %parallel_loop3A_408 : i32 to vector<16xi32>
        %parallel_loop3A_410 = arith.addi %parallel_loop3A_155, %parallel_loop3A_409 : vector<16xi32>
        %parallel_loop3A_411 = tpu.vector_load_idx %arg5[%parallel_loop3A_410] : memref<13520xf32, #tpu.memory_space<vmem>>[vector<16xi32>], vector<16xf32>,
        %parallel_loop3A_412 = arith.constant 16 : i32
        %parallel_loop3A_413 = arith.muli %parallel_loop3A_140, %parallel_loop3A_412 : i32
        %parallel_loop3A_414 = arith.constant 1 : i32
        %parallel_loop3A_415 = arith.constant 42 : i32
        %parallel_loop3A_416 = arith.index_cast %parallel_loop3A_414 : i32 to index
        %parallel_loop3A_417 = arith.index_cast %parallel_loop3A_415 : i32 to index
        %parallel_loop3A_418 = arith.index_cast %parallel_loop3A_413 : i32 to index
        %parallel_loop3A_419 = tpu.vector_load %arg7[%parallel_loop3A_416, %parallel_loop3A_417, %parallel_loop3A_418] {strides = array<i32>} : memref<4x64x128xf32, #tpu.memory_space<vmem>>, vector<16xf32>,
        tpu.vector_store %arg7[%parallel_loop3A_416, %parallel_loop3A_417, %parallel_loop3A_418], %parallel_loop3A_411 {strides = array<i32>} : memref<4x64x128xf32, #tpu.memory_space<vmem>>, vector<16xf32>,
        %parallel_loop3A_420 = arith.constant 44 : i32
        %parallel_loop3A_421 = vector.broadcast %parallel_loop3A_420 : i32 to vector<16xi32>
        %parallel_loop3A_422 = arith.addi %parallel_loop3A_155, %parallel_loop3A_421 : vector<16xi32>
        %parallel_loop3A_423 = tpu.vector_load_idx %arg5[%parallel_loop3A_422] : memref<13520xf32, #tpu.memory_space<vmem>>[vector<16xi32>], vector<16xf32>,
        %parallel_loop3A_424 = arith.constant 16 : i32
        %parallel_loop3A_425 = arith.muli %parallel_loop3A_140, %parallel_loop3A_424 : i32
        %parallel_loop3A_426 = arith.constant 1 : i32
        %parallel_loop3A_427 = arith.constant 44 : i32
        %parallel_loop3A_428 = arith.index_cast %parallel_loop3A_426 : i32 to index
        %parallel_loop3A_429 = arith.index_cast %parallel_loop3A_427 : i32 to index
        %parallel_loop3A_430 = arith.index_cast %parallel_loop3A_425 : i32 to index
        %parallel_loop3A_431 = tpu.vector_load %arg7[%parallel_loop3A_428, %parallel_loop3A_429, %parallel_loop3A_430] {strides = array<i32>} : memref<4x64x128xf32, #tpu.memory_space<vmem>>, vector<16xf32>,
        tpu.vector_store %arg7[%parallel_loop3A_428, %parallel_loop3A_429, %parallel_loop3A_430], %parallel_loop3A_423 {strides = array<i32>} : memref<4x64x128xf32, #tpu.memory_space<vmem>>, vector<16xf32>,
        %parallel_loop3A_432 = arith.constant 46 : i32
        %parallel_loop3A_433 = vector.broadcast %parallel_loop3A_432 : i32 to vector<16xi32>
        %parallel_loop3A_434 = arith.addi %parallel_loop3A_155, %parallel_loop3A_433 : vector<16xi32>
        %parallel_loop3A_435 = tpu.vector_load_idx %arg5[%parallel_loop3A_434] : memref<13520xf32, #tpu.memory_space<vmem>>[vector<16xi32>], vector<16xf32>,
        %parallel_loop3A_436 = arith.constant 16 : i32
        %parallel_loop3A_437 = arith.muli %parallel_loop3A_140, %parallel_loop3A_436 : i32
        %parallel_loop3A_438 = arith.constant 1 : i32
        %parallel_loop3A_439 = arith.constant 46 : i32
        %parallel_loop3A_440 = arith.index_cast %parallel_loop3A_438 : i32 to index
        %parallel_loop3A_441 = arith.index_cast %parallel_loop3A_439 : i32 to index
        %parallel_loop3A_442 = arith.index_cast %parallel_loop3A_437 : i32 to index
        %parallel_loop3A_443 = tpu.vector_load %arg7[%parallel_loop3A_440, %parallel_loop3A_441, %parallel_loop3A_442] {strides = array<i32>} : memref<4x64x128xf32, #tpu.memory_space<vmem>>, vector<16xf32>,
        tpu.vector_store %arg7[%parallel_loop3A_440, %parallel_loop3A_441, %parallel_loop3A_442], %parallel_loop3A_435 {strides = array<i32>} : memref<4x64x128xf32, #tpu.memory_space<vmem>>, vector<16xf32>,
        %parallel_loop3A_444 = arith.constant 48 : i32
        %parallel_loop3A_445 = vector.broadcast %parallel_loop3A_444 : i32 to vector<16xi32>
        %parallel_loop3A_446 = arith.addi %parallel_loop3A_155, %parallel_loop3A_445 : vector<16xi32>
        %parallel_loop3A_447 = tpu.vector_load_idx %arg5[%parallel_loop3A_446] : memref<13520xf32, #tpu.memory_space<vmem>>[vector<16xi32>], vector<16xf32>,
        %parallel_loop3A_448 = arith.constant 16 : i32
        %parallel_loop3A_449 = arith.muli %parallel_loop3A_140, %parallel_loop3A_448 : i32
        %parallel_loop3A_450 = arith.constant 1 : i32
        %parallel_loop3A_451 = arith.constant 48 : i32
        %parallel_loop3A_452 = arith.index_cast %parallel_loop3A_450 : i32 to index
        %parallel_loop3A_453 = arith.index_cast %parallel_loop3A_451 : i32 to index
        %parallel_loop3A_454 = arith.index_cast %parallel_loop3A_449 : i32 to index
        %parallel_loop3A_455 = tpu.vector_load %arg7[%parallel_loop3A_452, %parallel_loop3A_453, %parallel_loop3A_454] {strides = array<i32>} : memref<4x64x128xf32, #tpu.memory_space<vmem>>, vector<16xf32>,
        tpu.vector_store %arg7[%parallel_loop3A_452, %parallel_loop3A_453, %parallel_loop3A_454], %parallel_loop3A_447 {strides = array<i32>} : memref<4x64x128xf32, #tpu.memory_space<vmem>>, vector<16xf32>,
        %parallel_loop3A_456 = arith.constant 50 : i32
        %parallel_loop3A_457 = vector.broadcast %parallel_loop3A_456 : i32 to vector<16xi32>
        %parallel_loop3A_458 = arith.addi %parallel_loop3A_155, %parallel_loop3A_457 : vector<16xi32>
        %parallel_loop3A_459 = tpu.vector_load_idx %arg5[%parallel_loop3A_458] : memref<13520xf32, #tpu.memory_space<vmem>>[vector<16xi32>], vector<16xf32>,
        %parallel_loop3A_460 = arith.constant 16 : i32
        %parallel_loop3A_461 = arith.muli %parallel_loop3A_140, %parallel_loop3A_460 : i32
        %parallel_loop3A_462 = arith.constant 1 : i32
        %parallel_loop3A_463 = arith.constant 50 : i32
        %parallel_loop3A_464 = arith.index_cast %parallel_loop3A_462 : i32 to index
        %parallel_loop3A_465 = arith.index_cast %parallel_loop3A_463 : i32 to index
        %parallel_loop3A_466 = arith.index_cast %parallel_loop3A_461 : i32 to index
        %parallel_loop3A_467 = tpu.vector_load %arg7[%parallel_loop3A_464, %parallel_loop3A_465, %parallel_loop3A_466] {strides = array<i32>} : memref<4x64x128xf32, #tpu.memory_space<vmem>>, vector<16xf32>,
        tpu.vector_store %arg7[%parallel_loop3A_464, %parallel_loop3A_465, %parallel_loop3A_466], %parallel_loop3A_459 {strides = array<i32>} : memref<4x64x128xf32, #tpu.memory_space<vmem>>, vector<16xf32>,
        %parallel_loop3A_468 = arith.constant 52 : i32
        %parallel_loop3A_469 = vector.broadcast %parallel_loop3A_468 : i32 to vector<16xi32>
        %parallel_loop3A_470 = arith.addi %parallel_loop3A_155, %parallel_loop3A_469 : vector<16xi32>
        %parallel_loop3A_471 = tpu.vector_load_idx %arg5[%parallel_loop3A_470] : memref<13520xf32, #tpu.memory_space<vmem>>[vector<16xi32>], vector<16xf32>,
        %parallel_loop3A_472 = arith.constant 16 : i32
        %parallel_loop3A_473 = arith.muli %parallel_loop3A_140, %parallel_loop3A_472 : i32
        %parallel_loop3A_474 = arith.constant 1 : i32
        %parallel_loop3A_475 = arith.constant 52 : i32
        %parallel_loop3A_476 = arith.index_cast %parallel_loop3A_474 : i32 to index
        %parallel_loop3A_477 = arith.index_cast %parallel_loop3A_475 : i32 to index
        %parallel_loop3A_478 = arith.index_cast %parallel_loop3A_473 : i32 to index
        %parallel_loop3A_479 = tpu.vector_load %arg7[%parallel_loop3A_476, %parallel_loop3A_477, %parallel_loop3A_478] {strides = array<i32>} : memref<4x64x128xf32, #tpu.memory_space<vmem>>, vector<16xf32>,
        tpu.vector_store %arg7[%parallel_loop3A_476, %parallel_loop3A_477, %parallel_loop3A_478], %parallel_loop3A_471 {strides = array<i32>} : memref<4x64x128xf32, #tpu.memory_space<vmem>>, vector<16xf32>,
        %parallel_loop3A_480 = arith.constant 54 : i32
        %parallel_loop3A_481 = vector.broadcast %parallel_loop3A_480 : i32 to vector<16xi32>
        %parallel_loop3A_482 = arith.addi %parallel_loop3A_155, %parallel_loop3A_481 : vector<16xi32>
        %parallel_loop3A_483 = tpu.vector_load_idx %arg5[%parallel_loop3A_482] : memref<13520xf32, #tpu.memory_space<vmem>>[vector<16xi32>], vector<16xf32>,
        %parallel_loop3A_484 = arith.constant 16 : i32
        %parallel_loop3A_485 = arith.muli %parallel_loop3A_140, %parallel_loop3A_484 : i32
        %parallel_loop3A_486 = arith.constant 1 : i32
        %parallel_loop3A_487 = arith.constant 54 : i32
        %parallel_loop3A_488 = arith.index_cast %parallel_loop3A_486 : i32 to index
        %parallel_loop3A_489 = arith.index_cast %parallel_loop3A_487 : i32 to index
        %parallel_loop3A_490 = arith.index_cast %parallel_loop3A_485 : i32 to index
        %parallel_loop3A_491 = tpu.vector_load %arg7[%parallel_loop3A_488, %parallel_loop3A_489, %parallel_loop3A_490] {strides = array<i32>} : memref<4x64x128xf32, #tpu.memory_space<vmem>>, vector<16xf32>,
        tpu.vector_store %arg7[%parallel_loop3A_488, %parallel_loop3A_489, %parallel_loop3A_490], %parallel_loop3A_483 {strides = array<i32>} : memref<4x64x128xf32, #tpu.memory_space<vmem>>, vector<16xf32>,
        %parallel_loop3A_492 = arith.constant 56 : i32
        %parallel_loop3A_493 = vector.broadcast %parallel_loop3A_492 : i32 to vector<16xi32>
        %parallel_loop3A_494 = arith.addi %parallel_loop3A_155, %parallel_loop3A_493 : vector<16xi32>
        %parallel_loop3A_495 = tpu.vector_load_idx %arg5[%parallel_loop3A_494] : memref<13520xf32, #tpu.memory_space<vmem>>[vector<16xi32>], vector<16xf32>,
        %parallel_loop3A_496 = arith.constant 16 : i32
        %parallel_loop3A_497 = arith.muli %parallel_loop3A_140, %parallel_loop3A_496 : i32
        %parallel_loop3A_498 = arith.constant 1 : i32
        %parallel_loop3A_499 = arith.constant 56 : i32
        %parallel_loop3A_500 = arith.index_cast %parallel_loop3A_498 : i32 to index
        %parallel_loop3A_501 = arith.index_cast %parallel_loop3A_499 : i32 to index
        %parallel_loop3A_502 = arith.index_cast %parallel_loop3A_497 : i32 to index
        %parallel_loop3A_503 = tpu.vector_load %arg7[%parallel_loop3A_500, %parallel_loop3A_501, %parallel_loop3A_502] {strides = array<i32>} : memref<4x64x128xf32, #tpu.memory_space<vmem>>, vector<16xf32>,
        tpu.vector_store %arg7[%parallel_loop3A_500, %parallel_loop3A_501, %parallel_loop3A_502], %parallel_loop3A_495 {strides = array<i32>} : memref<4x64x128xf32, #tpu.memory_space<vmem>>, vector<16xf32>,
        %parallel_loop3A_504 = arith.constant 58 : i32
        %parallel_loop3A_505 = vector.broadcast %parallel_loop3A_504 : i32 to vector<16xi32>
        %parallel_loop3A_506 = arith.addi %parallel_loop3A_155, %parallel_loop3A_505 : vector<16xi32>
        %parallel_loop3A_507 = tpu.vector_load_idx %arg5[%parallel_loop3A_506] : memref<13520xf32, #tpu.memory_space<vmem>>[vector<16xi32>], vector<16xf32>,
        %parallel_loop3A_508 = arith.constant 16 : i32
        %parallel_loop3A_509 = arith.muli %parallel_loop3A_140, %parallel_loop3A_508 : i32
        %parallel_loop3A_510 = arith.constant 1 : i32
        %parallel_loop3A_511 = arith.constant 58 : i32
        %parallel_loop3A_512 = arith.index_cast %parallel_loop3A_510 : i32 to index
        %parallel_loop3A_513 = arith.index_cast %parallel_loop3A_511 : i32 to index
        %parallel_loop3A_514 = arith.index_cast %parallel_loop3A_509 : i32 to index
        %parallel_loop3A_515 = tpu.vector_load %arg7[%parallel_loop3A_512, %parallel_loop3A_513, %parallel_loop3A_514] {strides = array<i32>} : memref<4x64x128xf32, #tpu.memory_space<vmem>>, vector<16xf32>,
        tpu.vector_store %arg7[%parallel_loop3A_512, %parallel_loop3A_513, %parallel_loop3A_514], %parallel_loop3A_507 {strides = array<i32>} : memref<4x64x128xf32, #tpu.memory_space<vmem>>, vector<16xf32>,
        %parallel_loop3A_516 = arith.constant 60 : i32
        %parallel_loop3A_517 = vector.broadcast %parallel_loop3A_516 : i32 to vector<16xi32>
        %parallel_loop3A_518 = arith.addi %parallel_loop3A_155, %parallel_loop3A_517 : vector<16xi32>
        %parallel_loop3A_519 = tpu.vector_load_idx %arg5[%parallel_loop3A_518] : memref<13520xf32, #tpu.memory_space<vmem>>[vector<16xi32>], vector<16xf32>,
        %parallel_loop3A_520 = arith.constant 16 : i32
        %parallel_loop3A_521 = arith.muli %parallel_loop3A_140, %parallel_loop3A_520 : i32
        %parallel_loop3A_522 = arith.constant 1 : i32
        %parallel_loop3A_523 = arith.constant 60 : i32
        %parallel_loop3A_524 = arith.index_cast %parallel_loop3A_522 : i32 to index
        %parallel_loop3A_525 = arith.index_cast %parallel_loop3A_523 : i32 to index
        %parallel_loop3A_526 = arith.index_cast %parallel_loop3A_521 : i32 to index
        %parallel_loop3A_527 = tpu.vector_load %arg7[%parallel_loop3A_524, %parallel_loop3A_525, %parallel_loop3A_526] {strides = array<i32>} : memref<4x64x128xf32, #tpu.memory_space<vmem>>, vector<16xf32>,
        tpu.vector_store %arg7[%parallel_loop3A_524, %parallel_loop3A_525, %parallel_loop3A_526], %parallel_loop3A_519 {strides = array<i32>} : memref<4x64x128xf32, #tpu.memory_space<vmem>>, vector<16xf32>,
        %parallel_loop3A_528 = arith.constant 62 : i32
        %parallel_loop3A_529 = vector.broadcast %parallel_loop3A_528 : i32 to vector<16xi32>
        %parallel_loop3A_530 = arith.addi %parallel_loop3A_155, %parallel_loop3A_529 : vector<16xi32>
        %parallel_loop3A_531 = tpu.vector_load_idx %arg5[%parallel_loop3A_530] : memref<13520xf32, #tpu.memory_space<vmem>>[vector<16xi32>], vector<16xf32>,
        %parallel_loop3A_532 = arith.constant 16 : i32
        %parallel_loop3A_533 = arith.muli %parallel_loop3A_140, %parallel_loop3A_532 : i32
        %parallel_loop3A_534 = arith.constant 1 : i32
        %parallel_loop3A_535 = arith.constant 62 : i32
        %parallel_loop3A_536 = arith.index_cast %parallel_loop3A_534 : i32 to index
        %parallel_loop3A_537 = arith.index_cast %parallel_loop3A_535 : i32 to index
        %parallel_loop3A_538 = arith.index_cast %parallel_loop3A_533 : i32 to index
        %parallel_loop3A_539 = tpu.vector_load %arg7[%parallel_loop3A_536, %parallel_loop3A_537, %parallel_loop3A_538] {strides = array<i32>} : memref<4x64x128xf32, #tpu.memory_space<vmem>>, vector<16xf32>,
        tpu.vector_store %arg7[%parallel_loop3A_536, %parallel_loop3A_537, %parallel_loop3A_538], %parallel_loop3A_531 {strides = array<i32>} : memref<4x64x128xf32, #tpu.memory_space<vmem>>, vector<16xf32>,
      } {sc.loop_unroll_factor = 4 : i64, sc.parallel_access}
      %mul3A_48 = arith.constant 4 : i32
      %mul3A_49 = arith.muli %add3A_25, %mul3A_48 : i32
      %add3A_50 = arith.constant 2 : i32
      %add3A_51 = arith.addi %mul3A_49, %add3A_50 : i32
      %eq3A_52 = arith.constant 0 : i32
      %eq3A_53 = arith.cmpi eq, %add3A_51, %eq3A_52 : i32
      %jit3A_54 = arith.constant 6630 : i32
      %jit3A_55 = arith.constant 0 : i32
      %select_n3A_56 = arith.select %eq3A_53, %jit3A_54, %jit3A_55 : i32
      %parallel_loop3A_57 = arith.constant 0 : i32
      %parallel_loop3A_58 = arith.constant 8 : i32
      %parallel_loop3A_59 = arith.constant 1 : i32
      scf.for %parallel_loop3A_140 = %parallel_loop3A_57 to %parallel_loop3A_58 step %parallel_loop3A_59  : i32 {
        %parallel_loop3A_141 = arith.constant 16 : i32
        %parallel_loop3A_142 = arith.muli %parallel_loop3A_140, %parallel_loop3A_141 : i32
        %parallel_loop3A_143 = vector.broadcast %parallel_loop3A_142 : i32 to vector<16xi32>
        %parallel_loop3A_144 = arith.addi %parallel_loop3A_143, %iota3A : vector<16xi32>
        %parallel_loop3A_145 = arith.constant 200 : i32
        %parallel_loop3A_146 = vector.broadcast %parallel_loop3A_145 : i32 to vector<16xi32>
        %parallel_loop3A_147 = arith.muli %parallel_loop3A_144, %parallel_loop3A_146 : vector<16xi32>
        %parallel_loop3A_148 = vector.broadcast %add3A_51 : i32 to vector<16xi32>
        %parallel_loop3A_149 = arith.addi %parallel_loop3A_147, %parallel_loop3A_148 : vector<16xi32>
        %parallel_loop3A_150 = tpu.vector_load_idx %arg6[%parallel_loop3A_149] : memref<25600xi32, #tpu.memory_space<vmem>>[vector<16xi32>], vector<16xi32>,
        %parallel_loop3A_151 = arith.constant 65 : i32
        %parallel_loop3A_152 = vector.broadcast %parallel_loop3A_151 : i32 to vector<16xi32>
        %parallel_loop3A_153 = arith.muli %parallel_loop3A_150, %parallel_loop3A_152 : vector<16xi32>
        %parallel_loop3A_154 = vector.broadcast %select_n3A_56 : i32 to vector<16xi32>
        %parallel_loop3A_155 = arith.addi %parallel_loop3A_153, %parallel_loop3A_154 : vector<16xi32>
        %parallel_loop3A_156 = arith.constant 0 : i32
        %parallel_loop3A_157 = vector.broadcast %parallel_loop3A_156 : i32 to vector<16xi32>
        %parallel_loop3A_158 = arith.addi %parallel_loop3A_155, %parallel_loop3A_157 : vector<16xi32>
        %parallel_loop3A_159 = tpu.vector_load_idx %arg5[%parallel_loop3A_158] : memref<13520xf32, #tpu.memory_space<vmem>>[vector<16xi32>], vector<16xf32>,
        %parallel_loop3A_160 = arith.constant 16 : i32
        %parallel_loop3A_161 = arith.muli %parallel_loop3A_140, %parallel_loop3A_160 : i32
        %parallel_loop3A_162 = arith.constant 2 : i32
        %parallel_loop3A_163 = arith.constant 0 : i32
        %parallel_loop3A_164 = arith.index_cast %parallel_loop3A_162 : i32 to index
        %parallel_loop3A_165 = arith.index_cast %parallel_loop3A_163 : i32 to index
        %parallel_loop3A_166 = arith.index_cast %parallel_loop3A_161 : i32 to index
        %parallel_loop3A_167 = tpu.vector_load %arg7[%parallel_loop3A_164, %parallel_loop3A_165, %parallel_loop3A_166] {strides = array<i32>} : memref<4x64x128xf32, #tpu.memory_space<vmem>>, vector<16xf32>,
        tpu.vector_store %arg7[%parallel_loop3A_164, %parallel_loop3A_165, %parallel_loop3A_166], %parallel_loop3A_159 {strides = array<i32>} : memref<4x64x128xf32, #tpu.memory_space<vmem>>, vector<16xf32>,
        %parallel_loop3A_168 = arith.constant 2 : i32
        %parallel_loop3A_169 = vector.broadcast %parallel_loop3A_168 : i32 to vector<16xi32>
        %parallel_loop3A_170 = arith.addi %parallel_loop3A_155, %parallel_loop3A_169 : vector<16xi32>
        %parallel_loop3A_171 = tpu.vector_load_idx %arg5[%parallel_loop3A_170] : memref<13520xf32, #tpu.memory_space<vmem>>[vector<16xi32>], vector<16xf32>,
        %parallel_loop3A_172 = arith.constant 16 : i32
        %parallel_loop3A_173 = arith.muli %parallel_loop3A_140, %parallel_loop3A_172 : i32
        %parallel_loop3A_174 = arith.constant 2 : i32
        %parallel_loop3A_175 = arith.constant 2 : i32
        %parallel_loop3A_176 = arith.index_cast %parallel_loop3A_174 : i32 to index
        %parallel_loop3A_177 = arith.index_cast %parallel_loop3A_175 : i32 to index
        %parallel_loop3A_178 = arith.index_cast %parallel_loop3A_173 : i32 to index
        %parallel_loop3A_179 = tpu.vector_load %arg7[%parallel_loop3A_176, %parallel_loop3A_177, %parallel_loop3A_178] {strides = array<i32>} : memref<4x64x128xf32, #tpu.memory_space<vmem>>, vector<16xf32>,
        tpu.vector_store %arg7[%parallel_loop3A_176, %parallel_loop3A_177, %parallel_loop3A_178], %parallel_loop3A_171 {strides = array<i32>} : memref<4x64x128xf32, #tpu.memory_space<vmem>>, vector<16xf32>,
        %parallel_loop3A_180 = arith.constant 4 : i32
        %parallel_loop3A_181 = vector.broadcast %parallel_loop3A_180 : i32 to vector<16xi32>
        %parallel_loop3A_182 = arith.addi %parallel_loop3A_155, %parallel_loop3A_181 : vector<16xi32>
        %parallel_loop3A_183 = tpu.vector_load_idx %arg5[%parallel_loop3A_182] : memref<13520xf32, #tpu.memory_space<vmem>>[vector<16xi32>], vector<16xf32>,
        %parallel_loop3A_184 = arith.constant 16 : i32
        %parallel_loop3A_185 = arith.muli %parallel_loop3A_140, %parallel_loop3A_184 : i32
        %parallel_loop3A_186 = arith.constant 2 : i32
        %parallel_loop3A_187 = arith.constant 4 : i32
        %parallel_loop3A_188 = arith.index_cast %parallel_loop3A_186 : i32 to index
        %parallel_loop3A_189 = arith.index_cast %parallel_loop3A_187 : i32 to index
        %parallel_loop3A_190 = arith.index_cast %parallel_loop3A_185 : i32 to index
        %parallel_loop3A_191 = tpu.vector_load %arg7[%parallel_loop3A_188, %parallel_loop3A_189, %parallel_loop3A_190] {strides = array<i32>} : memref<4x64x128xf32, #tpu.memory_space<vmem>>, vector<16xf32>,
        tpu.vector_store %arg7[%parallel_loop3A_188, %parallel_loop3A_189, %parallel_loop3A_190], %parallel_loop3A_183 {strides = array<i32>} : memref<4x64x128xf32, #tpu.memory_space<vmem>>, vector<16xf32>,
        %parallel_loop3A_192 = arith.constant 6 : i32
        %parallel_loop3A_193 = vector.broadcast %parallel_loop3A_192 : i32 to vector<16xi32>
        %parallel_loop3A_194 = arith.addi %parallel_loop3A_155, %parallel_loop3A_193 : vector<16xi32>
        %parallel_loop3A_195 = tpu.vector_load_idx %arg5[%parallel_loop3A_194] : memref<13520xf32, #tpu.memory_space<vmem>>[vector<16xi32>], vector<16xf32>,
        %parallel_loop3A_196 = arith.constant 16 : i32
        %parallel_loop3A_197 = arith.muli %parallel_loop3A_140, %parallel_loop3A_196 : i32
        %parallel_loop3A_198 = arith.constant 2 : i32
        %parallel_loop3A_199 = arith.constant 6 : i32
        %parallel_loop3A_200 = arith.index_cast %parallel_loop3A_198 : i32 to index
        %parallel_loop3A_201 = arith.index_cast %parallel_loop3A_199 : i32 to index
        %parallel_loop3A_202 = arith.index_cast %parallel_loop3A_197 : i32 to index
        %parallel_loop3A_203 = tpu.vector_load %arg7[%parallel_loop3A_200, %parallel_loop3A_201, %parallel_loop3A_202] {strides = array<i32>} : memref<4x64x128xf32, #tpu.memory_space<vmem>>, vector<16xf32>,
        tpu.vector_store %arg7[%parallel_loop3A_200, %parallel_loop3A_201, %parallel_loop3A_202], %parallel_loop3A_195 {strides = array<i32>} : memref<4x64x128xf32, #tpu.memory_space<vmem>>, vector<16xf32>,
        %parallel_loop3A_204 = arith.constant 8 : i32
        %parallel_loop3A_205 = vector.broadcast %parallel_loop3A_204 : i32 to vector<16xi32>
        %parallel_loop3A_206 = arith.addi %parallel_loop3A_155, %parallel_loop3A_205 : vector<16xi32>
        %parallel_loop3A_207 = tpu.vector_load_idx %arg5[%parallel_loop3A_206] : memref<13520xf32, #tpu.memory_space<vmem>>[vector<16xi32>], vector<16xf32>,
        %parallel_loop3A_208 = arith.constant 16 : i32
        %parallel_loop3A_209 = arith.muli %parallel_loop3A_140, %parallel_loop3A_208 : i32
        %parallel_loop3A_210 = arith.constant 2 : i32
        %parallel_loop3A_211 = arith.constant 8 : i32
        %parallel_loop3A_212 = arith.index_cast %parallel_loop3A_210 : i32 to index
        %parallel_loop3A_213 = arith.index_cast %parallel_loop3A_211 : i32 to index
        %parallel_loop3A_214 = arith.index_cast %parallel_loop3A_209 : i32 to index
        %parallel_loop3A_215 = tpu.vector_load %arg7[%parallel_loop3A_212, %parallel_loop3A_213, %parallel_loop3A_214] {strides = array<i32>} : memref<4x64x128xf32, #tpu.memory_space<vmem>>, vector<16xf32>,
        tpu.vector_store %arg7[%parallel_loop3A_212, %parallel_loop3A_213, %parallel_loop3A_214], %parallel_loop3A_207 {strides = array<i32>} : memref<4x64x128xf32, #tpu.memory_space<vmem>>, vector<16xf32>,
        %parallel_loop3A_216 = arith.constant 10 : i32
        %parallel_loop3A_217 = vector.broadcast %parallel_loop3A_216 : i32 to vector<16xi32>
        %parallel_loop3A_218 = arith.addi %parallel_loop3A_155, %parallel_loop3A_217 : vector<16xi32>
        %parallel_loop3A_219 = tpu.vector_load_idx %arg5[%parallel_loop3A_218] : memref<13520xf32, #tpu.memory_space<vmem>>[vector<16xi32>], vector<16xf32>,
        %parallel_loop3A_220 = arith.constant 16 : i32
        %parallel_loop3A_221 = arith.muli %parallel_loop3A_140, %parallel_loop3A_220 : i32
        %parallel_loop3A_222 = arith.constant 2 : i32
        %parallel_loop3A_223 = arith.constant 10 : i32
        %parallel_loop3A_224 = arith.index_cast %parallel_loop3A_222 : i32 to index
        %parallel_loop3A_225 = arith.index_cast %parallel_loop3A_223 : i32 to index
        %parallel_loop3A_226 = arith.index_cast %parallel_loop3A_221 : i32 to index
        %parallel_loop3A_227 = tpu.vector_load %arg7[%parallel_loop3A_224, %parallel_loop3A_225, %parallel_loop3A_226] {strides = array<i32>} : memref<4x64x128xf32, #tpu.memory_space<vmem>>, vector<16xf32>,
        tpu.vector_store %arg7[%parallel_loop3A_224, %parallel_loop3A_225, %parallel_loop3A_226], %parallel_loop3A_219 {strides = array<i32>} : memref<4x64x128xf32, #tpu.memory_space<vmem>>, vector<16xf32>,
        %parallel_loop3A_228 = arith.constant 12 : i32
        %parallel_loop3A_229 = vector.broadcast %parallel_loop3A_228 : i32 to vector<16xi32>
        %parallel_loop3A_230 = arith.addi %parallel_loop3A_155, %parallel_loop3A_229 : vector<16xi32>
        %parallel_loop3A_231 = tpu.vector_load_idx %arg5[%parallel_loop3A_230] : memref<13520xf32, #tpu.memory_space<vmem>>[vector<16xi32>], vector<16xf32>,
        %parallel_loop3A_232 = arith.constant 16 : i32
        %parallel_loop3A_233 = arith.muli %parallel_loop3A_140, %parallel_loop3A_232 : i32
        %parallel_loop3A_234 = arith.constant 2 : i32
        %parallel_loop3A_235 = arith.constant 12 : i32
        %parallel_loop3A_236 = arith.index_cast %parallel_loop3A_234 : i32 to index
        %parallel_loop3A_237 = arith.index_cast %parallel_loop3A_235 : i32 to index
        %parallel_loop3A_238 = arith.index_cast %parallel_loop3A_233 : i32 to index
        %parallel_loop3A_239 = tpu.vector_load %arg7[%parallel_loop3A_236, %parallel_loop3A_237, %parallel_loop3A_238] {strides = array<i32>} : memref<4x64x128xf32, #tpu.memory_space<vmem>>, vector<16xf32>,
        tpu.vector_store %arg7[%parallel_loop3A_236, %parallel_loop3A_237, %parallel_loop3A_238], %parallel_loop3A_231 {strides = array<i32>} : memref<4x64x128xf32, #tpu.memory_space<vmem>>, vector<16xf32>,
        %parallel_loop3A_240 = arith.constant 14 : i32
        %parallel_loop3A_241 = vector.broadcast %parallel_loop3A_240 : i32 to vector<16xi32>
        %parallel_loop3A_242 = arith.addi %parallel_loop3A_155, %parallel_loop3A_241 : vector<16xi32>
        %parallel_loop3A_243 = tpu.vector_load_idx %arg5[%parallel_loop3A_242] : memref<13520xf32, #tpu.memory_space<vmem>>[vector<16xi32>], vector<16xf32>,
        %parallel_loop3A_244 = arith.constant 16 : i32
        %parallel_loop3A_245 = arith.muli %parallel_loop3A_140, %parallel_loop3A_244 : i32
        %parallel_loop3A_246 = arith.constant 2 : i32
        %parallel_loop3A_247 = arith.constant 14 : i32
        %parallel_loop3A_248 = arith.index_cast %parallel_loop3A_246 : i32 to index
        %parallel_loop3A_249 = arith.index_cast %parallel_loop3A_247 : i32 to index
        %parallel_loop3A_250 = arith.index_cast %parallel_loop3A_245 : i32 to index
        %parallel_loop3A_251 = tpu.vector_load %arg7[%parallel_loop3A_248, %parallel_loop3A_249, %parallel_loop3A_250] {strides = array<i32>} : memref<4x64x128xf32, #tpu.memory_space<vmem>>, vector<16xf32>,
        tpu.vector_store %arg7[%parallel_loop3A_248, %parallel_loop3A_249, %parallel_loop3A_250], %parallel_loop3A_243 {strides = array<i32>} : memref<4x64x128xf32, #tpu.memory_space<vmem>>, vector<16xf32>,
        %parallel_loop3A_252 = arith.constant 16 : i32
        %parallel_loop3A_253 = vector.broadcast %parallel_loop3A_252 : i32 to vector<16xi32>
        %parallel_loop3A_254 = arith.addi %parallel_loop3A_155, %parallel_loop3A_253 : vector<16xi32>
        %parallel_loop3A_255 = tpu.vector_load_idx %arg5[%parallel_loop3A_254] : memref<13520xf32, #tpu.memory_space<vmem>>[vector<16xi32>], vector<16xf32>,
        %parallel_loop3A_256 = arith.constant 16 : i32
        %parallel_loop3A_257 = arith.muli %parallel_loop3A_140, %parallel_loop3A_256 : i32
        %parallel_loop3A_258 = arith.constant 2 : i32
        %parallel_loop3A_259 = arith.constant 16 : i32
        %parallel_loop3A_260 = arith.index_cast %parallel_loop3A_258 : i32 to index
        %parallel_loop3A_261 = arith.index_cast %parallel_loop3A_259 : i32 to index
        %parallel_loop3A_262 = arith.index_cast %parallel_loop3A_257 : i32 to index
        %parallel_loop3A_263 = tpu.vector_load %arg7[%parallel_loop3A_260, %parallel_loop3A_261, %parallel_loop3A_262] {strides = array<i32>} : memref<4x64x128xf32, #tpu.memory_space<vmem>>, vector<16xf32>,
        tpu.vector_store %arg7[%parallel_loop3A_260, %parallel_loop3A_261, %parallel_loop3A_262], %parallel_loop3A_255 {strides = array<i32>} : memref<4x64x128xf32, #tpu.memory_space<vmem>>, vector<16xf32>,
        %parallel_loop3A_264 = arith.constant 18 : i32
        %parallel_loop3A_265 = vector.broadcast %parallel_loop3A_264 : i32 to vector<16xi32>
        %parallel_loop3A_266 = arith.addi %parallel_loop3A_155, %parallel_loop3A_265 : vector<16xi32>
        %parallel_loop3A_267 = tpu.vector_load_idx %arg5[%parallel_loop3A_266] : memref<13520xf32, #tpu.memory_space<vmem>>[vector<16xi32>], vector<16xf32>,
        %parallel_loop3A_268 = arith.constant 16 : i32
        %parallel_loop3A_269 = arith.muli %parallel_loop3A_140, %parallel_loop3A_268 : i32
        %parallel_loop3A_270 = arith.constant 2 : i32
        %parallel_loop3A_271 = arith.constant 18 : i32
        %parallel_loop3A_272 = arith.index_cast %parallel_loop3A_270 : i32 to index
        %parallel_loop3A_273 = arith.index_cast %parallel_loop3A_271 : i32 to index
        %parallel_loop3A_274 = arith.index_cast %parallel_loop3A_269 : i32 to index
        %parallel_loop3A_275 = tpu.vector_load %arg7[%parallel_loop3A_272, %parallel_loop3A_273, %parallel_loop3A_274] {strides = array<i32>} : memref<4x64x128xf32, #tpu.memory_space<vmem>>, vector<16xf32>,
        tpu.vector_store %arg7[%parallel_loop3A_272, %parallel_loop3A_273, %parallel_loop3A_274], %parallel_loop3A_267 {strides = array<i32>} : memref<4x64x128xf32, #tpu.memory_space<vmem>>, vector<16xf32>,
        %parallel_loop3A_276 = arith.constant 20 : i32
        %parallel_loop3A_277 = vector.broadcast %parallel_loop3A_276 : i32 to vector<16xi32>
        %parallel_loop3A_278 = arith.addi %parallel_loop3A_155, %parallel_loop3A_277 : vector<16xi32>
        %parallel_loop3A_279 = tpu.vector_load_idx %arg5[%parallel_loop3A_278] : memref<13520xf32, #tpu.memory_space<vmem>>[vector<16xi32>], vector<16xf32>,
        %parallel_loop3A_280 = arith.constant 16 : i32
        %parallel_loop3A_281 = arith.muli %parallel_loop3A_140, %parallel_loop3A_280 : i32
        %parallel_loop3A_282 = arith.constant 2 : i32
        %parallel_loop3A_283 = arith.constant 20 : i32
        %parallel_loop3A_284 = arith.index_cast %parallel_loop3A_282 : i32 to index
        %parallel_loop3A_285 = arith.index_cast %parallel_loop3A_283 : i32 to index
        %parallel_loop3A_286 = arith.index_cast %parallel_loop3A_281 : i32 to index
        %parallel_loop3A_287 = tpu.vector_load %arg7[%parallel_loop3A_284, %parallel_loop3A_285, %parallel_loop3A_286] {strides = array<i32>} : memref<4x64x128xf32, #tpu.memory_space<vmem>>, vector<16xf32>,
        tpu.vector_store %arg7[%parallel_loop3A_284, %parallel_loop3A_285, %parallel_loop3A_286], %parallel_loop3A_279 {strides = array<i32>} : memref<4x64x128xf32, #tpu.memory_space<vmem>>, vector<16xf32>,
        %parallel_loop3A_288 = arith.constant 22 : i32
        %parallel_loop3A_289 = vector.broadcast %parallel_loop3A_288 : i32 to vector<16xi32>
        %parallel_loop3A_290 = arith.addi %parallel_loop3A_155, %parallel_loop3A_289 : vector<16xi32>
        %parallel_loop3A_291 = tpu.vector_load_idx %arg5[%parallel_loop3A_290] : memref<13520xf32, #tpu.memory_space<vmem>>[vector<16xi32>], vector<16xf32>,
        %parallel_loop3A_292 = arith.constant 16 : i32
        %parallel_loop3A_293 = arith.muli %parallel_loop3A_140, %parallel_loop3A_292 : i32
        %parallel_loop3A_294 = arith.constant 2 : i32
        %parallel_loop3A_295 = arith.constant 22 : i32
        %parallel_loop3A_296 = arith.index_cast %parallel_loop3A_294 : i32 to index
        %parallel_loop3A_297 = arith.index_cast %parallel_loop3A_295 : i32 to index
        %parallel_loop3A_298 = arith.index_cast %parallel_loop3A_293 : i32 to index
        %parallel_loop3A_299 = tpu.vector_load %arg7[%parallel_loop3A_296, %parallel_loop3A_297, %parallel_loop3A_298] {strides = array<i32>} : memref<4x64x128xf32, #tpu.memory_space<vmem>>, vector<16xf32>,
        tpu.vector_store %arg7[%parallel_loop3A_296, %parallel_loop3A_297, %parallel_loop3A_298], %parallel_loop3A_291 {strides = array<i32>} : memref<4x64x128xf32, #tpu.memory_space<vmem>>, vector<16xf32>,
        %parallel_loop3A_300 = arith.constant 24 : i32
        %parallel_loop3A_301 = vector.broadcast %parallel_loop3A_300 : i32 to vector<16xi32>
        %parallel_loop3A_302 = arith.addi %parallel_loop3A_155, %parallel_loop3A_301 : vector<16xi32>
        %parallel_loop3A_303 = tpu.vector_load_idx %arg5[%parallel_loop3A_302] : memref<13520xf32, #tpu.memory_space<vmem>>[vector<16xi32>], vector<16xf32>,
        %parallel_loop3A_304 = arith.constant 16 : i32
        %parallel_loop3A_305 = arith.muli %parallel_loop3A_140, %parallel_loop3A_304 : i32
        %parallel_loop3A_306 = arith.constant 2 : i32
        %parallel_loop3A_307 = arith.constant 24 : i32
        %parallel_loop3A_308 = arith.index_cast %parallel_loop3A_306 : i32 to index
        %parallel_loop3A_309 = arith.index_cast %parallel_loop3A_307 : i32 to index
        %parallel_loop3A_310 = arith.index_cast %parallel_loop3A_305 : i32 to index
        %parallel_loop3A_311 = tpu.vector_load %arg7[%parallel_loop3A_308, %parallel_loop3A_309, %parallel_loop3A_310] {strides = array<i32>} : memref<4x64x128xf32, #tpu.memory_space<vmem>>, vector<16xf32>,
        tpu.vector_store %arg7[%parallel_loop3A_308, %parallel_loop3A_309, %parallel_loop3A_310], %parallel_loop3A_303 {strides = array<i32>} : memref<4x64x128xf32, #tpu.memory_space<vmem>>, vector<16xf32>,
        %parallel_loop3A_312 = arith.constant 26 : i32
        %parallel_loop3A_313 = vector.broadcast %parallel_loop3A_312 : i32 to vector<16xi32>
        %parallel_loop3A_314 = arith.addi %parallel_loop3A_155, %parallel_loop3A_313 : vector<16xi32>
        %parallel_loop3A_315 = tpu.vector_load_idx %arg5[%parallel_loop3A_314] : memref<13520xf32, #tpu.memory_space<vmem>>[vector<16xi32>], vector<16xf32>,
        %parallel_loop3A_316 = arith.constant 16 : i32
        %parallel_loop3A_317 = arith.muli %parallel_loop3A_140, %parallel_loop3A_316 : i32
        %parallel_loop3A_318 = arith.constant 2 : i32
        %parallel_loop3A_319 = arith.constant 26 : i32
        %parallel_loop3A_320 = arith.index_cast %parallel_loop3A_318 : i32 to index
        %parallel_loop3A_321 = arith.index_cast %parallel_loop3A_319 : i32 to index
        %parallel_loop3A_322 = arith.index_cast %parallel_loop3A_317 : i32 to index
        %parallel_loop3A_323 = tpu.vector_load %arg7[%parallel_loop3A_320, %parallel_loop3A_321, %parallel_loop3A_322] {strides = array<i32>} : memref<4x64x128xf32, #tpu.memory_space<vmem>>, vector<16xf32>,
        tpu.vector_store %arg7[%parallel_loop3A_320, %parallel_loop3A_321, %parallel_loop3A_322], %parallel_loop3A_315 {strides = array<i32>} : memref<4x64x128xf32, #tpu.memory_space<vmem>>, vector<16xf32>,
        %parallel_loop3A_324 = arith.constant 28 : i32
        %parallel_loop3A_325 = vector.broadcast %parallel_loop3A_324 : i32 to vector<16xi32>
        %parallel_loop3A_326 = arith.addi %parallel_loop3A_155, %parallel_loop3A_325 : vector<16xi32>
        %parallel_loop3A_327 = tpu.vector_load_idx %arg5[%parallel_loop3A_326] : memref<13520xf32, #tpu.memory_space<vmem>>[vector<16xi32>], vector<16xf32>,
        %parallel_loop3A_328 = arith.constant 16 : i32
        %parallel_loop3A_329 = arith.muli %parallel_loop3A_140, %parallel_loop3A_328 : i32
        %parallel_loop3A_330 = arith.constant 2 : i32
        %parallel_loop3A_331 = arith.constant 28 : i32
        %parallel_loop3A_332 = arith.index_cast %parallel_loop3A_330 : i32 to index
        %parallel_loop3A_333 = arith.index_cast %parallel_loop3A_331 : i32 to index
        %parallel_loop3A_334 = arith.index_cast %parallel_loop3A_329 : i32 to index
        %parallel_loop3A_335 = tpu.vector_load %arg7[%parallel_loop3A_332, %parallel_loop3A_333, %parallel_loop3A_334] {strides = array<i32>} : memref<4x64x128xf32, #tpu.memory_space<vmem>>, vector<16xf32>,
        tpu.vector_store %arg7[%parallel_loop3A_332, %parallel_loop3A_333, %parallel_loop3A_334], %parallel_loop3A_327 {strides = array<i32>} : memref<4x64x128xf32, #tpu.memory_space<vmem>>, vector<16xf32>,
        %parallel_loop3A_336 = arith.constant 30 : i32
        %parallel_loop3A_337 = vector.broadcast %parallel_loop3A_336 : i32 to vector<16xi32>
        %parallel_loop3A_338 = arith.addi %parallel_loop3A_155, %parallel_loop3A_337 : vector<16xi32>
        %parallel_loop3A_339 = tpu.vector_load_idx %arg5[%parallel_loop3A_338] : memref<13520xf32, #tpu.memory_space<vmem>>[vector<16xi32>], vector<16xf32>,
        %parallel_loop3A_340 = arith.constant 16 : i32
        %parallel_loop3A_341 = arith.muli %parallel_loop3A_140, %parallel_loop3A_340 : i32
        %parallel_loop3A_342 = arith.constant 2 : i32
        %parallel_loop3A_343 = arith.constant 30 : i32
        %parallel_loop3A_344 = arith.index_cast %parallel_loop3A_342 : i32 to index
        %parallel_loop3A_345 = arith.index_cast %parallel_loop3A_343 : i32 to index
        %parallel_loop3A_346 = arith.index_cast %parallel_loop3A_341 : i32 to index
        %parallel_loop3A_347 = tpu.vector_load %arg7[%parallel_loop3A_344, %parallel_loop3A_345, %parallel_loop3A_346] {strides = array<i32>} : memref<4x64x128xf32, #tpu.memory_space<vmem>>, vector<16xf32>,
        tpu.vector_store %arg7[%parallel_loop3A_344, %parallel_loop3A_345, %parallel_loop3A_346], %parallel_loop3A_339 {strides = array<i32>} : memref<4x64x128xf32, #tpu.memory_space<vmem>>, vector<16xf32>,
        %parallel_loop3A_348 = arith.constant 32 : i32
        %parallel_loop3A_349 = vector.broadcast %parallel_loop3A_348 : i32 to vector<16xi32>
        %parallel_loop3A_350 = arith.addi %parallel_loop3A_155, %parallel_loop3A_349 : vector<16xi32>
        %parallel_loop3A_351 = tpu.vector_load_idx %arg5[%parallel_loop3A_350] : memref<13520xf32, #tpu.memory_space<vmem>>[vector<16xi32>], vector<16xf32>,
        %parallel_loop3A_352 = arith.constant 16 : i32
        %parallel_loop3A_353 = arith.muli %parallel_loop3A_140, %parallel_loop3A_352 : i32
        %parallel_loop3A_354 = arith.constant 2 : i32
        %parallel_loop3A_355 = arith.constant 32 : i32
        %parallel_loop3A_356 = arith.index_cast %parallel_loop3A_354 : i32 to index
        %parallel_loop3A_357 = arith.index_cast %parallel_loop3A_355 : i32 to index
        %parallel_loop3A_358 = arith.index_cast %parallel_loop3A_353 : i32 to index
        %parallel_loop3A_359 = tpu.vector_load %arg7[%parallel_loop3A_356, %parallel_loop3A_357, %parallel_loop3A_358] {strides = array<i32>} : memref<4x64x128xf32, #tpu.memory_space<vmem>>, vector<16xf32>,
        tpu.vector_store %arg7[%parallel_loop3A_356, %parallel_loop3A_357, %parallel_loop3A_358], %parallel_loop3A_351 {strides = array<i32>} : memref<4x64x128xf32, #tpu.memory_space<vmem>>, vector<16xf32>,
        %parallel_loop3A_360 = arith.constant 34 : i32
        %parallel_loop3A_361 = vector.broadcast %parallel_loop3A_360 : i32 to vector<16xi32>
        %parallel_loop3A_362 = arith.addi %parallel_loop3A_155, %parallel_loop3A_361 : vector<16xi32>
        %parallel_loop3A_363 = tpu.vector_load_idx %arg5[%parallel_loop3A_362] : memref<13520xf32, #tpu.memory_space<vmem>>[vector<16xi32>], vector<16xf32>,
        %parallel_loop3A_364 = arith.constant 16 : i32
        %parallel_loop3A_365 = arith.muli %parallel_loop3A_140, %parallel_loop3A_364 : i32
        %parallel_loop3A_366 = arith.constant 2 : i32
        %parallel_loop3A_367 = arith.constant 34 : i32
        %parallel_loop3A_368 = arith.index_cast %parallel_loop3A_366 : i32 to index
        %parallel_loop3A_369 = arith.index_cast %parallel_loop3A_367 : i32 to index
        %parallel_loop3A_370 = arith.index_cast %parallel_loop3A_365 : i32 to index
        %parallel_loop3A_371 = tpu.vector_load %arg7[%parallel_loop3A_368, %parallel_loop3A_369, %parallel_loop3A_370] {strides = array<i32>} : memref<4x64x128xf32, #tpu.memory_space<vmem>>, vector<16xf32>,
        tpu.vector_store %arg7[%parallel_loop3A_368, %parallel_loop3A_369, %parallel_loop3A_370], %parallel_loop3A_363 {strides = array<i32>} : memref<4x64x128xf32, #tpu.memory_space<vmem>>, vector<16xf32>,
        %parallel_loop3A_372 = arith.constant 36 : i32
        %parallel_loop3A_373 = vector.broadcast %parallel_loop3A_372 : i32 to vector<16xi32>
        %parallel_loop3A_374 = arith.addi %parallel_loop3A_155, %parallel_loop3A_373 : vector<16xi32>
        %parallel_loop3A_375 = tpu.vector_load_idx %arg5[%parallel_loop3A_374] : memref<13520xf32, #tpu.memory_space<vmem>>[vector<16xi32>], vector<16xf32>,
        %parallel_loop3A_376 = arith.constant 16 : i32
        %parallel_loop3A_377 = arith.muli %parallel_loop3A_140, %parallel_loop3A_376 : i32
        %parallel_loop3A_378 = arith.constant 2 : i32
        %parallel_loop3A_379 = arith.constant 36 : i32
        %parallel_loop3A_380 = arith.index_cast %parallel_loop3A_378 : i32 to index
        %parallel_loop3A_381 = arith.index_cast %parallel_loop3A_379 : i32 to index
        %parallel_loop3A_382 = arith.index_cast %parallel_loop3A_377 : i32 to index
        %parallel_loop3A_383 = tpu.vector_load %arg7[%parallel_loop3A_380, %parallel_loop3A_381, %parallel_loop3A_382] {strides = array<i32>} : memref<4x64x128xf32, #tpu.memory_space<vmem>>, vector<16xf32>,
        tpu.vector_store %arg7[%parallel_loop3A_380, %parallel_loop3A_381, %parallel_loop3A_382], %parallel_loop3A_375 {strides = array<i32>} : memref<4x64x128xf32, #tpu.memory_space<vmem>>, vector<16xf32>,
        %parallel_loop3A_384 = arith.constant 38 : i32
        %parallel_loop3A_385 = vector.broadcast %parallel_loop3A_384 : i32 to vector<16xi32>
        %parallel_loop3A_386 = arith.addi %parallel_loop3A_155, %parallel_loop3A_385 : vector<16xi32>
        %parallel_loop3A_387 = tpu.vector_load_idx %arg5[%parallel_loop3A_386] : memref<13520xf32, #tpu.memory_space<vmem>>[vector<16xi32>], vector<16xf32>,
        %parallel_loop3A_388 = arith.constant 16 : i32
        %parallel_loop3A_389 = arith.muli %parallel_loop3A_140, %parallel_loop3A_388 : i32
        %parallel_loop3A_390 = arith.constant 2 : i32
        %parallel_loop3A_391 = arith.constant 38 : i32
        %parallel_loop3A_392 = arith.index_cast %parallel_loop3A_390 : i32 to index
        %parallel_loop3A_393 = arith.index_cast %parallel_loop3A_391 : i32 to index
        %parallel_loop3A_394 = arith.index_cast %parallel_loop3A_389 : i32 to index
        %parallel_loop3A_395 = tpu.vector_load %arg7[%parallel_loop3A_392, %parallel_loop3A_393, %parallel_loop3A_394] {strides = array<i32>} : memref<4x64x128xf32, #tpu.memory_space<vmem>>, vector<16xf32>,
        tpu.vector_store %arg7[%parallel_loop3A_392, %parallel_loop3A_393, %parallel_loop3A_394], %parallel_loop3A_387 {strides = array<i32>} : memref<4x64x128xf32, #tpu.memory_space<vmem>>, vector<16xf32>,
        %parallel_loop3A_396 = arith.constant 40 : i32
        %parallel_loop3A_397 = vector.broadcast %parallel_loop3A_396 : i32 to vector<16xi32>
        %parallel_loop3A_398 = arith.addi %parallel_loop3A_155, %parallel_loop3A_397 : vector<16xi32>
        %parallel_loop3A_399 = tpu.vector_load_idx %arg5[%parallel_loop3A_398] : memref<13520xf32, #tpu.memory_space<vmem>>[vector<16xi32>], vector<16xf32>,
        %parallel_loop3A_400 = arith.constant 16 : i32
        %parallel_loop3A_401 = arith.muli %parallel_loop3A_140, %parallel_loop3A_400 : i32
        %parallel_loop3A_402 = arith.constant 2 : i32
        %parallel_loop3A_403 = arith.constant 40 : i32
        %parallel_loop3A_404 = arith.index_cast %parallel_loop3A_402 : i32 to index
        %parallel_loop3A_405 = arith.index_cast %parallel_loop3A_403 : i32 to index
        %parallel_loop3A_406 = arith.index_cast %parallel_loop3A_401 : i32 to index
        %parallel_loop3A_407 = tpu.vector_load %arg7[%parallel_loop3A_404, %parallel_loop3A_405, %parallel_loop3A_406] {strides = array<i32>} : memref<4x64x128xf32, #tpu.memory_space<vmem>>, vector<16xf32>,
        tpu.vector_store %arg7[%parallel_loop3A_404, %parallel_loop3A_405, %parallel_loop3A_406], %parallel_loop3A_399 {strides = array<i32>} : memref<4x64x128xf32, #tpu.memory_space<vmem>>, vector<16xf32>,
        %parallel_loop3A_408 = arith.constant 42 : i32
        %parallel_loop3A_409 = vector.broadcast %parallel_loop3A_408 : i32 to vector<16xi32>
        %parallel_loop3A_410 = arith.addi %parallel_loop3A_155, %parallel_loop3A_409 : vector<16xi32>
        %parallel_loop3A_411 = tpu.vector_load_idx %arg5[%parallel_loop3A_410] : memref<13520xf32, #tpu.memory_space<vmem>>[vector<16xi32>], vector<16xf32>,
        %parallel_loop3A_412 = arith.constant 16 : i32
        %parallel_loop3A_413 = arith.muli %parallel_loop3A_140, %parallel_loop3A_412 : i32
        %parallel_loop3A_414 = arith.constant 2 : i32
        %parallel_loop3A_415 = arith.constant 42 : i32
        %parallel_loop3A_416 = arith.index_cast %parallel_loop3A_414 : i32 to index
        %parallel_loop3A_417 = arith.index_cast %parallel_loop3A_415 : i32 to index
        %parallel_loop3A_418 = arith.index_cast %parallel_loop3A_413 : i32 to index
        %parallel_loop3A_419 = tpu.vector_load %arg7[%parallel_loop3A_416, %parallel_loop3A_417, %parallel_loop3A_418] {strides = array<i32>} : memref<4x64x128xf32, #tpu.memory_space<vmem>>, vector<16xf32>,
        tpu.vector_store %arg7[%parallel_loop3A_416, %parallel_loop3A_417, %parallel_loop3A_418], %parallel_loop3A_411 {strides = array<i32>} : memref<4x64x128xf32, #tpu.memory_space<vmem>>, vector<16xf32>,
        %parallel_loop3A_420 = arith.constant 44 : i32
        %parallel_loop3A_421 = vector.broadcast %parallel_loop3A_420 : i32 to vector<16xi32>
        %parallel_loop3A_422 = arith.addi %parallel_loop3A_155, %parallel_loop3A_421 : vector<16xi32>
        %parallel_loop3A_423 = tpu.vector_load_idx %arg5[%parallel_loop3A_422] : memref<13520xf32, #tpu.memory_space<vmem>>[vector<16xi32>], vector<16xf32>,
        %parallel_loop3A_424 = arith.constant 16 : i32
        %parallel_loop3A_425 = arith.muli %parallel_loop3A_140, %parallel_loop3A_424 : i32
        %parallel_loop3A_426 = arith.constant 2 : i32
        %parallel_loop3A_427 = arith.constant 44 : i32
        %parallel_loop3A_428 = arith.index_cast %parallel_loop3A_426 : i32 to index
        %parallel_loop3A_429 = arith.index_cast %parallel_loop3A_427 : i32 to index
        %parallel_loop3A_430 = arith.index_cast %parallel_loop3A_425 : i32 to index
        %parallel_loop3A_431 = tpu.vector_load %arg7[%parallel_loop3A_428, %parallel_loop3A_429, %parallel_loop3A_430] {strides = array<i32>} : memref<4x64x128xf32, #tpu.memory_space<vmem>>, vector<16xf32>,
        tpu.vector_store %arg7[%parallel_loop3A_428, %parallel_loop3A_429, %parallel_loop3A_430], %parallel_loop3A_423 {strides = array<i32>} : memref<4x64x128xf32, #tpu.memory_space<vmem>>, vector<16xf32>,
        %parallel_loop3A_432 = arith.constant 46 : i32
        %parallel_loop3A_433 = vector.broadcast %parallel_loop3A_432 : i32 to vector<16xi32>
        %parallel_loop3A_434 = arith.addi %parallel_loop3A_155, %parallel_loop3A_433 : vector<16xi32>
        %parallel_loop3A_435 = tpu.vector_load_idx %arg5[%parallel_loop3A_434] : memref<13520xf32, #tpu.memory_space<vmem>>[vector<16xi32>], vector<16xf32>,
        %parallel_loop3A_436 = arith.constant 16 : i32
        %parallel_loop3A_437 = arith.muli %parallel_loop3A_140, %parallel_loop3A_436 : i32
        %parallel_loop3A_438 = arith.constant 2 : i32
        %parallel_loop3A_439 = arith.constant 46 : i32
        %parallel_loop3A_440 = arith.index_cast %parallel_loop3A_438 : i32 to index
        %parallel_loop3A_441 = arith.index_cast %parallel_loop3A_439 : i32 to index
        %parallel_loop3A_442 = arith.index_cast %parallel_loop3A_437 : i32 to index
        %parallel_loop3A_443 = tpu.vector_load %arg7[%parallel_loop3A_440, %parallel_loop3A_441, %parallel_loop3A_442] {strides = array<i32>} : memref<4x64x128xf32, #tpu.memory_space<vmem>>, vector<16xf32>,
        tpu.vector_store %arg7[%parallel_loop3A_440, %parallel_loop3A_441, %parallel_loop3A_442], %parallel_loop3A_435 {strides = array<i32>} : memref<4x64x128xf32, #tpu.memory_space<vmem>>, vector<16xf32>,
        %parallel_loop3A_444 = arith.constant 48 : i32
        %parallel_loop3A_445 = vector.broadcast %parallel_loop3A_444 : i32 to vector<16xi32>
        %parallel_loop3A_446 = arith.addi %parallel_loop3A_155, %parallel_loop3A_445 : vector<16xi32>
        %parallel_loop3A_447 = tpu.vector_load_idx %arg5[%parallel_loop3A_446] : memref<13520xf32, #tpu.memory_space<vmem>>[vector<16xi32>], vector<16xf32>,
        %parallel_loop3A_448 = arith.constant 16 : i32
        %parallel_loop3A_449 = arith.muli %parallel_loop3A_140, %parallel_loop3A_448 : i32
        %parallel_loop3A_450 = arith.constant 2 : i32
        %parallel_loop3A_451 = arith.constant 48 : i32
        %parallel_loop3A_452 = arith.index_cast %parallel_loop3A_450 : i32 to index
        %parallel_loop3A_453 = arith.index_cast %parallel_loop3A_451 : i32 to index
        %parallel_loop3A_454 = arith.index_cast %parallel_loop3A_449 : i32 to index
        %parallel_loop3A_455 = tpu.vector_load %arg7[%parallel_loop3A_452, %parallel_loop3A_453, %parallel_loop3A_454] {strides = array<i32>} : memref<4x64x128xf32, #tpu.memory_space<vmem>>, vector<16xf32>,
        tpu.vector_store %arg7[%parallel_loop3A_452, %parallel_loop3A_453, %parallel_loop3A_454], %parallel_loop3A_447 {strides = array<i32>} : memref<4x64x128xf32, #tpu.memory_space<vmem>>, vector<16xf32>,
        %parallel_loop3A_456 = arith.constant 50 : i32
        %parallel_loop3A_457 = vector.broadcast %parallel_loop3A_456 : i32 to vector<16xi32>
        %parallel_loop3A_458 = arith.addi %parallel_loop3A_155, %parallel_loop3A_457 : vector<16xi32>
        %parallel_loop3A_459 = tpu.vector_load_idx %arg5[%parallel_loop3A_458] : memref<13520xf32, #tpu.memory_space<vmem>>[vector<16xi32>], vector<16xf32>,
        %parallel_loop3A_460 = arith.constant 16 : i32
        %parallel_loop3A_461 = arith.muli %parallel_loop3A_140, %parallel_loop3A_460 : i32
        %parallel_loop3A_462 = arith.constant 2 : i32
        %parallel_loop3A_463 = arith.constant 50 : i32
        %parallel_loop3A_464 = arith.index_cast %parallel_loop3A_462 : i32 to index
        %parallel_loop3A_465 = arith.index_cast %parallel_loop3A_463 : i32 to index
        %parallel_loop3A_466 = arith.index_cast %parallel_loop3A_461 : i32 to index
        %parallel_loop3A_467 = tpu.vector_load %arg7[%parallel_loop3A_464, %parallel_loop3A_465, %parallel_loop3A_466] {strides = array<i32>} : memref<4x64x128xf32, #tpu.memory_space<vmem>>, vector<16xf32>,
        tpu.vector_store %arg7[%parallel_loop3A_464, %parallel_loop3A_465, %parallel_loop3A_466], %parallel_loop3A_459 {strides = array<i32>} : memref<4x64x128xf32, #tpu.memory_space<vmem>>, vector<16xf32>,
        %parallel_loop3A_468 = arith.constant 52 : i32
        %parallel_loop3A_469 = vector.broadcast %parallel_loop3A_468 : i32 to vector<16xi32>
        %parallel_loop3A_470 = arith.addi %parallel_loop3A_155, %parallel_loop3A_469 : vector<16xi32>
        %parallel_loop3A_471 = tpu.vector_load_idx %arg5[%parallel_loop3A_470] : memref<13520xf32, #tpu.memory_space<vmem>>[vector<16xi32>], vector<16xf32>,
        %parallel_loop3A_472 = arith.constant 16 : i32
        %parallel_loop3A_473 = arith.muli %parallel_loop3A_140, %parallel_loop3A_472 : i32
        %parallel_loop3A_474 = arith.constant 2 : i32
        %parallel_loop3A_475 = arith.constant 52 : i32
        %parallel_loop3A_476 = arith.index_cast %parallel_loop3A_474 : i32 to index
        %parallel_loop3A_477 = arith.index_cast %parallel_loop3A_475 : i32 to index
        %parallel_loop3A_478 = arith.index_cast %parallel_loop3A_473 : i32 to index
        %parallel_loop3A_479 = tpu.vector_load %arg7[%parallel_loop3A_476, %parallel_loop3A_477, %parallel_loop3A_478] {strides = array<i32>} : memref<4x64x128xf32, #tpu.memory_space<vmem>>, vector<16xf32>,
        tpu.vector_store %arg7[%parallel_loop3A_476, %parallel_loop3A_477, %parallel_loop3A_478], %parallel_loop3A_471 {strides = array<i32>} : memref<4x64x128xf32, #tpu.memory_space<vmem>>, vector<16xf32>,
        %parallel_loop3A_480 = arith.constant 54 : i32
        %parallel_loop3A_481 = vector.broadcast %parallel_loop3A_480 : i32 to vector<16xi32>
        %parallel_loop3A_482 = arith.addi %parallel_loop3A_155, %parallel_loop3A_481 : vector<16xi32>
        %parallel_loop3A_483 = tpu.vector_load_idx %arg5[%parallel_loop3A_482] : memref<13520xf32, #tpu.memory_space<vmem>>[vector<16xi32>], vector<16xf32>,
        %parallel_loop3A_484 = arith.constant 16 : i32
        %parallel_loop3A_485 = arith.muli %parallel_loop3A_140, %parallel_loop3A_484 : i32
        %parallel_loop3A_486 = arith.constant 2 : i32
        %parallel_loop3A_487 = arith.constant 54 : i32
        %parallel_loop3A_488 = arith.index_cast %parallel_loop3A_486 : i32 to index
        %parallel_loop3A_489 = arith.index_cast %parallel_loop3A_487 : i32 to index
        %parallel_loop3A_490 = arith.index_cast %parallel_loop3A_485 : i32 to index
        %parallel_loop3A_491 = tpu.vector_load %arg7[%parallel_loop3A_488, %parallel_loop3A_489, %parallel_loop3A_490] {strides = array<i32>} : memref<4x64x128xf32, #tpu.memory_space<vmem>>, vector<16xf32>,
        tpu.vector_store %arg7[%parallel_loop3A_488, %parallel_loop3A_489, %parallel_loop3A_490], %parallel_loop3A_483 {strides = array<i32>} : memref<4x64x128xf32, #tpu.memory_space<vmem>>, vector<16xf32>,
        %parallel_loop3A_492 = arith.constant 56 : i32
        %parallel_loop3A_493 = vector.broadcast %parallel_loop3A_492 : i32 to vector<16xi32>
        %parallel_loop3A_494 = arith.addi %parallel_loop3A_155, %parallel_loop3A_493 : vector<16xi32>
        %parallel_loop3A_495 = tpu.vector_load_idx %arg5[%parallel_loop3A_494] : memref<13520xf32, #tpu.memory_space<vmem>>[vector<16xi32>], vector<16xf32>,
        %parallel_loop3A_496 = arith.constant 16 : i32
        %parallel_loop3A_497 = arith.muli %parallel_loop3A_140, %parallel_loop3A_496 : i32
        %parallel_loop3A_498 = arith.constant 2 : i32
        %parallel_loop3A_499 = arith.constant 56 : i32
        %parallel_loop3A_500 = arith.index_cast %parallel_loop3A_498 : i32 to index
        %parallel_loop3A_501 = arith.index_cast %parallel_loop3A_499 : i32 to index
        %parallel_loop3A_502 = arith.index_cast %parallel_loop3A_497 : i32 to index
        %parallel_loop3A_503 = tpu.vector_load %arg7[%parallel_loop3A_500, %parallel_loop3A_501, %parallel_loop3A_502] {strides = array<i32>} : memref<4x64x128xf32, #tpu.memory_space<vmem>>, vector<16xf32>,
        tpu.vector_store %arg7[%parallel_loop3A_500, %parallel_loop3A_501, %parallel_loop3A_502], %parallel_loop3A_495 {strides = array<i32>} : memref<4x64x128xf32, #tpu.memory_space<vmem>>, vector<16xf32>,
        %parallel_loop3A_504 = arith.constant 58 : i32
        %parallel_loop3A_505 = vector.broadcast %parallel_loop3A_504 : i32 to vector<16xi32>
        %parallel_loop3A_506 = arith.addi %parallel_loop3A_155, %parallel_loop3A_505 : vector<16xi32>
        %parallel_loop3A_507 = tpu.vector_load_idx %arg5[%parallel_loop3A_506] : memref<13520xf32, #tpu.memory_space<vmem>>[vector<16xi32>], vector<16xf32>,
        %parallel_loop3A_508 = arith.constant 16 : i32
        %parallel_loop3A_509 = arith.muli %parallel_loop3A_140, %parallel_loop3A_508 : i32
        %parallel_loop3A_510 = arith.constant 2 : i32
        %parallel_loop3A_511 = arith.constant 58 : i32
        %parallel_loop3A_512 = arith.index_cast %parallel_loop3A_510 : i32 to index
        %parallel_loop3A_513 = arith.index_cast %parallel_loop3A_511 : i32 to index
        %parallel_loop3A_514 = arith.index_cast %parallel_loop3A_509 : i32 to index
        %parallel_loop3A_515 = tpu.vector_load %arg7[%parallel_loop3A_512, %parallel_loop3A_513, %parallel_loop3A_514] {strides = array<i32>} : memref<4x64x128xf32, #tpu.memory_space<vmem>>, vector<16xf32>,
        tpu.vector_store %arg7[%parallel_loop3A_512, %parallel_loop3A_513, %parallel_loop3A_514], %parallel_loop3A_507 {strides = array<i32>} : memref<4x64x128xf32, #tpu.memory_space<vmem>>, vector<16xf32>,
        %parallel_loop3A_516 = arith.constant 60 : i32
        %parallel_loop3A_517 = vector.broadcast %parallel_loop3A_516 : i32 to vector<16xi32>
        %parallel_loop3A_518 = arith.addi %parallel_loop3A_155, %parallel_loop3A_517 : vector<16xi32>
        %parallel_loop3A_519 = tpu.vector_load_idx %arg5[%parallel_loop3A_518] : memref<13520xf32, #tpu.memory_space<vmem>>[vector<16xi32>], vector<16xf32>,
        %parallel_loop3A_520 = arith.constant 16 : i32
        %parallel_loop3A_521 = arith.muli %parallel_loop3A_140, %parallel_loop3A_520 : i32
        %parallel_loop3A_522 = arith.constant 2 : i32
        %parallel_loop3A_523 = arith.constant 60 : i32
        %parallel_loop3A_524 = arith.index_cast %parallel_loop3A_522 : i32 to index
        %parallel_loop3A_525 = arith.index_cast %parallel_loop3A_523 : i32 to index
        %parallel_loop3A_526 = arith.index_cast %parallel_loop3A_521 : i32 to index
        %parallel_loop3A_527 = tpu.vector_load %arg7[%parallel_loop3A_524, %parallel_loop3A_525, %parallel_loop3A_526] {strides = array<i32>} : memref<4x64x128xf32, #tpu.memory_space<vmem>>, vector<16xf32>,
        tpu.vector_store %arg7[%parallel_loop3A_524, %parallel_loop3A_525, %parallel_loop3A_526], %parallel_loop3A_519 {strides = array<i32>} : memref<4x64x128xf32, #tpu.memory_space<vmem>>, vector<16xf32>,
        %parallel_loop3A_528 = arith.constant 62 : i32
        %parallel_loop3A_529 = vector.broadcast %parallel_loop3A_528 : i32 to vector<16xi32>
        %parallel_loop3A_530 = arith.addi %parallel_loop3A_155, %parallel_loop3A_529 : vector<16xi32>
        %parallel_loop3A_531 = tpu.vector_load_idx %arg5[%parallel_loop3A_530] : memref<13520xf32, #tpu.memory_space<vmem>>[vector<16xi32>], vector<16xf32>,
        %parallel_loop3A_532 = arith.constant 16 : i32
        %parallel_loop3A_533 = arith.muli %parallel_loop3A_140, %parallel_loop3A_532 : i32
        %parallel_loop3A_534 = arith.constant 2 : i32
        %parallel_loop3A_535 = arith.constant 62 : i32
        %parallel_loop3A_536 = arith.index_cast %parallel_loop3A_534 : i32 to index
        %parallel_loop3A_537 = arith.index_cast %parallel_loop3A_535 : i32 to index
        %parallel_loop3A_538 = arith.index_cast %parallel_loop3A_533 : i32 to index
        %parallel_loop3A_539 = tpu.vector_load %arg7[%parallel_loop3A_536, %parallel_loop3A_537, %parallel_loop3A_538] {strides = array<i32>} : memref<4x64x128xf32, #tpu.memory_space<vmem>>, vector<16xf32>,
        tpu.vector_store %arg7[%parallel_loop3A_536, %parallel_loop3A_537, %parallel_loop3A_538], %parallel_loop3A_531 {strides = array<i32>} : memref<4x64x128xf32, #tpu.memory_space<vmem>>, vector<16xf32>,
      } {sc.loop_unroll_factor = 4 : i64, sc.parallel_access}
      %mul3A_60 = arith.constant 4 : i32
      %mul3A_61 = arith.muli %add3A_25, %mul3A_60 : i32
      %add3A_62 = arith.constant 3 : i32
      %add3A_63 = arith.addi %mul3A_61, %add3A_62 : i32
      %eq3A_64 = arith.constant 0 : i32
      %eq3A_65 = arith.cmpi eq, %add3A_63, %eq3A_64 : i32
      %jit3A_66 = arith.constant 6630 : i32
      %jit3A_67 = arith.constant 0 : i32
      %select_n3A_68 = arith.select %eq3A_65, %jit3A_66, %jit3A_67 : i32
      %parallel_loop3A_69 = arith.constant 0 : i32
      %parallel_loop3A_70 = arith.constant 8 : i32
      %parallel_loop3A_71 = arith.constant 1 : i32
      scf.for %parallel_loop3A_140 = %parallel_loop3A_69 to %parallel_loop3A_70 step %parallel_loop3A_71  : i32 {
        %parallel_loop3A_141 = arith.constant 16 : i32
        %parallel_loop3A_142 = arith.muli %parallel_loop3A_140, %parallel_loop3A_141 : i32
        %parallel_loop3A_143 = vector.broadcast %parallel_loop3A_142 : i32 to vector<16xi32>
        %parallel_loop3A_144 = arith.addi %parallel_loop3A_143, %iota3A : vector<16xi32>
        %parallel_loop3A_145 = arith.constant 200 : i32
        %parallel_loop3A_146 = vector.broadcast %parallel_loop3A_145 : i32 to vector<16xi32>
        %parallel_loop3A_147 = arith.muli %parallel_loop3A_144, %parallel_loop3A_146 : vector<16xi32>
        %parallel_loop3A_148 = vector.broadcast %add3A_63 : i32 to vector<16xi32>
        %parallel_loop3A_149 = arith.addi %parallel_loop3A_147, %parallel_loop3A_148 : vector<16xi32>
        %parallel_loop3A_150 = tpu.vector_load_idx %arg6[%parallel_loop3A_149] : memref<25600xi32, #tpu.memory_space<vmem>>[vector<16xi32>], vector<16xi32>,
        %parallel_loop3A_151 = arith.constant 65 : i32
        %parallel_loop3A_152 = vector.broadcast %parallel_loop3A_151 : i32 to vector<16xi32>
        %parallel_loop3A_153 = arith.muli %parallel_loop3A_150, %parallel_loop3A_152 : vector<16xi32>
        %parallel_loop3A_154 = vector.broadcast %select_n3A_68 : i32 to vector<16xi32>
        %parallel_loop3A_155 = arith.addi %parallel_loop3A_153, %parallel_loop3A_154 : vector<16xi32>
        %parallel_loop3A_156 = arith.constant 0 : i32
        %parallel_loop3A_157 = vector.broadcast %parallel_loop3A_156 : i32 to vector<16xi32>
        %parallel_loop3A_158 = arith.addi %parallel_loop3A_155, %parallel_loop3A_157 : vector<16xi32>
        %parallel_loop3A_159 = tpu.vector_load_idx %arg5[%parallel_loop3A_158] : memref<13520xf32, #tpu.memory_space<vmem>>[vector<16xi32>], vector<16xf32>,
        %parallel_loop3A_160 = arith.constant 16 : i32
        %parallel_loop3A_161 = arith.muli %parallel_loop3A_140, %parallel_loop3A_160 : i32
        %parallel_loop3A_162 = arith.constant 3 : i32
        %parallel_loop3A_163 = arith.constant 0 : i32
        %parallel_loop3A_164 = arith.index_cast %parallel_loop3A_162 : i32 to index
        %parallel_loop3A_165 = arith.index_cast %parallel_loop3A_163 : i32 to index
        %parallel_loop3A_166 = arith.index_cast %parallel_loop3A_161 : i32 to index
        %parallel_loop3A_167 = tpu.vector_load %arg7[%parallel_loop3A_164, %parallel_loop3A_165, %parallel_loop3A_166] {strides = array<i32>} : memref<4x64x128xf32, #tpu.memory_space<vmem>>, vector<16xf32>,
        tpu.vector_store %arg7[%parallel_loop3A_164, %parallel_loop3A_165, %parallel_loop3A_166], %parallel_loop3A_159 {strides = array<i32>} : memref<4x64x128xf32, #tpu.memory_space<vmem>>, vector<16xf32>,
        %parallel_loop3A_168 = arith.constant 2 : i32
        %parallel_loop3A_169 = vector.broadcast %parallel_loop3A_168 : i32 to vector<16xi32>
        %parallel_loop3A_170 = arith.addi %parallel_loop3A_155, %parallel_loop3A_169 : vector<16xi32>
        %parallel_loop3A_171 = tpu.vector_load_idx %arg5[%parallel_loop3A_170] : memref<13520xf32, #tpu.memory_space<vmem>>[vector<16xi32>], vector<16xf32>,
        %parallel_loop3A_172 = arith.constant 16 : i32
        %parallel_loop3A_173 = arith.muli %parallel_loop3A_140, %parallel_loop3A_172 : i32
        %parallel_loop3A_174 = arith.constant 3 : i32
        %parallel_loop3A_175 = arith.constant 2 : i32
        %parallel_loop3A_176 = arith.index_cast %parallel_loop3A_174 : i32 to index
        %parallel_loop3A_177 = arith.index_cast %parallel_loop3A_175 : i32 to index
        %parallel_loop3A_178 = arith.index_cast %parallel_loop3A_173 : i32 to index
        %parallel_loop3A_179 = tpu.vector_load %arg7[%parallel_loop3A_176, %parallel_loop3A_177, %parallel_loop3A_178] {strides = array<i32>} : memref<4x64x128xf32, #tpu.memory_space<vmem>>, vector<16xf32>,
        tpu.vector_store %arg7[%parallel_loop3A_176, %parallel_loop3A_177, %parallel_loop3A_178], %parallel_loop3A_171 {strides = array<i32>} : memref<4x64x128xf32, #tpu.memory_space<vmem>>, vector<16xf32>,
        %parallel_loop3A_180 = arith.constant 4 : i32
        %parallel_loop3A_181 = vector.broadcast %parallel_loop3A_180 : i32 to vector<16xi32>
        %parallel_loop3A_182 = arith.addi %parallel_loop3A_155, %parallel_loop3A_181 : vector<16xi32>
        %parallel_loop3A_183 = tpu.vector_load_idx %arg5[%parallel_loop3A_182] : memref<13520xf32, #tpu.memory_space<vmem>>[vector<16xi32>], vector<16xf32>,
        %parallel_loop3A_184 = arith.constant 16 : i32
        %parallel_loop3A_185 = arith.muli %parallel_loop3A_140, %parallel_loop3A_184 : i32
        %parallel_loop3A_186 = arith.constant 3 : i32
        %parallel_loop3A_187 = arith.constant 4 : i32
        %parallel_loop3A_188 = arith.index_cast %parallel_loop3A_186 : i32 to index
        %parallel_loop3A_189 = arith.index_cast %parallel_loop3A_187 : i32 to index
        %parallel_loop3A_190 = arith.index_cast %parallel_loop3A_185 : i32 to index
        %parallel_loop3A_191 = tpu.vector_load %arg7[%parallel_loop3A_188, %parallel_loop3A_189, %parallel_loop3A_190] {strides = array<i32>} : memref<4x64x128xf32, #tpu.memory_space<vmem>>, vector<16xf32>,
        tpu.vector_store %arg7[%parallel_loop3A_188, %parallel_loop3A_189, %parallel_loop3A_190], %parallel_loop3A_183 {strides = array<i32>} : memref<4x64x128xf32, #tpu.memory_space<vmem>>, vector<16xf32>,
        %parallel_loop3A_192 = arith.constant 6 : i32
        %parallel_loop3A_193 = vector.broadcast %parallel_loop3A_192 : i32 to vector<16xi32>
        %parallel_loop3A_194 = arith.addi %parallel_loop3A_155, %parallel_loop3A_193 : vector<16xi32>
        %parallel_loop3A_195 = tpu.vector_load_idx %arg5[%parallel_loop3A_194] : memref<13520xf32, #tpu.memory_space<vmem>>[vector<16xi32>], vector<16xf32>,
        %parallel_loop3A_196 = arith.constant 16 : i32
        %parallel_loop3A_197 = arith.muli %parallel_loop3A_140, %parallel_loop3A_196 : i32
        %parallel_loop3A_198 = arith.constant 3 : i32
        %parallel_loop3A_199 = arith.constant 6 : i32
        %parallel_loop3A_200 = arith.index_cast %parallel_loop3A_198 : i32 to index
        %parallel_loop3A_201 = arith.index_cast %parallel_loop3A_199 : i32 to index
        %parallel_loop3A_202 = arith.index_cast %parallel_loop3A_197 : i32 to index
        %parallel_loop3A_203 = tpu.vector_load %arg7[%parallel_loop3A_200, %parallel_loop3A_201, %parallel_loop3A_202] {strides = array<i32>} : memref<4x64x128xf32, #tpu.memory_space<vmem>>, vector<16xf32>,
        tpu.vector_store %arg7[%parallel_loop3A_200, %parallel_loop3A_201, %parallel_loop3A_202], %parallel_loop3A_195 {strides = array<i32>} : memref<4x64x128xf32, #tpu.memory_space<vmem>>, vector<16xf32>,
        %parallel_loop3A_204 = arith.constant 8 : i32
        %parallel_loop3A_205 = vector.broadcast %parallel_loop3A_204 : i32 to vector<16xi32>
        %parallel_loop3A_206 = arith.addi %parallel_loop3A_155, %parallel_loop3A_205 : vector<16xi32>
        %parallel_loop3A_207 = tpu.vector_load_idx %arg5[%parallel_loop3A_206] : memref<13520xf32, #tpu.memory_space<vmem>>[vector<16xi32>], vector<16xf32>,
        %parallel_loop3A_208 = arith.constant 16 : i32
        %parallel_loop3A_209 = arith.muli %parallel_loop3A_140, %parallel_loop3A_208 : i32
        %parallel_loop3A_210 = arith.constant 3 : i32
        %parallel_loop3A_211 = arith.constant 8 : i32
        %parallel_loop3A_212 = arith.index_cast %parallel_loop3A_210 : i32 to index
        %parallel_loop3A_213 = arith.index_cast %parallel_loop3A_211 : i32 to index
        %parallel_loop3A_214 = arith.index_cast %parallel_loop3A_209 : i32 to index
        %parallel_loop3A_215 = tpu.vector_load %arg7[%parallel_loop3A_212, %parallel_loop3A_213, %parallel_loop3A_214] {strides = array<i32>} : memref<4x64x128xf32, #tpu.memory_space<vmem>>, vector<16xf32>,
        tpu.vector_store %arg7[%parallel_loop3A_212, %parallel_loop3A_213, %parallel_loop3A_214], %parallel_loop3A_207 {strides = array<i32>} : memref<4x64x128xf32, #tpu.memory_space<vmem>>, vector<16xf32>,
        %parallel_loop3A_216 = arith.constant 10 : i32
        %parallel_loop3A_217 = vector.broadcast %parallel_loop3A_216 : i32 to vector<16xi32>
        %parallel_loop3A_218 = arith.addi %parallel_loop3A_155, %parallel_loop3A_217 : vector<16xi32>
        %parallel_loop3A_219 = tpu.vector_load_idx %arg5[%parallel_loop3A_218] : memref<13520xf32, #tpu.memory_space<vmem>>[vector<16xi32>], vector<16xf32>,
        %parallel_loop3A_220 = arith.constant 16 : i32
        %parallel_loop3A_221 = arith.muli %parallel_loop3A_140, %parallel_loop3A_220 : i32
        %parallel_loop3A_222 = arith.constant 3 : i32
        %parallel_loop3A_223 = arith.constant 10 : i32
        %parallel_loop3A_224 = arith.index_cast %parallel_loop3A_222 : i32 to index
        %parallel_loop3A_225 = arith.index_cast %parallel_loop3A_223 : i32 to index
        %parallel_loop3A_226 = arith.index_cast %parallel_loop3A_221 : i32 to index
        %parallel_loop3A_227 = tpu.vector_load %arg7[%parallel_loop3A_224, %parallel_loop3A_225, %parallel_loop3A_226] {strides = array<i32>} : memref<4x64x128xf32, #tpu.memory_space<vmem>>, vector<16xf32>,
        tpu.vector_store %arg7[%parallel_loop3A_224, %parallel_loop3A_225, %parallel_loop3A_226], %parallel_loop3A_219 {strides = array<i32>} : memref<4x64x128xf32, #tpu.memory_space<vmem>>, vector<16xf32>,
        %parallel_loop3A_228 = arith.constant 12 : i32
        %parallel_loop3A_229 = vector.broadcast %parallel_loop3A_228 : i32 to vector<16xi32>
        %parallel_loop3A_230 = arith.addi %parallel_loop3A_155, %parallel_loop3A_229 : vector<16xi32>
        %parallel_loop3A_231 = tpu.vector_load_idx %arg5[%parallel_loop3A_230] : memref<13520xf32, #tpu.memory_space<vmem>>[vector<16xi32>], vector<16xf32>,
        %parallel_loop3A_232 = arith.constant 16 : i32
        %parallel_loop3A_233 = arith.muli %parallel_loop3A_140, %parallel_loop3A_232 : i32
        %parallel_loop3A_234 = arith.constant 3 : i32
        %parallel_loop3A_235 = arith.constant 12 : i32
        %parallel_loop3A_236 = arith.index_cast %parallel_loop3A_234 : i32 to index
        %parallel_loop3A_237 = arith.index_cast %parallel_loop3A_235 : i32 to index
        %parallel_loop3A_238 = arith.index_cast %parallel_loop3A_233 : i32 to index
        %parallel_loop3A_239 = tpu.vector_load %arg7[%parallel_loop3A_236, %parallel_loop3A_237, %parallel_loop3A_238] {strides = array<i32>} : memref<4x64x128xf32, #tpu.memory_space<vmem>>, vector<16xf32>,
        tpu.vector_store %arg7[%parallel_loop3A_236, %parallel_loop3A_237, %parallel_loop3A_238], %parallel_loop3A_231 {strides = array<i32>} : memref<4x64x128xf32, #tpu.memory_space<vmem>>, vector<16xf32>,
        %parallel_loop3A_240 = arith.constant 14 : i32
        %parallel_loop3A_241 = vector.broadcast %parallel_loop3A_240 : i32 to vector<16xi32>
        %parallel_loop3A_242 = arith.addi %parallel_loop3A_155, %parallel_loop3A_241 : vector<16xi32>
        %parallel_loop3A_243 = tpu.vector_load_idx %arg5[%parallel_loop3A_242] : memref<13520xf32, #tpu.memory_space<vmem>>[vector<16xi32>], vector<16xf32>,
        %parallel_loop3A_244 = arith.constant 16 : i32
        %parallel_loop3A_245 = arith.muli %parallel_loop3A_140, %parallel_loop3A_244 : i32
        %parallel_loop3A_246 = arith.constant 3 : i32
        %parallel_loop3A_247 = arith.constant 14 : i32
        %parallel_loop3A_248 = arith.index_cast %parallel_loop3A_246 : i32 to index
        %parallel_loop3A_249 = arith.index_cast %parallel_loop3A_247 : i32 to index
        %parallel_loop3A_250 = arith.index_cast %parallel_loop3A_245 : i32 to index
        %parallel_loop3A_251 = tpu.vector_load %arg7[%parallel_loop3A_248, %parallel_loop3A_249, %parallel_loop3A_250] {strides = array<i32>} : memref<4x64x128xf32, #tpu.memory_space<vmem>>, vector<16xf32>,
        tpu.vector_store %arg7[%parallel_loop3A_248, %parallel_loop3A_249, %parallel_loop3A_250], %parallel_loop3A_243 {strides = array<i32>} : memref<4x64x128xf32, #tpu.memory_space<vmem>>, vector<16xf32>,
        %parallel_loop3A_252 = arith.constant 16 : i32
        %parallel_loop3A_253 = vector.broadcast %parallel_loop3A_252 : i32 to vector<16xi32>
        %parallel_loop3A_254 = arith.addi %parallel_loop3A_155, %parallel_loop3A_253 : vector<16xi32>
        %parallel_loop3A_255 = tpu.vector_load_idx %arg5[%parallel_loop3A_254] : memref<13520xf32, #tpu.memory_space<vmem>>[vector<16xi32>], vector<16xf32>,
        %parallel_loop3A_256 = arith.constant 16 : i32
        %parallel_loop3A_257 = arith.muli %parallel_loop3A_140, %parallel_loop3A_256 : i32
        %parallel_loop3A_258 = arith.constant 3 : i32
        %parallel_loop3A_259 = arith.constant 16 : i32
        %parallel_loop3A_260 = arith.index_cast %parallel_loop3A_258 : i32 to index
        %parallel_loop3A_261 = arith.index_cast %parallel_loop3A_259 : i32 to index
        %parallel_loop3A_262 = arith.index_cast %parallel_loop3A_257 : i32 to index
        %parallel_loop3A_263 = tpu.vector_load %arg7[%parallel_loop3A_260, %parallel_loop3A_261, %parallel_loop3A_262] {strides = array<i32>} : memref<4x64x128xf32, #tpu.memory_space<vmem>>, vector<16xf32>,
        tpu.vector_store %arg7[%parallel_loop3A_260, %parallel_loop3A_261, %parallel_loop3A_262], %parallel_loop3A_255 {strides = array<i32>} : memref<4x64x128xf32, #tpu.memory_space<vmem>>, vector<16xf32>,
        %parallel_loop3A_264 = arith.constant 18 : i32
        %parallel_loop3A_265 = vector.broadcast %parallel_loop3A_264 : i32 to vector<16xi32>
        %parallel_loop3A_266 = arith.addi %parallel_loop3A_155, %parallel_loop3A_265 : vector<16xi32>
        %parallel_loop3A_267 = tpu.vector_load_idx %arg5[%parallel_loop3A_266] : memref<13520xf32, #tpu.memory_space<vmem>>[vector<16xi32>], vector<16xf32>,
        %parallel_loop3A_268 = arith.constant 16 : i32
        %parallel_loop3A_269 = arith.muli %parallel_loop3A_140, %parallel_loop3A_268 : i32
        %parallel_loop3A_270 = arith.constant 3 : i32
        %parallel_loop3A_271 = arith.constant 18 : i32
        %parallel_loop3A_272 = arith.index_cast %parallel_loop3A_270 : i32 to index
        %parallel_loop3A_273 = arith.index_cast %parallel_loop3A_271 : i32 to index
        %parallel_loop3A_274 = arith.index_cast %parallel_loop3A_269 : i32 to index
        %parallel_loop3A_275 = tpu.vector_load %arg7[%parallel_loop3A_272, %parallel_loop3A_273, %parallel_loop3A_274] {strides = array<i32>} : memref<4x64x128xf32, #tpu.memory_space<vmem>>, vector<16xf32>,
        tpu.vector_store %arg7[%parallel_loop3A_272, %parallel_loop3A_273, %parallel_loop3A_274], %parallel_loop3A_267 {strides = array<i32>} : memref<4x64x128xf32, #tpu.memory_space<vmem>>, vector<16xf32>,
        %parallel_loop3A_276 = arith.constant 20 : i32
        %parallel_loop3A_277 = vector.broadcast %parallel_loop3A_276 : i32 to vector<16xi32>
        %parallel_loop3A_278 = arith.addi %parallel_loop3A_155, %parallel_loop3A_277 : vector<16xi32>
        %parallel_loop3A_279 = tpu.vector_load_idx %arg5[%parallel_loop3A_278] : memref<13520xf32, #tpu.memory_space<vmem>>[vector<16xi32>], vector<16xf32>,
        %parallel_loop3A_280 = arith.constant 16 : i32
        %parallel_loop3A_281 = arith.muli %parallel_loop3A_140, %parallel_loop3A_280 : i32
        %parallel_loop3A_282 = arith.constant 3 : i32
        %parallel_loop3A_283 = arith.constant 20 : i32
        %parallel_loop3A_284 = arith.index_cast %parallel_loop3A_282 : i32 to index
        %parallel_loop3A_285 = arith.index_cast %parallel_loop3A_283 : i32 to index
        %parallel_loop3A_286 = arith.index_cast %parallel_loop3A_281 : i32 to index
        %parallel_loop3A_287 = tpu.vector_load %arg7[%parallel_loop3A_284, %parallel_loop3A_285, %parallel_loop3A_286] {strides = array<i32>} : memref<4x64x128xf32, #tpu.memory_space<vmem>>, vector<16xf32>,
        tpu.vector_store %arg7[%parallel_loop3A_284, %parallel_loop3A_285, %parallel_loop3A_286], %parallel_loop3A_279 {strides = array<i32>} : memref<4x64x128xf32, #tpu.memory_space<vmem>>, vector<16xf32>,
        %parallel_loop3A_288 = arith.constant 22 : i32
        %parallel_loop3A_289 = vector.broadcast %parallel_loop3A_288 : i32 to vector<16xi32>
        %parallel_loop3A_290 = arith.addi %parallel_loop3A_155, %parallel_loop3A_289 : vector<16xi32>
        %parallel_loop3A_291 = tpu.vector_load_idx %arg5[%parallel_loop3A_290] : memref<13520xf32, #tpu.memory_space<vmem>>[vector<16xi32>], vector<16xf32>,
        %parallel_loop3A_292 = arith.constant 16 : i32
        %parallel_loop3A_293 = arith.muli %parallel_loop3A_140, %parallel_loop3A_292 : i32
        %parallel_loop3A_294 = arith.constant 3 : i32
        %parallel_loop3A_295 = arith.constant 22 : i32
        %parallel_loop3A_296 = arith.index_cast %parallel_loop3A_294 : i32 to index
        %parallel_loop3A_297 = arith.index_cast %parallel_loop3A_295 : i32 to index
        %parallel_loop3A_298 = arith.index_cast %parallel_loop3A_293 : i32 to index
        %parallel_loop3A_299 = tpu.vector_load %arg7[%parallel_loop3A_296, %parallel_loop3A_297, %parallel_loop3A_298] {strides = array<i32>} : memref<4x64x128xf32, #tpu.memory_space<vmem>>, vector<16xf32>,
        tpu.vector_store %arg7[%parallel_loop3A_296, %parallel_loop3A_297, %parallel_loop3A_298], %parallel_loop3A_291 {strides = array<i32>} : memref<4x64x128xf32, #tpu.memory_space<vmem>>, vector<16xf32>,
        %parallel_loop3A_300 = arith.constant 24 : i32
        %parallel_loop3A_301 = vector.broadcast %parallel_loop3A_300 : i32 to vector<16xi32>
        %parallel_loop3A_302 = arith.addi %parallel_loop3A_155, %parallel_loop3A_301 : vector<16xi32>
        %parallel_loop3A_303 = tpu.vector_load_idx %arg5[%parallel_loop3A_302] : memref<13520xf32, #tpu.memory_space<vmem>>[vector<16xi32>], vector<16xf32>,
        %parallel_loop3A_304 = arith.constant 16 : i32
        %parallel_loop3A_305 = arith.muli %parallel_loop3A_140, %parallel_loop3A_304 : i32
        %parallel_loop3A_306 = arith.constant 3 : i32
        %parallel_loop3A_307 = arith.constant 24 : i32
        %parallel_loop3A_308 = arith.index_cast %parallel_loop3A_306 : i32 to index
        %parallel_loop3A_309 = arith.index_cast %parallel_loop3A_307 : i32 to index
        %parallel_loop3A_310 = arith.index_cast %parallel_loop3A_305 : i32 to index
        %parallel_loop3A_311 = tpu.vector_load %arg7[%parallel_loop3A_308, %parallel_loop3A_309, %parallel_loop3A_310] {strides = array<i32>} : memref<4x64x128xf32, #tpu.memory_space<vmem>>, vector<16xf32>,
        tpu.vector_store %arg7[%parallel_loop3A_308, %parallel_loop3A_309, %parallel_loop3A_310], %parallel_loop3A_303 {strides = array<i32>} : memref<4x64x128xf32, #tpu.memory_space<vmem>>, vector<16xf32>,
        %parallel_loop3A_312 = arith.constant 26 : i32
        %parallel_loop3A_313 = vector.broadcast %parallel_loop3A_312 : i32 to vector<16xi32>
        %parallel_loop3A_314 = arith.addi %parallel_loop3A_155, %parallel_loop3A_313 : vector<16xi32>
        %parallel_loop3A_315 = tpu.vector_load_idx %arg5[%parallel_loop3A_314] : memref<13520xf32, #tpu.memory_space<vmem>>[vector<16xi32>], vector<16xf32>,
        %parallel_loop3A_316 = arith.constant 16 : i32
        %parallel_loop3A_317 = arith.muli %parallel_loop3A_140, %parallel_loop3A_316 : i32
        %parallel_loop3A_318 = arith.constant 3 : i32
        %parallel_loop3A_319 = arith.constant 26 : i32
        %parallel_loop3A_320 = arith.index_cast %parallel_loop3A_318 : i32 to index
        %parallel_loop3A_321 = arith.index_cast %parallel_loop3A_319 : i32 to index
        %parallel_loop3A_322 = arith.index_cast %parallel_loop3A_317 : i32 to index
        %parallel_loop3A_323 = tpu.vector_load %arg7[%parallel_loop3A_320, %parallel_loop3A_321, %parallel_loop3A_322] {strides = array<i32>} : memref<4x64x128xf32, #tpu.memory_space<vmem>>, vector<16xf32>,
        tpu.vector_store %arg7[%parallel_loop3A_320, %parallel_loop3A_321, %parallel_loop3A_322], %parallel_loop3A_315 {strides = array<i32>} : memref<4x64x128xf32, #tpu.memory_space<vmem>>, vector<16xf32>,
        %parallel_loop3A_324 = arith.constant 28 : i32
        %parallel_loop3A_325 = vector.broadcast %parallel_loop3A_324 : i32 to vector<16xi32>
        %parallel_loop3A_326 = arith.addi %parallel_loop3A_155, %parallel_loop3A_325 : vector<16xi32>
        %parallel_loop3A_327 = tpu.vector_load_idx %arg5[%parallel_loop3A_326] : memref<13520xf32, #tpu.memory_space<vmem>>[vector<16xi32>], vector<16xf32>,
        %parallel_loop3A_328 = arith.constant 16 : i32
        %parallel_loop3A_329 = arith.muli %parallel_loop3A_140, %parallel_loop3A_328 : i32
        %parallel_loop3A_330 = arith.constant 3 : i32
        %parallel_loop3A_331 = arith.constant 28 : i32
        %parallel_loop3A_332 = arith.index_cast %parallel_loop3A_330 : i32 to index
        %parallel_loop3A_333 = arith.index_cast %parallel_loop3A_331 : i32 to index
        %parallel_loop3A_334 = arith.index_cast %parallel_loop3A_329 : i32 to index
        %parallel_loop3A_335 = tpu.vector_load %arg7[%parallel_loop3A_332, %parallel_loop3A_333, %parallel_loop3A_334] {strides = array<i32>} : memref<4x64x128xf32, #tpu.memory_space<vmem>>, vector<16xf32>,
        tpu.vector_store %arg7[%parallel_loop3A_332, %parallel_loop3A_333, %parallel_loop3A_334], %parallel_loop3A_327 {strides = array<i32>} : memref<4x64x128xf32, #tpu.memory_space<vmem>>, vector<16xf32>,
        %parallel_loop3A_336 = arith.constant 30 : i32
        %parallel_loop3A_337 = vector.broadcast %parallel_loop3A_336 : i32 to vector<16xi32>
        %parallel_loop3A_338 = arith.addi %parallel_loop3A_155, %parallel_loop3A_337 : vector<16xi32>
        %parallel_loop3A_339 = tpu.vector_load_idx %arg5[%parallel_loop3A_338] : memref<13520xf32, #tpu.memory_space<vmem>>[vector<16xi32>], vector<16xf32>,
        %parallel_loop3A_340 = arith.constant 16 : i32
        %parallel_loop3A_341 = arith.muli %parallel_loop3A_140, %parallel_loop3A_340 : i32
        %parallel_loop3A_342 = arith.constant 3 : i32
        %parallel_loop3A_343 = arith.constant 30 : i32
        %parallel_loop3A_344 = arith.index_cast %parallel_loop3A_342 : i32 to index
        %parallel_loop3A_345 = arith.index_cast %parallel_loop3A_343 : i32 to index
        %parallel_loop3A_346 = arith.index_cast %parallel_loop3A_341 : i32 to index
        %parallel_loop3A_347 = tpu.vector_load %arg7[%parallel_loop3A_344, %parallel_loop3A_345, %parallel_loop3A_346] {strides = array<i32>} : memref<4x64x128xf32, #tpu.memory_space<vmem>>, vector<16xf32>,
        tpu.vector_store %arg7[%parallel_loop3A_344, %parallel_loop3A_345, %parallel_loop3A_346], %parallel_loop3A_339 {strides = array<i32>} : memref<4x64x128xf32, #tpu.memory_space<vmem>>, vector<16xf32>,
        %parallel_loop3A_348 = arith.constant 32 : i32
        %parallel_loop3A_349 = vector.broadcast %parallel_loop3A_348 : i32 to vector<16xi32>
        %parallel_loop3A_350 = arith.addi %parallel_loop3A_155, %parallel_loop3A_349 : vector<16xi32>
        %parallel_loop3A_351 = tpu.vector_load_idx %arg5[%parallel_loop3A_350] : memref<13520xf32, #tpu.memory_space<vmem>>[vector<16xi32>], vector<16xf32>,
        %parallel_loop3A_352 = arith.constant 16 : i32
        %parallel_loop3A_353 = arith.muli %parallel_loop3A_140, %parallel_loop3A_352 : i32
        %parallel_loop3A_354 = arith.constant 3 : i32
        %parallel_loop3A_355 = arith.constant 32 : i32
        %parallel_loop3A_356 = arith.index_cast %parallel_loop3A_354 : i32 to index
        %parallel_loop3A_357 = arith.index_cast %parallel_loop3A_355 : i32 to index
        %parallel_loop3A_358 = arith.index_cast %parallel_loop3A_353 : i32 to index
        %parallel_loop3A_359 = tpu.vector_load %arg7[%parallel_loop3A_356, %parallel_loop3A_357, %parallel_loop3A_358] {strides = array<i32>} : memref<4x64x128xf32, #tpu.memory_space<vmem>>, vector<16xf32>,
        tpu.vector_store %arg7[%parallel_loop3A_356, %parallel_loop3A_357, %parallel_loop3A_358], %parallel_loop3A_351 {strides = array<i32>} : memref<4x64x128xf32, #tpu.memory_space<vmem>>, vector<16xf32>,
        %parallel_loop3A_360 = arith.constant 34 : i32
        %parallel_loop3A_361 = vector.broadcast %parallel_loop3A_360 : i32 to vector<16xi32>
        %parallel_loop3A_362 = arith.addi %parallel_loop3A_155, %parallel_loop3A_361 : vector<16xi32>
        %parallel_loop3A_363 = tpu.vector_load_idx %arg5[%parallel_loop3A_362] : memref<13520xf32, #tpu.memory_space<vmem>>[vector<16xi32>], vector<16xf32>,
        %parallel_loop3A_364 = arith.constant 16 : i32
        %parallel_loop3A_365 = arith.muli %parallel_loop3A_140, %parallel_loop3A_364 : i32
        %parallel_loop3A_366 = arith.constant 3 : i32
        %parallel_loop3A_367 = arith.constant 34 : i32
        %parallel_loop3A_368 = arith.index_cast %parallel_loop3A_366 : i32 to index
        %parallel_loop3A_369 = arith.index_cast %parallel_loop3A_367 : i32 to index
        %parallel_loop3A_370 = arith.index_cast %parallel_loop3A_365 : i32 to index
        %parallel_loop3A_371 = tpu.vector_load %arg7[%parallel_loop3A_368, %parallel_loop3A_369, %parallel_loop3A_370] {strides = array<i32>} : memref<4x64x128xf32, #tpu.memory_space<vmem>>, vector<16xf32>,
        tpu.vector_store %arg7[%parallel_loop3A_368, %parallel_loop3A_369, %parallel_loop3A_370], %parallel_loop3A_363 {strides = array<i32>} : memref<4x64x128xf32, #tpu.memory_space<vmem>>, vector<16xf32>,
        %parallel_loop3A_372 = arith.constant 36 : i32
        %parallel_loop3A_373 = vector.broadcast %parallel_loop3A_372 : i32 to vector<16xi32>
        %parallel_loop3A_374 = arith.addi %parallel_loop3A_155, %parallel_loop3A_373 : vector<16xi32>
        %parallel_loop3A_375 = tpu.vector_load_idx %arg5[%parallel_loop3A_374] : memref<13520xf32, #tpu.memory_space<vmem>>[vector<16xi32>], vector<16xf32>,
        %parallel_loop3A_376 = arith.constant 16 : i32
        %parallel_loop3A_377 = arith.muli %parallel_loop3A_140, %parallel_loop3A_376 : i32
        %parallel_loop3A_378 = arith.constant 3 : i32
        %parallel_loop3A_379 = arith.constant 36 : i32
        %parallel_loop3A_380 = arith.index_cast %parallel_loop3A_378 : i32 to index
        %parallel_loop3A_381 = arith.index_cast %parallel_loop3A_379 : i32 to index
        %parallel_loop3A_382 = arith.index_cast %parallel_loop3A_377 : i32 to index
        %parallel_loop3A_383 = tpu.vector_load %arg7[%parallel_loop3A_380, %parallel_loop3A_381, %parallel_loop3A_382] {strides = array<i32>} : memref<4x64x128xf32, #tpu.memory_space<vmem>>, vector<16xf32>,
        tpu.vector_store %arg7[%parallel_loop3A_380, %parallel_loop3A_381, %parallel_loop3A_382], %parallel_loop3A_375 {strides = array<i32>} : memref<4x64x128xf32, #tpu.memory_space<vmem>>, vector<16xf32>,
        %parallel_loop3A_384 = arith.constant 38 : i32
        %parallel_loop3A_385 = vector.broadcast %parallel_loop3A_384 : i32 to vector<16xi32>
        %parallel_loop3A_386 = arith.addi %parallel_loop3A_155, %parallel_loop3A_385 : vector<16xi32>
        %parallel_loop3A_387 = tpu.vector_load_idx %arg5[%parallel_loop3A_386] : memref<13520xf32, #tpu.memory_space<vmem>>[vector<16xi32>], vector<16xf32>,
        %parallel_loop3A_388 = arith.constant 16 : i32
        %parallel_loop3A_389 = arith.muli %parallel_loop3A_140, %parallel_loop3A_388 : i32
        %parallel_loop3A_390 = arith.constant 3 : i32
        %parallel_loop3A_391 = arith.constant 38 : i32
        %parallel_loop3A_392 = arith.index_cast %parallel_loop3A_390 : i32 to index
        %parallel_loop3A_393 = arith.index_cast %parallel_loop3A_391 : i32 to index
        %parallel_loop3A_394 = arith.index_cast %parallel_loop3A_389 : i32 to index
        %parallel_loop3A_395 = tpu.vector_load %arg7[%parallel_loop3A_392, %parallel_loop3A_393, %parallel_loop3A_394] {strides = array<i32>} : memref<4x64x128xf32, #tpu.memory_space<vmem>>, vector<16xf32>,
        tpu.vector_store %arg7[%parallel_loop3A_392, %parallel_loop3A_393, %parallel_loop3A_394], %parallel_loop3A_387 {strides = array<i32>} : memref<4x64x128xf32, #tpu.memory_space<vmem>>, vector<16xf32>,
        %parallel_loop3A_396 = arith.constant 40 : i32
        %parallel_loop3A_397 = vector.broadcast %parallel_loop3A_396 : i32 to vector<16xi32>
        %parallel_loop3A_398 = arith.addi %parallel_loop3A_155, %parallel_loop3A_397 : vector<16xi32>
        %parallel_loop3A_399 = tpu.vector_load_idx %arg5[%parallel_loop3A_398] : memref<13520xf32, #tpu.memory_space<vmem>>[vector<16xi32>], vector<16xf32>,
        %parallel_loop3A_400 = arith.constant 16 : i32
        %parallel_loop3A_401 = arith.muli %parallel_loop3A_140, %parallel_loop3A_400 : i32
        %parallel_loop3A_402 = arith.constant 3 : i32
        %parallel_loop3A_403 = arith.constant 40 : i32
        %parallel_loop3A_404 = arith.index_cast %parallel_loop3A_402 : i32 to index
        %parallel_loop3A_405 = arith.index_cast %parallel_loop3A_403 : i32 to index
        %parallel_loop3A_406 = arith.index_cast %parallel_loop3A_401 : i32 to index
        %parallel_loop3A_407 = tpu.vector_load %arg7[%parallel_loop3A_404, %parallel_loop3A_405, %parallel_loop3A_406] {strides = array<i32>} : memref<4x64x128xf32, #tpu.memory_space<vmem>>, vector<16xf32>,
        tpu.vector_store %arg7[%parallel_loop3A_404, %parallel_loop3A_405, %parallel_loop3A_406], %parallel_loop3A_399 {strides = array<i32>} : memref<4x64x128xf32, #tpu.memory_space<vmem>>, vector<16xf32>,
        %parallel_loop3A_408 = arith.constant 42 : i32
        %parallel_loop3A_409 = vector.broadcast %parallel_loop3A_408 : i32 to vector<16xi32>
        %parallel_loop3A_410 = arith.addi %parallel_loop3A_155, %parallel_loop3A_409 : vector<16xi32>
        %parallel_loop3A_411 = tpu.vector_load_idx %arg5[%parallel_loop3A_410] : memref<13520xf32, #tpu.memory_space<vmem>>[vector<16xi32>], vector<16xf32>,
        %parallel_loop3A_412 = arith.constant 16 : i32
        %parallel_loop3A_413 = arith.muli %parallel_loop3A_140, %parallel_loop3A_412 : i32
        %parallel_loop3A_414 = arith.constant 3 : i32
        %parallel_loop3A_415 = arith.constant 42 : i32
        %parallel_loop3A_416 = arith.index_cast %parallel_loop3A_414 : i32 to index
        %parallel_loop3A_417 = arith.index_cast %parallel_loop3A_415 : i32 to index
        %parallel_loop3A_418 = arith.index_cast %parallel_loop3A_413 : i32 to index
        %parallel_loop3A_419 = tpu.vector_load %arg7[%parallel_loop3A_416, %parallel_loop3A_417, %parallel_loop3A_418] {strides = array<i32>} : memref<4x64x128xf32, #tpu.memory_space<vmem>>, vector<16xf32>,
        tpu.vector_store %arg7[%parallel_loop3A_416, %parallel_loop3A_417, %parallel_loop3A_418], %parallel_loop3A_411 {strides = array<i32>} : memref<4x64x128xf32, #tpu.memory_space<vmem>>, vector<16xf32>,
        %parallel_loop3A_420 = arith.constant 44 : i32
        %parallel_loop3A_421 = vector.broadcast %parallel_loop3A_420 : i32 to vector<16xi32>
        %parallel_loop3A_422 = arith.addi %parallel_loop3A_155, %parallel_loop3A_421 : vector<16xi32>
        %parallel_loop3A_423 = tpu.vector_load_idx %arg5[%parallel_loop3A_422] : memref<13520xf32, #tpu.memory_space<vmem>>[vector<16xi32>], vector<16xf32>,
        %parallel_loop3A_424 = arith.constant 16 : i32
        %parallel_loop3A_425 = arith.muli %parallel_loop3A_140, %parallel_loop3A_424 : i32
        %parallel_loop3A_426 = arith.constant 3 : i32
        %parallel_loop3A_427 = arith.constant 44 : i32
        %parallel_loop3A_428 = arith.index_cast %parallel_loop3A_426 : i32 to index
        %parallel_loop3A_429 = arith.index_cast %parallel_loop3A_427 : i32 to index
        %parallel_loop3A_430 = arith.index_cast %parallel_loop3A_425 : i32 to index
        %parallel_loop3A_431 = tpu.vector_load %arg7[%parallel_loop3A_428, %parallel_loop3A_429, %parallel_loop3A_430] {strides = array<i32>} : memref<4x64x128xf32, #tpu.memory_space<vmem>>, vector<16xf32>,
        tpu.vector_store %arg7[%parallel_loop3A_428, %parallel_loop3A_429, %parallel_loop3A_430], %parallel_loop3A_423 {strides = array<i32>} : memref<4x64x128xf32, #tpu.memory_space<vmem>>, vector<16xf32>,
        %parallel_loop3A_432 = arith.constant 46 : i32
        %parallel_loop3A_433 = vector.broadcast %parallel_loop3A_432 : i32 to vector<16xi32>
        %parallel_loop3A_434 = arith.addi %parallel_loop3A_155, %parallel_loop3A_433 : vector<16xi32>
        %parallel_loop3A_435 = tpu.vector_load_idx %arg5[%parallel_loop3A_434] : memref<13520xf32, #tpu.memory_space<vmem>>[vector<16xi32>], vector<16xf32>,
        %parallel_loop3A_436 = arith.constant 16 : i32
        %parallel_loop3A_437 = arith.muli %parallel_loop3A_140, %parallel_loop3A_436 : i32
        %parallel_loop3A_438 = arith.constant 3 : i32
        %parallel_loop3A_439 = arith.constant 46 : i32
        %parallel_loop3A_440 = arith.index_cast %parallel_loop3A_438 : i32 to index
        %parallel_loop3A_441 = arith.index_cast %parallel_loop3A_439 : i32 to index
        %parallel_loop3A_442 = arith.index_cast %parallel_loop3A_437 : i32 to index
        %parallel_loop3A_443 = tpu.vector_load %arg7[%parallel_loop3A_440, %parallel_loop3A_441, %parallel_loop3A_442] {strides = array<i32>} : memref<4x64x128xf32, #tpu.memory_space<vmem>>, vector<16xf32>,
        tpu.vector_store %arg7[%parallel_loop3A_440, %parallel_loop3A_441, %parallel_loop3A_442], %parallel_loop3A_435 {strides = array<i32>} : memref<4x64x128xf32, #tpu.memory_space<vmem>>, vector<16xf32>,
        %parallel_loop3A_444 = arith.constant 48 : i32
        %parallel_loop3A_445 = vector.broadcast %parallel_loop3A_444 : i32 to vector<16xi32>
        %parallel_loop3A_446 = arith.addi %parallel_loop3A_155, %parallel_loop3A_445 : vector<16xi32>
        %parallel_loop3A_447 = tpu.vector_load_idx %arg5[%parallel_loop3A_446] : memref<13520xf32, #tpu.memory_space<vmem>>[vector<16xi32>], vector<16xf32>,
        %parallel_loop3A_448 = arith.constant 16 : i32
        %parallel_loop3A_449 = arith.muli %parallel_loop3A_140, %parallel_loop3A_448 : i32
        %parallel_loop3A_450 = arith.constant 3 : i32
        %parallel_loop3A_451 = arith.constant 48 : i32
        %parallel_loop3A_452 = arith.index_cast %parallel_loop3A_450 : i32 to index
        %parallel_loop3A_453 = arith.index_cast %parallel_loop3A_451 : i32 to index
        %parallel_loop3A_454 = arith.index_cast %parallel_loop3A_449 : i32 to index
        %parallel_loop3A_455 = tpu.vector_load %arg7[%parallel_loop3A_452, %parallel_loop3A_453, %parallel_loop3A_454] {strides = array<i32>} : memref<4x64x128xf32, #tpu.memory_space<vmem>>, vector<16xf32>,
        tpu.vector_store %arg7[%parallel_loop3A_452, %parallel_loop3A_453, %parallel_loop3A_454], %parallel_loop3A_447 {strides = array<i32>} : memref<4x64x128xf32, #tpu.memory_space<vmem>>, vector<16xf32>,
        %parallel_loop3A_456 = arith.constant 50 : i32
        %parallel_loop3A_457 = vector.broadcast %parallel_loop3A_456 : i32 to vector<16xi32>
        %parallel_loop3A_458 = arith.addi %parallel_loop3A_155, %parallel_loop3A_457 : vector<16xi32>
        %parallel_loop3A_459 = tpu.vector_load_idx %arg5[%parallel_loop3A_458] : memref<13520xf32, #tpu.memory_space<vmem>>[vector<16xi32>], vector<16xf32>,
        %parallel_loop3A_460 = arith.constant 16 : i32
        %parallel_loop3A_461 = arith.muli %parallel_loop3A_140, %parallel_loop3A_460 : i32
        %parallel_loop3A_462 = arith.constant 3 : i32
        %parallel_loop3A_463 = arith.constant 50 : i32
        %parallel_loop3A_464 = arith.index_cast %parallel_loop3A_462 : i32 to index
        %parallel_loop3A_465 = arith.index_cast %parallel_loop3A_463 : i32 to index
        %parallel_loop3A_466 = arith.index_cast %parallel_loop3A_461 : i32 to index
        %parallel_loop3A_467 = tpu.vector_load %arg7[%parallel_loop3A_464, %parallel_loop3A_465, %parallel_loop3A_466] {strides = array<i32>} : memref<4x64x128xf32, #tpu.memory_space<vmem>>, vector<16xf32>,
        tpu.vector_store %arg7[%parallel_loop3A_464, %parallel_loop3A_465, %parallel_loop3A_466], %parallel_loop3A_459 {strides = array<i32>} : memref<4x64x128xf32, #tpu.memory_space<vmem>>, vector<16xf32>,
        %parallel_loop3A_468 = arith.constant 52 : i32
        %parallel_loop3A_469 = vector.broadcast %parallel_loop3A_468 : i32 to vector<16xi32>
        %parallel_loop3A_470 = arith.addi %parallel_loop3A_155, %parallel_loop3A_469 : vector<16xi32>
        %parallel_loop3A_471 = tpu.vector_load_idx %arg5[%parallel_loop3A_470] : memref<13520xf32, #tpu.memory_space<vmem>>[vector<16xi32>], vector<16xf32>,
        %parallel_loop3A_472 = arith.constant 16 : i32
        %parallel_loop3A_473 = arith.muli %parallel_loop3A_140, %parallel_loop3A_472 : i32
        %parallel_loop3A_474 = arith.constant 3 : i32
        %parallel_loop3A_475 = arith.constant 52 : i32
        %parallel_loop3A_476 = arith.index_cast %parallel_loop3A_474 : i32 to index
        %parallel_loop3A_477 = arith.index_cast %parallel_loop3A_475 : i32 to index
        %parallel_loop3A_478 = arith.index_cast %parallel_loop3A_473 : i32 to index
        %parallel_loop3A_479 = tpu.vector_load %arg7[%parallel_loop3A_476, %parallel_loop3A_477, %parallel_loop3A_478] {strides = array<i32>} : memref<4x64x128xf32, #tpu.memory_space<vmem>>, vector<16xf32>,
        tpu.vector_store %arg7[%parallel_loop3A_476, %parallel_loop3A_477, %parallel_loop3A_478], %parallel_loop3A_471 {strides = array<i32>} : memref<4x64x128xf32, #tpu.memory_space<vmem>>, vector<16xf32>,
        %parallel_loop3A_480 = arith.constant 54 : i32
        %parallel_loop3A_481 = vector.broadcast %parallel_loop3A_480 : i32 to vector<16xi32>
        %parallel_loop3A_482 = arith.addi %parallel_loop3A_155, %parallel_loop3A_481 : vector<16xi32>
        %parallel_loop3A_483 = tpu.vector_load_idx %arg5[%parallel_loop3A_482] : memref<13520xf32, #tpu.memory_space<vmem>>[vector<16xi32>], vector<16xf32>,
        %parallel_loop3A_484 = arith.constant 16 : i32
        %parallel_loop3A_485 = arith.muli %parallel_loop3A_140, %parallel_loop3A_484 : i32
        %parallel_loop3A_486 = arith.constant 3 : i32
        %parallel_loop3A_487 = arith.constant 54 : i32
        %parallel_loop3A_488 = arith.index_cast %parallel_loop3A_486 : i32 to index
        %parallel_loop3A_489 = arith.index_cast %parallel_loop3A_487 : i32 to index
        %parallel_loop3A_490 = arith.index_cast %parallel_loop3A_485 : i32 to index
        %parallel_loop3A_491 = tpu.vector_load %arg7[%parallel_loop3A_488, %parallel_loop3A_489, %parallel_loop3A_490] {strides = array<i32>} : memref<4x64x128xf32, #tpu.memory_space<vmem>>, vector<16xf32>,
        tpu.vector_store %arg7[%parallel_loop3A_488, %parallel_loop3A_489, %parallel_loop3A_490], %parallel_loop3A_483 {strides = array<i32>} : memref<4x64x128xf32, #tpu.memory_space<vmem>>, vector<16xf32>,
        %parallel_loop3A_492 = arith.constant 56 : i32
        %parallel_loop3A_493 = vector.broadcast %parallel_loop3A_492 : i32 to vector<16xi32>
        %parallel_loop3A_494 = arith.addi %parallel_loop3A_155, %parallel_loop3A_493 : vector<16xi32>
        %parallel_loop3A_495 = tpu.vector_load_idx %arg5[%parallel_loop3A_494] : memref<13520xf32, #tpu.memory_space<vmem>>[vector<16xi32>], vector<16xf32>,
        %parallel_loop3A_496 = arith.constant 16 : i32
        %parallel_loop3A_497 = arith.muli %parallel_loop3A_140, %parallel_loop3A_496 : i32
        %parallel_loop3A_498 = arith.constant 3 : i32
        %parallel_loop3A_499 = arith.constant 56 : i32
        %parallel_loop3A_500 = arith.index_cast %parallel_loop3A_498 : i32 to index
        %parallel_loop3A_501 = arith.index_cast %parallel_loop3A_499 : i32 to index
        %parallel_loop3A_502 = arith.index_cast %parallel_loop3A_497 : i32 to index
        %parallel_loop3A_503 = tpu.vector_load %arg7[%parallel_loop3A_500, %parallel_loop3A_501, %parallel_loop3A_502] {strides = array<i32>} : memref<4x64x128xf32, #tpu.memory_space<vmem>>, vector<16xf32>,
        tpu.vector_store %arg7[%parallel_loop3A_500, %parallel_loop3A_501, %parallel_loop3A_502], %parallel_loop3A_495 {strides = array<i32>} : memref<4x64x128xf32, #tpu.memory_space<vmem>>, vector<16xf32>,
        %parallel_loop3A_504 = arith.constant 58 : i32
        %parallel_loop3A_505 = vector.broadcast %parallel_loop3A_504 : i32 to vector<16xi32>
        %parallel_loop3A_506 = arith.addi %parallel_loop3A_155, %parallel_loop3A_505 : vector<16xi32>
        %parallel_loop3A_507 = tpu.vector_load_idx %arg5[%parallel_loop3A_506] : memref<13520xf32, #tpu.memory_space<vmem>>[vector<16xi32>], vector<16xf32>,
        %parallel_loop3A_508 = arith.constant 16 : i32
        %parallel_loop3A_509 = arith.muli %parallel_loop3A_140, %parallel_loop3A_508 : i32
        %parallel_loop3A_510 = arith.constant 3 : i32
        %parallel_loop3A_511 = arith.constant 58 : i32
        %parallel_loop3A_512 = arith.index_cast %parallel_loop3A_510 : i32 to index
        %parallel_loop3A_513 = arith.index_cast %parallel_loop3A_511 : i32 to index
        %parallel_loop3A_514 = arith.index_cast %parallel_loop3A_509 : i32 to index
        %parallel_loop3A_515 = tpu.vector_load %arg7[%parallel_loop3A_512, %parallel_loop3A_513, %parallel_loop3A_514] {strides = array<i32>} : memref<4x64x128xf32, #tpu.memory_space<vmem>>, vector<16xf32>,
        tpu.vector_store %arg7[%parallel_loop3A_512, %parallel_loop3A_513, %parallel_loop3A_514], %parallel_loop3A_507 {strides = array<i32>} : memref<4x64x128xf32, #tpu.memory_space<vmem>>, vector<16xf32>,
        %parallel_loop3A_516 = arith.constant 60 : i32
        %parallel_loop3A_517 = vector.broadcast %parallel_loop3A_516 : i32 to vector<16xi32>
        %parallel_loop3A_518 = arith.addi %parallel_loop3A_155, %parallel_loop3A_517 : vector<16xi32>
        %parallel_loop3A_519 = tpu.vector_load_idx %arg5[%parallel_loop3A_518] : memref<13520xf32, #tpu.memory_space<vmem>>[vector<16xi32>], vector<16xf32>,
        %parallel_loop3A_520 = arith.constant 16 : i32
        %parallel_loop3A_521 = arith.muli %parallel_loop3A_140, %parallel_loop3A_520 : i32
        %parallel_loop3A_522 = arith.constant 3 : i32
        %parallel_loop3A_523 = arith.constant 60 : i32
        %parallel_loop3A_524 = arith.index_cast %parallel_loop3A_522 : i32 to index
        %parallel_loop3A_525 = arith.index_cast %parallel_loop3A_523 : i32 to index
        %parallel_loop3A_526 = arith.index_cast %parallel_loop3A_521 : i32 to index
        %parallel_loop3A_527 = tpu.vector_load %arg7[%parallel_loop3A_524, %parallel_loop3A_525, %parallel_loop3A_526] {strides = array<i32>} : memref<4x64x128xf32, #tpu.memory_space<vmem>>, vector<16xf32>,
        tpu.vector_store %arg7[%parallel_loop3A_524, %parallel_loop3A_525, %parallel_loop3A_526], %parallel_loop3A_519 {strides = array<i32>} : memref<4x64x128xf32, #tpu.memory_space<vmem>>, vector<16xf32>,
        %parallel_loop3A_528 = arith.constant 62 : i32
        %parallel_loop3A_529 = vector.broadcast %parallel_loop3A_528 : i32 to vector<16xi32>
        %parallel_loop3A_530 = arith.addi %parallel_loop3A_155, %parallel_loop3A_529 : vector<16xi32>
        %parallel_loop3A_531 = tpu.vector_load_idx %arg5[%parallel_loop3A_530] : memref<13520xf32, #tpu.memory_space<vmem>>[vector<16xi32>], vector<16xf32>,
        %parallel_loop3A_532 = arith.constant 16 : i32
        %parallel_loop3A_533 = arith.muli %parallel_loop3A_140, %parallel_loop3A_532 : i32
        %parallel_loop3A_534 = arith.constant 3 : i32
        %parallel_loop3A_535 = arith.constant 62 : i32
        %parallel_loop3A_536 = arith.index_cast %parallel_loop3A_534 : i32 to index
        %parallel_loop3A_537 = arith.index_cast %parallel_loop3A_535 : i32 to index
        %parallel_loop3A_538 = arith.index_cast %parallel_loop3A_533 : i32 to index
        %parallel_loop3A_539 = tpu.vector_load %arg7[%parallel_loop3A_536, %parallel_loop3A_537, %parallel_loop3A_538] {strides = array<i32>} : memref<4x64x128xf32, #tpu.memory_space<vmem>>, vector<16xf32>,
        tpu.vector_store %arg7[%parallel_loop3A_536, %parallel_loop3A_537, %parallel_loop3A_538], %parallel_loop3A_531 {strides = array<i32>} : memref<4x64x128xf32, #tpu.memory_space<vmem>>, vector<16xf32>,
      } {sc.loop_unroll_factor = 4 : i64, sc.parallel_access}
      %mul3A_72 = arith.constant 4 : i32
      %mul3A_73 = arith.muli %add3A_25, %mul3A_72 : i32
      %dma_start3A = arith.constant 0 : i32
      %dma_start3A_74 = tpu.memref_slice %arg4[%mul3A_73, %dma_start3A, %mul3A_2] : memref<200x64x4096xf32, #tpu.memory_space<hbm>> -> memref<4x64x128xf32, #tpu.memory_space<hbm>>
      %dma_start3A_75 = arith.constant 0 : i32
      %dma_start3A_76 = tpu.memref_slice %arg4[%mul3A_73, %dma_start3A_75, %mul3A_2] : memref<200x64x4096xf32, #tpu.memory_space<hbm>> -> memref<4x64x128xf32, #tpu.memory_space<hbm>>
      tpu.enqueue_dma source(%arg7 : memref<4x64x128xf32, #tpu.memory_space<vmem>>) target(%dma_start3A_76 : memref<4x64x128xf32, #tpu.memory_space<hbm>>) target_semaphore(%arg9 : memref<!tpu.dma_semaphore, #tpu.memory_space<semaphore_mem>>)
      %mul3A_77 = arith.constant 2 : i32
      %mul3A_78 = arith.muli %mul3A_77, %scan3A_21 : i32
      %add3A_79 = arith.constant 1 : i32
      %add3A_80 = arith.addi %mul3A_78, %add3A_79 : i32
      %gt3A_81 = arith.constant 0 : i32
      %gt3A_82 = arith.cmpi sgt, %scan3A_21, %gt3A_81 : i32
      %convert_element_type3A_83 = arith.extui %gt3A_82 : i1 to i32
      %cond3A_84 = arith.constant 0 : i32
      %cond3A_85 = arith.cmpi ne, %convert_element_type3A_83, %cond3A_84 : i32
      scf.if %cond3A_85 {
        %dma_wait3A_140 = arith.constant 0 : i32
        %dma_wait3A_141 = arith.constant 0 : i32
        %dma_wait3A_142 = tpu.memref_slice %arg4[%dma_wait3A_140, %dma_wait3A_141, %mul3A_2] : memref<200x64x4096xf32, #tpu.memory_space<hbm>> -> memref<4x64x128xf32, #tpu.memory_space<hbm>>
        %dma_wait3A_143 = arith.constant 0 : i32
        %dma_wait3A_144 = arith.constant 0 : i32
        %dma_wait3A_145 = tpu.memref_slice %arg4[%dma_wait3A_143, %dma_wait3A_144, %mul3A_2] : memref<200x64x4096xf32, #tpu.memory_space<hbm>> -> memref<4x64x128xf32, #tpu.memory_space<hbm>>
        tpu.wait_dma2 semaphore(%arg10 : memref<!tpu.dma_semaphore, #tpu.memory_space<semaphore_mem>>) src(%arg8 : memref<4x64x128xf32, #tpu.memory_space<vmem>>) dst(%dma_wait3A_145 : memref<4x64x128xf32, #tpu.memory_space<hbm>>)
      } else {
      }
      %mul3A_86 = arith.constant 4 : i32
      %mul3A_87 = arith.muli %add3A_80, %mul3A_86 : i32
      %add3A_88 = arith.constant 0 : i32
      %add3A_89 = arith.addi %mul3A_87, %add3A_88 : i32
      %eq3A_90 = arith.constant 0 : i32
      %eq3A_91 = arith.cmpi eq, %add3A_89, %eq3A_90 : i32
      %jit3A_92 = arith.constant 6630 : i32
      %jit3A_93 = arith.constant 0 : i32
      %select_n3A_94 = arith.select %eq3A_91, %jit3A_92, %jit3A_93 : i32
      %parallel_loop3A_95 = arith.constant 0 : i32
      %parallel_loop3A_96 = arith.constant 8 : i32
      %parallel_loop3A_97 = arith.constant 1 : i32
      scf.for %parallel_loop3A_140 = %parallel_loop3A_95 to %parallel_loop3A_96 step %parallel_loop3A_97  : i32 {
        %parallel_loop3A_141 = arith.constant 16 : i32
        %parallel_loop3A_142 = arith.muli %parallel_loop3A_140, %parallel_loop3A_141 : i32
        %parallel_loop3A_143 = vector.broadcast %parallel_loop3A_142 : i32 to vector<16xi32>
        %parallel_loop3A_144 = arith.addi %parallel_loop3A_143, %iota3A : vector<16xi32>
        %parallel_loop3A_145 = arith.constant 200 : i32
        %parallel_loop3A_146 = vector.broadcast %parallel_loop3A_145 : i32 to vector<16xi32>
        %parallel_loop3A_147 = arith.muli %parallel_loop3A_144, %parallel_loop3A_146 : vector<16xi32>
        %parallel_loop3A_148 = vector.broadcast %add3A_89 : i32 to vector<16xi32>
        %parallel_loop3A_149 = arith.addi %parallel_loop3A_147, %parallel_loop3A_148 : vector<16xi32>
        %parallel_loop3A_150 = tpu.vector_load_idx %arg6[%parallel_loop3A_149] : memref<25600xi32, #tpu.memory_space<vmem>>[vector<16xi32>], vector<16xi32>,
        %parallel_loop3A_151 = arith.constant 65 : i32
        %parallel_loop3A_152 = vector.broadcast %parallel_loop3A_151 : i32 to vector<16xi32>
        %parallel_loop3A_153 = arith.muli %parallel_loop3A_150, %parallel_loop3A_152 : vector<16xi32>
        %parallel_loop3A_154 = vector.broadcast %select_n3A_94 : i32 to vector<16xi32>
        %parallel_loop3A_155 = arith.addi %parallel_loop3A_153, %parallel_loop3A_154 : vector<16xi32>
        %parallel_loop3A_156 = arith.constant 0 : i32
        %parallel_loop3A_157 = vector.broadcast %parallel_loop3A_156 : i32 to vector<16xi32>
        %parallel_loop3A_158 = arith.addi %parallel_loop3A_155, %parallel_loop3A_157 : vector<16xi32>
        %parallel_loop3A_159 = tpu.vector_load_idx %arg5[%parallel_loop3A_158] : memref<13520xf32, #tpu.memory_space<vmem>>[vector<16xi32>], vector<16xf32>,
        %parallel_loop3A_160 = arith.constant 16 : i32
        %parallel_loop3A_161 = arith.muli %parallel_loop3A_140, %parallel_loop3A_160 : i32
        %parallel_loop3A_162 = arith.constant 0 : i32
        %parallel_loop3A_163 = arith.constant 0 : i32
        %parallel_loop3A_164 = arith.index_cast %parallel_loop3A_162 : i32 to index
        %parallel_loop3A_165 = arith.index_cast %parallel_loop3A_163 : i32 to index
        %parallel_loop3A_166 = arith.index_cast %parallel_loop3A_161 : i32 to index
        %parallel_loop3A_167 = tpu.vector_load %arg8[%parallel_loop3A_164, %parallel_loop3A_165, %parallel_loop3A_166] {strides = array<i32>} : memref<4x64x128xf32, #tpu.memory_space<vmem>>, vector<16xf32>,
        tpu.vector_store %arg8[%parallel_loop3A_164, %parallel_loop3A_165, %parallel_loop3A_166], %parallel_loop3A_159 {strides = array<i32>} : memref<4x64x128xf32, #tpu.memory_space<vmem>>, vector<16xf32>,
        %parallel_loop3A_168 = arith.constant 2 : i32
        %parallel_loop3A_169 = vector.broadcast %parallel_loop3A_168 : i32 to vector<16xi32>
        %parallel_loop3A_170 = arith.addi %parallel_loop3A_155, %parallel_loop3A_169 : vector<16xi32>
        %parallel_loop3A_171 = tpu.vector_load_idx %arg5[%parallel_loop3A_170] : memref<13520xf32, #tpu.memory_space<vmem>>[vector<16xi32>], vector<16xf32>,
        %parallel_loop3A_172 = arith.constant 16 : i32
        %parallel_loop3A_173 = arith.muli %parallel_loop3A_140, %parallel_loop3A_172 : i32
        %parallel_loop3A_174 = arith.constant 0 : i32
        %parallel_loop3A_175 = arith.constant 2 : i32
        %parallel_loop3A_176 = arith.index_cast %parallel_loop3A_174 : i32 to index
        %parallel_loop3A_177 = arith.index_cast %parallel_loop3A_175 : i32 to index
        %parallel_loop3A_178 = arith.index_cast %parallel_loop3A_173 : i32 to index
        %parallel_loop3A_179 = tpu.vector_load %arg8[%parallel_loop3A_176, %parallel_loop3A_177, %parallel_loop3A_178] {strides = array<i32>} : memref<4x64x128xf32, #tpu.memory_space<vmem>>, vector<16xf32>,
        tpu.vector_store %arg8[%parallel_loop3A_176, %parallel_loop3A_177, %parallel_loop3A_178], %parallel_loop3A_171 {strides = array<i32>} : memref<4x64x128xf32, #tpu.memory_space<vmem>>, vector<16xf32>,
        %parallel_loop3A_180 = arith.constant 4 : i32
        %parallel_loop3A_181 = vector.broadcast %parallel_loop3A_180 : i32 to vector<16xi32>
        %parallel_loop3A_182 = arith.addi %parallel_loop3A_155, %parallel_loop3A_181 : vector<16xi32>
        %parallel_loop3A_183 = tpu.vector_load_idx %arg5[%parallel_loop3A_182] : memref<13520xf32, #tpu.memory_space<vmem>>[vector<16xi32>], vector<16xf32>,
        %parallel_loop3A_184 = arith.constant 16 : i32
        %parallel_loop3A_185 = arith.muli %parallel_loop3A_140, %parallel_loop3A_184 : i32
        %parallel_loop3A_186 = arith.constant 0 : i32
        %parallel_loop3A_187 = arith.constant 4 : i32
        %parallel_loop3A_188 = arith.index_cast %parallel_loop3A_186 : i32 to index
        %parallel_loop3A_189 = arith.index_cast %parallel_loop3A_187 : i32 to index
        %parallel_loop3A_190 = arith.index_cast %parallel_loop3A_185 : i32 to index
        %parallel_loop3A_191 = tpu.vector_load %arg8[%parallel_loop3A_188, %parallel_loop3A_189, %parallel_loop3A_190] {strides = array<i32>} : memref<4x64x128xf32, #tpu.memory_space<vmem>>, vector<16xf32>,
        tpu.vector_store %arg8[%parallel_loop3A_188, %parallel_loop3A_189, %parallel_loop3A_190], %parallel_loop3A_183 {strides = array<i32>} : memref<4x64x128xf32, #tpu.memory_space<vmem>>, vector<16xf32>,
        %parallel_loop3A_192 = arith.constant 6 : i32
        %parallel_loop3A_193 = vector.broadcast %parallel_loop3A_192 : i32 to vector<16xi32>
        %parallel_loop3A_194 = arith.addi %parallel_loop3A_155, %parallel_loop3A_193 : vector<16xi32>
        %parallel_loop3A_195 = tpu.vector_load_idx %arg5[%parallel_loop3A_194] : memref<13520xf32, #tpu.memory_space<vmem>>[vector<16xi32>], vector<16xf32>,
        %parallel_loop3A_196 = arith.constant 16 : i32
        %parallel_loop3A_197 = arith.muli %parallel_loop3A_140, %parallel_loop3A_196 : i32
        %parallel_loop3A_198 = arith.constant 0 : i32
        %parallel_loop3A_199 = arith.constant 6 : i32
        %parallel_loop3A_200 = arith.index_cast %parallel_loop3A_198 : i32 to index
        %parallel_loop3A_201 = arith.index_cast %parallel_loop3A_199 : i32 to index
        %parallel_loop3A_202 = arith.index_cast %parallel_loop3A_197 : i32 to index
        %parallel_loop3A_203 = tpu.vector_load %arg8[%parallel_loop3A_200, %parallel_loop3A_201, %parallel_loop3A_202] {strides = array<i32>} : memref<4x64x128xf32, #tpu.memory_space<vmem>>, vector<16xf32>,
        tpu.vector_store %arg8[%parallel_loop3A_200, %parallel_loop3A_201, %parallel_loop3A_202], %parallel_loop3A_195 {strides = array<i32>} : memref<4x64x128xf32, #tpu.memory_space<vmem>>, vector<16xf32>,
        %parallel_loop3A_204 = arith.constant 8 : i32
        %parallel_loop3A_205 = vector.broadcast %parallel_loop3A_204 : i32 to vector<16xi32>
        %parallel_loop3A_206 = arith.addi %parallel_loop3A_155, %parallel_loop3A_205 : vector<16xi32>
        %parallel_loop3A_207 = tpu.vector_load_idx %arg5[%parallel_loop3A_206] : memref<13520xf32, #tpu.memory_space<vmem>>[vector<16xi32>], vector<16xf32>,
        %parallel_loop3A_208 = arith.constant 16 : i32
        %parallel_loop3A_209 = arith.muli %parallel_loop3A_140, %parallel_loop3A_208 : i32
        %parallel_loop3A_210 = arith.constant 0 : i32
        %parallel_loop3A_211 = arith.constant 8 : i32
        %parallel_loop3A_212 = arith.index_cast %parallel_loop3A_210 : i32 to index
        %parallel_loop3A_213 = arith.index_cast %parallel_loop3A_211 : i32 to index
        %parallel_loop3A_214 = arith.index_cast %parallel_loop3A_209 : i32 to index
        %parallel_loop3A_215 = tpu.vector_load %arg8[%parallel_loop3A_212, %parallel_loop3A_213, %parallel_loop3A_214] {strides = array<i32>} : memref<4x64x128xf32, #tpu.memory_space<vmem>>, vector<16xf32>,
        tpu.vector_store %arg8[%parallel_loop3A_212, %parallel_loop3A_213, %parallel_loop3A_214], %parallel_loop3A_207 {strides = array<i32>} : memref<4x64x128xf32, #tpu.memory_space<vmem>>, vector<16xf32>,
        %parallel_loop3A_216 = arith.constant 10 : i32
        %parallel_loop3A_217 = vector.broadcast %parallel_loop3A_216 : i32 to vector<16xi32>
        %parallel_loop3A_218 = arith.addi %parallel_loop3A_155, %parallel_loop3A_217 : vector<16xi32>
        %parallel_loop3A_219 = tpu.vector_load_idx %arg5[%parallel_loop3A_218] : memref<13520xf32, #tpu.memory_space<vmem>>[vector<16xi32>], vector<16xf32>,
        %parallel_loop3A_220 = arith.constant 16 : i32
        %parallel_loop3A_221 = arith.muli %parallel_loop3A_140, %parallel_loop3A_220 : i32
        %parallel_loop3A_222 = arith.constant 0 : i32
        %parallel_loop3A_223 = arith.constant 10 : i32
        %parallel_loop3A_224 = arith.index_cast %parallel_loop3A_222 : i32 to index
        %parallel_loop3A_225 = arith.index_cast %parallel_loop3A_223 : i32 to index
        %parallel_loop3A_226 = arith.index_cast %parallel_loop3A_221 : i32 to index
        %parallel_loop3A_227 = tpu.vector_load %arg8[%parallel_loop3A_224, %parallel_loop3A_225, %parallel_loop3A_226] {strides = array<i32>} : memref<4x64x128xf32, #tpu.memory_space<vmem>>, vector<16xf32>,
        tpu.vector_store %arg8[%parallel_loop3A_224, %parallel_loop3A_225, %parallel_loop3A_226], %parallel_loop3A_219 {strides = array<i32>} : memref<4x64x128xf32, #tpu.memory_space<vmem>>, vector<16xf32>,
        %parallel_loop3A_228 = arith.constant 12 : i32
        %parallel_loop3A_229 = vector.broadcast %parallel_loop3A_228 : i32 to vector<16xi32>
        %parallel_loop3A_230 = arith.addi %parallel_loop3A_155, %parallel_loop3A_229 : vector<16xi32>
        %parallel_loop3A_231 = tpu.vector_load_idx %arg5[%parallel_loop3A_230] : memref<13520xf32, #tpu.memory_space<vmem>>[vector<16xi32>], vector<16xf32>,
        %parallel_loop3A_232 = arith.constant 16 : i32
        %parallel_loop3A_233 = arith.muli %parallel_loop3A_140, %parallel_loop3A_232 : i32
        %parallel_loop3A_234 = arith.constant 0 : i32
        %parallel_loop3A_235 = arith.constant 12 : i32
        %parallel_loop3A_236 = arith.index_cast %parallel_loop3A_234 : i32 to index
        %parallel_loop3A_237 = arith.index_cast %parallel_loop3A_235 : i32 to index
        %parallel_loop3A_238 = arith.index_cast %parallel_loop3A_233 : i32 to index
        %parallel_loop3A_239 = tpu.vector_load %arg8[%parallel_loop3A_236, %parallel_loop3A_237, %parallel_loop3A_238] {strides = array<i32>} : memref<4x64x128xf32, #tpu.memory_space<vmem>>, vector<16xf32>,
        tpu.vector_store %arg8[%parallel_loop3A_236, %parallel_loop3A_237, %parallel_loop3A_238], %parallel_loop3A_231 {strides = array<i32>} : memref<4x64x128xf32, #tpu.memory_space<vmem>>, vector<16xf32>,
        %parallel_loop3A_240 = arith.constant 14 : i32
        %parallel_loop3A_241 = vector.broadcast %parallel_loop3A_240 : i32 to vector<16xi32>
        %parallel_loop3A_242 = arith.addi %parallel_loop3A_155, %parallel_loop3A_241 : vector<16xi32>
        %parallel_loop3A_243 = tpu.vector_load_idx %arg5[%parallel_loop3A_242] : memref<13520xf32, #tpu.memory_space<vmem>>[vector<16xi32>], vector<16xf32>,
        %parallel_loop3A_244 = arith.constant 16 : i32
        %parallel_loop3A_245 = arith.muli %parallel_loop3A_140, %parallel_loop3A_244 : i32
        %parallel_loop3A_246 = arith.constant 0 : i32
        %parallel_loop3A_247 = arith.constant 14 : i32
        %parallel_loop3A_248 = arith.index_cast %parallel_loop3A_246 : i32 to index
        %parallel_loop3A_249 = arith.index_cast %parallel_loop3A_247 : i32 to index
        %parallel_loop3A_250 = arith.index_cast %parallel_loop3A_245 : i32 to index
        %parallel_loop3A_251 = tpu.vector_load %arg8[%parallel_loop3A_248, %parallel_loop3A_249, %parallel_loop3A_250] {strides = array<i32>} : memref<4x64x128xf32, #tpu.memory_space<vmem>>, vector<16xf32>,
        tpu.vector_store %arg8[%parallel_loop3A_248, %parallel_loop3A_249, %parallel_loop3A_250], %parallel_loop3A_243 {strides = array<i32>} : memref<4x64x128xf32, #tpu.memory_space<vmem>>, vector<16xf32>,
        %parallel_loop3A_252 = arith.constant 16 : i32
        %parallel_loop3A_253 = vector.broadcast %parallel_loop3A_252 : i32 to vector<16xi32>
        %parallel_loop3A_254 = arith.addi %parallel_loop3A_155, %parallel_loop3A_253 : vector<16xi32>
        %parallel_loop3A_255 = tpu.vector_load_idx %arg5[%parallel_loop3A_254] : memref<13520xf32, #tpu.memory_space<vmem>>[vector<16xi32>], vector<16xf32>,
        %parallel_loop3A_256 = arith.constant 16 : i32
        %parallel_loop3A_257 = arith.muli %parallel_loop3A_140, %parallel_loop3A_256 : i32
        %parallel_loop3A_258 = arith.constant 0 : i32
        %parallel_loop3A_259 = arith.constant 16 : i32
        %parallel_loop3A_260 = arith.index_cast %parallel_loop3A_258 : i32 to index
        %parallel_loop3A_261 = arith.index_cast %parallel_loop3A_259 : i32 to index
        %parallel_loop3A_262 = arith.index_cast %parallel_loop3A_257 : i32 to index
        %parallel_loop3A_263 = tpu.vector_load %arg8[%parallel_loop3A_260, %parallel_loop3A_261, %parallel_loop3A_262] {strides = array<i32>} : memref<4x64x128xf32, #tpu.memory_space<vmem>>, vector<16xf32>,
        tpu.vector_store %arg8[%parallel_loop3A_260, %parallel_loop3A_261, %parallel_loop3A_262], %parallel_loop3A_255 {strides = array<i32>} : memref<4x64x128xf32, #tpu.memory_space<vmem>>, vector<16xf32>,
        %parallel_loop3A_264 = arith.constant 18 : i32
        %parallel_loop3A_265 = vector.broadcast %parallel_loop3A_264 : i32 to vector<16xi32>
        %parallel_loop3A_266 = arith.addi %parallel_loop3A_155, %parallel_loop3A_265 : vector<16xi32>
        %parallel_loop3A_267 = tpu.vector_load_idx %arg5[%parallel_loop3A_266] : memref<13520xf32, #tpu.memory_space<vmem>>[vector<16xi32>], vector<16xf32>,
        %parallel_loop3A_268 = arith.constant 16 : i32
        %parallel_loop3A_269 = arith.muli %parallel_loop3A_140, %parallel_loop3A_268 : i32
        %parallel_loop3A_270 = arith.constant 0 : i32
        %parallel_loop3A_271 = arith.constant 18 : i32
        %parallel_loop3A_272 = arith.index_cast %parallel_loop3A_270 : i32 to index
        %parallel_loop3A_273 = arith.index_cast %parallel_loop3A_271 : i32 to index
        %parallel_loop3A_274 = arith.index_cast %parallel_loop3A_269 : i32 to index
        %parallel_loop3A_275 = tpu.vector_load %arg8[%parallel_loop3A_272, %parallel_loop3A_273, %parallel_loop3A_274] {strides = array<i32>} : memref<4x64x128xf32, #tpu.memory_space<vmem>>, vector<16xf32>,
        tpu.vector_store %arg8[%parallel_loop3A_272, %parallel_loop3A_273, %parallel_loop3A_274], %parallel_loop3A_267 {strides = array<i32>} : memref<4x64x128xf32, #tpu.memory_space<vmem>>, vector<16xf32>,
        %parallel_loop3A_276 = arith.constant 20 : i32
        %parallel_loop3A_277 = vector.broadcast %parallel_loop3A_276 : i32 to vector<16xi32>
        %parallel_loop3A_278 = arith.addi %parallel_loop3A_155, %parallel_loop3A_277 : vector<16xi32>
        %parallel_loop3A_279 = tpu.vector_load_idx %arg5[%parallel_loop3A_278] : memref<13520xf32, #tpu.memory_space<vmem>>[vector<16xi32>], vector<16xf32>,
        %parallel_loop3A_280 = arith.constant 16 : i32
        %parallel_loop3A_281 = arith.muli %parallel_loop3A_140, %parallel_loop3A_280 : i32
        %parallel_loop3A_282 = arith.constant 0 : i32
        %parallel_loop3A_283 = arith.constant 20 : i32
        %parallel_loop3A_284 = arith.index_cast %parallel_loop3A_282 : i32 to index
        %parallel_loop3A_285 = arith.index_cast %parallel_loop3A_283 : i32 to index
        %parallel_loop3A_286 = arith.index_cast %parallel_loop3A_281 : i32 to index
        %parallel_loop3A_287 = tpu.vector_load %arg8[%parallel_loop3A_284, %parallel_loop3A_285, %parallel_loop3A_286] {strides = array<i32>} : memref<4x64x128xf32, #tpu.memory_space<vmem>>, vector<16xf32>,
        tpu.vector_store %arg8[%parallel_loop3A_284, %parallel_loop3A_285, %parallel_loop3A_286], %parallel_loop3A_279 {strides = array<i32>} : memref<4x64x128xf32, #tpu.memory_space<vmem>>, vector<16xf32>,
        %parallel_loop3A_288 = arith.constant 22 : i32
        %parallel_loop3A_289 = vector.broadcast %parallel_loop3A_288 : i32 to vector<16xi32>
        %parallel_loop3A_290 = arith.addi %parallel_loop3A_155, %parallel_loop3A_289 : vector<16xi32>
        %parallel_loop3A_291 = tpu.vector_load_idx %arg5[%parallel_loop3A_290] : memref<13520xf32, #tpu.memory_space<vmem>>[vector<16xi32>], vector<16xf32>,
        %parallel_loop3A_292 = arith.constant 16 : i32
        %parallel_loop3A_293 = arith.muli %parallel_loop3A_140, %parallel_loop3A_292 : i32
        %parallel_loop3A_294 = arith.constant 0 : i32
        %parallel_loop3A_295 = arith.constant 22 : i32
        %parallel_loop3A_296 = arith.index_cast %parallel_loop3A_294 : i32 to index
        %parallel_loop3A_297 = arith.index_cast %parallel_loop3A_295 : i32 to index
        %parallel_loop3A_298 = arith.index_cast %parallel_loop3A_293 : i32 to index
        %parallel_loop3A_299 = tpu.vector_load %arg8[%parallel_loop3A_296, %parallel_loop3A_297, %parallel_loop3A_298] {strides = array<i32>} : memref<4x64x128xf32, #tpu.memory_space<vmem>>, vector<16xf32>,
        tpu.vector_store %arg8[%parallel_loop3A_296, %parallel_loop3A_297, %parallel_loop3A_298], %parallel_loop3A_291 {strides = array<i32>} : memref<4x64x128xf32, #tpu.memory_space<vmem>>, vector<16xf32>,
        %parallel_loop3A_300 = arith.constant 24 : i32
        %parallel_loop3A_301 = vector.broadcast %parallel_loop3A_300 : i32 to vector<16xi32>
        %parallel_loop3A_302 = arith.addi %parallel_loop3A_155, %parallel_loop3A_301 : vector<16xi32>
        %parallel_loop3A_303 = tpu.vector_load_idx %arg5[%parallel_loop3A_302] : memref<13520xf32, #tpu.memory_space<vmem>>[vector<16xi32>], vector<16xf32>,
        %parallel_loop3A_304 = arith.constant 16 : i32
        %parallel_loop3A_305 = arith.muli %parallel_loop3A_140, %parallel_loop3A_304 : i32
        %parallel_loop3A_306 = arith.constant 0 : i32
        %parallel_loop3A_307 = arith.constant 24 : i32
        %parallel_loop3A_308 = arith.index_cast %parallel_loop3A_306 : i32 to index
        %parallel_loop3A_309 = arith.index_cast %parallel_loop3A_307 : i32 to index
        %parallel_loop3A_310 = arith.index_cast %parallel_loop3A_305 : i32 to index
        %parallel_loop3A_311 = tpu.vector_load %arg8[%parallel_loop3A_308, %parallel_loop3A_309, %parallel_loop3A_310] {strides = array<i32>} : memref<4x64x128xf32, #tpu.memory_space<vmem>>, vector<16xf32>,
        tpu.vector_store %arg8[%parallel_loop3A_308, %parallel_loop3A_309, %parallel_loop3A_310], %parallel_loop3A_303 {strides = array<i32>} : memref<4x64x128xf32, #tpu.memory_space<vmem>>, vector<16xf32>,
        %parallel_loop3A_312 = arith.constant 26 : i32
        %parallel_loop3A_313 = vector.broadcast %parallel_loop3A_312 : i32 to vector<16xi32>
        %parallel_loop3A_314 = arith.addi %parallel_loop3A_155, %parallel_loop3A_313 : vector<16xi32>
        %parallel_loop3A_315 = tpu.vector_load_idx %arg5[%parallel_loop3A_314] : memref<13520xf32, #tpu.memory_space<vmem>>[vector<16xi32>], vector<16xf32>,
        %parallel_loop3A_316 = arith.constant 16 : i32
        %parallel_loop3A_317 = arith.muli %parallel_loop3A_140, %parallel_loop3A_316 : i32
        %parallel_loop3A_318 = arith.constant 0 : i32
        %parallel_loop3A_319 = arith.constant 26 : i32
        %parallel_loop3A_320 = arith.index_cast %parallel_loop3A_318 : i32 to index
        %parallel_loop3A_321 = arith.index_cast %parallel_loop3A_319 : i32 to index
        %parallel_loop3A_322 = arith.index_cast %parallel_loop3A_317 : i32 to index
        %parallel_loop3A_323 = tpu.vector_load %arg8[%parallel_loop3A_320, %parallel_loop3A_321, %parallel_loop3A_322] {strides = array<i32>} : memref<4x64x128xf32, #tpu.memory_space<vmem>>, vector<16xf32>,
        tpu.vector_store %arg8[%parallel_loop3A_320, %parallel_loop3A_321, %parallel_loop3A_322], %parallel_loop3A_315 {strides = array<i32>} : memref<4x64x128xf32, #tpu.memory_space<vmem>>, vector<16xf32>,
        %parallel_loop3A_324 = arith.constant 28 : i32
        %parallel_loop3A_325 = vector.broadcast %parallel_loop3A_324 : i32 to vector<16xi32>
        %parallel_loop3A_326 = arith.addi %parallel_loop3A_155, %parallel_loop3A_325 : vector<16xi32>
        %parallel_loop3A_327 = tpu.vector_load_idx %arg5[%parallel_loop3A_326] : memref<13520xf32, #tpu.memory_space<vmem>>[vector<16xi32>], vector<16xf32>,
        %parallel_loop3A_328 = arith.constant 16 : i32
        %parallel_loop3A_329 = arith.muli %parallel_loop3A_140, %parallel_loop3A_328 : i32
        %parallel_loop3A_330 = arith.constant 0 : i32
        %parallel_loop3A_331 = arith.constant 28 : i32
        %parallel_loop3A_332 = arith.index_cast %parallel_loop3A_330 : i32 to index
        %parallel_loop3A_333 = arith.index_cast %parallel_loop3A_331 : i32 to index
        %parallel_loop3A_334 = arith.index_cast %parallel_loop3A_329 : i32 to index
        %parallel_loop3A_335 = tpu.vector_load %arg8[%parallel_loop3A_332, %parallel_loop3A_333, %parallel_loop3A_334] {strides = array<i32>} : memref<4x64x128xf32, #tpu.memory_space<vmem>>, vector<16xf32>,
        tpu.vector_store %arg8[%parallel_loop3A_332, %parallel_loop3A_333, %parallel_loop3A_334], %parallel_loop3A_327 {strides = array<i32>} : memref<4x64x128xf32, #tpu.memory_space<vmem>>, vector<16xf32>,
        %parallel_loop3A_336 = arith.constant 30 : i32
        %parallel_loop3A_337 = vector.broadcast %parallel_loop3A_336 : i32 to vector<16xi32>
        %parallel_loop3A_338 = arith.addi %parallel_loop3A_155, %parallel_loop3A_337 : vector<16xi32>
        %parallel_loop3A_339 = tpu.vector_load_idx %arg5[%parallel_loop3A_338] : memref<13520xf32, #tpu.memory_space<vmem>>[vector<16xi32>], vector<16xf32>,
        %parallel_loop3A_340 = arith.constant 16 : i32
        %parallel_loop3A_341 = arith.muli %parallel_loop3A_140, %parallel_loop3A_340 : i32
        %parallel_loop3A_342 = arith.constant 0 : i32
        %parallel_loop3A_343 = arith.constant 30 : i32
        %parallel_loop3A_344 = arith.index_cast %parallel_loop3A_342 : i32 to index
        %parallel_loop3A_345 = arith.index_cast %parallel_loop3A_343 : i32 to index
        %parallel_loop3A_346 = arith.index_cast %parallel_loop3A_341 : i32 to index
        %parallel_loop3A_347 = tpu.vector_load %arg8[%parallel_loop3A_344, %parallel_loop3A_345, %parallel_loop3A_346] {strides = array<i32>} : memref<4x64x128xf32, #tpu.memory_space<vmem>>, vector<16xf32>,
        tpu.vector_store %arg8[%parallel_loop3A_344, %parallel_loop3A_345, %parallel_loop3A_346], %parallel_loop3A_339 {strides = array<i32>} : memref<4x64x128xf32, #tpu.memory_space<vmem>>, vector<16xf32>,
        %parallel_loop3A_348 = arith.constant 32 : i32
        %parallel_loop3A_349 = vector.broadcast %parallel_loop3A_348 : i32 to vector<16xi32>
        %parallel_loop3A_350 = arith.addi %parallel_loop3A_155, %parallel_loop3A_349 : vector<16xi32>
        %parallel_loop3A_351 = tpu.vector_load_idx %arg5[%parallel_loop3A_350] : memref<13520xf32, #tpu.memory_space<vmem>>[vector<16xi32>], vector<16xf32>,
        %parallel_loop3A_352 = arith.constant 16 : i32
        %parallel_loop3A_353 = arith.muli %parallel_loop3A_140, %parallel_loop3A_352 : i32
        %parallel_loop3A_354 = arith.constant 0 : i32
        %parallel_loop3A_355 = arith.constant 32 : i32
        %parallel_loop3A_356 = arith.index_cast %parallel_loop3A_354 : i32 to index
        %parallel_loop3A_357 = arith.index_cast %parallel_loop3A_355 : i32 to index
        %parallel_loop3A_358 = arith.index_cast %parallel_loop3A_353 : i32 to index
        %parallel_loop3A_359 = tpu.vector_load %arg8[%parallel_loop3A_356, %parallel_loop3A_357, %parallel_loop3A_358] {strides = array<i32>} : memref<4x64x128xf32, #tpu.memory_space<vmem>>, vector<16xf32>,
        tpu.vector_store %arg8[%parallel_loop3A_356, %parallel_loop3A_357, %parallel_loop3A_358], %parallel_loop3A_351 {strides = array<i32>} : memref<4x64x128xf32, #tpu.memory_space<vmem>>, vector<16xf32>,
        %parallel_loop3A_360 = arith.constant 34 : i32
        %parallel_loop3A_361 = vector.broadcast %parallel_loop3A_360 : i32 to vector<16xi32>
        %parallel_loop3A_362 = arith.addi %parallel_loop3A_155, %parallel_loop3A_361 : vector<16xi32>
        %parallel_loop3A_363 = tpu.vector_load_idx %arg5[%parallel_loop3A_362] : memref<13520xf32, #tpu.memory_space<vmem>>[vector<16xi32>], vector<16xf32>,
        %parallel_loop3A_364 = arith.constant 16 : i32
        %parallel_loop3A_365 = arith.muli %parallel_loop3A_140, %parallel_loop3A_364 : i32
        %parallel_loop3A_366 = arith.constant 0 : i32
        %parallel_loop3A_367 = arith.constant 34 : i32
        %parallel_loop3A_368 = arith.index_cast %parallel_loop3A_366 : i32 to index
        %parallel_loop3A_369 = arith.index_cast %parallel_loop3A_367 : i32 to index
        %parallel_loop3A_370 = arith.index_cast %parallel_loop3A_365 : i32 to index
        %parallel_loop3A_371 = tpu.vector_load %arg8[%parallel_loop3A_368, %parallel_loop3A_369, %parallel_loop3A_370] {strides = array<i32>} : memref<4x64x128xf32, #tpu.memory_space<vmem>>, vector<16xf32>,
        tpu.vector_store %arg8[%parallel_loop3A_368, %parallel_loop3A_369, %parallel_loop3A_370], %parallel_loop3A_363 {strides = array<i32>} : memref<4x64x128xf32, #tpu.memory_space<vmem>>, vector<16xf32>,
        %parallel_loop3A_372 = arith.constant 36 : i32
        %parallel_loop3A_373 = vector.broadcast %parallel_loop3A_372 : i32 to vector<16xi32>
        %parallel_loop3A_374 = arith.addi %parallel_loop3A_155, %parallel_loop3A_373 : vector<16xi32>
        %parallel_loop3A_375 = tpu.vector_load_idx %arg5[%parallel_loop3A_374] : memref<13520xf32, #tpu.memory_space<vmem>>[vector<16xi32>], vector<16xf32>,
        %parallel_loop3A_376 = arith.constant 16 : i32
        %parallel_loop3A_377 = arith.muli %parallel_loop3A_140, %parallel_loop3A_376 : i32
        %parallel_loop3A_378 = arith.constant 0 : i32
        %parallel_loop3A_379 = arith.constant 36 : i32
        %parallel_loop3A_380 = arith.index_cast %parallel_loop3A_378 : i32 to index
        %parallel_loop3A_381 = arith.index_cast %parallel_loop3A_379 : i32 to index
        %parallel_loop3A_382 = arith.index_cast %parallel_loop3A_377 : i32 to index
        %parallel_loop3A_383 = tpu.vector_load %arg8[%parallel_loop3A_380, %parallel_loop3A_381, %parallel_loop3A_382] {strides = array<i32>} : memref<4x64x128xf32, #tpu.memory_space<vmem>>, vector<16xf32>,
        tpu.vector_store %arg8[%parallel_loop3A_380, %parallel_loop3A_381, %parallel_loop3A_382], %parallel_loop3A_375 {strides = array<i32>} : memref<4x64x128xf32, #tpu.memory_space<vmem>>, vector<16xf32>,
        %parallel_loop3A_384 = arith.constant 38 : i32
        %parallel_loop3A_385 = vector.broadcast %parallel_loop3A_384 : i32 to vector<16xi32>
        %parallel_loop3A_386 = arith.addi %parallel_loop3A_155, %parallel_loop3A_385 : vector<16xi32>
        %parallel_loop3A_387 = tpu.vector_load_idx %arg5[%parallel_loop3A_386] : memref<13520xf32, #tpu.memory_space<vmem>>[vector<16xi32>], vector<16xf32>,
        %parallel_loop3A_388 = arith.constant 16 : i32
        %parallel_loop3A_389 = arith.muli %parallel_loop3A_140, %parallel_loop3A_388 : i32
        %parallel_loop3A_390 = arith.constant 0 : i32
        %parallel_loop3A_391 = arith.constant 38 : i32
        %parallel_loop3A_392 = arith.index_cast %parallel_loop3A_390 : i32 to index
        %parallel_loop3A_393 = arith.index_cast %parallel_loop3A_391 : i32 to index
        %parallel_loop3A_394 = arith.index_cast %parallel_loop3A_389 : i32 to index
        %parallel_loop3A_395 = tpu.vector_load %arg8[%parallel_loop3A_392, %parallel_loop3A_393, %parallel_loop3A_394] {strides = array<i32>} : memref<4x64x128xf32, #tpu.memory_space<vmem>>, vector<16xf32>,
        tpu.vector_store %arg8[%parallel_loop3A_392, %parallel_loop3A_393, %parallel_loop3A_394], %parallel_loop3A_387 {strides = array<i32>} : memref<4x64x128xf32, #tpu.memory_space<vmem>>, vector<16xf32>,
        %parallel_loop3A_396 = arith.constant 40 : i32
        %parallel_loop3A_397 = vector.broadcast %parallel_loop3A_396 : i32 to vector<16xi32>
        %parallel_loop3A_398 = arith.addi %parallel_loop3A_155, %parallel_loop3A_397 : vector<16xi32>
        %parallel_loop3A_399 = tpu.vector_load_idx %arg5[%parallel_loop3A_398] : memref<13520xf32, #tpu.memory_space<vmem>>[vector<16xi32>], vector<16xf32>,
        %parallel_loop3A_400 = arith.constant 16 : i32
        %parallel_loop3A_401 = arith.muli %parallel_loop3A_140, %parallel_loop3A_400 : i32
        %parallel_loop3A_402 = arith.constant 0 : i32
        %parallel_loop3A_403 = arith.constant 40 : i32
        %parallel_loop3A_404 = arith.index_cast %parallel_loop3A_402 : i32 to index
        %parallel_loop3A_405 = arith.index_cast %parallel_loop3A_403 : i32 to index
        %parallel_loop3A_406 = arith.index_cast %parallel_loop3A_401 : i32 to index
        %parallel_loop3A_407 = tpu.vector_load %arg8[%parallel_loop3A_404, %parallel_loop3A_405, %parallel_loop3A_406] {strides = array<i32>} : memref<4x64x128xf32, #tpu.memory_space<vmem>>, vector<16xf32>,
        tpu.vector_store %arg8[%parallel_loop3A_404, %parallel_loop3A_405, %parallel_loop3A_406], %parallel_loop3A_399 {strides = array<i32>} : memref<4x64x128xf32, #tpu.memory_space<vmem>>, vector<16xf32>,
        %parallel_loop3A_408 = arith.constant 42 : i32
        %parallel_loop3A_409 = vector.broadcast %parallel_loop3A_408 : i32 to vector<16xi32>
        %parallel_loop3A_410 = arith.addi %parallel_loop3A_155, %parallel_loop3A_409 : vector<16xi32>
        %parallel_loop3A_411 = tpu.vector_load_idx %arg5[%parallel_loop3A_410] : memref<13520xf32, #tpu.memory_space<vmem>>[vector<16xi32>], vector<16xf32>,
        %parallel_loop3A_412 = arith.constant 16 : i32
        %parallel_loop3A_413 = arith.muli %parallel_loop3A_140, %parallel_loop3A_412 : i32
        %parallel_loop3A_414 = arith.constant 0 : i32
        %parallel_loop3A_415 = arith.constant 42 : i32
        %parallel_loop3A_416 = arith.index_cast %parallel_loop3A_414 : i32 to index
        %parallel_loop3A_417 = arith.index_cast %parallel_loop3A_415 : i32 to index
        %parallel_loop3A_418 = arith.index_cast %parallel_loop3A_413 : i32 to index
        %parallel_loop3A_419 = tpu.vector_load %arg8[%parallel_loop3A_416, %parallel_loop3A_417, %parallel_loop3A_418] {strides = array<i32>} : memref<4x64x128xf32, #tpu.memory_space<vmem>>, vector<16xf32>,
        tpu.vector_store %arg8[%parallel_loop3A_416, %parallel_loop3A_417, %parallel_loop3A_418], %parallel_loop3A_411 {strides = array<i32>} : memref<4x64x128xf32, #tpu.memory_space<vmem>>, vector<16xf32>,
        %parallel_loop3A_420 = arith.constant 44 : i32
        %parallel_loop3A_421 = vector.broadcast %parallel_loop3A_420 : i32 to vector<16xi32>
        %parallel_loop3A_422 = arith.addi %parallel_loop3A_155, %parallel_loop3A_421 : vector<16xi32>
        %parallel_loop3A_423 = tpu.vector_load_idx %arg5[%parallel_loop3A_422] : memref<13520xf32, #tpu.memory_space<vmem>>[vector<16xi32>], vector<16xf32>,
        %parallel_loop3A_424 = arith.constant 16 : i32
        %parallel_loop3A_425 = arith.muli %parallel_loop3A_140, %parallel_loop3A_424 : i32
        %parallel_loop3A_426 = arith.constant 0 : i32
        %parallel_loop3A_427 = arith.constant 44 : i32
        %parallel_loop3A_428 = arith.index_cast %parallel_loop3A_426 : i32 to index
        %parallel_loop3A_429 = arith.index_cast %parallel_loop3A_427 : i32 to index
        %parallel_loop3A_430 = arith.index_cast %parallel_loop3A_425 : i32 to index
        %parallel_loop3A_431 = tpu.vector_load %arg8[%parallel_loop3A_428, %parallel_loop3A_429, %parallel_loop3A_430] {strides = array<i32>} : memref<4x64x128xf32, #tpu.memory_space<vmem>>, vector<16xf32>,
        tpu.vector_store %arg8[%parallel_loop3A_428, %parallel_loop3A_429, %parallel_loop3A_430], %parallel_loop3A_423 {strides = array<i32>} : memref<4x64x128xf32, #tpu.memory_space<vmem>>, vector<16xf32>,
        %parallel_loop3A_432 = arith.constant 46 : i32
        %parallel_loop3A_433 = vector.broadcast %parallel_loop3A_432 : i32 to vector<16xi32>
        %parallel_loop3A_434 = arith.addi %parallel_loop3A_155, %parallel_loop3A_433 : vector<16xi32>
        %parallel_loop3A_435 = tpu.vector_load_idx %arg5[%parallel_loop3A_434] : memref<13520xf32, #tpu.memory_space<vmem>>[vector<16xi32>], vector<16xf32>,
        %parallel_loop3A_436 = arith.constant 16 : i32
        %parallel_loop3A_437 = arith.muli %parallel_loop3A_140, %parallel_loop3A_436 : i32
        %parallel_loop3A_438 = arith.constant 0 : i32
        %parallel_loop3A_439 = arith.constant 46 : i32
        %parallel_loop3A_440 = arith.index_cast %parallel_loop3A_438 : i32 to index
        %parallel_loop3A_441 = arith.index_cast %parallel_loop3A_439 : i32 to index
        %parallel_loop3A_442 = arith.index_cast %parallel_loop3A_437 : i32 to index
        %parallel_loop3A_443 = tpu.vector_load %arg8[%parallel_loop3A_440, %parallel_loop3A_441, %parallel_loop3A_442] {strides = array<i32>} : memref<4x64x128xf32, #tpu.memory_space<vmem>>, vector<16xf32>,
        tpu.vector_store %arg8[%parallel_loop3A_440, %parallel_loop3A_441, %parallel_loop3A_442], %parallel_loop3A_435 {strides = array<i32>} : memref<4x64x128xf32, #tpu.memory_space<vmem>>, vector<16xf32>,
        %parallel_loop3A_444 = arith.constant 48 : i32
        %parallel_loop3A_445 = vector.broadcast %parallel_loop3A_444 : i32 to vector<16xi32>
        %parallel_loop3A_446 = arith.addi %parallel_loop3A_155, %parallel_loop3A_445 : vector<16xi32>
        %parallel_loop3A_447 = tpu.vector_load_idx %arg5[%parallel_loop3A_446] : memref<13520xf32, #tpu.memory_space<vmem>>[vector<16xi32>], vector<16xf32>,
        %parallel_loop3A_448 = arith.constant 16 : i32
        %parallel_loop3A_449 = arith.muli %parallel_loop3A_140, %parallel_loop3A_448 : i32
        %parallel_loop3A_450 = arith.constant 0 : i32
        %parallel_loop3A_451 = arith.constant 48 : i32
        %parallel_loop3A_452 = arith.index_cast %parallel_loop3A_450 : i32 to index
        %parallel_loop3A_453 = arith.index_cast %parallel_loop3A_451 : i32 to index
        %parallel_loop3A_454 = arith.index_cast %parallel_loop3A_449 : i32 to index
        %parallel_loop3A_455 = tpu.vector_load %arg8[%parallel_loop3A_452, %parallel_loop3A_453, %parallel_loop3A_454] {strides = array<i32>} : memref<4x64x128xf32, #tpu.memory_space<vmem>>, vector<16xf32>,
        tpu.vector_store %arg8[%parallel_loop3A_452, %parallel_loop3A_453, %parallel_loop3A_454], %parallel_loop3A_447 {strides = array<i32>} : memref<4x64x128xf32, #tpu.memory_space<vmem>>, vector<16xf32>,
        %parallel_loop3A_456 = arith.constant 50 : i32
        %parallel_loop3A_457 = vector.broadcast %parallel_loop3A_456 : i32 to vector<16xi32>
        %parallel_loop3A_458 = arith.addi %parallel_loop3A_155, %parallel_loop3A_457 : vector<16xi32>
        %parallel_loop3A_459 = tpu.vector_load_idx %arg5[%parallel_loop3A_458] : memref<13520xf32, #tpu.memory_space<vmem>>[vector<16xi32>], vector<16xf32>,
        %parallel_loop3A_460 = arith.constant 16 : i32
        %parallel_loop3A_461 = arith.muli %parallel_loop3A_140, %parallel_loop3A_460 : i32
        %parallel_loop3A_462 = arith.constant 0 : i32
        %parallel_loop3A_463 = arith.constant 50 : i32
        %parallel_loop3A_464 = arith.index_cast %parallel_loop3A_462 : i32 to index
        %parallel_loop3A_465 = arith.index_cast %parallel_loop3A_463 : i32 to index
        %parallel_loop3A_466 = arith.index_cast %parallel_loop3A_461 : i32 to index
        %parallel_loop3A_467 = tpu.vector_load %arg8[%parallel_loop3A_464, %parallel_loop3A_465, %parallel_loop3A_466] {strides = array<i32>} : memref<4x64x128xf32, #tpu.memory_space<vmem>>, vector<16xf32>,
        tpu.vector_store %arg8[%parallel_loop3A_464, %parallel_loop3A_465, %parallel_loop3A_466], %parallel_loop3A_459 {strides = array<i32>} : memref<4x64x128xf32, #tpu.memory_space<vmem>>, vector<16xf32>,
        %parallel_loop3A_468 = arith.constant 52 : i32
        %parallel_loop3A_469 = vector.broadcast %parallel_loop3A_468 : i32 to vector<16xi32>
        %parallel_loop3A_470 = arith.addi %parallel_loop3A_155, %parallel_loop3A_469 : vector<16xi32>
        %parallel_loop3A_471 = tpu.vector_load_idx %arg5[%parallel_loop3A_470] : memref<13520xf32, #tpu.memory_space<vmem>>[vector<16xi32>], vector<16xf32>,
        %parallel_loop3A_472 = arith.constant 16 : i32
        %parallel_loop3A_473 = arith.muli %parallel_loop3A_140, %parallel_loop3A_472 : i32
        %parallel_loop3A_474 = arith.constant 0 : i32
        %parallel_loop3A_475 = arith.constant 52 : i32
        %parallel_loop3A_476 = arith.index_cast %parallel_loop3A_474 : i32 to index
        %parallel_loop3A_477 = arith.index_cast %parallel_loop3A_475 : i32 to index
        %parallel_loop3A_478 = arith.index_cast %parallel_loop3A_473 : i32 to index
        %parallel_loop3A_479 = tpu.vector_load %arg8[%parallel_loop3A_476, %parallel_loop3A_477, %parallel_loop3A_478] {strides = array<i32>} : memref<4x64x128xf32, #tpu.memory_space<vmem>>, vector<16xf32>,
        tpu.vector_store %arg8[%parallel_loop3A_476, %parallel_loop3A_477, %parallel_loop3A_478], %parallel_loop3A_471 {strides = array<i32>} : memref<4x64x128xf32, #tpu.memory_space<vmem>>, vector<16xf32>,
        %parallel_loop3A_480 = arith.constant 54 : i32
        %parallel_loop3A_481 = vector.broadcast %parallel_loop3A_480 : i32 to vector<16xi32>
        %parallel_loop3A_482 = arith.addi %parallel_loop3A_155, %parallel_loop3A_481 : vector<16xi32>
        %parallel_loop3A_483 = tpu.vector_load_idx %arg5[%parallel_loop3A_482] : memref<13520xf32, #tpu.memory_space<vmem>>[vector<16xi32>], vector<16xf32>,
        %parallel_loop3A_484 = arith.constant 16 : i32
        %parallel_loop3A_485 = arith.muli %parallel_loop3A_140, %parallel_loop3A_484 : i32
        %parallel_loop3A_486 = arith.constant 0 : i32
        %parallel_loop3A_487 = arith.constant 54 : i32
        %parallel_loop3A_488 = arith.index_cast %parallel_loop3A_486 : i32 to index
        %parallel_loop3A_489 = arith.index_cast %parallel_loop3A_487 : i32 to index
        %parallel_loop3A_490 = arith.index_cast %parallel_loop3A_485 : i32 to index
        %parallel_loop3A_491 = tpu.vector_load %arg8[%parallel_loop3A_488, %parallel_loop3A_489, %parallel_loop3A_490] {strides = array<i32>} : memref<4x64x128xf32, #tpu.memory_space<vmem>>, vector<16xf32>,
        tpu.vector_store %arg8[%parallel_loop3A_488, %parallel_loop3A_489, %parallel_loop3A_490], %parallel_loop3A_483 {strides = array<i32>} : memref<4x64x128xf32, #tpu.memory_space<vmem>>, vector<16xf32>,
        %parallel_loop3A_492 = arith.constant 56 : i32
        %parallel_loop3A_493 = vector.broadcast %parallel_loop3A_492 : i32 to vector<16xi32>
        %parallel_loop3A_494 = arith.addi %parallel_loop3A_155, %parallel_loop3A_493 : vector<16xi32>
        %parallel_loop3A_495 = tpu.vector_load_idx %arg5[%parallel_loop3A_494] : memref<13520xf32, #tpu.memory_space<vmem>>[vector<16xi32>], vector<16xf32>,
        %parallel_loop3A_496 = arith.constant 16 : i32
        %parallel_loop3A_497 = arith.muli %parallel_loop3A_140, %parallel_loop3A_496 : i32
        %parallel_loop3A_498 = arith.constant 0 : i32
        %parallel_loop3A_499 = arith.constant 56 : i32
        %parallel_loop3A_500 = arith.index_cast %parallel_loop3A_498 : i32 to index
        %parallel_loop3A_501 = arith.index_cast %parallel_loop3A_499 : i32 to index
        %parallel_loop3A_502 = arith.index_cast %parallel_loop3A_497 : i32 to index
        %parallel_loop3A_503 = tpu.vector_load %arg8[%parallel_loop3A_500, %parallel_loop3A_501, %parallel_loop3A_502] {strides = array<i32>} : memref<4x64x128xf32, #tpu.memory_space<vmem>>, vector<16xf32>,
        tpu.vector_store %arg8[%parallel_loop3A_500, %parallel_loop3A_501, %parallel_loop3A_502], %parallel_loop3A_495 {strides = array<i32>} : memref<4x64x128xf32, #tpu.memory_space<vmem>>, vector<16xf32>,
        %parallel_loop3A_504 = arith.constant 58 : i32
        %parallel_loop3A_505 = vector.broadcast %parallel_loop3A_504 : i32 to vector<16xi32>
        %parallel_loop3A_506 = arith.addi %parallel_loop3A_155, %parallel_loop3A_505 : vector<16xi32>
        %parallel_loop3A_507 = tpu.vector_load_idx %arg5[%parallel_loop3A_506] : memref<13520xf32, #tpu.memory_space<vmem>>[vector<16xi32>], vector<16xf32>,
        %parallel_loop3A_508 = arith.constant 16 : i32
        %parallel_loop3A_509 = arith.muli %parallel_loop3A_140, %parallel_loop3A_508 : i32
        %parallel_loop3A_510 = arith.constant 0 : i32
        %parallel_loop3A_511 = arith.constant 58 : i32
        %parallel_loop3A_512 = arith.index_cast %parallel_loop3A_510 : i32 to index
        %parallel_loop3A_513 = arith.index_cast %parallel_loop3A_511 : i32 to index
        %parallel_loop3A_514 = arith.index_cast %parallel_loop3A_509 : i32 to index
        %parallel_loop3A_515 = tpu.vector_load %arg8[%parallel_loop3A_512, %parallel_loop3A_513, %parallel_loop3A_514] {strides = array<i32>} : memref<4x64x128xf32, #tpu.memory_space<vmem>>, vector<16xf32>,
        tpu.vector_store %arg8[%parallel_loop3A_512, %parallel_loop3A_513, %parallel_loop3A_514], %parallel_loop3A_507 {strides = array<i32>} : memref<4x64x128xf32, #tpu.memory_space<vmem>>, vector<16xf32>,
        %parallel_loop3A_516 = arith.constant 60 : i32
        %parallel_loop3A_517 = vector.broadcast %parallel_loop3A_516 : i32 to vector<16xi32>
        %parallel_loop3A_518 = arith.addi %parallel_loop3A_155, %parallel_loop3A_517 : vector<16xi32>
        %parallel_loop3A_519 = tpu.vector_load_idx %arg5[%parallel_loop3A_518] : memref<13520xf32, #tpu.memory_space<vmem>>[vector<16xi32>], vector<16xf32>,
        %parallel_loop3A_520 = arith.constant 16 : i32
        %parallel_loop3A_521 = arith.muli %parallel_loop3A_140, %parallel_loop3A_520 : i32
        %parallel_loop3A_522 = arith.constant 0 : i32
        %parallel_loop3A_523 = arith.constant 60 : i32
        %parallel_loop3A_524 = arith.index_cast %parallel_loop3A_522 : i32 to index
        %parallel_loop3A_525 = arith.index_cast %parallel_loop3A_523 : i32 to index
        %parallel_loop3A_526 = arith.index_cast %parallel_loop3A_521 : i32 to index
        %parallel_loop3A_527 = tpu.vector_load %arg8[%parallel_loop3A_524, %parallel_loop3A_525, %parallel_loop3A_526] {strides = array<i32>} : memref<4x64x128xf32, #tpu.memory_space<vmem>>, vector<16xf32>,
        tpu.vector_store %arg8[%parallel_loop3A_524, %parallel_loop3A_525, %parallel_loop3A_526], %parallel_loop3A_519 {strides = array<i32>} : memref<4x64x128xf32, #tpu.memory_space<vmem>>, vector<16xf32>,
        %parallel_loop3A_528 = arith.constant 62 : i32
        %parallel_loop3A_529 = vector.broadcast %parallel_loop3A_528 : i32 to vector<16xi32>
        %parallel_loop3A_530 = arith.addi %parallel_loop3A_155, %parallel_loop3A_529 : vector<16xi32>
        %parallel_loop3A_531 = tpu.vector_load_idx %arg5[%parallel_loop3A_530] : memref<13520xf32, #tpu.memory_space<vmem>>[vector<16xi32>], vector<16xf32>,
        %parallel_loop3A_532 = arith.constant 16 : i32
        %parallel_loop3A_533 = arith.muli %parallel_loop3A_140, %parallel_loop3A_532 : i32
        %parallel_loop3A_534 = arith.constant 0 : i32
        %parallel_loop3A_535 = arith.constant 62 : i32
        %parallel_loop3A_536 = arith.index_cast %parallel_loop3A_534 : i32 to index
        %parallel_loop3A_537 = arith.index_cast %parallel_loop3A_535 : i32 to index
        %parallel_loop3A_538 = arith.index_cast %parallel_loop3A_533 : i32 to index
        %parallel_loop3A_539 = tpu.vector_load %arg8[%parallel_loop3A_536, %parallel_loop3A_537, %parallel_loop3A_538] {strides = array<i32>} : memref<4x64x128xf32, #tpu.memory_space<vmem>>, vector<16xf32>,
        tpu.vector_store %arg8[%parallel_loop3A_536, %parallel_loop3A_537, %parallel_loop3A_538], %parallel_loop3A_531 {strides = array<i32>} : memref<4x64x128xf32, #tpu.memory_space<vmem>>, vector<16xf32>,
      } {sc.loop_unroll_factor = 4 : i64, sc.parallel_access}
      %mul3A_98 = arith.constant 4 : i32
      %mul3A_99 = arith.muli %add3A_80, %mul3A_98 : i32
      %add3A_100 = arith.constant 1 : i32
      %add3A_101 = arith.addi %mul3A_99, %add3A_100 : i32
      %eq3A_102 = arith.constant 0 : i32
      %eq3A_103 = arith.cmpi eq, %add3A_101, %eq3A_102 : i32
      %jit3A_104 = arith.constant 6630 : i32
      %jit3A_105 = arith.constant 0 : i32
      %select_n3A_106 = arith.select %eq3A_103, %jit3A_104, %jit3A_105 : i32
      %parallel_loop3A_107 = arith.constant 0 : i32
      %parallel_loop3A_108 = arith.constant 8 : i32
      %parallel_loop3A_109 = arith.constant 1 : i32
      scf.for %parallel_loop3A_140 = %parallel_loop3A_107 to %parallel_loop3A_108 step %parallel_loop3A_109  : i32 {
        %parallel_loop3A_141 = arith.constant 16 : i32
        %parallel_loop3A_142 = arith.muli %parallel_loop3A_140, %parallel_loop3A_141 : i32
        %parallel_loop3A_143 = vector.broadcast %parallel_loop3A_142 : i32 to vector<16xi32>
        %parallel_loop3A_144 = arith.addi %parallel_loop3A_143, %iota3A : vector<16xi32>
        %parallel_loop3A_145 = arith.constant 200 : i32
        %parallel_loop3A_146 = vector.broadcast %parallel_loop3A_145 : i32 to vector<16xi32>
        %parallel_loop3A_147 = arith.muli %parallel_loop3A_144, %parallel_loop3A_146 : vector<16xi32>
        %parallel_loop3A_148 = vector.broadcast %add3A_101 : i32 to vector<16xi32>
        %parallel_loop3A_149 = arith.addi %parallel_loop3A_147, %parallel_loop3A_148 : vector<16xi32>
        %parallel_loop3A_150 = tpu.vector_load_idx %arg6[%parallel_loop3A_149] : memref<25600xi32, #tpu.memory_space<vmem>>[vector<16xi32>], vector<16xi32>,
        %parallel_loop3A_151 = arith.constant 65 : i32
        %parallel_loop3A_152 = vector.broadcast %parallel_loop3A_151 : i32 to vector<16xi32>
        %parallel_loop3A_153 = arith.muli %parallel_loop3A_150, %parallel_loop3A_152 : vector<16xi32>
        %parallel_loop3A_154 = vector.broadcast %select_n3A_106 : i32 to vector<16xi32>
        %parallel_loop3A_155 = arith.addi %parallel_loop3A_153, %parallel_loop3A_154 : vector<16xi32>
        %parallel_loop3A_156 = arith.constant 0 : i32
        %parallel_loop3A_157 = vector.broadcast %parallel_loop3A_156 : i32 to vector<16xi32>
        %parallel_loop3A_158 = arith.addi %parallel_loop3A_155, %parallel_loop3A_157 : vector<16xi32>
        %parallel_loop3A_159 = tpu.vector_load_idx %arg5[%parallel_loop3A_158] : memref<13520xf32, #tpu.memory_space<vmem>>[vector<16xi32>], vector<16xf32>,
        %parallel_loop3A_160 = arith.constant 16 : i32
        %parallel_loop3A_161 = arith.muli %parallel_loop3A_140, %parallel_loop3A_160 : i32
        %parallel_loop3A_162 = arith.constant 1 : i32
        %parallel_loop3A_163 = arith.constant 0 : i32
        %parallel_loop3A_164 = arith.index_cast %parallel_loop3A_162 : i32 to index
        %parallel_loop3A_165 = arith.index_cast %parallel_loop3A_163 : i32 to index
        %parallel_loop3A_166 = arith.index_cast %parallel_loop3A_161 : i32 to index
        %parallel_loop3A_167 = tpu.vector_load %arg8[%parallel_loop3A_164, %parallel_loop3A_165, %parallel_loop3A_166] {strides = array<i32>} : memref<4x64x128xf32, #tpu.memory_space<vmem>>, vector<16xf32>,
        tpu.vector_store %arg8[%parallel_loop3A_164, %parallel_loop3A_165, %parallel_loop3A_166], %parallel_loop3A_159 {strides = array<i32>} : memref<4x64x128xf32, #tpu.memory_space<vmem>>, vector<16xf32>,
        %parallel_loop3A_168 = arith.constant 2 : i32
        %parallel_loop3A_169 = vector.broadcast %parallel_loop3A_168 : i32 to vector<16xi32>
        %parallel_loop3A_170 = arith.addi %parallel_loop3A_155, %parallel_loop3A_169 : vector<16xi32>
        %parallel_loop3A_171 = tpu.vector_load_idx %arg5[%parallel_loop3A_170] : memref<13520xf32, #tpu.memory_space<vmem>>[vector<16xi32>], vector<16xf32>,
        %parallel_loop3A_172 = arith.constant 16 : i32
        %parallel_loop3A_173 = arith.muli %parallel_loop3A_140, %parallel_loop3A_172 : i32
        %parallel_loop3A_174 = arith.constant 1 : i32
        %parallel_loop3A_175 = arith.constant 2 : i32
        %parallel_loop3A_176 = arith.index_cast %parallel_loop3A_174 : i32 to index
        %parallel_loop3A_177 = arith.index_cast %parallel_loop3A_175 : i32 to index
        %parallel_loop3A_178 = arith.index_cast %parallel_loop3A_173 : i32 to index
        %parallel_loop3A_179 = tpu.vector_load %arg8[%parallel_loop3A_176, %parallel_loop3A_177, %parallel_loop3A_178] {strides = array<i32>} : memref<4x64x128xf32, #tpu.memory_space<vmem>>, vector<16xf32>,
        tpu.vector_store %arg8[%parallel_loop3A_176, %parallel_loop3A_177, %parallel_loop3A_178], %parallel_loop3A_171 {strides = array<i32>} : memref<4x64x128xf32, #tpu.memory_space<vmem>>, vector<16xf32>,
        %parallel_loop3A_180 = arith.constant 4 : i32
        %parallel_loop3A_181 = vector.broadcast %parallel_loop3A_180 : i32 to vector<16xi32>
        %parallel_loop3A_182 = arith.addi %parallel_loop3A_155, %parallel_loop3A_181 : vector<16xi32>
        %parallel_loop3A_183 = tpu.vector_load_idx %arg5[%parallel_loop3A_182] : memref<13520xf32, #tpu.memory_space<vmem>>[vector<16xi32>], vector<16xf32>,
        %parallel_loop3A_184 = arith.constant 16 : i32
        %parallel_loop3A_185 = arith.muli %parallel_loop3A_140, %parallel_loop3A_184 : i32
        %parallel_loop3A_186 = arith.constant 1 : i32
        %parallel_loop3A_187 = arith.constant 4 : i32
        %parallel_loop3A_188 = arith.index_cast %parallel_loop3A_186 : i32 to index
        %parallel_loop3A_189 = arith.index_cast %parallel_loop3A_187 : i32 to index
        %parallel_loop3A_190 = arith.index_cast %parallel_loop3A_185 : i32 to index
        %parallel_loop3A_191 = tpu.vector_load %arg8[%parallel_loop3A_188, %parallel_loop3A_189, %parallel_loop3A_190] {strides = array<i32>} : memref<4x64x128xf32, #tpu.memory_space<vmem>>, vector<16xf32>,
        tpu.vector_store %arg8[%parallel_loop3A_188, %parallel_loop3A_189, %parallel_loop3A_190], %parallel_loop3A_183 {strides = array<i32>} : memref<4x64x128xf32, #tpu.memory_space<vmem>>, vector<16xf32>,
        %parallel_loop3A_192 = arith.constant 6 : i32
        %parallel_loop3A_193 = vector.broadcast %parallel_loop3A_192 : i32 to vector<16xi32>
        %parallel_loop3A_194 = arith.addi %parallel_loop3A_155, %parallel_loop3A_193 : vector<16xi32>
        %parallel_loop3A_195 = tpu.vector_load_idx %arg5[%parallel_loop3A_194] : memref<13520xf32, #tpu.memory_space<vmem>>[vector<16xi32>], vector<16xf32>,
        %parallel_loop3A_196 = arith.constant 16 : i32
        %parallel_loop3A_197 = arith.muli %parallel_loop3A_140, %parallel_loop3A_196 : i32
        %parallel_loop3A_198 = arith.constant 1 : i32
        %parallel_loop3A_199 = arith.constant 6 : i32
        %parallel_loop3A_200 = arith.index_cast %parallel_loop3A_198 : i32 to index
        %parallel_loop3A_201 = arith.index_cast %parallel_loop3A_199 : i32 to index
        %parallel_loop3A_202 = arith.index_cast %parallel_loop3A_197 : i32 to index
        %parallel_loop3A_203 = tpu.vector_load %arg8[%parallel_loop3A_200, %parallel_loop3A_201, %parallel_loop3A_202] {strides = array<i32>} : memref<4x64x128xf32, #tpu.memory_space<vmem>>, vector<16xf32>,
        tpu.vector_store %arg8[%parallel_loop3A_200, %parallel_loop3A_201, %parallel_loop3A_202], %parallel_loop3A_195 {strides = array<i32>} : memref<4x64x128xf32, #tpu.memory_space<vmem>>, vector<16xf32>,
        %parallel_loop3A_204 = arith.constant 8 : i32
        %parallel_loop3A_205 = vector.broadcast %parallel_loop3A_204 : i32 to vector<16xi32>
        %parallel_loop3A_206 = arith.addi %parallel_loop3A_155, %parallel_loop3A_205 : vector<16xi32>
        %parallel_loop3A_207 = tpu.vector_load_idx %arg5[%parallel_loop3A_206] : memref<13520xf32, #tpu.memory_space<vmem>>[vector<16xi32>], vector<16xf32>,
        %parallel_loop3A_208 = arith.constant 16 : i32
        %parallel_loop3A_209 = arith.muli %parallel_loop3A_140, %parallel_loop3A_208 : i32
        %parallel_loop3A_210 = arith.constant 1 : i32
        %parallel_loop3A_211 = arith.constant 8 : i32
        %parallel_loop3A_212 = arith.index_cast %parallel_loop3A_210 : i32 to index
        %parallel_loop3A_213 = arith.index_cast %parallel_loop3A_211 : i32 to index
        %parallel_loop3A_214 = arith.index_cast %parallel_loop3A_209 : i32 to index
        %parallel_loop3A_215 = tpu.vector_load %arg8[%parallel_loop3A_212, %parallel_loop3A_213, %parallel_loop3A_214] {strides = array<i32>} : memref<4x64x128xf32, #tpu.memory_space<vmem>>, vector<16xf32>,
        tpu.vector_store %arg8[%parallel_loop3A_212, %parallel_loop3A_213, %parallel_loop3A_214], %parallel_loop3A_207 {strides = array<i32>} : memref<4x64x128xf32, #tpu.memory_space<vmem>>, vector<16xf32>,
        %parallel_loop3A_216 = arith.constant 10 : i32
        %parallel_loop3A_217 = vector.broadcast %parallel_loop3A_216 : i32 to vector<16xi32>
        %parallel_loop3A_218 = arith.addi %parallel_loop3A_155, %parallel_loop3A_217 : vector<16xi32>
        %parallel_loop3A_219 = tpu.vector_load_idx %arg5[%parallel_loop3A_218] : memref<13520xf32, #tpu.memory_space<vmem>>[vector<16xi32>], vector<16xf32>,
        %parallel_loop3A_220 = arith.constant 16 : i32
        %parallel_loop3A_221 = arith.muli %parallel_loop3A_140, %parallel_loop3A_220 : i32
        %parallel_loop3A_222 = arith.constant 1 : i32
        %parallel_loop3A_223 = arith.constant 10 : i32
        %parallel_loop3A_224 = arith.index_cast %parallel_loop3A_222 : i32 to index
        %parallel_loop3A_225 = arith.index_cast %parallel_loop3A_223 : i32 to index
        %parallel_loop3A_226 = arith.index_cast %parallel_loop3A_221 : i32 to index
        %parallel_loop3A_227 = tpu.vector_load %arg8[%parallel_loop3A_224, %parallel_loop3A_225, %parallel_loop3A_226] {strides = array<i32>} : memref<4x64x128xf32, #tpu.memory_space<vmem>>, vector<16xf32>,
        tpu.vector_store %arg8[%parallel_loop3A_224, %parallel_loop3A_225, %parallel_loop3A_226], %parallel_loop3A_219 {strides = array<i32>} : memref<4x64x128xf32, #tpu.memory_space<vmem>>, vector<16xf32>,
        %parallel_loop3A_228 = arith.constant 12 : i32
        %parallel_loop3A_229 = vector.broadcast %parallel_loop3A_228 : i32 to vector<16xi32>
        %parallel_loop3A_230 = arith.addi %parallel_loop3A_155, %parallel_loop3A_229 : vector<16xi32>
        %parallel_loop3A_231 = tpu.vector_load_idx %arg5[%parallel_loop3A_230] : memref<13520xf32, #tpu.memory_space<vmem>>[vector<16xi32>], vector<16xf32>,
        %parallel_loop3A_232 = arith.constant 16 : i32
        %parallel_loop3A_233 = arith.muli %parallel_loop3A_140, %parallel_loop3A_232 : i32
        %parallel_loop3A_234 = arith.constant 1 : i32
        %parallel_loop3A_235 = arith.constant 12 : i32
        %parallel_loop3A_236 = arith.index_cast %parallel_loop3A_234 : i32 to index
        %parallel_loop3A_237 = arith.index_cast %parallel_loop3A_235 : i32 to index
        %parallel_loop3A_238 = arith.index_cast %parallel_loop3A_233 : i32 to index
        %parallel_loop3A_239 = tpu.vector_load %arg8[%parallel_loop3A_236, %parallel_loop3A_237, %parallel_loop3A_238] {strides = array<i32>} : memref<4x64x128xf32, #tpu.memory_space<vmem>>, vector<16xf32>,
        tpu.vector_store %arg8[%parallel_loop3A_236, %parallel_loop3A_237, %parallel_loop3A_238], %parallel_loop3A_231 {strides = array<i32>} : memref<4x64x128xf32, #tpu.memory_space<vmem>>, vector<16xf32>,
        %parallel_loop3A_240 = arith.constant 14 : i32
        %parallel_loop3A_241 = vector.broadcast %parallel_loop3A_240 : i32 to vector<16xi32>
        %parallel_loop3A_242 = arith.addi %parallel_loop3A_155, %parallel_loop3A_241 : vector<16xi32>
        %parallel_loop3A_243 = tpu.vector_load_idx %arg5[%parallel_loop3A_242] : memref<13520xf32, #tpu.memory_space<vmem>>[vector<16xi32>], vector<16xf32>,
        %parallel_loop3A_244 = arith.constant 16 : i32
        %parallel_loop3A_245 = arith.muli %parallel_loop3A_140, %parallel_loop3A_244 : i32
        %parallel_loop3A_246 = arith.constant 1 : i32
        %parallel_loop3A_247 = arith.constant 14 : i32
        %parallel_loop3A_248 = arith.index_cast %parallel_loop3A_246 : i32 to index
        %parallel_loop3A_249 = arith.index_cast %parallel_loop3A_247 : i32 to index
        %parallel_loop3A_250 = arith.index_cast %parallel_loop3A_245 : i32 to index
        %parallel_loop3A_251 = tpu.vector_load %arg8[%parallel_loop3A_248, %parallel_loop3A_249, %parallel_loop3A_250] {strides = array<i32>} : memref<4x64x128xf32, #tpu.memory_space<vmem>>, vector<16xf32>,
        tpu.vector_store %arg8[%parallel_loop3A_248, %parallel_loop3A_249, %parallel_loop3A_250], %parallel_loop3A_243 {strides = array<i32>} : memref<4x64x128xf32, #tpu.memory_space<vmem>>, vector<16xf32>,
        %parallel_loop3A_252 = arith.constant 16 : i32
        %parallel_loop3A_253 = vector.broadcast %parallel_loop3A_252 : i32 to vector<16xi32>
        %parallel_loop3A_254 = arith.addi %parallel_loop3A_155, %parallel_loop3A_253 : vector<16xi32>
        %parallel_loop3A_255 = tpu.vector_load_idx %arg5[%parallel_loop3A_254] : memref<13520xf32, #tpu.memory_space<vmem>>[vector<16xi32>], vector<16xf32>,
        %parallel_loop3A_256 = arith.constant 16 : i32
        %parallel_loop3A_257 = arith.muli %parallel_loop3A_140, %parallel_loop3A_256 : i32
        %parallel_loop3A_258 = arith.constant 1 : i32
        %parallel_loop3A_259 = arith.constant 16 : i32
        %parallel_loop3A_260 = arith.index_cast %parallel_loop3A_258 : i32 to index
        %parallel_loop3A_261 = arith.index_cast %parallel_loop3A_259 : i32 to index
        %parallel_loop3A_262 = arith.index_cast %parallel_loop3A_257 : i32 to index
        %parallel_loop3A_263 = tpu.vector_load %arg8[%parallel_loop3A_260, %parallel_loop3A_261, %parallel_loop3A_262] {strides = array<i32>} : memref<4x64x128xf32, #tpu.memory_space<vmem>>, vector<16xf32>,
        tpu.vector_store %arg8[%parallel_loop3A_260, %parallel_loop3A_261, %parallel_loop3A_262], %parallel_loop3A_255 {strides = array<i32>} : memref<4x64x128xf32, #tpu.memory_space<vmem>>, vector<16xf32>,
        %parallel_loop3A_264 = arith.constant 18 : i32
        %parallel_loop3A_265 = vector.broadcast %parallel_loop3A_264 : i32 to vector<16xi32>
        %parallel_loop3A_266 = arith.addi %parallel_loop3A_155, %parallel_loop3A_265 : vector<16xi32>
        %parallel_loop3A_267 = tpu.vector_load_idx %arg5[%parallel_loop3A_266] : memref<13520xf32, #tpu.memory_space<vmem>>[vector<16xi32>], vector<16xf32>,
        %parallel_loop3A_268 = arith.constant 16 : i32
        %parallel_loop3A_269 = arith.muli %parallel_loop3A_140, %parallel_loop3A_268 : i32
        %parallel_loop3A_270 = arith.constant 1 : i32
        %parallel_loop3A_271 = arith.constant 18 : i32
        %parallel_loop3A_272 = arith.index_cast %parallel_loop3A_270 : i32 to index
        %parallel_loop3A_273 = arith.index_cast %parallel_loop3A_271 : i32 to index
        %parallel_loop3A_274 = arith.index_cast %parallel_loop3A_269 : i32 to index
        %parallel_loop3A_275 = tpu.vector_load %arg8[%parallel_loop3A_272, %parallel_loop3A_273, %parallel_loop3A_274] {strides = array<i32>} : memref<4x64x128xf32, #tpu.memory_space<vmem>>, vector<16xf32>,
        tpu.vector_store %arg8[%parallel_loop3A_272, %parallel_loop3A_273, %parallel_loop3A_274], %parallel_loop3A_267 {strides = array<i32>} : memref<4x64x128xf32, #tpu.memory_space<vmem>>, vector<16xf32>,
        %parallel_loop3A_276 = arith.constant 20 : i32
        %parallel_loop3A_277 = vector.broadcast %parallel_loop3A_276 : i32 to vector<16xi32>
        %parallel_loop3A_278 = arith.addi %parallel_loop3A_155, %parallel_loop3A_277 : vector<16xi32>
        %parallel_loop3A_279 = tpu.vector_load_idx %arg5[%parallel_loop3A_278] : memref<13520xf32, #tpu.memory_space<vmem>>[vector<16xi32>], vector<16xf32>,
        %parallel_loop3A_280 = arith.constant 16 : i32
        %parallel_loop3A_281 = arith.muli %parallel_loop3A_140, %parallel_loop3A_280 : i32
        %parallel_loop3A_282 = arith.constant 1 : i32
        %parallel_loop3A_283 = arith.constant 20 : i32
        %parallel_loop3A_284 = arith.index_cast %parallel_loop3A_282 : i32 to index
        %parallel_loop3A_285 = arith.index_cast %parallel_loop3A_283 : i32 to index
        %parallel_loop3A_286 = arith.index_cast %parallel_loop3A_281 : i32 to index
        %parallel_loop3A_287 = tpu.vector_load %arg8[%parallel_loop3A_284, %parallel_loop3A_285, %parallel_loop3A_286] {strides = array<i32>} : memref<4x64x128xf32, #tpu.memory_space<vmem>>, vector<16xf32>,
        tpu.vector_store %arg8[%parallel_loop3A_284, %parallel_loop3A_285, %parallel_loop3A_286], %parallel_loop3A_279 {strides = array<i32>} : memref<4x64x128xf32, #tpu.memory_space<vmem>>, vector<16xf32>,
        %parallel_loop3A_288 = arith.constant 22 : i32
        %parallel_loop3A_289 = vector.broadcast %parallel_loop3A_288 : i32 to vector<16xi32>
        %parallel_loop3A_290 = arith.addi %parallel_loop3A_155, %parallel_loop3A_289 : vector<16xi32>
        %parallel_loop3A_291 = tpu.vector_load_idx %arg5[%parallel_loop3A_290] : memref<13520xf32, #tpu.memory_space<vmem>>[vector<16xi32>], vector<16xf32>,
        %parallel_loop3A_292 = arith.constant 16 : i32
        %parallel_loop3A_293 = arith.muli %parallel_loop3A_140, %parallel_loop3A_292 : i32
        %parallel_loop3A_294 = arith.constant 1 : i32
        %parallel_loop3A_295 = arith.constant 22 : i32
        %parallel_loop3A_296 = arith.index_cast %parallel_loop3A_294 : i32 to index
        %parallel_loop3A_297 = arith.index_cast %parallel_loop3A_295 : i32 to index
        %parallel_loop3A_298 = arith.index_cast %parallel_loop3A_293 : i32 to index
        %parallel_loop3A_299 = tpu.vector_load %arg8[%parallel_loop3A_296, %parallel_loop3A_297, %parallel_loop3A_298] {strides = array<i32>} : memref<4x64x128xf32, #tpu.memory_space<vmem>>, vector<16xf32>,
        tpu.vector_store %arg8[%parallel_loop3A_296, %parallel_loop3A_297, %parallel_loop3A_298], %parallel_loop3A_291 {strides = array<i32>} : memref<4x64x128xf32, #tpu.memory_space<vmem>>, vector<16xf32>,
        %parallel_loop3A_300 = arith.constant 24 : i32
        %parallel_loop3A_301 = vector.broadcast %parallel_loop3A_300 : i32 to vector<16xi32>
        %parallel_loop3A_302 = arith.addi %parallel_loop3A_155, %parallel_loop3A_301 : vector<16xi32>
        %parallel_loop3A_303 = tpu.vector_load_idx %arg5[%parallel_loop3A_302] : memref<13520xf32, #tpu.memory_space<vmem>>[vector<16xi32>], vector<16xf32>,
        %parallel_loop3A_304 = arith.constant 16 : i32
        %parallel_loop3A_305 = arith.muli %parallel_loop3A_140, %parallel_loop3A_304 : i32
        %parallel_loop3A_306 = arith.constant 1 : i32
        %parallel_loop3A_307 = arith.constant 24 : i32
        %parallel_loop3A_308 = arith.index_cast %parallel_loop3A_306 : i32 to index
        %parallel_loop3A_309 = arith.index_cast %parallel_loop3A_307 : i32 to index
        %parallel_loop3A_310 = arith.index_cast %parallel_loop3A_305 : i32 to index
        %parallel_loop3A_311 = tpu.vector_load %arg8[%parallel_loop3A_308, %parallel_loop3A_309, %parallel_loop3A_310] {strides = array<i32>} : memref<4x64x128xf32, #tpu.memory_space<vmem>>, vector<16xf32>,
        tpu.vector_store %arg8[%parallel_loop3A_308, %parallel_loop3A_309, %parallel_loop3A_310], %parallel_loop3A_303 {strides = array<i32>} : memref<4x64x128xf32, #tpu.memory_space<vmem>>, vector<16xf32>,
        %parallel_loop3A_312 = arith.constant 26 : i32
        %parallel_loop3A_313 = vector.broadcast %parallel_loop3A_312 : i32 to vector<16xi32>
        %parallel_loop3A_314 = arith.addi %parallel_loop3A_155, %parallel_loop3A_313 : vector<16xi32>
        %parallel_loop3A_315 = tpu.vector_load_idx %arg5[%parallel_loop3A_314] : memref<13520xf32, #tpu.memory_space<vmem>>[vector<16xi32>], vector<16xf32>,
        %parallel_loop3A_316 = arith.constant 16 : i32
        %parallel_loop3A_317 = arith.muli %parallel_loop3A_140, %parallel_loop3A_316 : i32
        %parallel_loop3A_318 = arith.constant 1 : i32
        %parallel_loop3A_319 = arith.constant 26 : i32
        %parallel_loop3A_320 = arith.index_cast %parallel_loop3A_318 : i32 to index
        %parallel_loop3A_321 = arith.index_cast %parallel_loop3A_319 : i32 to index
        %parallel_loop3A_322 = arith.index_cast %parallel_loop3A_317 : i32 to index
        %parallel_loop3A_323 = tpu.vector_load %arg8[%parallel_loop3A_320, %parallel_loop3A_321, %parallel_loop3A_322] {strides = array<i32>} : memref<4x64x128xf32, #tpu.memory_space<vmem>>, vector<16xf32>,
        tpu.vector_store %arg8[%parallel_loop3A_320, %parallel_loop3A_321, %parallel_loop3A_322], %parallel_loop3A_315 {strides = array<i32>} : memref<4x64x128xf32, #tpu.memory_space<vmem>>, vector<16xf32>,
        %parallel_loop3A_324 = arith.constant 28 : i32
        %parallel_loop3A_325 = vector.broadcast %parallel_loop3A_324 : i32 to vector<16xi32>
        %parallel_loop3A_326 = arith.addi %parallel_loop3A_155, %parallel_loop3A_325 : vector<16xi32>
        %parallel_loop3A_327 = tpu.vector_load_idx %arg5[%parallel_loop3A_326] : memref<13520xf32, #tpu.memory_space<vmem>>[vector<16xi32>], vector<16xf32>,
        %parallel_loop3A_328 = arith.constant 16 : i32
        %parallel_loop3A_329 = arith.muli %parallel_loop3A_140, %parallel_loop3A_328 : i32
        %parallel_loop3A_330 = arith.constant 1 : i32
        %parallel_loop3A_331 = arith.constant 28 : i32
        %parallel_loop3A_332 = arith.index_cast %parallel_loop3A_330 : i32 to index
        %parallel_loop3A_333 = arith.index_cast %parallel_loop3A_331 : i32 to index
        %parallel_loop3A_334 = arith.index_cast %parallel_loop3A_329 : i32 to index
        %parallel_loop3A_335 = tpu.vector_load %arg8[%parallel_loop3A_332, %parallel_loop3A_333, %parallel_loop3A_334] {strides = array<i32>} : memref<4x64x128xf32, #tpu.memory_space<vmem>>, vector<16xf32>,
        tpu.vector_store %arg8[%parallel_loop3A_332, %parallel_loop3A_333, %parallel_loop3A_334], %parallel_loop3A_327 {strides = array<i32>} : memref<4x64x128xf32, #tpu.memory_space<vmem>>, vector<16xf32>,
        %parallel_loop3A_336 = arith.constant 30 : i32
        %parallel_loop3A_337 = vector.broadcast %parallel_loop3A_336 : i32 to vector<16xi32>
        %parallel_loop3A_338 = arith.addi %parallel_loop3A_155, %parallel_loop3A_337 : vector<16xi32>
        %parallel_loop3A_339 = tpu.vector_load_idx %arg5[%parallel_loop3A_338] : memref<13520xf32, #tpu.memory_space<vmem>>[vector<16xi32>], vector<16xf32>,
        %parallel_loop3A_340 = arith.constant 16 : i32
        %parallel_loop3A_341 = arith.muli %parallel_loop3A_140, %parallel_loop3A_340 : i32
        %parallel_loop3A_342 = arith.constant 1 : i32
        %parallel_loop3A_343 = arith.constant 30 : i32
        %parallel_loop3A_344 = arith.index_cast %parallel_loop3A_342 : i32 to index
        %parallel_loop3A_345 = arith.index_cast %parallel_loop3A_343 : i32 to index
        %parallel_loop3A_346 = arith.index_cast %parallel_loop3A_341 : i32 to index
        %parallel_loop3A_347 = tpu.vector_load %arg8[%parallel_loop3A_344, %parallel_loop3A_345, %parallel_loop3A_346] {strides = array<i32>} : memref<4x64x128xf32, #tpu.memory_space<vmem>>, vector<16xf32>,
        tpu.vector_store %arg8[%parallel_loop3A_344, %parallel_loop3A_345, %parallel_loop3A_346], %parallel_loop3A_339 {strides = array<i32>} : memref<4x64x128xf32, #tpu.memory_space<vmem>>, vector<16xf32>,
        %parallel_loop3A_348 = arith.constant 32 : i32
        %parallel_loop3A_349 = vector.broadcast %parallel_loop3A_348 : i32 to vector<16xi32>
        %parallel_loop3A_350 = arith.addi %parallel_loop3A_155, %parallel_loop3A_349 : vector<16xi32>
        %parallel_loop3A_351 = tpu.vector_load_idx %arg5[%parallel_loop3A_350] : memref<13520xf32, #tpu.memory_space<vmem>>[vector<16xi32>], vector<16xf32>,
        %parallel_loop3A_352 = arith.constant 16 : i32
        %parallel_loop3A_353 = arith.muli %parallel_loop3A_140, %parallel_loop3A_352 : i32
        %parallel_loop3A_354 = arith.constant 1 : i32
        %parallel_loop3A_355 = arith.constant 32 : i32
        %parallel_loop3A_356 = arith.index_cast %parallel_loop3A_354 : i32 to index
        %parallel_loop3A_357 = arith.index_cast %parallel_loop3A_355 : i32 to index
        %parallel_loop3A_358 = arith.index_cast %parallel_loop3A_353 : i32 to index
        %parallel_loop3A_359 = tpu.vector_load %arg8[%parallel_loop3A_356, %parallel_loop3A_357, %parallel_loop3A_358] {strides = array<i32>} : memref<4x64x128xf32, #tpu.memory_space<vmem>>, vector<16xf32>,
        tpu.vector_store %arg8[%parallel_loop3A_356, %parallel_loop3A_357, %parallel_loop3A_358], %parallel_loop3A_351 {strides = array<i32>} : memref<4x64x128xf32, #tpu.memory_space<vmem>>, vector<16xf32>,
        %parallel_loop3A_360 = arith.constant 34 : i32
        %parallel_loop3A_361 = vector.broadcast %parallel_loop3A_360 : i32 to vector<16xi32>
        %parallel_loop3A_362 = arith.addi %parallel_loop3A_155, %parallel_loop3A_361 : vector<16xi32>
        %parallel_loop3A_363 = tpu.vector_load_idx %arg5[%parallel_loop3A_362] : memref<13520xf32, #tpu.memory_space<vmem>>[vector<16xi32>], vector<16xf32>,
        %parallel_loop3A_364 = arith.constant 16 : i32
        %parallel_loop3A_365 = arith.muli %parallel_loop3A_140, %parallel_loop3A_364 : i32
        %parallel_loop3A_366 = arith.constant 1 : i32
        %parallel_loop3A_367 = arith.constant 34 : i32
        %parallel_loop3A_368 = arith.index_cast %parallel_loop3A_366 : i32 to index
        %parallel_loop3A_369 = arith.index_cast %parallel_loop3A_367 : i32 to index
        %parallel_loop3A_370 = arith.index_cast %parallel_loop3A_365 : i32 to index
        %parallel_loop3A_371 = tpu.vector_load %arg8[%parallel_loop3A_368, %parallel_loop3A_369, %parallel_loop3A_370] {strides = array<i32>} : memref<4x64x128xf32, #tpu.memory_space<vmem>>, vector<16xf32>,
        tpu.vector_store %arg8[%parallel_loop3A_368, %parallel_loop3A_369, %parallel_loop3A_370], %parallel_loop3A_363 {strides = array<i32>} : memref<4x64x128xf32, #tpu.memory_space<vmem>>, vector<16xf32>,
        %parallel_loop3A_372 = arith.constant 36 : i32
        %parallel_loop3A_373 = vector.broadcast %parallel_loop3A_372 : i32 to vector<16xi32>
        %parallel_loop3A_374 = arith.addi %parallel_loop3A_155, %parallel_loop3A_373 : vector<16xi32>
        %parallel_loop3A_375 = tpu.vector_load_idx %arg5[%parallel_loop3A_374] : memref<13520xf32, #tpu.memory_space<vmem>>[vector<16xi32>], vector<16xf32>,
        %parallel_loop3A_376 = arith.constant 16 : i32
        %parallel_loop3A_377 = arith.muli %parallel_loop3A_140, %parallel_loop3A_376 : i32
        %parallel_loop3A_378 = arith.constant 1 : i32
        %parallel_loop3A_379 = arith.constant 36 : i32
        %parallel_loop3A_380 = arith.index_cast %parallel_loop3A_378 : i32 to index
        %parallel_loop3A_381 = arith.index_cast %parallel_loop3A_379 : i32 to index
        %parallel_loop3A_382 = arith.index_cast %parallel_loop3A_377 : i32 to index
        %parallel_loop3A_383 = tpu.vector_load %arg8[%parallel_loop3A_380, %parallel_loop3A_381, %parallel_loop3A_382] {strides = array<i32>} : memref<4x64x128xf32, #tpu.memory_space<vmem>>, vector<16xf32>,
        tpu.vector_store %arg8[%parallel_loop3A_380, %parallel_loop3A_381, %parallel_loop3A_382], %parallel_loop3A_375 {strides = array<i32>} : memref<4x64x128xf32, #tpu.memory_space<vmem>>, vector<16xf32>,
        %parallel_loop3A_384 = arith.constant 38 : i32
        %parallel_loop3A_385 = vector.broadcast %parallel_loop3A_384 : i32 to vector<16xi32>
        %parallel_loop3A_386 = arith.addi %parallel_loop3A_155, %parallel_loop3A_385 : vector<16xi32>
        %parallel_loop3A_387 = tpu.vector_load_idx %arg5[%parallel_loop3A_386] : memref<13520xf32, #tpu.memory_space<vmem>>[vector<16xi32>], vector<16xf32>,
        %parallel_loop3A_388 = arith.constant 16 : i32
        %parallel_loop3A_389 = arith.muli %parallel_loop3A_140, %parallel_loop3A_388 : i32
        %parallel_loop3A_390 = arith.constant 1 : i32
        %parallel_loop3A_391 = arith.constant 38 : i32
        %parallel_loop3A_392 = arith.index_cast %parallel_loop3A_390 : i32 to index
        %parallel_loop3A_393 = arith.index_cast %parallel_loop3A_391 : i32 to index
        %parallel_loop3A_394 = arith.index_cast %parallel_loop3A_389 : i32 to index
        %parallel_loop3A_395 = tpu.vector_load %arg8[%parallel_loop3A_392, %parallel_loop3A_393, %parallel_loop3A_394] {strides = array<i32>} : memref<4x64x128xf32, #tpu.memory_space<vmem>>, vector<16xf32>,
        tpu.vector_store %arg8[%parallel_loop3A_392, %parallel_loop3A_393, %parallel_loop3A_394], %parallel_loop3A_387 {strides = array<i32>} : memref<4x64x128xf32, #tpu.memory_space<vmem>>, vector<16xf32>,
        %parallel_loop3A_396 = arith.constant 40 : i32
        %parallel_loop3A_397 = vector.broadcast %parallel_loop3A_396 : i32 to vector<16xi32>
        %parallel_loop3A_398 = arith.addi %parallel_loop3A_155, %parallel_loop3A_397 : vector<16xi32>
        %parallel_loop3A_399 = tpu.vector_load_idx %arg5[%parallel_loop3A_398] : memref<13520xf32, #tpu.memory_space<vmem>>[vector<16xi32>], vector<16xf32>,
        %parallel_loop3A_400 = arith.constant 16 : i32
        %parallel_loop3A_401 = arith.muli %parallel_loop3A_140, %parallel_loop3A_400 : i32
        %parallel_loop3A_402 = arith.constant 1 : i32
        %parallel_loop3A_403 = arith.constant 40 : i32
        %parallel_loop3A_404 = arith.index_cast %parallel_loop3A_402 : i32 to index
        %parallel_loop3A_405 = arith.index_cast %parallel_loop3A_403 : i32 to index
        %parallel_loop3A_406 = arith.index_cast %parallel_loop3A_401 : i32 to index
        %parallel_loop3A_407 = tpu.vector_load %arg8[%parallel_loop3A_404, %parallel_loop3A_405, %parallel_loop3A_406] {strides = array<i32>} : memref<4x64x128xf32, #tpu.memory_space<vmem>>, vector<16xf32>,
        tpu.vector_store %arg8[%parallel_loop3A_404, %parallel_loop3A_405, %parallel_loop3A_406], %parallel_loop3A_399 {strides = array<i32>} : memref<4x64x128xf32, #tpu.memory_space<vmem>>, vector<16xf32>,
        %parallel_loop3A_408 = arith.constant 42 : i32
        %parallel_loop3A_409 = vector.broadcast %parallel_loop3A_408 : i32 to vector<16xi32>
        %parallel_loop3A_410 = arith.addi %parallel_loop3A_155, %parallel_loop3A_409 : vector<16xi32>
        %parallel_loop3A_411 = tpu.vector_load_idx %arg5[%parallel_loop3A_410] : memref<13520xf32, #tpu.memory_space<vmem>>[vector<16xi32>], vector<16xf32>,
        %parallel_loop3A_412 = arith.constant 16 : i32
        %parallel_loop3A_413 = arith.muli %parallel_loop3A_140, %parallel_loop3A_412 : i32
        %parallel_loop3A_414 = arith.constant 1 : i32
        %parallel_loop3A_415 = arith.constant 42 : i32
        %parallel_loop3A_416 = arith.index_cast %parallel_loop3A_414 : i32 to index
        %parallel_loop3A_417 = arith.index_cast %parallel_loop3A_415 : i32 to index
        %parallel_loop3A_418 = arith.index_cast %parallel_loop3A_413 : i32 to index
        %parallel_loop3A_419 = tpu.vector_load %arg8[%parallel_loop3A_416, %parallel_loop3A_417, %parallel_loop3A_418] {strides = array<i32>} : memref<4x64x128xf32, #tpu.memory_space<vmem>>, vector<16xf32>,
        tpu.vector_store %arg8[%parallel_loop3A_416, %parallel_loop3A_417, %parallel_loop3A_418], %parallel_loop3A_411 {strides = array<i32>} : memref<4x64x128xf32, #tpu.memory_space<vmem>>, vector<16xf32>,
        %parallel_loop3A_420 = arith.constant 44 : i32
        %parallel_loop3A_421 = vector.broadcast %parallel_loop3A_420 : i32 to vector<16xi32>
        %parallel_loop3A_422 = arith.addi %parallel_loop3A_155, %parallel_loop3A_421 : vector<16xi32>
        %parallel_loop3A_423 = tpu.vector_load_idx %arg5[%parallel_loop3A_422] : memref<13520xf32, #tpu.memory_space<vmem>>[vector<16xi32>], vector<16xf32>,
        %parallel_loop3A_424 = arith.constant 16 : i32
        %parallel_loop3A_425 = arith.muli %parallel_loop3A_140, %parallel_loop3A_424 : i32
        %parallel_loop3A_426 = arith.constant 1 : i32
        %parallel_loop3A_427 = arith.constant 44 : i32
        %parallel_loop3A_428 = arith.index_cast %parallel_loop3A_426 : i32 to index
        %parallel_loop3A_429 = arith.index_cast %parallel_loop3A_427 : i32 to index
        %parallel_loop3A_430 = arith.index_cast %parallel_loop3A_425 : i32 to index
        %parallel_loop3A_431 = tpu.vector_load %arg8[%parallel_loop3A_428, %parallel_loop3A_429, %parallel_loop3A_430] {strides = array<i32>} : memref<4x64x128xf32, #tpu.memory_space<vmem>>, vector<16xf32>,
        tpu.vector_store %arg8[%parallel_loop3A_428, %parallel_loop3A_429, %parallel_loop3A_430], %parallel_loop3A_423 {strides = array<i32>} : memref<4x64x128xf32, #tpu.memory_space<vmem>>, vector<16xf32>,
        %parallel_loop3A_432 = arith.constant 46 : i32
        %parallel_loop3A_433 = vector.broadcast %parallel_loop3A_432 : i32 to vector<16xi32>
        %parallel_loop3A_434 = arith.addi %parallel_loop3A_155, %parallel_loop3A_433 : vector<16xi32>
        %parallel_loop3A_435 = tpu.vector_load_idx %arg5[%parallel_loop3A_434] : memref<13520xf32, #tpu.memory_space<vmem>>[vector<16xi32>], vector<16xf32>,
        %parallel_loop3A_436 = arith.constant 16 : i32
        %parallel_loop3A_437 = arith.muli %parallel_loop3A_140, %parallel_loop3A_436 : i32
        %parallel_loop3A_438 = arith.constant 1 : i32
        %parallel_loop3A_439 = arith.constant 46 : i32
        %parallel_loop3A_440 = arith.index_cast %parallel_loop3A_438 : i32 to index
        %parallel_loop3A_441 = arith.index_cast %parallel_loop3A_439 : i32 to index
        %parallel_loop3A_442 = arith.index_cast %parallel_loop3A_437 : i32 to index
        %parallel_loop3A_443 = tpu.vector_load %arg8[%parallel_loop3A_440, %parallel_loop3A_441, %parallel_loop3A_442] {strides = array<i32>} : memref<4x64x128xf32, #tpu.memory_space<vmem>>, vector<16xf32>,
        tpu.vector_store %arg8[%parallel_loop3A_440, %parallel_loop3A_441, %parallel_loop3A_442], %parallel_loop3A_435 {strides = array<i32>} : memref<4x64x128xf32, #tpu.memory_space<vmem>>, vector<16xf32>,
        %parallel_loop3A_444 = arith.constant 48 : i32
        %parallel_loop3A_445 = vector.broadcast %parallel_loop3A_444 : i32 to vector<16xi32>
        %parallel_loop3A_446 = arith.addi %parallel_loop3A_155, %parallel_loop3A_445 : vector<16xi32>
        %parallel_loop3A_447 = tpu.vector_load_idx %arg5[%parallel_loop3A_446] : memref<13520xf32, #tpu.memory_space<vmem>>[vector<16xi32>], vector<16xf32>,
        %parallel_loop3A_448 = arith.constant 16 : i32
        %parallel_loop3A_449 = arith.muli %parallel_loop3A_140, %parallel_loop3A_448 : i32
        %parallel_loop3A_450 = arith.constant 1 : i32
        %parallel_loop3A_451 = arith.constant 48 : i32
        %parallel_loop3A_452 = arith.index_cast %parallel_loop3A_450 : i32 to index
        %parallel_loop3A_453 = arith.index_cast %parallel_loop3A_451 : i32 to index
        %parallel_loop3A_454 = arith.index_cast %parallel_loop3A_449 : i32 to index
        %parallel_loop3A_455 = tpu.vector_load %arg8[%parallel_loop3A_452, %parallel_loop3A_453, %parallel_loop3A_454] {strides = array<i32>} : memref<4x64x128xf32, #tpu.memory_space<vmem>>, vector<16xf32>,
        tpu.vector_store %arg8[%parallel_loop3A_452, %parallel_loop3A_453, %parallel_loop3A_454], %parallel_loop3A_447 {strides = array<i32>} : memref<4x64x128xf32, #tpu.memory_space<vmem>>, vector<16xf32>,
        %parallel_loop3A_456 = arith.constant 50 : i32
        %parallel_loop3A_457 = vector.broadcast %parallel_loop3A_456 : i32 to vector<16xi32>
        %parallel_loop3A_458 = arith.addi %parallel_loop3A_155, %parallel_loop3A_457 : vector<16xi32>
        %parallel_loop3A_459 = tpu.vector_load_idx %arg5[%parallel_loop3A_458] : memref<13520xf32, #tpu.memory_space<vmem>>[vector<16xi32>], vector<16xf32>,
        %parallel_loop3A_460 = arith.constant 16 : i32
        %parallel_loop3A_461 = arith.muli %parallel_loop3A_140, %parallel_loop3A_460 : i32
        %parallel_loop3A_462 = arith.constant 1 : i32
        %parallel_loop3A_463 = arith.constant 50 : i32
        %parallel_loop3A_464 = arith.index_cast %parallel_loop3A_462 : i32 to index
        %parallel_loop3A_465 = arith.index_cast %parallel_loop3A_463 : i32 to index
        %parallel_loop3A_466 = arith.index_cast %parallel_loop3A_461 : i32 to index
        %parallel_loop3A_467 = tpu.vector_load %arg8[%parallel_loop3A_464, %parallel_loop3A_465, %parallel_loop3A_466] {strides = array<i32>} : memref<4x64x128xf32, #tpu.memory_space<vmem>>, vector<16xf32>,
        tpu.vector_store %arg8[%parallel_loop3A_464, %parallel_loop3A_465, %parallel_loop3A_466], %parallel_loop3A_459 {strides = array<i32>} : memref<4x64x128xf32, #tpu.memory_space<vmem>>, vector<16xf32>,
        %parallel_loop3A_468 = arith.constant 52 : i32
        %parallel_loop3A_469 = vector.broadcast %parallel_loop3A_468 : i32 to vector<16xi32>
        %parallel_loop3A_470 = arith.addi %parallel_loop3A_155, %parallel_loop3A_469 : vector<16xi32>
        %parallel_loop3A_471 = tpu.vector_load_idx %arg5[%parallel_loop3A_470] : memref<13520xf32, #tpu.memory_space<vmem>>[vector<16xi32>], vector<16xf32>,
        %parallel_loop3A_472 = arith.constant 16 : i32
        %parallel_loop3A_473 = arith.muli %parallel_loop3A_140, %parallel_loop3A_472 : i32
        %parallel_loop3A_474 = arith.constant 1 : i32
        %parallel_loop3A_475 = arith.constant 52 : i32
        %parallel_loop3A_476 = arith.index_cast %parallel_loop3A_474 : i32 to index
        %parallel_loop3A_477 = arith.index_cast %parallel_loop3A_475 : i32 to index
        %parallel_loop3A_478 = arith.index_cast %parallel_loop3A_473 : i32 to index
        %parallel_loop3A_479 = tpu.vector_load %arg8[%parallel_loop3A_476, %parallel_loop3A_477, %parallel_loop3A_478] {strides = array<i32>} : memref<4x64x128xf32, #tpu.memory_space<vmem>>, vector<16xf32>,
        tpu.vector_store %arg8[%parallel_loop3A_476, %parallel_loop3A_477, %parallel_loop3A_478], %parallel_loop3A_471 {strides = array<i32>} : memref<4x64x128xf32, #tpu.memory_space<vmem>>, vector<16xf32>,
        %parallel_loop3A_480 = arith.constant 54 : i32
        %parallel_loop3A_481 = vector.broadcast %parallel_loop3A_480 : i32 to vector<16xi32>
        %parallel_loop3A_482 = arith.addi %parallel_loop3A_155, %parallel_loop3A_481 : vector<16xi32>
        %parallel_loop3A_483 = tpu.vector_load_idx %arg5[%parallel_loop3A_482] : memref<13520xf32, #tpu.memory_space<vmem>>[vector<16xi32>], vector<16xf32>,
        %parallel_loop3A_484 = arith.constant 16 : i32
        %parallel_loop3A_485 = arith.muli %parallel_loop3A_140, %parallel_loop3A_484 : i32
        %parallel_loop3A_486 = arith.constant 1 : i32
        %parallel_loop3A_487 = arith.constant 54 : i32
        %parallel_loop3A_488 = arith.index_cast %parallel_loop3A_486 : i32 to index
        %parallel_loop3A_489 = arith.index_cast %parallel_loop3A_487 : i32 to index
        %parallel_loop3A_490 = arith.index_cast %parallel_loop3A_485 : i32 to index
        %parallel_loop3A_491 = tpu.vector_load %arg8[%parallel_loop3A_488, %parallel_loop3A_489, %parallel_loop3A_490] {strides = array<i32>} : memref<4x64x128xf32, #tpu.memory_space<vmem>>, vector<16xf32>,
        tpu.vector_store %arg8[%parallel_loop3A_488, %parallel_loop3A_489, %parallel_loop3A_490], %parallel_loop3A_483 {strides = array<i32>} : memref<4x64x128xf32, #tpu.memory_space<vmem>>, vector<16xf32>,
        %parallel_loop3A_492 = arith.constant 56 : i32
        %parallel_loop3A_493 = vector.broadcast %parallel_loop3A_492 : i32 to vector<16xi32>
        %parallel_loop3A_494 = arith.addi %parallel_loop3A_155, %parallel_loop3A_493 : vector<16xi32>
        %parallel_loop3A_495 = tpu.vector_load_idx %arg5[%parallel_loop3A_494] : memref<13520xf32, #tpu.memory_space<vmem>>[vector<16xi32>], vector<16xf32>,
        %parallel_loop3A_496 = arith.constant 16 : i32
        %parallel_loop3A_497 = arith.muli %parallel_loop3A_140, %parallel_loop3A_496 : i32
        %parallel_loop3A_498 = arith.constant 1 : i32
        %parallel_loop3A_499 = arith.constant 56 : i32
        %parallel_loop3A_500 = arith.index_cast %parallel_loop3A_498 : i32 to index
        %parallel_loop3A_501 = arith.index_cast %parallel_loop3A_499 : i32 to index
        %parallel_loop3A_502 = arith.index_cast %parallel_loop3A_497 : i32 to index
        %parallel_loop3A_503 = tpu.vector_load %arg8[%parallel_loop3A_500, %parallel_loop3A_501, %parallel_loop3A_502] {strides = array<i32>} : memref<4x64x128xf32, #tpu.memory_space<vmem>>, vector<16xf32>,
        tpu.vector_store %arg8[%parallel_loop3A_500, %parallel_loop3A_501, %parallel_loop3A_502], %parallel_loop3A_495 {strides = array<i32>} : memref<4x64x128xf32, #tpu.memory_space<vmem>>, vector<16xf32>,
        %parallel_loop3A_504 = arith.constant 58 : i32
        %parallel_loop3A_505 = vector.broadcast %parallel_loop3A_504 : i32 to vector<16xi32>
        %parallel_loop3A_506 = arith.addi %parallel_loop3A_155, %parallel_loop3A_505 : vector<16xi32>
        %parallel_loop3A_507 = tpu.vector_load_idx %arg5[%parallel_loop3A_506] : memref<13520xf32, #tpu.memory_space<vmem>>[vector<16xi32>], vector<16xf32>,
        %parallel_loop3A_508 = arith.constant 16 : i32
        %parallel_loop3A_509 = arith.muli %parallel_loop3A_140, %parallel_loop3A_508 : i32
        %parallel_loop3A_510 = arith.constant 1 : i32
        %parallel_loop3A_511 = arith.constant 58 : i32
        %parallel_loop3A_512 = arith.index_cast %parallel_loop3A_510 : i32 to index
        %parallel_loop3A_513 = arith.index_cast %parallel_loop3A_511 : i32 to index
        %parallel_loop3A_514 = arith.index_cast %parallel_loop3A_509 : i32 to index
        %parallel_loop3A_515 = tpu.vector_load %arg8[%parallel_loop3A_512, %parallel_loop3A_513, %parallel_loop3A_514] {strides = array<i32>} : memref<4x64x128xf32, #tpu.memory_space<vmem>>, vector<16xf32>,
        tpu.vector_store %arg8[%parallel_loop3A_512, %parallel_loop3A_513, %parallel_loop3A_514], %parallel_loop3A_507 {strides = array<i32>} : memref<4x64x128xf32, #tpu.memory_space<vmem>>, vector<16xf32>,
        %parallel_loop3A_516 = arith.constant 60 : i32
        %parallel_loop3A_517 = vector.broadcast %parallel_loop3A_516 : i32 to vector<16xi32>
        %parallel_loop3A_518 = arith.addi %parallel_loop3A_155, %parallel_loop3A_517 : vector<16xi32>
        %parallel_loop3A_519 = tpu.vector_load_idx %arg5[%parallel_loop3A_518] : memref<13520xf32, #tpu.memory_space<vmem>>[vector<16xi32>], vector<16xf32>,
        %parallel_loop3A_520 = arith.constant 16 : i32
        %parallel_loop3A_521 = arith.muli %parallel_loop3A_140, %parallel_loop3A_520 : i32
        %parallel_loop3A_522 = arith.constant 1 : i32
        %parallel_loop3A_523 = arith.constant 60 : i32
        %parallel_loop3A_524 = arith.index_cast %parallel_loop3A_522 : i32 to index
        %parallel_loop3A_525 = arith.index_cast %parallel_loop3A_523 : i32 to index
        %parallel_loop3A_526 = arith.index_cast %parallel_loop3A_521 : i32 to index
        %parallel_loop3A_527 = tpu.vector_load %arg8[%parallel_loop3A_524, %parallel_loop3A_525, %parallel_loop3A_526] {strides = array<i32>} : memref<4x64x128xf32, #tpu.memory_space<vmem>>, vector<16xf32>,
        tpu.vector_store %arg8[%parallel_loop3A_524, %parallel_loop3A_525, %parallel_loop3A_526], %parallel_loop3A_519 {strides = array<i32>} : memref<4x64x128xf32, #tpu.memory_space<vmem>>, vector<16xf32>,
        %parallel_loop3A_528 = arith.constant 62 : i32
        %parallel_loop3A_529 = vector.broadcast %parallel_loop3A_528 : i32 to vector<16xi32>
        %parallel_loop3A_530 = arith.addi %parallel_loop3A_155, %parallel_loop3A_529 : vector<16xi32>
        %parallel_loop3A_531 = tpu.vector_load_idx %arg5[%parallel_loop3A_530] : memref<13520xf32, #tpu.memory_space<vmem>>[vector<16xi32>], vector<16xf32>,
        %parallel_loop3A_532 = arith.constant 16 : i32
        %parallel_loop3A_533 = arith.muli %parallel_loop3A_140, %parallel_loop3A_532 : i32
        %parallel_loop3A_534 = arith.constant 1 : i32
        %parallel_loop3A_535 = arith.constant 62 : i32
        %parallel_loop3A_536 = arith.index_cast %parallel_loop3A_534 : i32 to index
        %parallel_loop3A_537 = arith.index_cast %parallel_loop3A_535 : i32 to index
        %parallel_loop3A_538 = arith.index_cast %parallel_loop3A_533 : i32 to index
        %parallel_loop3A_539 = tpu.vector_load %arg8[%parallel_loop3A_536, %parallel_loop3A_537, %parallel_loop3A_538] {strides = array<i32>} : memref<4x64x128xf32, #tpu.memory_space<vmem>>, vector<16xf32>,
        tpu.vector_store %arg8[%parallel_loop3A_536, %parallel_loop3A_537, %parallel_loop3A_538], %parallel_loop3A_531 {strides = array<i32>} : memref<4x64x128xf32, #tpu.memory_space<vmem>>, vector<16xf32>,
      } {sc.loop_unroll_factor = 4 : i64, sc.parallel_access}
      %mul3A_110 = arith.constant 4 : i32
      %mul3A_111 = arith.muli %add3A_80, %mul3A_110 : i32
      %add3A_112 = arith.constant 2 : i32
      %add3A_113 = arith.addi %mul3A_111, %add3A_112 : i32
      %eq3A_114 = arith.constant 0 : i32
      %eq3A_115 = arith.cmpi eq, %add3A_113, %eq3A_114 : i32
      %jit3A_116 = arith.constant 6630 : i32
      %jit3A_117 = arith.constant 0 : i32
      %select_n3A_118 = arith.select %eq3A_115, %jit3A_116, %jit3A_117 : i32
      %parallel_loop3A_119 = arith.constant 0 : i32
      %parallel_loop3A_120 = arith.constant 8 : i32
      %parallel_loop3A_121 = arith.constant 1 : i32
      scf.for %parallel_loop3A_140 = %parallel_loop3A_119 to %parallel_loop3A_120 step %parallel_loop3A_121  : i32 {
        %parallel_loop3A_141 = arith.constant 16 : i32
        %parallel_loop3A_142 = arith.muli %parallel_loop3A_140, %parallel_loop3A_141 : i32
        %parallel_loop3A_143 = vector.broadcast %parallel_loop3A_142 : i32 to vector<16xi32>
        %parallel_loop3A_144 = arith.addi %parallel_loop3A_143, %iota3A : vector<16xi32>
        %parallel_loop3A_145 = arith.constant 200 : i32
        %parallel_loop3A_146 = vector.broadcast %parallel_loop3A_145 : i32 to vector<16xi32>
        %parallel_loop3A_147 = arith.muli %parallel_loop3A_144, %parallel_loop3A_146 : vector<16xi32>
        %parallel_loop3A_148 = vector.broadcast %add3A_113 : i32 to vector<16xi32>
        %parallel_loop3A_149 = arith.addi %parallel_loop3A_147, %parallel_loop3A_148 : vector<16xi32>
        %parallel_loop3A_150 = tpu.vector_load_idx %arg6[%parallel_loop3A_149] : memref<25600xi32, #tpu.memory_space<vmem>>[vector<16xi32>], vector<16xi32>,
        %parallel_loop3A_151 = arith.constant 65 : i32
        %parallel_loop3A_152 = vector.broadcast %parallel_loop3A_151 : i32 to vector<16xi32>
        %parallel_loop3A_153 = arith.muli %parallel_loop3A_150, %parallel_loop3A_152 : vector<16xi32>
        %parallel_loop3A_154 = vector.broadcast %select_n3A_118 : i32 to vector<16xi32>
        %parallel_loop3A_155 = arith.addi %parallel_loop3A_153, %parallel_loop3A_154 : vector<16xi32>
        %parallel_loop3A_156 = arith.constant 0 : i32
        %parallel_loop3A_157 = vector.broadcast %parallel_loop3A_156 : i32 to vector<16xi32>
        %parallel_loop3A_158 = arith.addi %parallel_loop3A_155, %parallel_loop3A_157 : vector<16xi32>
        %parallel_loop3A_159 = tpu.vector_load_idx %arg5[%parallel_loop3A_158] : memref<13520xf32, #tpu.memory_space<vmem>>[vector<16xi32>], vector<16xf32>,
        %parallel_loop3A_160 = arith.constant 16 : i32
        %parallel_loop3A_161 = arith.muli %parallel_loop3A_140, %parallel_loop3A_160 : i32
        %parallel_loop3A_162 = arith.constant 2 : i32
        %parallel_loop3A_163 = arith.constant 0 : i32
        %parallel_loop3A_164 = arith.index_cast %parallel_loop3A_162 : i32 to index
        %parallel_loop3A_165 = arith.index_cast %parallel_loop3A_163 : i32 to index
        %parallel_loop3A_166 = arith.index_cast %parallel_loop3A_161 : i32 to index
        %parallel_loop3A_167 = tpu.vector_load %arg8[%parallel_loop3A_164, %parallel_loop3A_165, %parallel_loop3A_166] {strides = array<i32>} : memref<4x64x128xf32, #tpu.memory_space<vmem>>, vector<16xf32>,
        tpu.vector_store %arg8[%parallel_loop3A_164, %parallel_loop3A_165, %parallel_loop3A_166], %parallel_loop3A_159 {strides = array<i32>} : memref<4x64x128xf32, #tpu.memory_space<vmem>>, vector<16xf32>,
        %parallel_loop3A_168 = arith.constant 2 : i32
        %parallel_loop3A_169 = vector.broadcast %parallel_loop3A_168 : i32 to vector<16xi32>
        %parallel_loop3A_170 = arith.addi %parallel_loop3A_155, %parallel_loop3A_169 : vector<16xi32>
        %parallel_loop3A_171 = tpu.vector_load_idx %arg5[%parallel_loop3A_170] : memref<13520xf32, #tpu.memory_space<vmem>>[vector<16xi32>], vector<16xf32>,
        %parallel_loop3A_172 = arith.constant 16 : i32
        %parallel_loop3A_173 = arith.muli %parallel_loop3A_140, %parallel_loop3A_172 : i32
        %parallel_loop3A_174 = arith.constant 2 : i32
        %parallel_loop3A_175 = arith.constant 2 : i32
        %parallel_loop3A_176 = arith.index_cast %parallel_loop3A_174 : i32 to index
        %parallel_loop3A_177 = arith.index_cast %parallel_loop3A_175 : i32 to index
        %parallel_loop3A_178 = arith.index_cast %parallel_loop3A_173 : i32 to index
        %parallel_loop3A_179 = tpu.vector_load %arg8[%parallel_loop3A_176, %parallel_loop3A_177, %parallel_loop3A_178] {strides = array<i32>} : memref<4x64x128xf32, #tpu.memory_space<vmem>>, vector<16xf32>,
        tpu.vector_store %arg8[%parallel_loop3A_176, %parallel_loop3A_177, %parallel_loop3A_178], %parallel_loop3A_171 {strides = array<i32>} : memref<4x64x128xf32, #tpu.memory_space<vmem>>, vector<16xf32>,
        %parallel_loop3A_180 = arith.constant 4 : i32
        %parallel_loop3A_181 = vector.broadcast %parallel_loop3A_180 : i32 to vector<16xi32>
        %parallel_loop3A_182 = arith.addi %parallel_loop3A_155, %parallel_loop3A_181 : vector<16xi32>
        %parallel_loop3A_183 = tpu.vector_load_idx %arg5[%parallel_loop3A_182] : memref<13520xf32, #tpu.memory_space<vmem>>[vector<16xi32>], vector<16xf32>,
        %parallel_loop3A_184 = arith.constant 16 : i32
        %parallel_loop3A_185 = arith.muli %parallel_loop3A_140, %parallel_loop3A_184 : i32
        %parallel_loop3A_186 = arith.constant 2 : i32
        %parallel_loop3A_187 = arith.constant 4 : i32
        %parallel_loop3A_188 = arith.index_cast %parallel_loop3A_186 : i32 to index
        %parallel_loop3A_189 = arith.index_cast %parallel_loop3A_187 : i32 to index
        %parallel_loop3A_190 = arith.index_cast %parallel_loop3A_185 : i32 to index
        %parallel_loop3A_191 = tpu.vector_load %arg8[%parallel_loop3A_188, %parallel_loop3A_189, %parallel_loop3A_190] {strides = array<i32>} : memref<4x64x128xf32, #tpu.memory_space<vmem>>, vector<16xf32>,
        tpu.vector_store %arg8[%parallel_loop3A_188, %parallel_loop3A_189, %parallel_loop3A_190], %parallel_loop3A_183 {strides = array<i32>} : memref<4x64x128xf32, #tpu.memory_space<vmem>>, vector<16xf32>,
        %parallel_loop3A_192 = arith.constant 6 : i32
        %parallel_loop3A_193 = vector.broadcast %parallel_loop3A_192 : i32 to vector<16xi32>
        %parallel_loop3A_194 = arith.addi %parallel_loop3A_155, %parallel_loop3A_193 : vector<16xi32>
        %parallel_loop3A_195 = tpu.vector_load_idx %arg5[%parallel_loop3A_194] : memref<13520xf32, #tpu.memory_space<vmem>>[vector<16xi32>], vector<16xf32>,
        %parallel_loop3A_196 = arith.constant 16 : i32
        %parallel_loop3A_197 = arith.muli %parallel_loop3A_140, %parallel_loop3A_196 : i32
        %parallel_loop3A_198 = arith.constant 2 : i32
        %parallel_loop3A_199 = arith.constant 6 : i32
        %parallel_loop3A_200 = arith.index_cast %parallel_loop3A_198 : i32 to index
        %parallel_loop3A_201 = arith.index_cast %parallel_loop3A_199 : i32 to index
        %parallel_loop3A_202 = arith.index_cast %parallel_loop3A_197 : i32 to index
        %parallel_loop3A_203 = tpu.vector_load %arg8[%parallel_loop3A_200, %parallel_loop3A_201, %parallel_loop3A_202] {strides = array<i32>} : memref<4x64x128xf32, #tpu.memory_space<vmem>>, vector<16xf32>,
        tpu.vector_store %arg8[%parallel_loop3A_200, %parallel_loop3A_201, %parallel_loop3A_202], %parallel_loop3A_195 {strides = array<i32>} : memref<4x64x128xf32, #tpu.memory_space<vmem>>, vector<16xf32>,
        %parallel_loop3A_204 = arith.constant 8 : i32
        %parallel_loop3A_205 = vector.broadcast %parallel_loop3A_204 : i32 to vector<16xi32>
        %parallel_loop3A_206 = arith.addi %parallel_loop3A_155, %parallel_loop3A_205 : vector<16xi32>
        %parallel_loop3A_207 = tpu.vector_load_idx %arg5[%parallel_loop3A_206] : memref<13520xf32, #tpu.memory_space<vmem>>[vector<16xi32>], vector<16xf32>,
        %parallel_loop3A_208 = arith.constant 16 : i32
        %parallel_loop3A_209 = arith.muli %parallel_loop3A_140, %parallel_loop3A_208 : i32
        %parallel_loop3A_210 = arith.constant 2 : i32
        %parallel_loop3A_211 = arith.constant 8 : i32
        %parallel_loop3A_212 = arith.index_cast %parallel_loop3A_210 : i32 to index
        %parallel_loop3A_213 = arith.index_cast %parallel_loop3A_211 : i32 to index
        %parallel_loop3A_214 = arith.index_cast %parallel_loop3A_209 : i32 to index
        %parallel_loop3A_215 = tpu.vector_load %arg8[%parallel_loop3A_212, %parallel_loop3A_213, %parallel_loop3A_214] {strides = array<i32>} : memref<4x64x128xf32, #tpu.memory_space<vmem>>, vector<16xf32>,
        tpu.vector_store %arg8[%parallel_loop3A_212, %parallel_loop3A_213, %parallel_loop3A_214], %parallel_loop3A_207 {strides = array<i32>} : memref<4x64x128xf32, #tpu.memory_space<vmem>>, vector<16xf32>,
        %parallel_loop3A_216 = arith.constant 10 : i32
        %parallel_loop3A_217 = vector.broadcast %parallel_loop3A_216 : i32 to vector<16xi32>
        %parallel_loop3A_218 = arith.addi %parallel_loop3A_155, %parallel_loop3A_217 : vector<16xi32>
        %parallel_loop3A_219 = tpu.vector_load_idx %arg5[%parallel_loop3A_218] : memref<13520xf32, #tpu.memory_space<vmem>>[vector<16xi32>], vector<16xf32>,
        %parallel_loop3A_220 = arith.constant 16 : i32
        %parallel_loop3A_221 = arith.muli %parallel_loop3A_140, %parallel_loop3A_220 : i32
        %parallel_loop3A_222 = arith.constant 2 : i32
        %parallel_loop3A_223 = arith.constant 10 : i32
        %parallel_loop3A_224 = arith.index_cast %parallel_loop3A_222 : i32 to index
        %parallel_loop3A_225 = arith.index_cast %parallel_loop3A_223 : i32 to index
        %parallel_loop3A_226 = arith.index_cast %parallel_loop3A_221 : i32 to index
        %parallel_loop3A_227 = tpu.vector_load %arg8[%parallel_loop3A_224, %parallel_loop3A_225, %parallel_loop3A_226] {strides = array<i32>} : memref<4x64x128xf32, #tpu.memory_space<vmem>>, vector<16xf32>,
        tpu.vector_store %arg8[%parallel_loop3A_224, %parallel_loop3A_225, %parallel_loop3A_226], %parallel_loop3A_219 {strides = array<i32>} : memref<4x64x128xf32, #tpu.memory_space<vmem>>, vector<16xf32>,
        %parallel_loop3A_228 = arith.constant 12 : i32
        %parallel_loop3A_229 = vector.broadcast %parallel_loop3A_228 : i32 to vector<16xi32>
        %parallel_loop3A_230 = arith.addi %parallel_loop3A_155, %parallel_loop3A_229 : vector<16xi32>
        %parallel_loop3A_231 = tpu.vector_load_idx %arg5[%parallel_loop3A_230] : memref<13520xf32, #tpu.memory_space<vmem>>[vector<16xi32>], vector<16xf32>,
        %parallel_loop3A_232 = arith.constant 16 : i32
        %parallel_loop3A_233 = arith.muli %parallel_loop3A_140, %parallel_loop3A_232 : i32
        %parallel_loop3A_234 = arith.constant 2 : i32
        %parallel_loop3A_235 = arith.constant 12 : i32
        %parallel_loop3A_236 = arith.index_cast %parallel_loop3A_234 : i32 to index
        %parallel_loop3A_237 = arith.index_cast %parallel_loop3A_235 : i32 to index
        %parallel_loop3A_238 = arith.index_cast %parallel_loop3A_233 : i32 to index
        %parallel_loop3A_239 = tpu.vector_load %arg8[%parallel_loop3A_236, %parallel_loop3A_237, %parallel_loop3A_238] {strides = array<i32>} : memref<4x64x128xf32, #tpu.memory_space<vmem>>, vector<16xf32>,
        tpu.vector_store %arg8[%parallel_loop3A_236, %parallel_loop3A_237, %parallel_loop3A_238], %parallel_loop3A_231 {strides = array<i32>} : memref<4x64x128xf32, #tpu.memory_space<vmem>>, vector<16xf32>,
        %parallel_loop3A_240 = arith.constant 14 : i32
        %parallel_loop3A_241 = vector.broadcast %parallel_loop3A_240 : i32 to vector<16xi32>
        %parallel_loop3A_242 = arith.addi %parallel_loop3A_155, %parallel_loop3A_241 : vector<16xi32>
        %parallel_loop3A_243 = tpu.vector_load_idx %arg5[%parallel_loop3A_242] : memref<13520xf32, #tpu.memory_space<vmem>>[vector<16xi32>], vector<16xf32>,
        %parallel_loop3A_244 = arith.constant 16 : i32
        %parallel_loop3A_245 = arith.muli %parallel_loop3A_140, %parallel_loop3A_244 : i32
        %parallel_loop3A_246 = arith.constant 2 : i32
        %parallel_loop3A_247 = arith.constant 14 : i32
        %parallel_loop3A_248 = arith.index_cast %parallel_loop3A_246 : i32 to index
        %parallel_loop3A_249 = arith.index_cast %parallel_loop3A_247 : i32 to index
        %parallel_loop3A_250 = arith.index_cast %parallel_loop3A_245 : i32 to index
        %parallel_loop3A_251 = tpu.vector_load %arg8[%parallel_loop3A_248, %parallel_loop3A_249, %parallel_loop3A_250] {strides = array<i32>} : memref<4x64x128xf32, #tpu.memory_space<vmem>>, vector<16xf32>,
        tpu.vector_store %arg8[%parallel_loop3A_248, %parallel_loop3A_249, %parallel_loop3A_250], %parallel_loop3A_243 {strides = array<i32>} : memref<4x64x128xf32, #tpu.memory_space<vmem>>, vector<16xf32>,
        %parallel_loop3A_252 = arith.constant 16 : i32
        %parallel_loop3A_253 = vector.broadcast %parallel_loop3A_252 : i32 to vector<16xi32>
        %parallel_loop3A_254 = arith.addi %parallel_loop3A_155, %parallel_loop3A_253 : vector<16xi32>
        %parallel_loop3A_255 = tpu.vector_load_idx %arg5[%parallel_loop3A_254] : memref<13520xf32, #tpu.memory_space<vmem>>[vector<16xi32>], vector<16xf32>,
        %parallel_loop3A_256 = arith.constant 16 : i32
        %parallel_loop3A_257 = arith.muli %parallel_loop3A_140, %parallel_loop3A_256 : i32
        %parallel_loop3A_258 = arith.constant 2 : i32
        %parallel_loop3A_259 = arith.constant 16 : i32
        %parallel_loop3A_260 = arith.index_cast %parallel_loop3A_258 : i32 to index
        %parallel_loop3A_261 = arith.index_cast %parallel_loop3A_259 : i32 to index
        %parallel_loop3A_262 = arith.index_cast %parallel_loop3A_257 : i32 to index
        %parallel_loop3A_263 = tpu.vector_load %arg8[%parallel_loop3A_260, %parallel_loop3A_261, %parallel_loop3A_262] {strides = array<i32>} : memref<4x64x128xf32, #tpu.memory_space<vmem>>, vector<16xf32>,
        tpu.vector_store %arg8[%parallel_loop3A_260, %parallel_loop3A_261, %parallel_loop3A_262], %parallel_loop3A_255 {strides = array<i32>} : memref<4x64x128xf32, #tpu.memory_space<vmem>>, vector<16xf32>,
        %parallel_loop3A_264 = arith.constant 18 : i32
        %parallel_loop3A_265 = vector.broadcast %parallel_loop3A_264 : i32 to vector<16xi32>
        %parallel_loop3A_266 = arith.addi %parallel_loop3A_155, %parallel_loop3A_265 : vector<16xi32>
        %parallel_loop3A_267 = tpu.vector_load_idx %arg5[%parallel_loop3A_266] : memref<13520xf32, #tpu.memory_space<vmem>>[vector<16xi32>], vector<16xf32>,
        %parallel_loop3A_268 = arith.constant 16 : i32
        %parallel_loop3A_269 = arith.muli %parallel_loop3A_140, %parallel_loop3A_268 : i32
        %parallel_loop3A_270 = arith.constant 2 : i32
        %parallel_loop3A_271 = arith.constant 18 : i32
        %parallel_loop3A_272 = arith.index_cast %parallel_loop3A_270 : i32 to index
        %parallel_loop3A_273 = arith.index_cast %parallel_loop3A_271 : i32 to index
        %parallel_loop3A_274 = arith.index_cast %parallel_loop3A_269 : i32 to index
        %parallel_loop3A_275 = tpu.vector_load %arg8[%parallel_loop3A_272, %parallel_loop3A_273, %parallel_loop3A_274] {strides = array<i32>} : memref<4x64x128xf32, #tpu.memory_space<vmem>>, vector<16xf32>,
        tpu.vector_store %arg8[%parallel_loop3A_272, %parallel_loop3A_273, %parallel_loop3A_274], %parallel_loop3A_267 {strides = array<i32>} : memref<4x64x128xf32, #tpu.memory_space<vmem>>, vector<16xf32>,
        %parallel_loop3A_276 = arith.constant 20 : i32
        %parallel_loop3A_277 = vector.broadcast %parallel_loop3A_276 : i32 to vector<16xi32>
        %parallel_loop3A_278 = arith.addi %parallel_loop3A_155, %parallel_loop3A_277 : vector<16xi32>
        %parallel_loop3A_279 = tpu.vector_load_idx %arg5[%parallel_loop3A_278] : memref<13520xf32, #tpu.memory_space<vmem>>[vector<16xi32>], vector<16xf32>,
        %parallel_loop3A_280 = arith.constant 16 : i32
        %parallel_loop3A_281 = arith.muli %parallel_loop3A_140, %parallel_loop3A_280 : i32
        %parallel_loop3A_282 = arith.constant 2 : i32
        %parallel_loop3A_283 = arith.constant 20 : i32
        %parallel_loop3A_284 = arith.index_cast %parallel_loop3A_282 : i32 to index
        %parallel_loop3A_285 = arith.index_cast %parallel_loop3A_283 : i32 to index
        %parallel_loop3A_286 = arith.index_cast %parallel_loop3A_281 : i32 to index
        %parallel_loop3A_287 = tpu.vector_load %arg8[%parallel_loop3A_284, %parallel_loop3A_285, %parallel_loop3A_286] {strides = array<i32>} : memref<4x64x128xf32, #tpu.memory_space<vmem>>, vector<16xf32>,
        tpu.vector_store %arg8[%parallel_loop3A_284, %parallel_loop3A_285, %parallel_loop3A_286], %parallel_loop3A_279 {strides = array<i32>} : memref<4x64x128xf32, #tpu.memory_space<vmem>>, vector<16xf32>,
        %parallel_loop3A_288 = arith.constant 22 : i32
        %parallel_loop3A_289 = vector.broadcast %parallel_loop3A_288 : i32 to vector<16xi32>
        %parallel_loop3A_290 = arith.addi %parallel_loop3A_155, %parallel_loop3A_289 : vector<16xi32>
        %parallel_loop3A_291 = tpu.vector_load_idx %arg5[%parallel_loop3A_290] : memref<13520xf32, #tpu.memory_space<vmem>>[vector<16xi32>], vector<16xf32>,
        %parallel_loop3A_292 = arith.constant 16 : i32
        %parallel_loop3A_293 = arith.muli %parallel_loop3A_140, %parallel_loop3A_292 : i32
        %parallel_loop3A_294 = arith.constant 2 : i32
        %parallel_loop3A_295 = arith.constant 22 : i32
        %parallel_loop3A_296 = arith.index_cast %parallel_loop3A_294 : i32 to index
        %parallel_loop3A_297 = arith.index_cast %parallel_loop3A_295 : i32 to index
        %parallel_loop3A_298 = arith.index_cast %parallel_loop3A_293 : i32 to index
        %parallel_loop3A_299 = tpu.vector_load %arg8[%parallel_loop3A_296, %parallel_loop3A_297, %parallel_loop3A_298] {strides = array<i32>} : memref<4x64x128xf32, #tpu.memory_space<vmem>>, vector<16xf32>,
        tpu.vector_store %arg8[%parallel_loop3A_296, %parallel_loop3A_297, %parallel_loop3A_298], %parallel_loop3A_291 {strides = array<i32>} : memref<4x64x128xf32, #tpu.memory_space<vmem>>, vector<16xf32>,
        %parallel_loop3A_300 = arith.constant 24 : i32
        %parallel_loop3A_301 = vector.broadcast %parallel_loop3A_300 : i32 to vector<16xi32>
        %parallel_loop3A_302 = arith.addi %parallel_loop3A_155, %parallel_loop3A_301 : vector<16xi32>
        %parallel_loop3A_303 = tpu.vector_load_idx %arg5[%parallel_loop3A_302] : memref<13520xf32, #tpu.memory_space<vmem>>[vector<16xi32>], vector<16xf32>,
        %parallel_loop3A_304 = arith.constant 16 : i32
        %parallel_loop3A_305 = arith.muli %parallel_loop3A_140, %parallel_loop3A_304 : i32
        %parallel_loop3A_306 = arith.constant 2 : i32
        %parallel_loop3A_307 = arith.constant 24 : i32
        %parallel_loop3A_308 = arith.index_cast %parallel_loop3A_306 : i32 to index
        %parallel_loop3A_309 = arith.index_cast %parallel_loop3A_307 : i32 to index
        %parallel_loop3A_310 = arith.index_cast %parallel_loop3A_305 : i32 to index
        %parallel_loop3A_311 = tpu.vector_load %arg8[%parallel_loop3A_308, %parallel_loop3A_309, %parallel_loop3A_310] {strides = array<i32>} : memref<4x64x128xf32, #tpu.memory_space<vmem>>, vector<16xf32>,
        tpu.vector_store %arg8[%parallel_loop3A_308, %parallel_loop3A_309, %parallel_loop3A_310], %parallel_loop3A_303 {strides = array<i32>} : memref<4x64x128xf32, #tpu.memory_space<vmem>>, vector<16xf32>,
        %parallel_loop3A_312 = arith.constant 26 : i32
        %parallel_loop3A_313 = vector.broadcast %parallel_loop3A_312 : i32 to vector<16xi32>
        %parallel_loop3A_314 = arith.addi %parallel_loop3A_155, %parallel_loop3A_313 : vector<16xi32>
        %parallel_loop3A_315 = tpu.vector_load_idx %arg5[%parallel_loop3A_314] : memref<13520xf32, #tpu.memory_space<vmem>>[vector<16xi32>], vector<16xf32>,
        %parallel_loop3A_316 = arith.constant 16 : i32
        %parallel_loop3A_317 = arith.muli %parallel_loop3A_140, %parallel_loop3A_316 : i32
        %parallel_loop3A_318 = arith.constant 2 : i32
        %parallel_loop3A_319 = arith.constant 26 : i32
        %parallel_loop3A_320 = arith.index_cast %parallel_loop3A_318 : i32 to index
        %parallel_loop3A_321 = arith.index_cast %parallel_loop3A_319 : i32 to index
        %parallel_loop3A_322 = arith.index_cast %parallel_loop3A_317 : i32 to index
        %parallel_loop3A_323 = tpu.vector_load %arg8[%parallel_loop3A_320, %parallel_loop3A_321, %parallel_loop3A_322] {strides = array<i32>} : memref<4x64x128xf32, #tpu.memory_space<vmem>>, vector<16xf32>,
        tpu.vector_store %arg8[%parallel_loop3A_320, %parallel_loop3A_321, %parallel_loop3A_322], %parallel_loop3A_315 {strides = array<i32>} : memref<4x64x128xf32, #tpu.memory_space<vmem>>, vector<16xf32>,
        %parallel_loop3A_324 = arith.constant 28 : i32
        %parallel_loop3A_325 = vector.broadcast %parallel_loop3A_324 : i32 to vector<16xi32>
        %parallel_loop3A_326 = arith.addi %parallel_loop3A_155, %parallel_loop3A_325 : vector<16xi32>
        %parallel_loop3A_327 = tpu.vector_load_idx %arg5[%parallel_loop3A_326] : memref<13520xf32, #tpu.memory_space<vmem>>[vector<16xi32>], vector<16xf32>,
        %parallel_loop3A_328 = arith.constant 16 : i32
        %parallel_loop3A_329 = arith.muli %parallel_loop3A_140, %parallel_loop3A_328 : i32
        %parallel_loop3A_330 = arith.constant 2 : i32
        %parallel_loop3A_331 = arith.constant 28 : i32
        %parallel_loop3A_332 = arith.index_cast %parallel_loop3A_330 : i32 to index
        %parallel_loop3A_333 = arith.index_cast %parallel_loop3A_331 : i32 to index
        %parallel_loop3A_334 = arith.index_cast %parallel_loop3A_329 : i32 to index
        %parallel_loop3A_335 = tpu.vector_load %arg8[%parallel_loop3A_332, %parallel_loop3A_333, %parallel_loop3A_334] {strides = array<i32>} : memref<4x64x128xf32, #tpu.memory_space<vmem>>, vector<16xf32>,
        tpu.vector_store %arg8[%parallel_loop3A_332, %parallel_loop3A_333, %parallel_loop3A_334], %parallel_loop3A_327 {strides = array<i32>} : memref<4x64x128xf32, #tpu.memory_space<vmem>>, vector<16xf32>,
        %parallel_loop3A_336 = arith.constant 30 : i32
        %parallel_loop3A_337 = vector.broadcast %parallel_loop3A_336 : i32 to vector<16xi32>
        %parallel_loop3A_338 = arith.addi %parallel_loop3A_155, %parallel_loop3A_337 : vector<16xi32>
        %parallel_loop3A_339 = tpu.vector_load_idx %arg5[%parallel_loop3A_338] : memref<13520xf32, #tpu.memory_space<vmem>>[vector<16xi32>], vector<16xf32>,
        %parallel_loop3A_340 = arith.constant 16 : i32
        %parallel_loop3A_341 = arith.muli %parallel_loop3A_140, %parallel_loop3A_340 : i32
        %parallel_loop3A_342 = arith.constant 2 : i32
        %parallel_loop3A_343 = arith.constant 30 : i32
        %parallel_loop3A_344 = arith.index_cast %parallel_loop3A_342 : i32 to index
        %parallel_loop3A_345 = arith.index_cast %parallel_loop3A_343 : i32 to index
        %parallel_loop3A_346 = arith.index_cast %parallel_loop3A_341 : i32 to index
        %parallel_loop3A_347 = tpu.vector_load %arg8[%parallel_loop3A_344, %parallel_loop3A_345, %parallel_loop3A_346] {strides = array<i32>} : memref<4x64x128xf32, #tpu.memory_space<vmem>>, vector<16xf32>,
        tpu.vector_store %arg8[%parallel_loop3A_344, %parallel_loop3A_345, %parallel_loop3A_346], %parallel_loop3A_339 {strides = array<i32>} : memref<4x64x128xf32, #tpu.memory_space<vmem>>, vector<16xf32>,
        %parallel_loop3A_348 = arith.constant 32 : i32
        %parallel_loop3A_349 = vector.broadcast %parallel_loop3A_348 : i32 to vector<16xi32>
        %parallel_loop3A_350 = arith.addi %parallel_loop3A_155, %parallel_loop3A_349 : vector<16xi32>
        %parallel_loop3A_351 = tpu.vector_load_idx %arg5[%parallel_loop3A_350] : memref<13520xf32, #tpu.memory_space<vmem>>[vector<16xi32>], vector<16xf32>,
        %parallel_loop3A_352 = arith.constant 16 : i32
        %parallel_loop3A_353 = arith.muli %parallel_loop3A_140, %parallel_loop3A_352 : i32
        %parallel_loop3A_354 = arith.constant 2 : i32
        %parallel_loop3A_355 = arith.constant 32 : i32
        %parallel_loop3A_356 = arith.index_cast %parallel_loop3A_354 : i32 to index
        %parallel_loop3A_357 = arith.index_cast %parallel_loop3A_355 : i32 to index
        %parallel_loop3A_358 = arith.index_cast %parallel_loop3A_353 : i32 to index
        %parallel_loop3A_359 = tpu.vector_load %arg8[%parallel_loop3A_356, %parallel_loop3A_357, %parallel_loop3A_358] {strides = array<i32>} : memref<4x64x128xf32, #tpu.memory_space<vmem>>, vector<16xf32>,
        tpu.vector_store %arg8[%parallel_loop3A_356, %parallel_loop3A_357, %parallel_loop3A_358], %parallel_loop3A_351 {strides = array<i32>} : memref<4x64x128xf32, #tpu.memory_space<vmem>>, vector<16xf32>,
        %parallel_loop3A_360 = arith.constant 34 : i32
        %parallel_loop3A_361 = vector.broadcast %parallel_loop3A_360 : i32 to vector<16xi32>
        %parallel_loop3A_362 = arith.addi %parallel_loop3A_155, %parallel_loop3A_361 : vector<16xi32>
        %parallel_loop3A_363 = tpu.vector_load_idx %arg5[%parallel_loop3A_362] : memref<13520xf32, #tpu.memory_space<vmem>>[vector<16xi32>], vector<16xf32>,
        %parallel_loop3A_364 = arith.constant 16 : i32
        %parallel_loop3A_365 = arith.muli %parallel_loop3A_140, %parallel_loop3A_364 : i32
        %parallel_loop3A_366 = arith.constant 2 : i32
        %parallel_loop3A_367 = arith.constant 34 : i32
        %parallel_loop3A_368 = arith.index_cast %parallel_loop3A_366 : i32 to index
        %parallel_loop3A_369 = arith.index_cast %parallel_loop3A_367 : i32 to index
        %parallel_loop3A_370 = arith.index_cast %parallel_loop3A_365 : i32 to index
        %parallel_loop3A_371 = tpu.vector_load %arg8[%parallel_loop3A_368, %parallel_loop3A_369, %parallel_loop3A_370] {strides = array<i32>} : memref<4x64x128xf32, #tpu.memory_space<vmem>>, vector<16xf32>,
        tpu.vector_store %arg8[%parallel_loop3A_368, %parallel_loop3A_369, %parallel_loop3A_370], %parallel_loop3A_363 {strides = array<i32>} : memref<4x64x128xf32, #tpu.memory_space<vmem>>, vector<16xf32>,
        %parallel_loop3A_372 = arith.constant 36 : i32
        %parallel_loop3A_373 = vector.broadcast %parallel_loop3A_372 : i32 to vector<16xi32>
        %parallel_loop3A_374 = arith.addi %parallel_loop3A_155, %parallel_loop3A_373 : vector<16xi32>
        %parallel_loop3A_375 = tpu.vector_load_idx %arg5[%parallel_loop3A_374] : memref<13520xf32, #tpu.memory_space<vmem>>[vector<16xi32>], vector<16xf32>,
        %parallel_loop3A_376 = arith.constant 16 : i32
        %parallel_loop3A_377 = arith.muli %parallel_loop3A_140, %parallel_loop3A_376 : i32
        %parallel_loop3A_378 = arith.constant 2 : i32
        %parallel_loop3A_379 = arith.constant 36 : i32
        %parallel_loop3A_380 = arith.index_cast %parallel_loop3A_378 : i32 to index
        %parallel_loop3A_381 = arith.index_cast %parallel_loop3A_379 : i32 to index
        %parallel_loop3A_382 = arith.index_cast %parallel_loop3A_377 : i32 to index
        %parallel_loop3A_383 = tpu.vector_load %arg8[%parallel_loop3A_380, %parallel_loop3A_381, %parallel_loop3A_382] {strides = array<i32>} : memref<4x64x128xf32, #tpu.memory_space<vmem>>, vector<16xf32>,
        tpu.vector_store %arg8[%parallel_loop3A_380, %parallel_loop3A_381, %parallel_loop3A_382], %parallel_loop3A_375 {strides = array<i32>} : memref<4x64x128xf32, #tpu.memory_space<vmem>>, vector<16xf32>,
        %parallel_loop3A_384 = arith.constant 38 : i32
        %parallel_loop3A_385 = vector.broadcast %parallel_loop3A_384 : i32 to vector<16xi32>
        %parallel_loop3A_386 = arith.addi %parallel_loop3A_155, %parallel_loop3A_385 : vector<16xi32>
        %parallel_loop3A_387 = tpu.vector_load_idx %arg5[%parallel_loop3A_386] : memref<13520xf32, #tpu.memory_space<vmem>>[vector<16xi32>], vector<16xf32>,
        %parallel_loop3A_388 = arith.constant 16 : i32
        %parallel_loop3A_389 = arith.muli %parallel_loop3A_140, %parallel_loop3A_388 : i32
        %parallel_loop3A_390 = arith.constant 2 : i32
        %parallel_loop3A_391 = arith.constant 38 : i32
        %parallel_loop3A_392 = arith.index_cast %parallel_loop3A_390 : i32 to index
        %parallel_loop3A_393 = arith.index_cast %parallel_loop3A_391 : i32 to index
        %parallel_loop3A_394 = arith.index_cast %parallel_loop3A_389 : i32 to index
        %parallel_loop3A_395 = tpu.vector_load %arg8[%parallel_loop3A_392, %parallel_loop3A_393, %parallel_loop3A_394] {strides = array<i32>} : memref<4x64x128xf32, #tpu.memory_space<vmem>>, vector<16xf32>,
        tpu.vector_store %arg8[%parallel_loop3A_392, %parallel_loop3A_393, %parallel_loop3A_394], %parallel_loop3A_387 {strides = array<i32>} : memref<4x64x128xf32, #tpu.memory_space<vmem>>, vector<16xf32>,
        %parallel_loop3A_396 = arith.constant 40 : i32
        %parallel_loop3A_397 = vector.broadcast %parallel_loop3A_396 : i32 to vector<16xi32>
        %parallel_loop3A_398 = arith.addi %parallel_loop3A_155, %parallel_loop3A_397 : vector<16xi32>
        %parallel_loop3A_399 = tpu.vector_load_idx %arg5[%parallel_loop3A_398] : memref<13520xf32, #tpu.memory_space<vmem>>[vector<16xi32>], vector<16xf32>,
        %parallel_loop3A_400 = arith.constant 16 : i32
        %parallel_loop3A_401 = arith.muli %parallel_loop3A_140, %parallel_loop3A_400 : i32
        %parallel_loop3A_402 = arith.constant 2 : i32
        %parallel_loop3A_403 = arith.constant 40 : i32
        %parallel_loop3A_404 = arith.index_cast %parallel_loop3A_402 : i32 to index
        %parallel_loop3A_405 = arith.index_cast %parallel_loop3A_403 : i32 to index
        %parallel_loop3A_406 = arith.index_cast %parallel_loop3A_401 : i32 to index
        %parallel_loop3A_407 = tpu.vector_load %arg8[%parallel_loop3A_404, %parallel_loop3A_405, %parallel_loop3A_406] {strides = array<i32>} : memref<4x64x128xf32, #tpu.memory_space<vmem>>, vector<16xf32>,
        tpu.vector_store %arg8[%parallel_loop3A_404, %parallel_loop3A_405, %parallel_loop3A_406], %parallel_loop3A_399 {strides = array<i32>} : memref<4x64x128xf32, #tpu.memory_space<vmem>>, vector<16xf32>,
        %parallel_loop3A_408 = arith.constant 42 : i32
        %parallel_loop3A_409 = vector.broadcast %parallel_loop3A_408 : i32 to vector<16xi32>
        %parallel_loop3A_410 = arith.addi %parallel_loop3A_155, %parallel_loop3A_409 : vector<16xi32>
        %parallel_loop3A_411 = tpu.vector_load_idx %arg5[%parallel_loop3A_410] : memref<13520xf32, #tpu.memory_space<vmem>>[vector<16xi32>], vector<16xf32>,
        %parallel_loop3A_412 = arith.constant 16 : i32
        %parallel_loop3A_413 = arith.muli %parallel_loop3A_140, %parallel_loop3A_412 : i32
        %parallel_loop3A_414 = arith.constant 2 : i32
        %parallel_loop3A_415 = arith.constant 42 : i32
        %parallel_loop3A_416 = arith.index_cast %parallel_loop3A_414 : i32 to index
        %parallel_loop3A_417 = arith.index_cast %parallel_loop3A_415 : i32 to index
        %parallel_loop3A_418 = arith.index_cast %parallel_loop3A_413 : i32 to index
        %parallel_loop3A_419 = tpu.vector_load %arg8[%parallel_loop3A_416, %parallel_loop3A_417, %parallel_loop3A_418] {strides = array<i32>} : memref<4x64x128xf32, #tpu.memory_space<vmem>>, vector<16xf32>,
        tpu.vector_store %arg8[%parallel_loop3A_416, %parallel_loop3A_417, %parallel_loop3A_418], %parallel_loop3A_411 {strides = array<i32>} : memref<4x64x128xf32, #tpu.memory_space<vmem>>, vector<16xf32>,
        %parallel_loop3A_420 = arith.constant 44 : i32
        %parallel_loop3A_421 = vector.broadcast %parallel_loop3A_420 : i32 to vector<16xi32>
        %parallel_loop3A_422 = arith.addi %parallel_loop3A_155, %parallel_loop3A_421 : vector<16xi32>
        %parallel_loop3A_423 = tpu.vector_load_idx %arg5[%parallel_loop3A_422] : memref<13520xf32, #tpu.memory_space<vmem>>[vector<16xi32>], vector<16xf32>,
        %parallel_loop3A_424 = arith.constant 16 : i32
        %parallel_loop3A_425 = arith.muli %parallel_loop3A_140, %parallel_loop3A_424 : i32
        %parallel_loop3A_426 = arith.constant 2 : i32
        %parallel_loop3A_427 = arith.constant 44 : i32
        %parallel_loop3A_428 = arith.index_cast %parallel_loop3A_426 : i32 to index
        %parallel_loop3A_429 = arith.index_cast %parallel_loop3A_427 : i32 to index
        %parallel_loop3A_430 = arith.index_cast %parallel_loop3A_425 : i32 to index
        %parallel_loop3A_431 = tpu.vector_load %arg8[%parallel_loop3A_428, %parallel_loop3A_429, %parallel_loop3A_430] {strides = array<i32>} : memref<4x64x128xf32, #tpu.memory_space<vmem>>, vector<16xf32>,
        tpu.vector_store %arg8[%parallel_loop3A_428, %parallel_loop3A_429, %parallel_loop3A_430], %parallel_loop3A_423 {strides = array<i32>} : memref<4x64x128xf32, #tpu.memory_space<vmem>>, vector<16xf32>,
        %parallel_loop3A_432 = arith.constant 46 : i32
        %parallel_loop3A_433 = vector.broadcast %parallel_loop3A_432 : i32 to vector<16xi32>
        %parallel_loop3A_434 = arith.addi %parallel_loop3A_155, %parallel_loop3A_433 : vector<16xi32>
        %parallel_loop3A_435 = tpu.vector_load_idx %arg5[%parallel_loop3A_434] : memref<13520xf32, #tpu.memory_space<vmem>>[vector<16xi32>], vector<16xf32>,
        %parallel_loop3A_436 = arith.constant 16 : i32
        %parallel_loop3A_437 = arith.muli %parallel_loop3A_140, %parallel_loop3A_436 : i32
        %parallel_loop3A_438 = arith.constant 2 : i32
        %parallel_loop3A_439 = arith.constant 46 : i32
        %parallel_loop3A_440 = arith.index_cast %parallel_loop3A_438 : i32 to index
        %parallel_loop3A_441 = arith.index_cast %parallel_loop3A_439 : i32 to index
        %parallel_loop3A_442 = arith.index_cast %parallel_loop3A_437 : i32 to index
        %parallel_loop3A_443 = tpu.vector_load %arg8[%parallel_loop3A_440, %parallel_loop3A_441, %parallel_loop3A_442] {strides = array<i32>} : memref<4x64x128xf32, #tpu.memory_space<vmem>>, vector<16xf32>,
        tpu.vector_store %arg8[%parallel_loop3A_440, %parallel_loop3A_441, %parallel_loop3A_442], %parallel_loop3A_435 {strides = array<i32>} : memref<4x64x128xf32, #tpu.memory_space<vmem>>, vector<16xf32>,
        %parallel_loop3A_444 = arith.constant 48 : i32
        %parallel_loop3A_445 = vector.broadcast %parallel_loop3A_444 : i32 to vector<16xi32>
        %parallel_loop3A_446 = arith.addi %parallel_loop3A_155, %parallel_loop3A_445 : vector<16xi32>
        %parallel_loop3A_447 = tpu.vector_load_idx %arg5[%parallel_loop3A_446] : memref<13520xf32, #tpu.memory_space<vmem>>[vector<16xi32>], vector<16xf32>,
        %parallel_loop3A_448 = arith.constant 16 : i32
        %parallel_loop3A_449 = arith.muli %parallel_loop3A_140, %parallel_loop3A_448 : i32
        %parallel_loop3A_450 = arith.constant 2 : i32
        %parallel_loop3A_451 = arith.constant 48 : i32
        %parallel_loop3A_452 = arith.index_cast %parallel_loop3A_450 : i32 to index
        %parallel_loop3A_453 = arith.index_cast %parallel_loop3A_451 : i32 to index
        %parallel_loop3A_454 = arith.index_cast %parallel_loop3A_449 : i32 to index
        %parallel_loop3A_455 = tpu.vector_load %arg8[%parallel_loop3A_452, %parallel_loop3A_453, %parallel_loop3A_454] {strides = array<i32>} : memref<4x64x128xf32, #tpu.memory_space<vmem>>, vector<16xf32>,
        tpu.vector_store %arg8[%parallel_loop3A_452, %parallel_loop3A_453, %parallel_loop3A_454], %parallel_loop3A_447 {strides = array<i32>} : memref<4x64x128xf32, #tpu.memory_space<vmem>>, vector<16xf32>,
        %parallel_loop3A_456 = arith.constant 50 : i32
        %parallel_loop3A_457 = vector.broadcast %parallel_loop3A_456 : i32 to vector<16xi32>
        %parallel_loop3A_458 = arith.addi %parallel_loop3A_155, %parallel_loop3A_457 : vector<16xi32>
        %parallel_loop3A_459 = tpu.vector_load_idx %arg5[%parallel_loop3A_458] : memref<13520xf32, #tpu.memory_space<vmem>>[vector<16xi32>], vector<16xf32>,
        %parallel_loop3A_460 = arith.constant 16 : i32
        %parallel_loop3A_461 = arith.muli %parallel_loop3A_140, %parallel_loop3A_460 : i32
        %parallel_loop3A_462 = arith.constant 2 : i32
        %parallel_loop3A_463 = arith.constant 50 : i32
        %parallel_loop3A_464 = arith.index_cast %parallel_loop3A_462 : i32 to index
        %parallel_loop3A_465 = arith.index_cast %parallel_loop3A_463 : i32 to index
        %parallel_loop3A_466 = arith.index_cast %parallel_loop3A_461 : i32 to index
        %parallel_loop3A_467 = tpu.vector_load %arg8[%parallel_loop3A_464, %parallel_loop3A_465, %parallel_loop3A_466] {strides = array<i32>} : memref<4x64x128xf32, #tpu.memory_space<vmem>>, vector<16xf32>,
        tpu.vector_store %arg8[%parallel_loop3A_464, %parallel_loop3A_465, %parallel_loop3A_466], %parallel_loop3A_459 {strides = array<i32>} : memref<4x64x128xf32, #tpu.memory_space<vmem>>, vector<16xf32>,
        %parallel_loop3A_468 = arith.constant 52 : i32
        %parallel_loop3A_469 = vector.broadcast %parallel_loop3A_468 : i32 to vector<16xi32>
        %parallel_loop3A_470 = arith.addi %parallel_loop3A_155, %parallel_loop3A_469 : vector<16xi32>
        %parallel_loop3A_471 = tpu.vector_load_idx %arg5[%parallel_loop3A_470] : memref<13520xf32, #tpu.memory_space<vmem>>[vector<16xi32>], vector<16xf32>,
        %parallel_loop3A_472 = arith.constant 16 : i32
        %parallel_loop3A_473 = arith.muli %parallel_loop3A_140, %parallel_loop3A_472 : i32
        %parallel_loop3A_474 = arith.constant 2 : i32
        %parallel_loop3A_475 = arith.constant 52 : i32
        %parallel_loop3A_476 = arith.index_cast %parallel_loop3A_474 : i32 to index
        %parallel_loop3A_477 = arith.index_cast %parallel_loop3A_475 : i32 to index
        %parallel_loop3A_478 = arith.index_cast %parallel_loop3A_473 : i32 to index
        %parallel_loop3A_479 = tpu.vector_load %arg8[%parallel_loop3A_476, %parallel_loop3A_477, %parallel_loop3A_478] {strides = array<i32>} : memref<4x64x128xf32, #tpu.memory_space<vmem>>, vector<16xf32>,
        tpu.vector_store %arg8[%parallel_loop3A_476, %parallel_loop3A_477, %parallel_loop3A_478], %parallel_loop3A_471 {strides = array<i32>} : memref<4x64x128xf32, #tpu.memory_space<vmem>>, vector<16xf32>,
        %parallel_loop3A_480 = arith.constant 54 : i32
        %parallel_loop3A_481 = vector.broadcast %parallel_loop3A_480 : i32 to vector<16xi32>
        %parallel_loop3A_482 = arith.addi %parallel_loop3A_155, %parallel_loop3A_481 : vector<16xi32>
        %parallel_loop3A_483 = tpu.vector_load_idx %arg5[%parallel_loop3A_482] : memref<13520xf32, #tpu.memory_space<vmem>>[vector<16xi32>], vector<16xf32>,
        %parallel_loop3A_484 = arith.constant 16 : i32
        %parallel_loop3A_485 = arith.muli %parallel_loop3A_140, %parallel_loop3A_484 : i32
        %parallel_loop3A_486 = arith.constant 2 : i32
        %parallel_loop3A_487 = arith.constant 54 : i32
        %parallel_loop3A_488 = arith.index_cast %parallel_loop3A_486 : i32 to index
        %parallel_loop3A_489 = arith.index_cast %parallel_loop3A_487 : i32 to index
        %parallel_loop3A_490 = arith.index_cast %parallel_loop3A_485 : i32 to index
        %parallel_loop3A_491 = tpu.vector_load %arg8[%parallel_loop3A_488, %parallel_loop3A_489, %parallel_loop3A_490] {strides = array<i32>} : memref<4x64x128xf32, #tpu.memory_space<vmem>>, vector<16xf32>,
        tpu.vector_store %arg8[%parallel_loop3A_488, %parallel_loop3A_489, %parallel_loop3A_490], %parallel_loop3A_483 {strides = array<i32>} : memref<4x64x128xf32, #tpu.memory_space<vmem>>, vector<16xf32>,
        %parallel_loop3A_492 = arith.constant 56 : i32
        %parallel_loop3A_493 = vector.broadcast %parallel_loop3A_492 : i32 to vector<16xi32>
        %parallel_loop3A_494 = arith.addi %parallel_loop3A_155, %parallel_loop3A_493 : vector<16xi32>
        %parallel_loop3A_495 = tpu.vector_load_idx %arg5[%parallel_loop3A_494] : memref<13520xf32, #tpu.memory_space<vmem>>[vector<16xi32>], vector<16xf32>,
        %parallel_loop3A_496 = arith.constant 16 : i32
        %parallel_loop3A_497 = arith.muli %parallel_loop3A_140, %parallel_loop3A_496 : i32
        %parallel_loop3A_498 = arith.constant 2 : i32
        %parallel_loop3A_499 = arith.constant 56 : i32
        %parallel_loop3A_500 = arith.index_cast %parallel_loop3A_498 : i32 to index
        %parallel_loop3A_501 = arith.index_cast %parallel_loop3A_499 : i32 to index
        %parallel_loop3A_502 = arith.index_cast %parallel_loop3A_497 : i32 to index
        %parallel_loop3A_503 = tpu.vector_load %arg8[%parallel_loop3A_500, %parallel_loop3A_501, %parallel_loop3A_502] {strides = array<i32>} : memref<4x64x128xf32, #tpu.memory_space<vmem>>, vector<16xf32>,
        tpu.vector_store %arg8[%parallel_loop3A_500, %parallel_loop3A_501, %parallel_loop3A_502], %parallel_loop3A_495 {strides = array<i32>} : memref<4x64x128xf32, #tpu.memory_space<vmem>>, vector<16xf32>,
        %parallel_loop3A_504 = arith.constant 58 : i32
        %parallel_loop3A_505 = vector.broadcast %parallel_loop3A_504 : i32 to vector<16xi32>
        %parallel_loop3A_506 = arith.addi %parallel_loop3A_155, %parallel_loop3A_505 : vector<16xi32>
        %parallel_loop3A_507 = tpu.vector_load_idx %arg5[%parallel_loop3A_506] : memref<13520xf32, #tpu.memory_space<vmem>>[vector<16xi32>], vector<16xf32>,
        %parallel_loop3A_508 = arith.constant 16 : i32
        %parallel_loop3A_509 = arith.muli %parallel_loop3A_140, %parallel_loop3A_508 : i32
        %parallel_loop3A_510 = arith.constant 2 : i32
        %parallel_loop3A_511 = arith.constant 58 : i32
        %parallel_loop3A_512 = arith.index_cast %parallel_loop3A_510 : i32 to index
        %parallel_loop3A_513 = arith.index_cast %parallel_loop3A_511 : i32 to index
        %parallel_loop3A_514 = arith.index_cast %parallel_loop3A_509 : i32 to index
        %parallel_loop3A_515 = tpu.vector_load %arg8[%parallel_loop3A_512, %parallel_loop3A_513, %parallel_loop3A_514] {strides = array<i32>} : memref<4x64x128xf32, #tpu.memory_space<vmem>>, vector<16xf32>,
        tpu.vector_store %arg8[%parallel_loop3A_512, %parallel_loop3A_513, %parallel_loop3A_514], %parallel_loop3A_507 {strides = array<i32>} : memref<4x64x128xf32, #tpu.memory_space<vmem>>, vector<16xf32>,
        %parallel_loop3A_516 = arith.constant 60 : i32
        %parallel_loop3A_517 = vector.broadcast %parallel_loop3A_516 : i32 to vector<16xi32>
        %parallel_loop3A_518 = arith.addi %parallel_loop3A_155, %parallel_loop3A_517 : vector<16xi32>
        %parallel_loop3A_519 = tpu.vector_load_idx %arg5[%parallel_loop3A_518] : memref<13520xf32, #tpu.memory_space<vmem>>[vector<16xi32>], vector<16xf32>,
        %parallel_loop3A_520 = arith.constant 16 : i32
        %parallel_loop3A_521 = arith.muli %parallel_loop3A_140, %parallel_loop3A_520 : i32
        %parallel_loop3A_522 = arith.constant 2 : i32
        %parallel_loop3A_523 = arith.constant 60 : i32
        %parallel_loop3A_524 = arith.index_cast %parallel_loop3A_522 : i32 to index
        %parallel_loop3A_525 = arith.index_cast %parallel_loop3A_523 : i32 to index
        %parallel_loop3A_526 = arith.index_cast %parallel_loop3A_521 : i32 to index
        %parallel_loop3A_527 = tpu.vector_load %arg8[%parallel_loop3A_524, %parallel_loop3A_525, %parallel_loop3A_526] {strides = array<i32>} : memref<4x64x128xf32, #tpu.memory_space<vmem>>, vector<16xf32>,
        tpu.vector_store %arg8[%parallel_loop3A_524, %parallel_loop3A_525, %parallel_loop3A_526], %parallel_loop3A_519 {strides = array<i32>} : memref<4x64x128xf32, #tpu.memory_space<vmem>>, vector<16xf32>,
        %parallel_loop3A_528 = arith.constant 62 : i32
        %parallel_loop3A_529 = vector.broadcast %parallel_loop3A_528 : i32 to vector<16xi32>
        %parallel_loop3A_530 = arith.addi %parallel_loop3A_155, %parallel_loop3A_529 : vector<16xi32>
        %parallel_loop3A_531 = tpu.vector_load_idx %arg5[%parallel_loop3A_530] : memref<13520xf32, #tpu.memory_space<vmem>>[vector<16xi32>], vector<16xf32>,
        %parallel_loop3A_532 = arith.constant 16 : i32
        %parallel_loop3A_533 = arith.muli %parallel_loop3A_140, %parallel_loop3A_532 : i32
        %parallel_loop3A_534 = arith.constant 2 : i32
        %parallel_loop3A_535 = arith.constant 62 : i32
        %parallel_loop3A_536 = arith.index_cast %parallel_loop3A_534 : i32 to index
        %parallel_loop3A_537 = arith.index_cast %parallel_loop3A_535 : i32 to index
        %parallel_loop3A_538 = arith.index_cast %parallel_loop3A_533 : i32 to index
        %parallel_loop3A_539 = tpu.vector_load %arg8[%parallel_loop3A_536, %parallel_loop3A_537, %parallel_loop3A_538] {strides = array<i32>} : memref<4x64x128xf32, #tpu.memory_space<vmem>>, vector<16xf32>,
        tpu.vector_store %arg8[%parallel_loop3A_536, %parallel_loop3A_537, %parallel_loop3A_538], %parallel_loop3A_531 {strides = array<i32>} : memref<4x64x128xf32, #tpu.memory_space<vmem>>, vector<16xf32>,
      } {sc.loop_unroll_factor = 4 : i64, sc.parallel_access}
      %mul3A_122 = arith.constant 4 : i32
      %mul3A_123 = arith.muli %add3A_80, %mul3A_122 : i32
      %add3A_124 = arith.constant 3 : i32
      %add3A_125 = arith.addi %mul3A_123, %add3A_124 : i32
      %eq3A_126 = arith.constant 0 : i32
      %eq3A_127 = arith.cmpi eq, %add3A_125, %eq3A_126 : i32
      %jit3A_128 = arith.constant 6630 : i32
      %jit3A_129 = arith.constant 0 : i32
      %select_n3A_130 = arith.select %eq3A_127, %jit3A_128, %jit3A_129 : i32
      %parallel_loop3A_131 = arith.constant 0 : i32
      %parallel_loop3A_132 = arith.constant 8 : i32
      %parallel_loop3A_133 = arith.constant 1 : i32
      scf.for %parallel_loop3A_140 = %parallel_loop3A_131 to %parallel_loop3A_132 step %parallel_loop3A_133  : i32 {
        %parallel_loop3A_141 = arith.constant 16 : i32
        %parallel_loop3A_142 = arith.muli %parallel_loop3A_140, %parallel_loop3A_141 : i32
        %parallel_loop3A_143 = vector.broadcast %parallel_loop3A_142 : i32 to vector<16xi32>
        %parallel_loop3A_144 = arith.addi %parallel_loop3A_143, %iota3A : vector<16xi32>
        %parallel_loop3A_145 = arith.constant 200 : i32
        %parallel_loop3A_146 = vector.broadcast %parallel_loop3A_145 : i32 to vector<16xi32>
        %parallel_loop3A_147 = arith.muli %parallel_loop3A_144, %parallel_loop3A_146 : vector<16xi32>
        %parallel_loop3A_148 = vector.broadcast %add3A_125 : i32 to vector<16xi32>
        %parallel_loop3A_149 = arith.addi %parallel_loop3A_147, %parallel_loop3A_148 : vector<16xi32>
        %parallel_loop3A_150 = tpu.vector_load_idx %arg6[%parallel_loop3A_149] : memref<25600xi32, #tpu.memory_space<vmem>>[vector<16xi32>], vector<16xi32>,
        %parallel_loop3A_151 = arith.constant 65 : i32
        %parallel_loop3A_152 = vector.broadcast %parallel_loop3A_151 : i32 to vector<16xi32>
        %parallel_loop3A_153 = arith.muli %parallel_loop3A_150, %parallel_loop3A_152 : vector<16xi32>
        %parallel_loop3A_154 = vector.broadcast %select_n3A_130 : i32 to vector<16xi32>
        %parallel_loop3A_155 = arith.addi %parallel_loop3A_153, %parallel_loop3A_154 : vector<16xi32>
        %parallel_loop3A_156 = arith.constant 0 : i32
        %parallel_loop3A_157 = vector.broadcast %parallel_loop3A_156 : i32 to vector<16xi32>
        %parallel_loop3A_158 = arith.addi %parallel_loop3A_155, %parallel_loop3A_157 : vector<16xi32>
        %parallel_loop3A_159 = tpu.vector_load_idx %arg5[%parallel_loop3A_158] : memref<13520xf32, #tpu.memory_space<vmem>>[vector<16xi32>], vector<16xf32>,
        %parallel_loop3A_160 = arith.constant 16 : i32
        %parallel_loop3A_161 = arith.muli %parallel_loop3A_140, %parallel_loop3A_160 : i32
        %parallel_loop3A_162 = arith.constant 3 : i32
        %parallel_loop3A_163 = arith.constant 0 : i32
        %parallel_loop3A_164 = arith.index_cast %parallel_loop3A_162 : i32 to index
        %parallel_loop3A_165 = arith.index_cast %parallel_loop3A_163 : i32 to index
        %parallel_loop3A_166 = arith.index_cast %parallel_loop3A_161 : i32 to index
        %parallel_loop3A_167 = tpu.vector_load %arg8[%parallel_loop3A_164, %parallel_loop3A_165, %parallel_loop3A_166] {strides = array<i32>} : memref<4x64x128xf32, #tpu.memory_space<vmem>>, vector<16xf32>,
        tpu.vector_store %arg8[%parallel_loop3A_164, %parallel_loop3A_165, %parallel_loop3A_166], %parallel_loop3A_159 {strides = array<i32>} : memref<4x64x128xf32, #tpu.memory_space<vmem>>, vector<16xf32>,
        %parallel_loop3A_168 = arith.constant 2 : i32
        %parallel_loop3A_169 = vector.broadcast %parallel_loop3A_168 : i32 to vector<16xi32>
        %parallel_loop3A_170 = arith.addi %parallel_loop3A_155, %parallel_loop3A_169 : vector<16xi32>
        %parallel_loop3A_171 = tpu.vector_load_idx %arg5[%parallel_loop3A_170] : memref<13520xf32, #tpu.memory_space<vmem>>[vector<16xi32>], vector<16xf32>,
        %parallel_loop3A_172 = arith.constant 16 : i32
        %parallel_loop3A_173 = arith.muli %parallel_loop3A_140, %parallel_loop3A_172 : i32
        %parallel_loop3A_174 = arith.constant 3 : i32
        %parallel_loop3A_175 = arith.constant 2 : i32
        %parallel_loop3A_176 = arith.index_cast %parallel_loop3A_174 : i32 to index
        %parallel_loop3A_177 = arith.index_cast %parallel_loop3A_175 : i32 to index
        %parallel_loop3A_178 = arith.index_cast %parallel_loop3A_173 : i32 to index
        %parallel_loop3A_179 = tpu.vector_load %arg8[%parallel_loop3A_176, %parallel_loop3A_177, %parallel_loop3A_178] {strides = array<i32>} : memref<4x64x128xf32, #tpu.memory_space<vmem>>, vector<16xf32>,
        tpu.vector_store %arg8[%parallel_loop3A_176, %parallel_loop3A_177, %parallel_loop3A_178], %parallel_loop3A_171 {strides = array<i32>} : memref<4x64x128xf32, #tpu.memory_space<vmem>>, vector<16xf32>,
        %parallel_loop3A_180 = arith.constant 4 : i32
        %parallel_loop3A_181 = vector.broadcast %parallel_loop3A_180 : i32 to vector<16xi32>
        %parallel_loop3A_182 = arith.addi %parallel_loop3A_155, %parallel_loop3A_181 : vector<16xi32>
        %parallel_loop3A_183 = tpu.vector_load_idx %arg5[%parallel_loop3A_182] : memref<13520xf32, #tpu.memory_space<vmem>>[vector<16xi32>], vector<16xf32>,
        %parallel_loop3A_184 = arith.constant 16 : i32
        %parallel_loop3A_185 = arith.muli %parallel_loop3A_140, %parallel_loop3A_184 : i32
        %parallel_loop3A_186 = arith.constant 3 : i32
        %parallel_loop3A_187 = arith.constant 4 : i32
        %parallel_loop3A_188 = arith.index_cast %parallel_loop3A_186 : i32 to index
        %parallel_loop3A_189 = arith.index_cast %parallel_loop3A_187 : i32 to index
        %parallel_loop3A_190 = arith.index_cast %parallel_loop3A_185 : i32 to index
        %parallel_loop3A_191 = tpu.vector_load %arg8[%parallel_loop3A_188, %parallel_loop3A_189, %parallel_loop3A_190] {strides = array<i32>} : memref<4x64x128xf32, #tpu.memory_space<vmem>>, vector<16xf32>,
        tpu.vector_store %arg8[%parallel_loop3A_188, %parallel_loop3A_189, %parallel_loop3A_190], %parallel_loop3A_183 {strides = array<i32>} : memref<4x64x128xf32, #tpu.memory_space<vmem>>, vector<16xf32>,
        %parallel_loop3A_192 = arith.constant 6 : i32
        %parallel_loop3A_193 = vector.broadcast %parallel_loop3A_192 : i32 to vector<16xi32>
        %parallel_loop3A_194 = arith.addi %parallel_loop3A_155, %parallel_loop3A_193 : vector<16xi32>
        %parallel_loop3A_195 = tpu.vector_load_idx %arg5[%parallel_loop3A_194] : memref<13520xf32, #tpu.memory_space<vmem>>[vector<16xi32>], vector<16xf32>,
        %parallel_loop3A_196 = arith.constant 16 : i32
        %parallel_loop3A_197 = arith.muli %parallel_loop3A_140, %parallel_loop3A_196 : i32
        %parallel_loop3A_198 = arith.constant 3 : i32
        %parallel_loop3A_199 = arith.constant 6 : i32
        %parallel_loop3A_200 = arith.index_cast %parallel_loop3A_198 : i32 to index
        %parallel_loop3A_201 = arith.index_cast %parallel_loop3A_199 : i32 to index
        %parallel_loop3A_202 = arith.index_cast %parallel_loop3A_197 : i32 to index
        %parallel_loop3A_203 = tpu.vector_load %arg8[%parallel_loop3A_200, %parallel_loop3A_201, %parallel_loop3A_202] {strides = array<i32>} : memref<4x64x128xf32, #tpu.memory_space<vmem>>, vector<16xf32>,
        tpu.vector_store %arg8[%parallel_loop3A_200, %parallel_loop3A_201, %parallel_loop3A_202], %parallel_loop3A_195 {strides = array<i32>} : memref<4x64x128xf32, #tpu.memory_space<vmem>>, vector<16xf32>,
        %parallel_loop3A_204 = arith.constant 8 : i32
        %parallel_loop3A_205 = vector.broadcast %parallel_loop3A_204 : i32 to vector<16xi32>
        %parallel_loop3A_206 = arith.addi %parallel_loop3A_155, %parallel_loop3A_205 : vector<16xi32>
        %parallel_loop3A_207 = tpu.vector_load_idx %arg5[%parallel_loop3A_206] : memref<13520xf32, #tpu.memory_space<vmem>>[vector<16xi32>], vector<16xf32>,
        %parallel_loop3A_208 = arith.constant 16 : i32
        %parallel_loop3A_209 = arith.muli %parallel_loop3A_140, %parallel_loop3A_208 : i32
        %parallel_loop3A_210 = arith.constant 3 : i32
        %parallel_loop3A_211 = arith.constant 8 : i32
        %parallel_loop3A_212 = arith.index_cast %parallel_loop3A_210 : i32 to index
        %parallel_loop3A_213 = arith.index_cast %parallel_loop3A_211 : i32 to index
        %parallel_loop3A_214 = arith.index_cast %parallel_loop3A_209 : i32 to index
        %parallel_loop3A_215 = tpu.vector_load %arg8[%parallel_loop3A_212, %parallel_loop3A_213, %parallel_loop3A_214] {strides = array<i32>} : memref<4x64x128xf32, #tpu.memory_space<vmem>>, vector<16xf32>,
        tpu.vector_store %arg8[%parallel_loop3A_212, %parallel_loop3A_213, %parallel_loop3A_214], %parallel_loop3A_207 {strides = array<i32>} : memref<4x64x128xf32, #tpu.memory_space<vmem>>, vector<16xf32>,
        %parallel_loop3A_216 = arith.constant 10 : i32
        %parallel_loop3A_217 = vector.broadcast %parallel_loop3A_216 : i32 to vector<16xi32>
        %parallel_loop3A_218 = arith.addi %parallel_loop3A_155, %parallel_loop3A_217 : vector<16xi32>
        %parallel_loop3A_219 = tpu.vector_load_idx %arg5[%parallel_loop3A_218] : memref<13520xf32, #tpu.memory_space<vmem>>[vector<16xi32>], vector<16xf32>,
        %parallel_loop3A_220 = arith.constant 16 : i32
        %parallel_loop3A_221 = arith.muli %parallel_loop3A_140, %parallel_loop3A_220 : i32
        %parallel_loop3A_222 = arith.constant 3 : i32
        %parallel_loop3A_223 = arith.constant 10 : i32
        %parallel_loop3A_224 = arith.index_cast %parallel_loop3A_222 : i32 to index
        %parallel_loop3A_225 = arith.index_cast %parallel_loop3A_223 : i32 to index
        %parallel_loop3A_226 = arith.index_cast %parallel_loop3A_221 : i32 to index
        %parallel_loop3A_227 = tpu.vector_load %arg8[%parallel_loop3A_224, %parallel_loop3A_225, %parallel_loop3A_226] {strides = array<i32>} : memref<4x64x128xf32, #tpu.memory_space<vmem>>, vector<16xf32>,
        tpu.vector_store %arg8[%parallel_loop3A_224, %parallel_loop3A_225, %parallel_loop3A_226], %parallel_loop3A_219 {strides = array<i32>} : memref<4x64x128xf32, #tpu.memory_space<vmem>>, vector<16xf32>,
        %parallel_loop3A_228 = arith.constant 12 : i32
        %parallel_loop3A_229 = vector.broadcast %parallel_loop3A_228 : i32 to vector<16xi32>
        %parallel_loop3A_230 = arith.addi %parallel_loop3A_155, %parallel_loop3A_229 : vector<16xi32>
        %parallel_loop3A_231 = tpu.vector_load_idx %arg5[%parallel_loop3A_230] : memref<13520xf32, #tpu.memory_space<vmem>>[vector<16xi32>], vector<16xf32>,
        %parallel_loop3A_232 = arith.constant 16 : i32
        %parallel_loop3A_233 = arith.muli %parallel_loop3A_140, %parallel_loop3A_232 : i32
        %parallel_loop3A_234 = arith.constant 3 : i32
        %parallel_loop3A_235 = arith.constant 12 : i32
        %parallel_loop3A_236 = arith.index_cast %parallel_loop3A_234 : i32 to index
        %parallel_loop3A_237 = arith.index_cast %parallel_loop3A_235 : i32 to index
        %parallel_loop3A_238 = arith.index_cast %parallel_loop3A_233 : i32 to index
        %parallel_loop3A_239 = tpu.vector_load %arg8[%parallel_loop3A_236, %parallel_loop3A_237, %parallel_loop3A_238] {strides = array<i32>} : memref<4x64x128xf32, #tpu.memory_space<vmem>>, vector<16xf32>,
        tpu.vector_store %arg8[%parallel_loop3A_236, %parallel_loop3A_237, %parallel_loop3A_238], %parallel_loop3A_231 {strides = array<i32>} : memref<4x64x128xf32, #tpu.memory_space<vmem>>, vector<16xf32>,
        %parallel_loop3A_240 = arith.constant 14 : i32
        %parallel_loop3A_241 = vector.broadcast %parallel_loop3A_240 : i32 to vector<16xi32>
        %parallel_loop3A_242 = arith.addi %parallel_loop3A_155, %parallel_loop3A_241 : vector<16xi32>
        %parallel_loop3A_243 = tpu.vector_load_idx %arg5[%parallel_loop3A_242] : memref<13520xf32, #tpu.memory_space<vmem>>[vector<16xi32>], vector<16xf32>,
        %parallel_loop3A_244 = arith.constant 16 : i32
        %parallel_loop3A_245 = arith.muli %parallel_loop3A_140, %parallel_loop3A_244 : i32
        %parallel_loop3A_246 = arith.constant 3 : i32
        %parallel_loop3A_247 = arith.constant 14 : i32
        %parallel_loop3A_248 = arith.index_cast %parallel_loop3A_246 : i32 to index
        %parallel_loop3A_249 = arith.index_cast %parallel_loop3A_247 : i32 to index
        %parallel_loop3A_250 = arith.index_cast %parallel_loop3A_245 : i32 to index
        %parallel_loop3A_251 = tpu.vector_load %arg8[%parallel_loop3A_248, %parallel_loop3A_249, %parallel_loop3A_250] {strides = array<i32>} : memref<4x64x128xf32, #tpu.memory_space<vmem>>, vector<16xf32>,
        tpu.vector_store %arg8[%parallel_loop3A_248, %parallel_loop3A_249, %parallel_loop3A_250], %parallel_loop3A_243 {strides = array<i32>} : memref<4x64x128xf32, #tpu.memory_space<vmem>>, vector<16xf32>,
        %parallel_loop3A_252 = arith.constant 16 : i32
        %parallel_loop3A_253 = vector.broadcast %parallel_loop3A_252 : i32 to vector<16xi32>
        %parallel_loop3A_254 = arith.addi %parallel_loop3A_155, %parallel_loop3A_253 : vector<16xi32>
        %parallel_loop3A_255 = tpu.vector_load_idx %arg5[%parallel_loop3A_254] : memref<13520xf32, #tpu.memory_space<vmem>>[vector<16xi32>], vector<16xf32>,
        %parallel_loop3A_256 = arith.constant 16 : i32
        %parallel_loop3A_257 = arith.muli %parallel_loop3A_140, %parallel_loop3A_256 : i32
        %parallel_loop3A_258 = arith.constant 3 : i32
        %parallel_loop3A_259 = arith.constant 16 : i32
        %parallel_loop3A_260 = arith.index_cast %parallel_loop3A_258 : i32 to index
        %parallel_loop3A_261 = arith.index_cast %parallel_loop3A_259 : i32 to index
        %parallel_loop3A_262 = arith.index_cast %parallel_loop3A_257 : i32 to index
        %parallel_loop3A_263 = tpu.vector_load %arg8[%parallel_loop3A_260, %parallel_loop3A_261, %parallel_loop3A_262] {strides = array<i32>} : memref<4x64x128xf32, #tpu.memory_space<vmem>>, vector<16xf32>,
        tpu.vector_store %arg8[%parallel_loop3A_260, %parallel_loop3A_261, %parallel_loop3A_262], %parallel_loop3A_255 {strides = array<i32>} : memref<4x64x128xf32, #tpu.memory_space<vmem>>, vector<16xf32>,
        %parallel_loop3A_264 = arith.constant 18 : i32
        %parallel_loop3A_265 = vector.broadcast %parallel_loop3A_264 : i32 to vector<16xi32>
        %parallel_loop3A_266 = arith.addi %parallel_loop3A_155, %parallel_loop3A_265 : vector<16xi32>
        %parallel_loop3A_267 = tpu.vector_load_idx %arg5[%parallel_loop3A_266] : memref<13520xf32, #tpu.memory_space<vmem>>[vector<16xi32>], vector<16xf32>,
        %parallel_loop3A_268 = arith.constant 16 : i32
        %parallel_loop3A_269 = arith.muli %parallel_loop3A_140, %parallel_loop3A_268 : i32
        %parallel_loop3A_270 = arith.constant 3 : i32
        %parallel_loop3A_271 = arith.constant 18 : i32
        %parallel_loop3A_272 = arith.index_cast %parallel_loop3A_270 : i32 to index
        %parallel_loop3A_273 = arith.index_cast %parallel_loop3A_271 : i32 to index
        %parallel_loop3A_274 = arith.index_cast %parallel_loop3A_269 : i32 to index
        %parallel_loop3A_275 = tpu.vector_load %arg8[%parallel_loop3A_272, %parallel_loop3A_273, %parallel_loop3A_274] {strides = array<i32>} : memref<4x64x128xf32, #tpu.memory_space<vmem>>, vector<16xf32>,
        tpu.vector_store %arg8[%parallel_loop3A_272, %parallel_loop3A_273, %parallel_loop3A_274], %parallel_loop3A_267 {strides = array<i32>} : memref<4x64x128xf32, #tpu.memory_space<vmem>>, vector<16xf32>,
        %parallel_loop3A_276 = arith.constant 20 : i32
        %parallel_loop3A_277 = vector.broadcast %parallel_loop3A_276 : i32 to vector<16xi32>
        %parallel_loop3A_278 = arith.addi %parallel_loop3A_155, %parallel_loop3A_277 : vector<16xi32>
        %parallel_loop3A_279 = tpu.vector_load_idx %arg5[%parallel_loop3A_278] : memref<13520xf32, #tpu.memory_space<vmem>>[vector<16xi32>], vector<16xf32>,
        %parallel_loop3A_280 = arith.constant 16 : i32
        %parallel_loop3A_281 = arith.muli %parallel_loop3A_140, %parallel_loop3A_280 : i32
        %parallel_loop3A_282 = arith.constant 3 : i32
        %parallel_loop3A_283 = arith.constant 20 : i32
        %parallel_loop3A_284 = arith.index_cast %parallel_loop3A_282 : i32 to index
        %parallel_loop3A_285 = arith.index_cast %parallel_loop3A_283 : i32 to index
        %parallel_loop3A_286 = arith.index_cast %parallel_loop3A_281 : i32 to index
        %parallel_loop3A_287 = tpu.vector_load %arg8[%parallel_loop3A_284, %parallel_loop3A_285, %parallel_loop3A_286] {strides = array<i32>} : memref<4x64x128xf32, #tpu.memory_space<vmem>>, vector<16xf32>,
        tpu.vector_store %arg8[%parallel_loop3A_284, %parallel_loop3A_285, %parallel_loop3A_286], %parallel_loop3A_279 {strides = array<i32>} : memref<4x64x128xf32, #tpu.memory_space<vmem>>, vector<16xf32>,
        %parallel_loop3A_288 = arith.constant 22 : i32
        %parallel_loop3A_289 = vector.broadcast %parallel_loop3A_288 : i32 to vector<16xi32>
        %parallel_loop3A_290 = arith.addi %parallel_loop3A_155, %parallel_loop3A_289 : vector<16xi32>
        %parallel_loop3A_291 = tpu.vector_load_idx %arg5[%parallel_loop3A_290] : memref<13520xf32, #tpu.memory_space<vmem>>[vector<16xi32>], vector<16xf32>,
        %parallel_loop3A_292 = arith.constant 16 : i32
        %parallel_loop3A_293 = arith.muli %parallel_loop3A_140, %parallel_loop3A_292 : i32
        %parallel_loop3A_294 = arith.constant 3 : i32
        %parallel_loop3A_295 = arith.constant 22 : i32
        %parallel_loop3A_296 = arith.index_cast %parallel_loop3A_294 : i32 to index
        %parallel_loop3A_297 = arith.index_cast %parallel_loop3A_295 : i32 to index
        %parallel_loop3A_298 = arith.index_cast %parallel_loop3A_293 : i32 to index
        %parallel_loop3A_299 = tpu.vector_load %arg8[%parallel_loop3A_296, %parallel_loop3A_297, %parallel_loop3A_298] {strides = array<i32>} : memref<4x64x128xf32, #tpu.memory_space<vmem>>, vector<16xf32>,
        tpu.vector_store %arg8[%parallel_loop3A_296, %parallel_loop3A_297, %parallel_loop3A_298], %parallel_loop3A_291 {strides = array<i32>} : memref<4x64x128xf32, #tpu.memory_space<vmem>>, vector<16xf32>,
        %parallel_loop3A_300 = arith.constant 24 : i32
        %parallel_loop3A_301 = vector.broadcast %parallel_loop3A_300 : i32 to vector<16xi32>
        %parallel_loop3A_302 = arith.addi %parallel_loop3A_155, %parallel_loop3A_301 : vector<16xi32>
        %parallel_loop3A_303 = tpu.vector_load_idx %arg5[%parallel_loop3A_302] : memref<13520xf32, #tpu.memory_space<vmem>>[vector<16xi32>], vector<16xf32>,
        %parallel_loop3A_304 = arith.constant 16 : i32
        %parallel_loop3A_305 = arith.muli %parallel_loop3A_140, %parallel_loop3A_304 : i32
        %parallel_loop3A_306 = arith.constant 3 : i32
        %parallel_loop3A_307 = arith.constant 24 : i32
        %parallel_loop3A_308 = arith.index_cast %parallel_loop3A_306 : i32 to index
        %parallel_loop3A_309 = arith.index_cast %parallel_loop3A_307 : i32 to index
        %parallel_loop3A_310 = arith.index_cast %parallel_loop3A_305 : i32 to index
        %parallel_loop3A_311 = tpu.vector_load %arg8[%parallel_loop3A_308, %parallel_loop3A_309, %parallel_loop3A_310] {strides = array<i32>} : memref<4x64x128xf32, #tpu.memory_space<vmem>>, vector<16xf32>,
        tpu.vector_store %arg8[%parallel_loop3A_308, %parallel_loop3A_309, %parallel_loop3A_310], %parallel_loop3A_303 {strides = array<i32>} : memref<4x64x128xf32, #tpu.memory_space<vmem>>, vector<16xf32>,
        %parallel_loop3A_312 = arith.constant 26 : i32
        %parallel_loop3A_313 = vector.broadcast %parallel_loop3A_312 : i32 to vector<16xi32>
        %parallel_loop3A_314 = arith.addi %parallel_loop3A_155, %parallel_loop3A_313 : vector<16xi32>
        %parallel_loop3A_315 = tpu.vector_load_idx %arg5[%parallel_loop3A_314] : memref<13520xf32, #tpu.memory_space<vmem>>[vector<16xi32>], vector<16xf32>,
        %parallel_loop3A_316 = arith.constant 16 : i32
        %parallel_loop3A_317 = arith.muli %parallel_loop3A_140, %parallel_loop3A_316 : i32
        %parallel_loop3A_318 = arith.constant 3 : i32
        %parallel_loop3A_319 = arith.constant 26 : i32
        %parallel_loop3A_320 = arith.index_cast %parallel_loop3A_318 : i32 to index
        %parallel_loop3A_321 = arith.index_cast %parallel_loop3A_319 : i32 to index
        %parallel_loop3A_322 = arith.index_cast %parallel_loop3A_317 : i32 to index
        %parallel_loop3A_323 = tpu.vector_load %arg8[%parallel_loop3A_320, %parallel_loop3A_321, %parallel_loop3A_322] {strides = array<i32>} : memref<4x64x128xf32, #tpu.memory_space<vmem>>, vector<16xf32>,
        tpu.vector_store %arg8[%parallel_loop3A_320, %parallel_loop3A_321, %parallel_loop3A_322], %parallel_loop3A_315 {strides = array<i32>} : memref<4x64x128xf32, #tpu.memory_space<vmem>>, vector<16xf32>,
        %parallel_loop3A_324 = arith.constant 28 : i32
        %parallel_loop3A_325 = vector.broadcast %parallel_loop3A_324 : i32 to vector<16xi32>
        %parallel_loop3A_326 = arith.addi %parallel_loop3A_155, %parallel_loop3A_325 : vector<16xi32>
        %parallel_loop3A_327 = tpu.vector_load_idx %arg5[%parallel_loop3A_326] : memref<13520xf32, #tpu.memory_space<vmem>>[vector<16xi32>], vector<16xf32>,
        %parallel_loop3A_328 = arith.constant 16 : i32
        %parallel_loop3A_329 = arith.muli %parallel_loop3A_140, %parallel_loop3A_328 : i32
        %parallel_loop3A_330 = arith.constant 3 : i32
        %parallel_loop3A_331 = arith.constant 28 : i32
        %parallel_loop3A_332 = arith.index_cast %parallel_loop3A_330 : i32 to index
        %parallel_loop3A_333 = arith.index_cast %parallel_loop3A_331 : i32 to index
        %parallel_loop3A_334 = arith.index_cast %parallel_loop3A_329 : i32 to index
        %parallel_loop3A_335 = tpu.vector_load %arg8[%parallel_loop3A_332, %parallel_loop3A_333, %parallel_loop3A_334] {strides = array<i32>} : memref<4x64x128xf32, #tpu.memory_space<vmem>>, vector<16xf32>,
        tpu.vector_store %arg8[%parallel_loop3A_332, %parallel_loop3A_333, %parallel_loop3A_334], %parallel_loop3A_327 {strides = array<i32>} : memref<4x64x128xf32, #tpu.memory_space<vmem>>, vector<16xf32>,
        %parallel_loop3A_336 = arith.constant 30 : i32
        %parallel_loop3A_337 = vector.broadcast %parallel_loop3A_336 : i32 to vector<16xi32>
        %parallel_loop3A_338 = arith.addi %parallel_loop3A_155, %parallel_loop3A_337 : vector<16xi32>
        %parallel_loop3A_339 = tpu.vector_load_idx %arg5[%parallel_loop3A_338] : memref<13520xf32, #tpu.memory_space<vmem>>[vector<16xi32>], vector<16xf32>,
        %parallel_loop3A_340 = arith.constant 16 : i32
        %parallel_loop3A_341 = arith.muli %parallel_loop3A_140, %parallel_loop3A_340 : i32
        %parallel_loop3A_342 = arith.constant 3 : i32
        %parallel_loop3A_343 = arith.constant 30 : i32
        %parallel_loop3A_344 = arith.index_cast %parallel_loop3A_342 : i32 to index
        %parallel_loop3A_345 = arith.index_cast %parallel_loop3A_343 : i32 to index
        %parallel_loop3A_346 = arith.index_cast %parallel_loop3A_341 : i32 to index
        %parallel_loop3A_347 = tpu.vector_load %arg8[%parallel_loop3A_344, %parallel_loop3A_345, %parallel_loop3A_346] {strides = array<i32>} : memref<4x64x128xf32, #tpu.memory_space<vmem>>, vector<16xf32>,
        tpu.vector_store %arg8[%parallel_loop3A_344, %parallel_loop3A_345, %parallel_loop3A_346], %parallel_loop3A_339 {strides = array<i32>} : memref<4x64x128xf32, #tpu.memory_space<vmem>>, vector<16xf32>,
        %parallel_loop3A_348 = arith.constant 32 : i32
        %parallel_loop3A_349 = vector.broadcast %parallel_loop3A_348 : i32 to vector<16xi32>
        %parallel_loop3A_350 = arith.addi %parallel_loop3A_155, %parallel_loop3A_349 : vector<16xi32>
        %parallel_loop3A_351 = tpu.vector_load_idx %arg5[%parallel_loop3A_350] : memref<13520xf32, #tpu.memory_space<vmem>>[vector<16xi32>], vector<16xf32>,
        %parallel_loop3A_352 = arith.constant 16 : i32
        %parallel_loop3A_353 = arith.muli %parallel_loop3A_140, %parallel_loop3A_352 : i32
        %parallel_loop3A_354 = arith.constant 3 : i32
        %parallel_loop3A_355 = arith.constant 32 : i32
        %parallel_loop3A_356 = arith.index_cast %parallel_loop3A_354 : i32 to index
        %parallel_loop3A_357 = arith.index_cast %parallel_loop3A_355 : i32 to index
        %parallel_loop3A_358 = arith.index_cast %parallel_loop3A_353 : i32 to index
        %parallel_loop3A_359 = tpu.vector_load %arg8[%parallel_loop3A_356, %parallel_loop3A_357, %parallel_loop3A_358] {strides = array<i32>} : memref<4x64x128xf32, #tpu.memory_space<vmem>>, vector<16xf32>,
        tpu.vector_store %arg8[%parallel_loop3A_356, %parallel_loop3A_357, %parallel_loop3A_358], %parallel_loop3A_351 {strides = array<i32>} : memref<4x64x128xf32, #tpu.memory_space<vmem>>, vector<16xf32>,
        %parallel_loop3A_360 = arith.constant 34 : i32
        %parallel_loop3A_361 = vector.broadcast %parallel_loop3A_360 : i32 to vector<16xi32>
        %parallel_loop3A_362 = arith.addi %parallel_loop3A_155, %parallel_loop3A_361 : vector<16xi32>
        %parallel_loop3A_363 = tpu.vector_load_idx %arg5[%parallel_loop3A_362] : memref<13520xf32, #tpu.memory_space<vmem>>[vector<16xi32>], vector<16xf32>,
        %parallel_loop3A_364 = arith.constant 16 : i32
        %parallel_loop3A_365 = arith.muli %parallel_loop3A_140, %parallel_loop3A_364 : i32
        %parallel_loop3A_366 = arith.constant 3 : i32
        %parallel_loop3A_367 = arith.constant 34 : i32
        %parallel_loop3A_368 = arith.index_cast %parallel_loop3A_366 : i32 to index
        %parallel_loop3A_369 = arith.index_cast %parallel_loop3A_367 : i32 to index
        %parallel_loop3A_370 = arith.index_cast %parallel_loop3A_365 : i32 to index
        %parallel_loop3A_371 = tpu.vector_load %arg8[%parallel_loop3A_368, %parallel_loop3A_369, %parallel_loop3A_370] {strides = array<i32>} : memref<4x64x128xf32, #tpu.memory_space<vmem>>, vector<16xf32>,
        tpu.vector_store %arg8[%parallel_loop3A_368, %parallel_loop3A_369, %parallel_loop3A_370], %parallel_loop3A_363 {strides = array<i32>} : memref<4x64x128xf32, #tpu.memory_space<vmem>>, vector<16xf32>,
        %parallel_loop3A_372 = arith.constant 36 : i32
        %parallel_loop3A_373 = vector.broadcast %parallel_loop3A_372 : i32 to vector<16xi32>
        %parallel_loop3A_374 = arith.addi %parallel_loop3A_155, %parallel_loop3A_373 : vector<16xi32>
        %parallel_loop3A_375 = tpu.vector_load_idx %arg5[%parallel_loop3A_374] : memref<13520xf32, #tpu.memory_space<vmem>>[vector<16xi32>], vector<16xf32>,
        %parallel_loop3A_376 = arith.constant 16 : i32
        %parallel_loop3A_377 = arith.muli %parallel_loop3A_140, %parallel_loop3A_376 : i32
        %parallel_loop3A_378 = arith.constant 3 : i32
        %parallel_loop3A_379 = arith.constant 36 : i32
        %parallel_loop3A_380 = arith.index_cast %parallel_loop3A_378 : i32 to index
        %parallel_loop3A_381 = arith.index_cast %parallel_loop3A_379 : i32 to index
        %parallel_loop3A_382 = arith.index_cast %parallel_loop3A_377 : i32 to index
        %parallel_loop3A_383 = tpu.vector_load %arg8[%parallel_loop3A_380, %parallel_loop3A_381, %parallel_loop3A_382] {strides = array<i32>} : memref<4x64x128xf32, #tpu.memory_space<vmem>>, vector<16xf32>,
        tpu.vector_store %arg8[%parallel_loop3A_380, %parallel_loop3A_381, %parallel_loop3A_382], %parallel_loop3A_375 {strides = array<i32>} : memref<4x64x128xf32, #tpu.memory_space<vmem>>, vector<16xf32>,
        %parallel_loop3A_384 = arith.constant 38 : i32
        %parallel_loop3A_385 = vector.broadcast %parallel_loop3A_384 : i32 to vector<16xi32>
        %parallel_loop3A_386 = arith.addi %parallel_loop3A_155, %parallel_loop3A_385 : vector<16xi32>
        %parallel_loop3A_387 = tpu.vector_load_idx %arg5[%parallel_loop3A_386] : memref<13520xf32, #tpu.memory_space<vmem>>[vector<16xi32>], vector<16xf32>,
        %parallel_loop3A_388 = arith.constant 16 : i32
        %parallel_loop3A_389 = arith.muli %parallel_loop3A_140, %parallel_loop3A_388 : i32
        %parallel_loop3A_390 = arith.constant 3 : i32
        %parallel_loop3A_391 = arith.constant 38 : i32
        %parallel_loop3A_392 = arith.index_cast %parallel_loop3A_390 : i32 to index
        %parallel_loop3A_393 = arith.index_cast %parallel_loop3A_391 : i32 to index
        %parallel_loop3A_394 = arith.index_cast %parallel_loop3A_389 : i32 to index
        %parallel_loop3A_395 = tpu.vector_load %arg8[%parallel_loop3A_392, %parallel_loop3A_393, %parallel_loop3A_394] {strides = array<i32>} : memref<4x64x128xf32, #tpu.memory_space<vmem>>, vector<16xf32>,
        tpu.vector_store %arg8[%parallel_loop3A_392, %parallel_loop3A_393, %parallel_loop3A_394], %parallel_loop3A_387 {strides = array<i32>} : memref<4x64x128xf32, #tpu.memory_space<vmem>>, vector<16xf32>,
        %parallel_loop3A_396 = arith.constant 40 : i32
        %parallel_loop3A_397 = vector.broadcast %parallel_loop3A_396 : i32 to vector<16xi32>
        %parallel_loop3A_398 = arith.addi %parallel_loop3A_155, %parallel_loop3A_397 : vector<16xi32>
        %parallel_loop3A_399 = tpu.vector_load_idx %arg5[%parallel_loop3A_398] : memref<13520xf32, #tpu.memory_space<vmem>>[vector<16xi32>], vector<16xf32>,
        %parallel_loop3A_400 = arith.constant 16 : i32
        %parallel_loop3A_401 = arith.muli %parallel_loop3A_140, %parallel_loop3A_400 : i32
        %parallel_loop3A_402 = arith.constant 3 : i32
        %parallel_loop3A_403 = arith.constant 40 : i32
        %parallel_loop3A_404 = arith.index_cast %parallel_loop3A_402 : i32 to index
        %parallel_loop3A_405 = arith.index_cast %parallel_loop3A_403 : i32 to index
        %parallel_loop3A_406 = arith.index_cast %parallel_loop3A_401 : i32 to index
        %parallel_loop3A_407 = tpu.vector_load %arg8[%parallel_loop3A_404, %parallel_loop3A_405, %parallel_loop3A_406] {strides = array<i32>} : memref<4x64x128xf32, #tpu.memory_space<vmem>>, vector<16xf32>,
        tpu.vector_store %arg8[%parallel_loop3A_404, %parallel_loop3A_405, %parallel_loop3A_406], %parallel_loop3A_399 {strides = array<i32>} : memref<4x64x128xf32, #tpu.memory_space<vmem>>, vector<16xf32>,
        %parallel_loop3A_408 = arith.constant 42 : i32
        %parallel_loop3A_409 = vector.broadcast %parallel_loop3A_408 : i32 to vector<16xi32>
        %parallel_loop3A_410 = arith.addi %parallel_loop3A_155, %parallel_loop3A_409 : vector<16xi32>
        %parallel_loop3A_411 = tpu.vector_load_idx %arg5[%parallel_loop3A_410] : memref<13520xf32, #tpu.memory_space<vmem>>[vector<16xi32>], vector<16xf32>,
        %parallel_loop3A_412 = arith.constant 16 : i32
        %parallel_loop3A_413 = arith.muli %parallel_loop3A_140, %parallel_loop3A_412 : i32
        %parallel_loop3A_414 = arith.constant 3 : i32
        %parallel_loop3A_415 = arith.constant 42 : i32
        %parallel_loop3A_416 = arith.index_cast %parallel_loop3A_414 : i32 to index
        %parallel_loop3A_417 = arith.index_cast %parallel_loop3A_415 : i32 to index
        %parallel_loop3A_418 = arith.index_cast %parallel_loop3A_413 : i32 to index
        %parallel_loop3A_419 = tpu.vector_load %arg8[%parallel_loop3A_416, %parallel_loop3A_417, %parallel_loop3A_418] {strides = array<i32>} : memref<4x64x128xf32, #tpu.memory_space<vmem>>, vector<16xf32>,
        tpu.vector_store %arg8[%parallel_loop3A_416, %parallel_loop3A_417, %parallel_loop3A_418], %parallel_loop3A_411 {strides = array<i32>} : memref<4x64x128xf32, #tpu.memory_space<vmem>>, vector<16xf32>,
        %parallel_loop3A_420 = arith.constant 44 : i32
        %parallel_loop3A_421 = vector.broadcast %parallel_loop3A_420 : i32 to vector<16xi32>
        %parallel_loop3A_422 = arith.addi %parallel_loop3A_155, %parallel_loop3A_421 : vector<16xi32>
        %parallel_loop3A_423 = tpu.vector_load_idx %arg5[%parallel_loop3A_422] : memref<13520xf32, #tpu.memory_space<vmem>>[vector<16xi32>], vector<16xf32>,
        %parallel_loop3A_424 = arith.constant 16 : i32
        %parallel_loop3A_425 = arith.muli %parallel_loop3A_140, %parallel_loop3A_424 : i32
        %parallel_loop3A_426 = arith.constant 3 : i32
        %parallel_loop3A_427 = arith.constant 44 : i32
        %parallel_loop3A_428 = arith.index_cast %parallel_loop3A_426 : i32 to index
        %parallel_loop3A_429 = arith.index_cast %parallel_loop3A_427 : i32 to index
        %parallel_loop3A_430 = arith.index_cast %parallel_loop3A_425 : i32 to index
        %parallel_loop3A_431 = tpu.vector_load %arg8[%parallel_loop3A_428, %parallel_loop3A_429, %parallel_loop3A_430] {strides = array<i32>} : memref<4x64x128xf32, #tpu.memory_space<vmem>>, vector<16xf32>,
        tpu.vector_store %arg8[%parallel_loop3A_428, %parallel_loop3A_429, %parallel_loop3A_430], %parallel_loop3A_423 {strides = array<i32>} : memref<4x64x128xf32, #tpu.memory_space<vmem>>, vector<16xf32>,
        %parallel_loop3A_432 = arith.constant 46 : i32
        %parallel_loop3A_433 = vector.broadcast %parallel_loop3A_432 : i32 to vector<16xi32>
        %parallel_loop3A_434 = arith.addi %parallel_loop3A_155, %parallel_loop3A_433 : vector<16xi32>
        %parallel_loop3A_435 = tpu.vector_load_idx %arg5[%parallel_loop3A_434] : memref<13520xf32, #tpu.memory_space<vmem>>[vector<16xi32>], vector<16xf32>,
        %parallel_loop3A_436 = arith.constant 16 : i32
        %parallel_loop3A_437 = arith.muli %parallel_loop3A_140, %parallel_loop3A_436 : i32
        %parallel_loop3A_438 = arith.constant 3 : i32
        %parallel_loop3A_439 = arith.constant 46 : i32
        %parallel_loop3A_440 = arith.index_cast %parallel_loop3A_438 : i32 to index
        %parallel_loop3A_441 = arith.index_cast %parallel_loop3A_439 : i32 to index
        %parallel_loop3A_442 = arith.index_cast %parallel_loop3A_437 : i32 to index
        %parallel_loop3A_443 = tpu.vector_load %arg8[%parallel_loop3A_440, %parallel_loop3A_441, %parallel_loop3A_442] {strides = array<i32>} : memref<4x64x128xf32, #tpu.memory_space<vmem>>, vector<16xf32>,
        tpu.vector_store %arg8[%parallel_loop3A_440, %parallel_loop3A_441, %parallel_loop3A_442], %parallel_loop3A_435 {strides = array<i32>} : memref<4x64x128xf32, #tpu.memory_space<vmem>>, vector<16xf32>,
        %parallel_loop3A_444 = arith.constant 48 : i32
        %parallel_loop3A_445 = vector.broadcast %parallel_loop3A_444 : i32 to vector<16xi32>
        %parallel_loop3A_446 = arith.addi %parallel_loop3A_155, %parallel_loop3A_445 : vector<16xi32>
        %parallel_loop3A_447 = tpu.vector_load_idx %arg5[%parallel_loop3A_446] : memref<13520xf32, #tpu.memory_space<vmem>>[vector<16xi32>], vector<16xf32>,
        %parallel_loop3A_448 = arith.constant 16 : i32
        %parallel_loop3A_449 = arith.muli %parallel_loop3A_140, %parallel_loop3A_448 : i32
        %parallel_loop3A_450 = arith.constant 3 : i32
        %parallel_loop3A_451 = arith.constant 48 : i32
        %parallel_loop3A_452 = arith.index_cast %parallel_loop3A_450 : i32 to index
        %parallel_loop3A_453 = arith.index_cast %parallel_loop3A_451 : i32 to index
        %parallel_loop3A_454 = arith.index_cast %parallel_loop3A_449 : i32 to index
        %parallel_loop3A_455 = tpu.vector_load %arg8[%parallel_loop3A_452, %parallel_loop3A_453, %parallel_loop3A_454] {strides = array<i32>} : memref<4x64x128xf32, #tpu.memory_space<vmem>>, vector<16xf32>,
        tpu.vector_store %arg8[%parallel_loop3A_452, %parallel_loop3A_453, %parallel_loop3A_454], %parallel_loop3A_447 {strides = array<i32>} : memref<4x64x128xf32, #tpu.memory_space<vmem>>, vector<16xf32>,
        %parallel_loop3A_456 = arith.constant 50 : i32
        %parallel_loop3A_457 = vector.broadcast %parallel_loop3A_456 : i32 to vector<16xi32>
        %parallel_loop3A_458 = arith.addi %parallel_loop3A_155, %parallel_loop3A_457 : vector<16xi32>
        %parallel_loop3A_459 = tpu.vector_load_idx %arg5[%parallel_loop3A_458] : memref<13520xf32, #tpu.memory_space<vmem>>[vector<16xi32>], vector<16xf32>,
        %parallel_loop3A_460 = arith.constant 16 : i32
        %parallel_loop3A_461 = arith.muli %parallel_loop3A_140, %parallel_loop3A_460 : i32
        %parallel_loop3A_462 = arith.constant 3 : i32
        %parallel_loop3A_463 = arith.constant 50 : i32
        %parallel_loop3A_464 = arith.index_cast %parallel_loop3A_462 : i32 to index
        %parallel_loop3A_465 = arith.index_cast %parallel_loop3A_463 : i32 to index
        %parallel_loop3A_466 = arith.index_cast %parallel_loop3A_461 : i32 to index
        %parallel_loop3A_467 = tpu.vector_load %arg8[%parallel_loop3A_464, %parallel_loop3A_465, %parallel_loop3A_466] {strides = array<i32>} : memref<4x64x128xf32, #tpu.memory_space<vmem>>, vector<16xf32>,
        tpu.vector_store %arg8[%parallel_loop3A_464, %parallel_loop3A_465, %parallel_loop3A_466], %parallel_loop3A_459 {strides = array<i32>} : memref<4x64x128xf32, #tpu.memory_space<vmem>>, vector<16xf32>,
        %parallel_loop3A_468 = arith.constant 52 : i32
        %parallel_loop3A_469 = vector.broadcast %parallel_loop3A_468 : i32 to vector<16xi32>
        %parallel_loop3A_470 = arith.addi %parallel_loop3A_155, %parallel_loop3A_469 : vector<16xi32>
        %parallel_loop3A_471 = tpu.vector_load_idx %arg5[%parallel_loop3A_470] : memref<13520xf32, #tpu.memory_space<vmem>>[vector<16xi32>], vector<16xf32>,
        %parallel_loop3A_472 = arith.constant 16 : i32
        %parallel_loop3A_473 = arith.muli %parallel_loop3A_140, %parallel_loop3A_472 : i32
        %parallel_loop3A_474 = arith.constant 3 : i32
        %parallel_loop3A_475 = arith.constant 52 : i32
        %parallel_loop3A_476 = arith.index_cast %parallel_loop3A_474 : i32 to index
        %parallel_loop3A_477 = arith.index_cast %parallel_loop3A_475 : i32 to index
        %parallel_loop3A_478 = arith.index_cast %parallel_loop3A_473 : i32 to index
        %parallel_loop3A_479 = tpu.vector_load %arg8[%parallel_loop3A_476, %parallel_loop3A_477, %parallel_loop3A_478] {strides = array<i32>} : memref<4x64x128xf32, #tpu.memory_space<vmem>>, vector<16xf32>,
        tpu.vector_store %arg8[%parallel_loop3A_476, %parallel_loop3A_477, %parallel_loop3A_478], %parallel_loop3A_471 {strides = array<i32>} : memref<4x64x128xf32, #tpu.memory_space<vmem>>, vector<16xf32>,
        %parallel_loop3A_480 = arith.constant 54 : i32
        %parallel_loop3A_481 = vector.broadcast %parallel_loop3A_480 : i32 to vector<16xi32>
        %parallel_loop3A_482 = arith.addi %parallel_loop3A_155, %parallel_loop3A_481 : vector<16xi32>
        %parallel_loop3A_483 = tpu.vector_load_idx %arg5[%parallel_loop3A_482] : memref<13520xf32, #tpu.memory_space<vmem>>[vector<16xi32>], vector<16xf32>,
        %parallel_loop3A_484 = arith.constant 16 : i32
        %parallel_loop3A_485 = arith.muli %parallel_loop3A_140, %parallel_loop3A_484 : i32
        %parallel_loop3A_486 = arith.constant 3 : i32
        %parallel_loop3A_487 = arith.constant 54 : i32
        %parallel_loop3A_488 = arith.index_cast %parallel_loop3A_486 : i32 to index
        %parallel_loop3A_489 = arith.index_cast %parallel_loop3A_487 : i32 to index
        %parallel_loop3A_490 = arith.index_cast %parallel_loop3A_485 : i32 to index
        %parallel_loop3A_491 = tpu.vector_load %arg8[%parallel_loop3A_488, %parallel_loop3A_489, %parallel_loop3A_490] {strides = array<i32>} : memref<4x64x128xf32, #tpu.memory_space<vmem>>, vector<16xf32>,
        tpu.vector_store %arg8[%parallel_loop3A_488, %parallel_loop3A_489, %parallel_loop3A_490], %parallel_loop3A_483 {strides = array<i32>} : memref<4x64x128xf32, #tpu.memory_space<vmem>>, vector<16xf32>,
        %parallel_loop3A_492 = arith.constant 56 : i32
        %parallel_loop3A_493 = vector.broadcast %parallel_loop3A_492 : i32 to vector<16xi32>
        %parallel_loop3A_494 = arith.addi %parallel_loop3A_155, %parallel_loop3A_493 : vector<16xi32>
        %parallel_loop3A_495 = tpu.vector_load_idx %arg5[%parallel_loop3A_494] : memref<13520xf32, #tpu.memory_space<vmem>>[vector<16xi32>], vector<16xf32>,
        %parallel_loop3A_496 = arith.constant 16 : i32
        %parallel_loop3A_497 = arith.muli %parallel_loop3A_140, %parallel_loop3A_496 : i32
        %parallel_loop3A_498 = arith.constant 3 : i32
        %parallel_loop3A_499 = arith.constant 56 : i32
        %parallel_loop3A_500 = arith.index_cast %parallel_loop3A_498 : i32 to index
        %parallel_loop3A_501 = arith.index_cast %parallel_loop3A_499 : i32 to index
        %parallel_loop3A_502 = arith.index_cast %parallel_loop3A_497 : i32 to index
        %parallel_loop3A_503 = tpu.vector_load %arg8[%parallel_loop3A_500, %parallel_loop3A_501, %parallel_loop3A_502] {strides = array<i32>} : memref<4x64x128xf32, #tpu.memory_space<vmem>>, vector<16xf32>,
        tpu.vector_store %arg8[%parallel_loop3A_500, %parallel_loop3A_501, %parallel_loop3A_502], %parallel_loop3A_495 {strides = array<i32>} : memref<4x64x128xf32, #tpu.memory_space<vmem>>, vector<16xf32>,
        %parallel_loop3A_504 = arith.constant 58 : i32
        %parallel_loop3A_505 = vector.broadcast %parallel_loop3A_504 : i32 to vector<16xi32>
        %parallel_loop3A_506 = arith.addi %parallel_loop3A_155, %parallel_loop3A_505 : vector<16xi32>
        %parallel_loop3A_507 = tpu.vector_load_idx %arg5[%parallel_loop3A_506] : memref<13520xf32, #tpu.memory_space<vmem>>[vector<16xi32>], vector<16xf32>,
        %parallel_loop3A_508 = arith.constant 16 : i32
        %parallel_loop3A_509 = arith.muli %parallel_loop3A_140, %parallel_loop3A_508 : i32
        %parallel_loop3A_510 = arith.constant 3 : i32
        %parallel_loop3A_511 = arith.constant 58 : i32
        %parallel_loop3A_512 = arith.index_cast %parallel_loop3A_510 : i32 to index
        %parallel_loop3A_513 = arith.index_cast %parallel_loop3A_511 : i32 to index
        %parallel_loop3A_514 = arith.index_cast %parallel_loop3A_509 : i32 to index
        %parallel_loop3A_515 = tpu.vector_load %arg8[%parallel_loop3A_512, %parallel_loop3A_513, %parallel_loop3A_514] {strides = array<i32>} : memref<4x64x128xf32, #tpu.memory_space<vmem>>, vector<16xf32>,
        tpu.vector_store %arg8[%parallel_loop3A_512, %parallel_loop3A_513, %parallel_loop3A_514], %parallel_loop3A_507 {strides = array<i32>} : memref<4x64x128xf32, #tpu.memory_space<vmem>>, vector<16xf32>,
        %parallel_loop3A_516 = arith.constant 60 : i32
        %parallel_loop3A_517 = vector.broadcast %parallel_loop3A_516 : i32 to vector<16xi32>
        %parallel_loop3A_518 = arith.addi %parallel_loop3A_155, %parallel_loop3A_517 : vector<16xi32>
        %parallel_loop3A_519 = tpu.vector_load_idx %arg5[%parallel_loop3A_518] : memref<13520xf32, #tpu.memory_space<vmem>>[vector<16xi32>], vector<16xf32>,
        %parallel_loop3A_520 = arith.constant 16 : i32
        %parallel_loop3A_521 = arith.muli %parallel_loop3A_140, %parallel_loop3A_520 : i32
        %parallel_loop3A_522 = arith.constant 3 : i32
        %parallel_loop3A_523 = arith.constant 60 : i32
        %parallel_loop3A_524 = arith.index_cast %parallel_loop3A_522 : i32 to index
        %parallel_loop3A_525 = arith.index_cast %parallel_loop3A_523 : i32 to index
        %parallel_loop3A_526 = arith.index_cast %parallel_loop3A_521 : i32 to index
        %parallel_loop3A_527 = tpu.vector_load %arg8[%parallel_loop3A_524, %parallel_loop3A_525, %parallel_loop3A_526] {strides = array<i32>} : memref<4x64x128xf32, #tpu.memory_space<vmem>>, vector<16xf32>,
        tpu.vector_store %arg8[%parallel_loop3A_524, %parallel_loop3A_525, %parallel_loop3A_526], %parallel_loop3A_519 {strides = array<i32>} : memref<4x64x128xf32, #tpu.memory_space<vmem>>, vector<16xf32>,
        %parallel_loop3A_528 = arith.constant 62 : i32
        %parallel_loop3A_529 = vector.broadcast %parallel_loop3A_528 : i32 to vector<16xi32>
        %parallel_loop3A_530 = arith.addi %parallel_loop3A_155, %parallel_loop3A_529 : vector<16xi32>
        %parallel_loop3A_531 = tpu.vector_load_idx %arg5[%parallel_loop3A_530] : memref<13520xf32, #tpu.memory_space<vmem>>[vector<16xi32>], vector<16xf32>,
        %parallel_loop3A_532 = arith.constant 16 : i32
        %parallel_loop3A_533 = arith.muli %parallel_loop3A_140, %parallel_loop3A_532 : i32
        %parallel_loop3A_534 = arith.constant 3 : i32
        %parallel_loop3A_535 = arith.constant 62 : i32
        %parallel_loop3A_536 = arith.index_cast %parallel_loop3A_534 : i32 to index
        %parallel_loop3A_537 = arith.index_cast %parallel_loop3A_535 : i32 to index
        %parallel_loop3A_538 = arith.index_cast %parallel_loop3A_533 : i32 to index
        %parallel_loop3A_539 = tpu.vector_load %arg8[%parallel_loop3A_536, %parallel_loop3A_537, %parallel_loop3A_538] {strides = array<i32>} : memref<4x64x128xf32, #tpu.memory_space<vmem>>, vector<16xf32>,
        tpu.vector_store %arg8[%parallel_loop3A_536, %parallel_loop3A_537, %parallel_loop3A_538], %parallel_loop3A_531 {strides = array<i32>} : memref<4x64x128xf32, #tpu.memory_space<vmem>>, vector<16xf32>,
      } {sc.loop_unroll_factor = 4 : i64, sc.parallel_access}
      %mul3A_134 = arith.constant 4 : i32
      %mul3A_135 = arith.muli %add3A_80, %mul3A_134 : i32
      %dma_start3A_136 = arith.constant 0 : i32
      %dma_start3A_137 = tpu.memref_slice %arg4[%mul3A_135, %dma_start3A_136, %mul3A_2] : memref<200x64x4096xf32, #tpu.memory_space<hbm>> -> memref<4x64x128xf32, #tpu.memory_space<hbm>>
      %dma_start3A_138 = arith.constant 0 : i32
      %dma_start3A_139 = tpu.memref_slice %arg4[%mul3A_135, %dma_start3A_138, %mul3A_2] : memref<200x64x4096xf32, #tpu.memory_space<hbm>> -> memref<4x64x128xf32, #tpu.memory_space<hbm>>
      tpu.enqueue_dma source(%arg8 : memref<4x64x128xf32, #tpu.memory_space<vmem>>) target(%dma_start3A_139 : memref<4x64x128xf32, #tpu.memory_space<hbm>>) target_semaphore(%arg10 : memref<!tpu.dma_semaphore, #tpu.memory_space<semaphore_mem>>)
    }
    %scan3A_9 = arith.constant 25 : i32
    %dma_wait3A = arith.constant 0 : i32
    %dma_wait3A_10 = arith.constant 0 : i32
    %dma_wait3A_11 = tpu.memref_slice %arg4[%dma_wait3A, %dma_wait3A_10, %mul3A_2] : memref<200x64x4096xf32, #tpu.memory_space<hbm>> -> memref<4x64x128xf32, #tpu.memory_space<hbm>>
    %dma_wait3A_12 = arith.constant 0 : i32
    %dma_wait3A_13 = arith.constant 0 : i32
    %dma_wait3A_14 = tpu.memref_slice %arg4[%dma_wait3A_12, %dma_wait3A_13, %mul3A_2] : memref<200x64x4096xf32, #tpu.memory_space<hbm>> -> memref<4x64x128xf32, #tpu.memory_space<hbm>>
    tpu.wait_dma2 semaphore(%arg9 : memref<!tpu.dma_semaphore, #tpu.memory_space<semaphore_mem>>) src(%arg7 : memref<4x64x128xf32, #tpu.memory_space<vmem>>) dst(%dma_wait3A_14 : memref<4x64x128xf32, #tpu.memory_space<hbm>>)
    %dma_wait3A_15 = arith.constant 0 : i32
    %dma_wait3A_16 = arith.constant 0 : i32
    %dma_wait3A_17 = tpu.memref_slice %arg4[%dma_wait3A_15, %dma_wait3A_16, %mul3A_2] : memref<200x64x4096xf32, #tpu.memory_space<hbm>> -> memref<4x64x128xf32, #tpu.memory_space<hbm>>
    %dma_wait3A_18 = arith.constant 0 : i32
    %dma_wait3A_19 = arith.constant 0 : i32
    %dma_wait3A_20 = tpu.memref_slice %arg4[%dma_wait3A_18, %dma_wait3A_19, %mul3A_2] : memref<200x64x4096xf32, #tpu.memory_space<hbm>> -> memref<4x64x128xf32, #tpu.memory_space<hbm>>
    tpu.wait_dma2 semaphore(%arg10 : memref<!tpu.dma_semaphore, #tpu.memory_space<semaphore_mem>>) src(%arg8 : memref<4x64x128xf32, #tpu.memory_space<vmem>>) dst(%dma_wait3A_20 : memref<4x64x128xf32, #tpu.memory_space<hbm>>)
    return
  }
}

module attributes {stable_mosaic.version = 14 : i64} {
  func.func @body(%arg0: memref<208x64xf32, #tpu.memory_space<vmem>>, %arg1: memref<208x128xf32, #tpu.memory_space<vmem>>, %arg2: memref<128x64xf32, #tpu.memory_space<vmem>>, %arg3: memref<8x64xf32, #tpu.memory_space<vmem>>, %arg4: memref<208x1xf32, #tpu.memory_space<vmem>>, %arg5: memref<208x65xf32, #tpu.memory_space<vmem>>) attributes {dimension_semantics = [], scalar_prefetch = 0 : i64, scratch_operands = 0 : i64, tpu.core_type = #tpu.core_type<tc>} {
    %get3A = arith.constant 0 : index
    %get3A_0 = arith.constant 0 : index
    %get3A_1 = vector.load %arg1[%get3A, %get3A_0] : memref<208x128xf32, #tpu.memory_space<vmem>>, vector<208x128xf32>
    %get3A_2 = arith.constant 0 : index
    %get3A_3 = arith.constant 0 : index
    %get3A_4 = vector.load %arg2[%get3A_2, %get3A_3] : memref<128x64xf32, #tpu.memory_space<vmem>>, vector<128x64xf32>
    %dot_general3A = arith.constant dense<0.000000e+00> : vector<208x64xf32>
    %dot_general3A_5 = tpu.matmul %get3A_1, %get3A_4, %dot_general3A {dimension_numbers = #tpu.dot_dimension_numbers<[1], [0], [0], [1], [0, 0, 1, 1], [], []>, transpose_lhs_hint = false} : vector<208x128xf32>, vector<128x64xf32>, vector<208x64xf32> -> vector<208x64xf32>
    %get3A_6 = arith.constant 0 : index
    %get3A_7 = arith.constant 0 : index
    %get3A_8 = vector.load %arg0[%get3A_6, %get3A_7] : memref<208x64xf32, #tpu.memory_space<vmem>>, vector<208x64xf32>
    %add3A = arith.addf %get3A_8, %dot_general3A_5 : vector<208x64xf32>
    %get3A_9 = arith.constant 0 : index
    %get3A_10 = arith.constant 0 : index
    %get3A_11 = vector.load %arg3[%get3A_9, %get3A_10] : memref<8x64xf32, #tpu.memory_space<vmem>>, vector<1x64xf32>
    %get3A_12 = arith.constant 0 : index
    %get3A_13 = arith.constant 0 : index
    %get3A_14 = vector.load %arg4[%get3A_12, %get3A_13] : memref<208x1xf32, #tpu.memory_space<vmem>>, vector<208x1xf32>
    %mul3A = vector.broadcast %get3A_11 : vector<1x64xf32> to vector<208x64xf32>
    %mul3A_15 = vector.broadcast %get3A_14 : vector<208x1xf32> to vector<208x64xf32>
    %mul3A_16 = arith.mulf %mul3A, %mul3A_15 : vector<208x64xf32>
    %add3A_17 = arith.addf %add3A, %mul3A_16 : vector<208x64xf32>
    %swap3A = arith.constant 0 : index
    %swap3A_18 = arith.constant 0 : index
    %swap3A_19 = vector.load %arg5[%swap3A, %swap3A_18] : memref<208x65xf32, #tpu.memory_space<vmem>>, vector<208x64xf32>
    tpu.vector_store %arg5[%swap3A, %swap3A_18], %add3A_17 {strides = array<i32>} : memref<208x65xf32, #tpu.memory_space<vmem>>, vector<208x64xf32>,
    %broadcast_in_dim3A = arith.constant 0.000000e+00 : f32
    %broadcast_in_dim3A_20 = vector.broadcast %broadcast_in_dim3A : f32 to vector<208x1xf32>
    %swap3A_21 = arith.constant 0 : index
    %swap3A_22 = arith.constant 64 : index
    %swap3A_23 = vector.load %arg5[%swap3A_21, %swap3A_22] : memref<208x65xf32, #tpu.memory_space<vmem>>, vector<208x1xf32>
    tpu.vector_store %arg5[%swap3A_21, %swap3A_22], %broadcast_in_dim3A_20 {strides = array<i32>} : memref<208x65xf32, #tpu.memory_space<vmem>>, vector<208x1xf32>,
    return
  }
}

</mosaic_0001>

<sc_bundles>
// kernel: kernel.4.cloned.1.call-start
scs
__scs_entry_jumppad:
0x0: {  	(pc) =	sbr.rel $0x88, $3  }
0x1: {  	(tag) =	ssettag $0x0;
	lr =	simm.s32 $0x1  }
0x2: {  	[smem:$0x3F9C] =	sst lr;
	_ =	strace $0xD0000000  }
0x3: {  	_ = 	snop  }
0x4: {  	_ = 	snop  }
0x5: {  	_ = 	snop  }
0x6: {  	_ = 	snop  }
0x7: {  	_ = 	snop  }
__scs_overlays_trampoline_lowered:
0x8: {  	[smem:$0x3FAB] =	sst s0  }
0x9: {  	[smem:$0x3FAC] =	sst s1  }
0xa: {  	[smem:$0x3FAD] =	sst s2  }
0xb: {  	[smem:$0x3FAE] =	sst s3  }
0xc: {  	[smem:$0x3FAF] =	sst s4  }
0xd: {  	[smem:$0x3FB0] =	sst s5  }
0xe: {  	[smem:$0x3FB1] =	sst s6  }
0xf: {  	[smem:$0x3FB2] =	sst s7  }
0x10: {  	[smem:$0x3FB3] =	sst s8  }
0x11: {  	[smem:$0x3FB4] =	sst s9;
	s0 =	simm.s32 @!p0 $0x0  }
0x12: {  	s1 =	sld [smem:$0x3F9A];
	s0 =	simm.s32 @p0 $0x1  }
0x13: {  	[smem:$0x3FB5] =	sst s0;
	s0 =	simm.s32 @!p1 $0x0  }
0x14: {  	s2 =	sld [smem:$0x3F99];
	s0 =	simm.s32 @p1 $0x1  }
0x15: {  	[smem:$0x3FB6] =	sst s0;
	s0 =	simm.s32 @!p2 $0x0  }
0x16: {  	s3 =	sld [smem:$0x3FDB];
	s0 =	simm.s32 @p2 $0x1  }
0x17: {  	s4 =	simm.s32 $0x1BF5;
	[smem:$0x3FB8] =	sst s0  }
0x18: {  	s0 =	sld [smem:$0x3F9B];
	_ =	swait.ge [sflag:s4], $0x0  }
0x19: {  	s7 =	sld [smem:$0x3F9C]  }
0x1a: {  	s8 =	sadd.s32 $0xFFFFE003, lr  }
0x1b: {  	s9 =	sadd.s32 $0xFFFFFEF7, lr;
	s5 =	simm.s32 $0xFFFFFFFF;
	p2 =	slt.u32 s8, $0xFFFFF086  }
0x1c: {  	p1 =	slt.u32 s9, $0xF7A;
	s5 =	simm.s32 @!p2 $0x0  }
0x1d: {  	s5 =	simm.s32 @p1 $0x1;
	p0 =	seq.s32 s7, s2  }
0x1e: {  	s7 =	smul.u32 @!p0 $0xF7A, s2;
	p2 =	seq.s32 @!p0 s5, $0x0  }
0x1f: {  	s9 =	smul.u32 $0xF7A, s1;
	s8 =	simm.s32 @!p0 $0x1BF5;
	p2 =	por !p2, p0  }
0x20: {  	[sflag:s8] =	ssyncset.s32 @!p0 $0xFFFFF086;
	s6 =	sadd.s32 @!p0 s3, s7;
	s7 =	simm.s32 @!p0 $0x108  }
0x21: {  	s3 =	sadd.s32 s3, s9;
	s6 =	sadd.s32 @!p0 $0x88, s6;
	s7 =	simm.s32 @p2 $0x1082  }
0x22: {  	[simem:s7], [sflag:s8] =	dma.local @!p0 [hbm:s6], $0xF7A  }
0x23: {  	s9 =	sor.u32 $0xD0000000, s2;
	s6 =	simm.s32 $0x108;
	_ =	swait.ge @!p0 [sflag:s8], $0x0  }
0x24: {  	s3 =	sadd.s32 $0x88, s3;
	s6 =	simm.s32 @!p1 $0x1082;
	[sflag:s4] =	ssyncset.s32 $0xFFFFF086  }
0x25: {  	[simem:s6], [sflag:s4] =	dma.local [hbm:s3], $0xF7A  }
0x26: {  	[smem:$0x3F9C] =	sst s1;
	(tag) =	ssettag s2;
	_ =	strace s9  }
0x27: {  	s1 =	sld [smem:$0x3FAC]  }
0x28: {  	s2 =	sld [smem:$0x3FAD]  }
0x29: {  	s4 =	sld [smem:$0x3FAF]  }
0x2a: {  	p0 =	seq.s32 s5, $0x0;
	s5 =	sld [smem:$0x3FB0]  }
0x2b: {  	s6 =	sld [smem:$0x3FB1]  }
0x2c: {  	s7 =	sld [smem:$0x3FB2]  }
0x2d: {  	s3 =	simm.s32 $0x108;
	s8 =	sld [smem:$0x3FB3]  }
0x2e: {  	s3 =	simm.s32 @!p0 $0x1082;
	s9 =	sld [smem:$0x3FB4]  }
0x2f: {  	lr =	sadd.s32 s0, s3;
	s0 =	sld [smem:$0x3FAB]  }
0x30: {  	s3 =	sld [smem:$0x3FAE]  }
0x31: {  	[smem:$0x3FB7] =	sst s10  }
0x32: {  	s10 =	sld [smem:$0x3FB5];
	_ =	sdelay $0x3  }
0x33: {  	p0 =	seq.s32 s10, $0x1;
	s10 =	sld [smem:$0x3FB7];
	_ =	sdelay $0x3  }
0x34: {  	[smem:$0x3FB7] =	sst s10  }
0x35: {  	s10 =	sld [smem:$0x3FB6];
	_ =	sdelay $0x3  }
0x36: {  	p1 =	seq.s32 s10, $0x1;
	s10 =	sld [smem:$0x3FB7];
	_ =	sdelay $0x3  }
0x37: {  	[smem:$0x3FB7] =	sst s10  }
0x38: {  	s10 =	sld [smem:$0x3FB8]  }
0x39: {  	_ = 	snop;
	(pc) =	sbr.ind lr, $3  }
0x3a: {  	_ = 	snop  }
0x3b: {  	_ = 	snop  }
0x3c: {  	p2 =	seq.s32 s10, $0x1;
	s10 =	sld [smem:$0x3FB7]  }
0x3d: {  	_ =	shalt  }
0x3e: {  	_ =	shalt  }
0x3f: {  	_ =	shalt  }
0x40: {  	_ =	shalt  }
0x41: {  	_ =	shalt  }
0x42: {  	_ =	shalt  }
0x43: {  	_ =	shalt  }
0x44: {  	_ =	shalt  }
0x45: {  	_ =	shalt  }
0x46: {  	_ =	shalt  }
0x47: {  	_ =	shalt  }
0x48: {  	_ =	shalt  }
0x49: {  	_ =	shalt  }
0x4a: {  	_ =	shalt  }
0x4b: {  	_ =	shalt  }
0x4c: {  	_ =	shalt  }
0x4d: {  	_ =	shalt  }
0x4e: {  	_ =	shalt  }
0x4f: {  	_ =	shalt  }
0x50: {  	_ =	shalt  }
0x51: {  	_ =	shalt  }
0x52: {  	_ =	shalt  }
0x53: {  	_ =	shalt  }
0x54: {  	_ =	shalt  }
0x55: {  	_ =	shalt  }
0x56: {  	_ =	shalt  }
0x57: {  	_ =	shalt  }
0x58: {  	_ =	shalt  }
0x59: {  	_ =	shalt  }
0x5a: {  	_ =	shalt  }
0x5b: {  	_ =	shalt  }
0x5c: {  	_ =	shalt  }
0x5d: {  	_ =	shalt  }
0x5e: {  	_ =	shalt  }
0x5f: {  	_ =	shalt  }
0x60: {  	_ =	shalt  }
0x61: {  	_ =	shalt  }
0x62: {  	_ =	shalt  }
0x63: {  	_ =	shalt  }
0x64: {  	_ =	shalt  }
0x65: {  	_ =	shalt  }
0x66: {  	_ =	shalt  }
0x67: {  	_ =	shalt  }
0x68: {  	_ =	shalt  }
0x69: {  	_ =	shalt  }
0x6a: {  	_ =	shalt  }
0x6b: {  	_ =	shalt  }
0x6c: {  	_ =	shalt  }
0x6d: {  	_ =	shalt  }
0x6e: {  	_ =	shalt  }
0x6f: {  	_ =	shalt  }
0x70: {  	_ =	shalt  }
0x71: {  	_ =	shalt  }
0x72: {  	_ =	shalt  }
0x73: {  	_ =	shalt  }
0x74: {  	_ =	shalt  }
0x75: {  	_ =	shalt  }
0x76: {  	_ =	shalt  }
0x77: {  	_ =	shalt  }
0x78: {  	_ =	shalt  }
0x79: {  	_ =	shalt  }
0x7a: {  	_ =	shalt  }
0x7b: {  	_ =	shalt  }
0x7c: {  	_ =	shalt  }
0x7d: {  	_ =	shalt  }
0x7e: {  	_ =	shalt  }
0x7f: {  	_ =	shalt  }
0x80: {  	_ =	shalt  }
0x81: {  	_ =	shalt  }
0x82: {  	_ =	shalt  }
0x83: {  	_ =	shalt  }
0x84: {  	_ =	shalt  }
0x85: {  	_ =	shalt  }
0x86: {  	_ =	shalt  }
0x87: {  	_ =	shalt  }
.Lfunc_end0:
.L_simem_size_0:
called_computation_lowered:
.L_overlay_start_0:
0x88: {  	s2 =	sld [smem:$0x3FD9]  }
0x89: {  	s3 =	sld [smem:$0x3FFE];
	_ =	sdelay $0x1  }
0x8a: {  	s1 =	srdreg.scid  }
0x8b: {  	s0 =	sand.u32 $0x1, s1  }
0x8c: {  	s17 =	sshll.u32 s0, $0xA;
	s2 =	sadd.s32 s3, s2  }
0x8d: {  	s2 =	sadd.s32 s2, s17  }
0x8e: {  	[smem:$0x3FC3] =	sst s2  }
0x8f: {  	_ = 	snop  }
0x90: {  	s2 =	sld [smem:$0x3FD0];
	(tm) =	ssettm $0x1  }
0x91: {  	s18 =	sld [smem:$0x3FFB];
	_ =	sdelay $0x3  }
0x92: {  	_ =	strace s18  }
0x93: {  	s3 =	sld [smem:$0x3FFC];
	_ =	sdelay $0x3  }
0x94: {  	_ =	strace s3  }
0x95: {  	s3 =	sld [smem:$0x3FFD];
	_ =	sdelay $0x3  }
0x96: {  	_ =	strace s3  }
0x97: {  	_ =	strace $0x8FFFFFFF  }
0x98: {  	s19 =	sld [smem:$0x3FDB];
	_ =	sdelay $0x1  }
0x99: {  	s4 =	simm.s32 $_scs_section_size  }
0x9a: {  	s5 =	simm.s32 $_size__tile_overlayer_lowered;
	s6 =	simm.s32 $_tile_overlayer_lowered  }
0x9b: {  	s22 =	simm.s32 $0x1BFF;
	s21 =	sshll.u32 s6, $0x1;
	s3 =	sadd.s32 s4, s19  }
0x9c: {  	s7 =	simm.s32 $0x0;
	s20 =	sshll.u32 s5, $0x1;
	s5 =	sadd.s32 s21, s3  }
0x9d: {  	[timem:s7], [sflag:s22] =	dma.local [hbm:s5], s20  }
0x9e: {  	_ =	swait.ge [sflag:s22], s20  }
0x9f: {  	s4 =	ssub.s32 $0x0, s20;
	[sflag:s22] =	ssyncset.done $0x0  }
0xa0: {  	[sflag:s22] =	ssyncadd.s32 s4;
	_ =	sdelay $0x1  }
0xa1: {  	s23 =	simm.s32 $0x1B8B  }
0xa2: {  	_ =	swait.ge [sflag:s23], $0x1  }
0xa3: {  	[sflag:s23] =	ssyncset.done $0x0  }
0xa4: {  	s25 =	simm.s32 $0x1B8E;
	s24 =	sld [smem:$0x3FFE];
	[sflag:s23] =	ssyncadd.s32 $0xFFFFFFFF  }
0xa5: {  	s26 =	simm.s32 $execute0_lowered;
	[smem:$0x3FD2] =	sst s25  }
0xa6: {  	s5 =	sshll.u32 s26, $0x1;
	_ =	strace $0x80000046;
	[dreg:$0x1] =	wrdreg $0xFFFFFFFF  }
0xa7: {  	s28 =	simm.s32 $_size_execute0_lowered;
	s3 =	sadd.s32 s3, s5;
	[dreg:$0x0] =	wrdreg $0x0  }
0xa8: {  	s5 =	sshll.u32 s28, $0x1;
	[dreg:$0x2] =	wrdreg s3  }
0xa9: {  	[dreg:$0x3] =	wrdreg s5  }
0xaa: {  	[dreg:$0x4] =	wrdreg $0xC0  }
0xab: {  	_ =	task [dreg:s7], $0x5FFFF  }
0xac: {  	[dreg:$0x1] =	wrdreg $0xFFFFFFFF  }
0xad: {  	[dreg:$0x0] =	wrdreg $0x60  }
0xae: {  	[dreg:$0x2] =	wrdreg s24  }
0xaf: {  	[dreg:$0x3] =	wrdreg s2  }
0xb0: {  	[dreg:$0x4] =	wrdreg $0x9  }
0xb1: {  	_ =	task.clear_ibuf [dreg:s7], $0x5FFFF;
	_ =	strace $0x90000046  }
0xb2: {  	s29 =	simm.s32 $0x9;
	_ =	strace $0x80000048  }
0xb3: {  	_ =	swait.ge [sflag:s29], $0x1  }
0xb4: {  	[sflag:s29] =	ssyncadd.s32 $0xFFFFFFFF  }
0xb5: {  	_ =	strace $0x90000048  }
0xb6: {  	_ =	sfence  }
0xb7: {  	s30 =	sld [smem:$0x0];
	_ =	sdelay $0x2  }
0xb8: {  	s31 =	sshll.u32 s1, $0xD;
	s1 =	sshrl.u32 s1, $0x2  }
0xb9: {  	s3 =	sand.u32 $0x4000, s31;
	s1 =	sadd.s32 s1, s30  }
0xba: {  	s0 =	sor.u32 s3, s0;
	s1 =	sshll.u32 s1, $0x11  }
0xbb: {  	s0 =	sor.u32 s1, s0  }
0xbc: {  	s0 =	sadd.s32 $0x8F2B, s0  }
0xbd: {  	[sflag:s0] =	ssyncadd.remote.s32 $0x1  }
0xbe: {  	_ =	sfence.sel $0xFFFF  }
0xbf: {  	[dreg:$0x0] =	wrdreg $0xFFFFFFFF;
	(pc) =	sbr.abs _section_cstart, $3  }
0xc0: {  	[dreg:$0x1] =	wrdreg $0xFFFFFFFF  }
0xc1: {  	_ =	task.clear_ibuf [dreg:s7], $0x2FFFF;
	_ =	strace $0x9FFFFFFF  }
0xc2: {  	(tm) =	ssettm $0x7FFFFFFF  }
0xc3: {  	_ =	shalt  }
tec
execute0_lowered:
.L_overlay_start_1:
0x0: {  	(tag) =	ssettag $0x1  }
0x1: {  	s5 =	rddreg [dreg:$0x0];
	s1 =	srdreg.scid  }
0x2: {  	s0 =	stileid.u32;
	s2 =	rddreg [dreg:$0x1];
	s3 =	simm.s32 $0x0  }
0x3: {  	s10 =	simm.s32 $0x400;
	s11 =	simm.s32 $0x8000;
	s12 =	simm.s32 $0x9900  }
0x4: {  	s13 =	simm.s32 $0x11900;
	s14 =	simm.s32 $0x1;
	s15 =	simm.s32 $0x2  }
0x5: {  	s4 =	sand.u32 $0x1, s1;
	s6 =	sshll.u32 s0, $0x1;
	s1 =	rddreg [dreg:$0x2]  }
0x6: {  	s16 =	simm.s32 $0x0;
	[smem:$0x7FF] =	sst s3;
	s6 =	sor.u32 s4, s6  }
0x7: {  	s8 =	ssub.s32 $0x2, s4;
	_ =	strace $0x80000047;
	s7 =	smul.u32 $0xC80, s6  }
0x8: {  	s4 =	sadd.s32 $0x400, s5;
	s9 =	sshrl.u32 s8, $0x1;
	s6 =	sshll.u32 s6, $0xA  }
0x9: {  	v0 =	vlaneseq.u32;
	s31 =	ssub.s32 s8, s9;
	s8 =	simm.s32 $0x3;
	s5 =	sadd.s32 s7, s5  }
0xa: {  	v0 =	vmul.u32 $0xC8, v0;
	s9 =	simm.s32 $0x3500;
	s7 =	smax.u32 s31, $0x1;
	s5 =	sadd.s32 $0xC00, s5  }
.LBB2_1:
0xb: {  	[tilespmem:s3], [sflag:$0x3] =	stream.linear.gather [hbm4b:s4+s3], $0x3500, $0x38;
	[tilespmem:$0x19900] =	vst v63  }
0xc: {  	_ =	swait.ge [sflag:s8], $0x3500  }
0xd: {  	[sflag:s8] =	ssyncset.done $0x0  }
0xe: {  	[sflag:s8] =	ssyncadd.s32 $0xFFFFCB00  }
0xf: {  	[tilespmem:s9], [sflag:$0x3] =	stream.linear.gather [hbm4b:s5+s3], $0x6400, $0x38;
	[tilespmem:$0x19900] =	vst v63  }
0x10: {  	_ =	swait.ge [sflag:s8], $0x6400  }
0x11: {  	[sflag:s8] =	ssyncset.done $0x0  }
0x12: {  	s17 =	simm.s32 $0x0;
	[sflag:s8] =	ssyncadd.s32 $0xFFFF9C00  }
.LBB2_2:
0x13: {  	p0 =	seq.s32 s17, $0x0  }
0x14: {  	s19 =	simm.s32 @!p0 $0x1  }
0x15: {  	s20 =	simm.s32 @!p0 $0x0;
	_ =	swait.ge @!p0 [sflag:s19], $0x8000  }
0x16: {  	s18 =	sshll.u32 s17, $0x3;
	s20 =	simm.s32 @p0 $0x19E6;
	[sflag:s19] =	ssyncset.done @!p0 $0x0  }
0x17: {  	p1 =	por $0x1, $0x1;
	v1 =	vmov s18;
	v2 =	vmov s20;
	[sflag:s19] =	ssyncadd.s32 @!p0 $0xFFFF8000;
	s19 =	simm.s32 $0x0  }
.LBB2_3:
0x18: {  	v3 =	vmov s19;
	s20 =	sor.u32 $0x10, s19  }
0x19: {  	s30 =	sor.u32 $0x20, s19;
	v3 =	vmul.u32 $0xC8, v3;
	v4 =	vmov s20  }
0x1a: {  	s31 =	sor.u32 $0x30, s19;
	v5 =	vmov s30;
	v4 =	vmul.u32 $0xC8, v4  }
0x1b: {  	v6 =	vmov s31;
	v5 =	vmul.u32 $0xC8, v5;
	v3 =	vadd.s32 v1, v3  }
0x1c: {  	v6 =	vmul.u32 $0xC8, v6;
	v3 =	vbroadcast v3, $0x0;
	v4 =	vadd.s32 v1, v4  }
0x1d: {  	v5 =	vadd.s32 v1, v5;
	v4 =	vbroadcast v4, $0x0  }
0x1e: {  	v6 =	vadd.s32 v1, v6;
	v5 =	vbroadcast v5, $0x0;
	v3 =	vadd.s32 v0, v3  }
0x1f: {  	v6 =	vbroadcast v6, $0x0;
	v4 =	vadd.s32 v0, v4  }
0x20: {  	v5 =	vadd.s32 v0, v5  }
0x21: {  	v6 =	vadd.s32 v0, v6;
	_ =	sdelay $0x1  }
0x22: {  	v3 =	vld.idx.msk [tilespmem:v3+s9+$0x0], $0xffff  }
0x23: {  	v4 =	vld.idx.msk [tilespmem:v4+s9+$0x0], $0xffff  }
0x24: {  	v5 =	vld.idx.msk [tilespmem:v5+s9+$0x0], $0xffff  }
0x25: {  	v7 =	vld.idx.msk [tilespmem:v6+s9+$0x0], $0xffff;
	_ =	sdelay $0x1  }
0x26: {  	v3 =	vmul.u32 $0x41, v3  }
0x27: {  	v4 =	vmul.u32 $0x41, v4  }
0x28: {  	v6 =	vadd.s32 v2, v3;
	v3 =	vmul.u32 $0x41, v5  }
0x29: {  	v7 =	vmul.u32 $0x41, v7;
	v4 =	vadd.s32 v2, v4  }
0x2a: {  	v5 =	vadd.s32 v2, v3  }
0x2b: {  	v3 =	vadd.s32 v2, v7;
	_ =	sdelay $0x1  }
0x2c: {  	v40 =	vld.idx.msk [tilespmem:v6+s3+$0x0], $0xffff  }
0x2d: {  	v8 =	vadd.s32 $0x2, v6;
	v9 =	vld.idx.msk [tilespmem:v4+s3+$0x0], $0xffff  }
0x2e: {  	v10 =	vadd.s32 $0x2, v4;
	v11 =	vld.idx.msk [tilespmem:v5+s3+$0x0], $0xffff  }
0x2f: {  	v12 =	vadd.s32 $0x2, v5;
	v13 =	vld.idx.msk [tilespmem:v3+s3+$0x0], $0xffff  }
0x30: {  	v14 =	vadd.s32 $0x2, v3  }
0x31: {  	[tilespmem:s19+$0x9900] =	vst v40  }
0x32: {  	v7 =	vld.idx.msk [tilespmem:v8+s3+$0x0], $0xffff;
	[tilespmem:s19+$0x9910] =	vst v9  }
0x33: {  	v41 =	vadd.s32 $0x4, v6;
	v9 =	vld.idx.msk [tilespmem:v10+s3+$0x0], $0xffff;
	[tilespmem:s19+$0x9920] =	vst v11  }
0x34: {  	v42 =	vadd.s32 $0x4, v4;
	[tilespmem:s19+$0x9930] =	vst v13;
	v11 =	vld.idx.msk [tilespmem:v12+s3+$0x0], $0xffff  }
0x35: {  	v43 =	vadd.s32 $0x4, v5;
	v13 =	vld.idx.msk [tilespmem:v14+s3+$0x0], $0xffff  }
0x36: {  	v44 =	vadd.s32 $0x4, v3  }
0x37: {  	[tilespmem:s19+$0x9A00] =	vst v7  }
0x38: {  	v7 =	vld.idx.msk [tilespmem:v41+s3+$0x0], $0xffff;
	[tilespmem:s19+$0x9A10] =	vst v9  }
0x39: {  	v45 =	vadd.s32 $0x6, v6;
	v9 =	vld.idx.msk [tilespmem:v42+s3+$0x0], $0xffff;
	[tilespmem:s19+$0x9A20] =	vst v11  }
0x3a: {  	v46 =	vadd.s32 $0x6, v4;
	[tilespmem:s19+$0x9A30] =	vst v13;
	v11 =	vld.idx.msk [tilespmem:v43+s3+$0x0], $0xffff  }
0x3b: {  	v47 =	vadd.s32 $0x6, v5;
	v13 =	vld.idx.msk [tilespmem:v44+s3+$0x0], $0xffff  }
0x3c: {  	v48 =	vadd.s32 $0x6, v3  }
0x3d: {  	[tilespmem:s19+$0x9B00] =	vst v7  }
0x3e: {  	v7 =	vld.idx.msk [tilespmem:v45+s3+$0x0], $0xffff;
	[tilespmem:s19+$0x9B10] =	vst v9  }
0x3f: {  	v49 =	vadd.s32 $0x8, v6;
	v9 =	vld.idx.msk [tilespmem:v46+s3+$0x0], $0xffff;
	[tilespmem:s19+$0x9B20] =	vst v11  }
0x40: {  	v50 =	vadd.s32 $0x8, v4;
	[tilespmem:s19+$0x9B30] =	vst v13;
	v11 =	vld.idx.msk [tilespmem:v47+s3+$0x0], $0xffff  }
0x41: {  	v51 =	vadd.s32 $0x8, v5;
	v13 =	vld.idx.msk [tilespmem:v48+s3+$0x0], $0xffff  }
0x42: {  	v52 =	vadd.s32 $0x8, v3  }
0x43: {  	[tilespmem:s19+$0x9C00] =	vst v7  }
0x44: {  	v7 =	vld.idx.msk [tilespmem:v49+s3+$0x0], $0xffff;
	[tilespmem:s19+$0x9C10] =	vst v9  }
0x45: {  	v53 =	vadd.s32 $0xA, v6;
	v9 =	vld.idx.msk [tilespmem:v50+s3+$0x0], $0xffff;
	[tilespmem:s19+$0x9C20] =	vst v11  }
0x46: {  	v54 =	vadd.s32 $0xA, v4;
	[tilespmem:s19+$0x9C30] =	vst v13;
	v11 =	vld.idx.msk [tilespmem:v51+s3+$0x0], $0xffff  }
0x47: {  	v55 =	vadd.s32 $0xA, v5;
	v13 =	vld.idx.msk [tilespmem:v52+s3+$0x0], $0xffff  }
0x48: {  	v56 =	vadd.s32 $0xA, v3  }
0x49: {  	[tilespmem:s19+$0x9D00] =	vst v7  }
0x4a: {  	v7 =	vld.idx.msk [tilespmem:v53+s3+$0x0], $0xffff;
	[tilespmem:s19+$0x9D10] =	vst v9  }
0x4b: {  	v57 =	vadd.s32 $0xC, v6;
	v9 =	vld.idx.msk [tilespmem:v54+s3+$0x0], $0xffff;
	[tilespmem:s19+$0x9D20] =	vst v11  }
0x4c: {  	v58 =	vadd.s32 $0xC, v4;
	[tilespmem:s19+$0x9D30] =	vst v13;
	v11 =	vld.idx.msk [tilespmem:v55+s3+$0x0], $0xffff  }
0x4d: {  	v59 =	vadd.s32 $0xC, v5;
	v13 =	vld.idx.msk [tilespmem:v56+s3+$0x0], $0xffff  }
0x4e: {  	v60 =	vadd.s32 $0xC, v3  }
0x4f: {  	[tilespmem:s19+$0x9E00] =	vst v7  }
0x50: {  	v7 =	vld.idx.msk [tilespmem:v57+s3+$0x0], $0xffff;
	[tilespmem:s19+$0x9E10] =	vst v9  }
0x51: {  	v61 =	vadd.s32 $0xE, v6;
	v9 =	vld.idx.msk [tilespmem:v58+s3+$0x0], $0xffff;
	[tilespmem:s19+$0x9E20] =	vst v11  }
0x52: {  	v62 =	vadd.s32 $0xE, v4;
	[tilespmem:s19+$0x9E30] =	vst v13;
	v11 =	vld.idx.msk [tilespmem:v59+s3+$0x0], $0xffff  }
0x53: {  	v63 =	vadd.s32 $0xE, v5;
	v13 =	vld.idx.msk [tilespmem:v60+s3+$0x0], $0xffff  }
0x54: {  	v16 =	vadd.s32 $0xE, v3  }
0x55: {  	[tilespmem:s19+$0x9F00] =	vst v7  }
0x56: {  	v7 =	vld.idx.msk [tilespmem:v61+s3+$0x0], $0xffff;
	[tilespmem:s19+$0x9F10] =	vst v9  }
0x57: {  	v17 =	vadd.s32 $0x10, v6;
	v9 =	vld.idx.msk [tilespmem:v62+s3+$0x0], $0xffff;
	[tilespmem:s19+$0x9F20] =	vst v11  }
0x58: {  	v18 =	vadd.s32 $0x10, v4;
	[tilespmem:s19+$0x9F30] =	vst v13;
	v11 =	vld.idx.msk [tilespmem:v63+s3+$0x0], $0xffff  }
0x59: {  	v19 =	vadd.s32 $0x10, v5;
	v13 =	vld.idx.msk [tilespmem:v16+s3+$0x0], $0xffff  }
0x5a: {  	v20 =	vadd.s32 $0x10, v3  }
0x5b: {  	[tilespmem:s19+$0xA000] =	vst v7  }
0x5c: {  	v7 =	vld.idx.msk [tilespmem:v17+s3+$0x0], $0xffff;
	[tilespmem:s19+$0xA010] =	vst v9  }
0x5d: {  	v21 =	vadd.s32 $0x12, v6;
	v9 =	vld.idx.msk [tilespmem:v18+s3+$0x0], $0xffff;
	[tilespmem:s19+$0xA020] =	vst v11  }
0x5e: {  	v22 =	vadd.s32 $0x12, v4;
	[tilespmem:s19+$0xA030] =	vst v13;
	v11 =	vld.idx.msk [tilespmem:v19+s3+$0x0], $0xffff  }
0x5f: {  	v23 =	vadd.s32 $0x12, v5;
	v13 =	vld.idx.msk [tilespmem:v20+s3+$0x0], $0xffff  }
0x60: {  	v24 =	vadd.s32 $0x12, v3  }
0x61: {  	[tilespmem:s19+$0xA100] =	vst v7  }
0x62: {  	v7 =	vld.idx.msk [tilespmem:v21+s3+$0x0], $0xffff;
	[tilespmem:s19+$0xA110] =	vst v9  }
0x63: {  	v25 =	vadd.s32 $0x14, v6;
	v9 =	vld.idx.msk [tilespmem:v22+s3+$0x0], $0xffff;
	[tilespmem:s19+$0xA120] =	vst v11  }
0x64: {  	v26 =	vadd.s32 $0x14, v4;
	[tilespmem:s19+$0xA130] =	vst v13;
	v11 =	vld.idx.msk [tilespmem:v23+s3+$0x0], $0xffff  }
0x65: {  	v27 =	vadd.s32 $0x14, v5;
	v13 =	vld.idx.msk [tilespmem:v24+s3+$0x0], $0xffff  }
0x66: {  	v28 =	vadd.s32 $0x14, v3  }
0x67: {  	[tilespmem:s19+$0xA200] =	vst v7  }
0x68: {  	v7 =	vld.idx.msk [tilespmem:v25+s3+$0x0], $0xffff;
	[tilespmem:s19+$0xA210] =	vst v9  }
0x69: {  	v29 =	vadd.s32 $0x16, v6;
	v9 =	vld.idx.msk [tilespmem:v26+s3+$0x0], $0xffff;
	[tilespmem:s19+$0xA220] =	vst v11  }
0x6a: {  	v30 =	vadd.s32 $0x16, v4;
	[tilespmem:s19+$0xA230] =	vst v13;
	v11 =	vld.idx.msk [tilespmem:v27+s3+$0x0], $0xffff  }
0x6b: {  	v31 =	vadd.s32 $0x16, v5;
	v13 =	vld.idx.msk [tilespmem:v28+s3+$0x0], $0xffff  }
0x6c: {  	v32 =	vadd.s32 $0x16, v3  }
0x6d: {  	[tilespmem:s19+$0xA300] =	vst v7  }
0x6e: {  	v7 =	vld.idx.msk [tilespmem:v29+s3+$0x0], $0xffff;
	[tilespmem:s19+$0xA310] =	vst v9  }
0x6f: {  	v33 =	vadd.s32 $0x18, v6;
	v9 =	vld.idx.msk [tilespmem:v30+s3+$0x0], $0xffff;
	[tilespmem:s19+$0xA320] =	vst v11  }
0x70: {  	v34 =	vadd.s32 $0x18, v4;
	[tilespmem:s19+$0xA330] =	vst v13;
	v11 =	vld.idx.msk [tilespmem:v31+s3+$0x0], $0xffff  }
0x71: {  	v35 =	vadd.s32 $0x18, v5;
	v13 =	vld.idx.msk [tilespmem:v32+s3+$0x0], $0xffff  }
0x72: {  	v36 =	vadd.s32 $0x18, v3  }
0x73: {  	[tilespmem:s19+$0xA400] =	vst v7  }
0x74: {  	v7 =	vld.idx.msk [tilespmem:v33+s3+$0x0], $0xffff;
	[tilespmem:s19+$0xA410] =	vst v9  }
0x75: {  	v37 =	vadd.s32 $0x1A, v6;
	v9 =	vld.idx.msk [tilespmem:v34+s3+$0x0], $0xffff;
	[tilespmem:s19+$0xA420] =	vst v11  }
0x76: {  	v38 =	vadd.s32 $0x1A, v4;
	[tilespmem:s19+$0xA430] =	vst v13;
	v11 =	vld.idx.msk [tilespmem:v35+s3+$0x0], $0xffff  }
0x77: {  	v39 =	vadd.s32 $0x1A, v5;
	v13 =	vld.idx.msk [tilespmem:v36+s3+$0x0], $0xffff  }
0x78: {  	v40 =	vadd.s32 $0x1A, v3  }
0x79: {  	[tilespmem:s19+$0xA500] =	vst v7  }
0x7a: {  	v7 =	vld.idx.msk [tilespmem:v37+s3+$0x0], $0xffff;
	[tilespmem:s19+$0xA510] =	vst v9  }
0x7b: {  	v41 =	vadd.s32 $0x1C, v6;
	v9 =	vld.idx.msk [tilespmem:v38+s3+$0x0], $0xffff;
	[tilespmem:s19+$0xA520] =	vst v11  }
0x7c: {  	v42 =	vadd.s32 $0x1C, v4;
	[tilespmem:s19+$0xA530] =	vst v13;
	v11 =	vld.idx.msk [tilespmem:v39+s3+$0x0], $0xffff  }
0x7d: {  	v43 =	vadd.s32 $0x1C, v5;
	v13 =	vld.idx.msk [tilespmem:v40+s3+$0x0], $0xffff  }
0x7e: {  	v44 =	vadd.s32 $0x1C, v3  }
0x7f: {  	[tilespmem:s19+$0xA600] =	vst v7  }
0x80: {  	v7 =	vld.idx.msk [tilespmem:v41+s3+$0x0], $0xffff;
	[tilespmem:s19+$0xA610] =	vst v9  }
0x81: {  	v45 =	vadd.s32 $0x1E, v6;
	v9 =	vld.idx.msk [tilespmem:v42+s3+$0x0], $0xffff;
	[tilespmem:s19+$0xA620] =	vst v11  }
0x82: {  	v46 =	vadd.s32 $0x1E, v4;
	[tilespmem:s19+$0xA630] =	vst v13;
	v11 =	vld.idx.msk [tilespmem:v43+s3+$0x0], $0xffff  }
0x83: {  	v47 =	vadd.s32 $0x1E, v5;
	v13 =	vld.idx.msk [tilespmem:v44+s3+$0x0], $0xffff  }
0x84: {  	v48 =	vadd.s32 $0x1E, v3  }
0x85: {  	[tilespmem:s19+$0xA700] =	vst v7  }
0x86: {  	v7 =	vld.idx.msk [tilespmem:v45+s3+$0x0], $0xffff;
	[tilespmem:s19+$0xA710] =	vst v9  }
0x87: {  	v49 =	vadd.s32 $0x20, v6;
	v9 =	vld.idx.msk [tilespmem:v46+s3+$0x0], $0xffff;
	[tilespmem:s19+$0xA720] =	vst v11  }
0x88: {  	v50 =	vadd.s32 $0x20, v4;
	[tilespmem:s19+$0xA730] =	vst v13;
	v11 =	vld.idx.msk [tilespmem:v47+s3+$0x0], $0xffff  }
0x89: {  	v51 =	vadd.s32 $0x20, v5;
	v13 =	vld.idx.msk [tilespmem:v48+s3+$0x0], $0xffff  }
0x8a: {  	v52 =	vadd.s32 $0x20, v3  }
0x8b: {  	[tilespmem:s19+$0xA800] =	vst v7  }
0x8c: {  	v7 =	vld.idx.msk [tilespmem:v49+s3+$0x0], $0xffff;
	[tilespmem:s19+$0xA810] =	vst v9  }
0x8d: {  	v53 =	vadd.s32 $0x22, v6;
	v9 =	vld.idx.msk [tilespmem:v50+s3+$0x0], $0xffff;
	[tilespmem:s19+$0xA820] =	vst v11  }
0x8e: {  	v54 =	vadd.s32 $0x22, v4;
	[tilespmem:s19+$0xA830] =	vst v13;
	v11 =	vld.idx.msk [tilespmem:v51+s3+$0x0], $0xffff  }
0x8f: {  	v55 =	vadd.s32 $0x22, v5;
	v13 =	vld.idx.msk [tilespmem:v52+s3+$0x0], $0xffff  }
0x90: {  	v56 =	vadd.s32 $0x22, v3  }
0x91: {  	[tilespmem:s19+$0xA900] =	vst v7  }
0x92: {  	v7 =	vld.idx.msk [tilespmem:v53+s3+$0x0], $0xffff;
	[tilespmem:s19+$0xA910] =	vst v9  }
0x93: {  	v57 =	vadd.s32 $0x24, v6;
	v9 =	vld.idx.msk [tilespmem:v54+s3+$0x0], $0xffff;
	[tilespmem:s19+$0xA920] =	vst v11  }
0x94: {  	v58 =	vadd.s32 $0x24, v4;
	[tilespmem:s19+$0xA930] =	vst v13;
	v11 =	vld.idx.msk [tilespmem:v55+s3+$0x0], $0xffff  }
0x95: {  	v59 =	vadd.s32 $0x24, v5;
	v13 =	vld.idx.msk [tilespmem:v56+s3+$0x0], $0xffff  }
0x96: {  	v60 =	vadd.s32 $0x24, v3  }
0x97: {  	[tilespmem:s19+$0xAA00] =	vst v7  }
0x98: {  	v7 =	vld.idx.msk [tilespmem:v57+s3+$0x0], $0xffff;
	[tilespmem:s19+$0xAA10] =	vst v9  }
0x99: {  	v61 =	vadd.s32 $0x26, v6;
	v9 =	vld.idx.msk [tilespmem:v58+s3+$0x0], $0xffff;
	[tilespmem:s19+$0xAA20] =	vst v11  }
0x9a: {  	v62 =	vadd.s32 $0x26, v4;
	[tilespmem:s19+$0xAA30] =	vst v13;
	v11 =	vld.idx.msk [tilespmem:v59+s3+$0x0], $0xffff  }
0x9b: {  	v63 =	vadd.s32 $0x26, v5;
	v13 =	vld.idx.msk [tilespmem:v60+s3+$0x0], $0xffff  }
0x9c: {  	v16 =	vadd.s32 $0x26, v3  }
0x9d: {  	[tilespmem:s19+$0xAB00] =	vst v7  }
0x9e: {  	v7 =	vld.idx.msk [tilespmem:v61+s3+$0x0], $0xffff;
	[tilespmem:s19+$0xAB10] =	vst v9  }
0x9f: {  	v17 =	vadd.s32 $0x28, v6;
	v9 =	vld.idx.msk [tilespmem:v62+s3+$0x0], $0xffff;
	[tilespmem:s19+$0xAB20] =	vst v11  }
0xa0: {  	v18 =	vadd.s32 $0x28, v4;
	[tilespmem:s19+$0xAB30] =	vst v13;
	v11 =	vld.idx.msk [tilespmem:v63+s3+$0x0], $0xffff  }
0xa1: {  	v19 =	vadd.s32 $0x28, v5;
	v13 =	vld.idx.msk [tilespmem:v16+s3+$0x0], $0xffff  }
0xa2: {  	v20 =	vadd.s32 $0x28, v3  }
0xa3: {  	[tilespmem:s19+$0xAC00] =	vst v7  }
0xa4: {  	v7 =	vld.idx.msk [tilespmem:v17+s3+$0x0], $0xffff;
	[tilespmem:s19+$0xAC10] =	vst v9  }
0xa5: {  	v21 =	vadd.s32 $0x2A, v6;
	v9 =	vld.idx.msk [tilespmem:v18+s3+$0x0], $0xffff;
	[tilespmem:s19+$0xAC20] =	vst v11  }
0xa6: {  	v22 =	vadd.s32 $0x2A, v4;
	[tilespmem:s19+$0xAC30] =	vst v13;
	v11 =	vld.idx.msk [tilespmem:v19+s3+$0x0], $0xffff  }
0xa7: {  	v23 =	vadd.s32 $0x2A, v5;
	v13 =	vld.idx.msk [tilespmem:v20+s3+$0x0], $0xffff  }
0xa8: {  	v24 =	vadd.s32 $0x2A, v3  }
0xa9: {  	[tilespmem:s19+$0xAD00] =	vst v7  }
0xaa: {  	v7 =	vld.idx.msk [tilespmem:v21+s3+$0x0], $0xffff;
	[tilespmem:s19+$0xAD10] =	vst v9  }
0xab: {  	v25 =	vadd.s32 $0x2C, v6;
	v9 =	vld.idx.msk [tilespmem:v22+s3+$0x0], $0xffff;
	[tilespmem:s19+$0xAD20] =	vst v11  }
0xac: {  	v26 =	vadd.s32 $0x2C, v4;
	[tilespmem:s19+$0xAD30] =	vst v13;
	v11 =	vld.idx.msk [tilespmem:v23+s3+$0x0], $0xffff  }
0xad: {  	v27 =	vadd.s32 $0x2C, v5;
	v13 =	vld.idx.msk [tilespmem:v24+s3+$0x0], $0xffff  }
0xae: {  	v28 =	vadd.s32 $0x2C, v3  }
0xaf: {  	[tilespmem:s19+$0xAE00] =	vst v7  }
0xb0: {  	v7 =	vld.idx.msk [tilespmem:v25+s3+$0x0], $0xffff;
	[tilespmem:s19+$0xAE10] =	vst v9  }
0xb1: {  	v29 =	vadd.s32 $0x2E, v6;
	v9 =	vld.idx.msk [tilespmem:v26+s3+$0x0], $0xffff;
	[tilespmem:s19+$0xAE20] =	vst v11  }
0xb2: {  	v30 =	vadd.s32 $0x2E, v4;
	[tilespmem:s19+$0xAE30] =	vst v13;
	v11 =	vld.idx.msk [tilespmem:v27+s3+$0x0], $0xffff  }
0xb3: {  	v31 =	vadd.s32 $0x2E, v5;
	v13 =	vld.idx.msk [tilespmem:v28+s3+$0x0], $0xffff  }
0xb4: {  	v32 =	vadd.s32 $0x2E, v3  }
0xb5: {  	[tilespmem:s19+$0xAF00] =	vst v7  }
0xb6: {  	v7 =	vld.idx.msk [tilespmem:v29+s3+$0x0], $0xffff;
	[tilespmem:s19+$0xAF10] =	vst v9  }
0xb7: {  	v33 =	vadd.s32 $0x30, v6;
	v9 =	vld.idx.msk [tilespmem:v30+s3+$0x0], $0xffff;
	[tilespmem:s19+$0xAF20] =	vst v11  }
0xb8: {  	v34 =	vadd.s32 $0x30, v4;
	[tilespmem:s19+$0xAF30] =	vst v13;
	v11 =	vld.idx.msk [tilespmem:v31+s3+$0x0], $0xffff  }
0xb9: {  	v35 =	vadd.s32 $0x30, v5;
	v13 =	vld.idx.msk [tilespmem:v32+s3+$0x0], $0xffff  }
0xba: {  	v36 =	vadd.s32 $0x30, v3  }
0xbb: {  	[tilespmem:s19+$0xB000] =	vst v7  }
0xbc: {  	v7 =	vld.idx.msk [tilespmem:v33+s3+$0x0], $0xffff;
	[tilespmem:s19+$0xB010] =	vst v9  }
0xbd: {  	v37 =	vadd.s32 $0x32, v6;
	v9 =	vld.idx.msk [tilespmem:v34+s3+$0x0], $0xffff;
	[tilespmem:s19+$0xB020] =	vst v11  }
0xbe: {  	v38 =	vadd.s32 $0x32, v4;
	[tilespmem:s19+$0xB030] =	vst v13;
	v11 =	vld.idx.msk [tilespmem:v35+s3+$0x0], $0xffff  }
0xbf: {  	v39 =	vadd.s32 $0x32, v5;
	v13 =	vld.idx.msk [tilespmem:v36+s3+$0x0], $0xffff  }
0xc0: {  	v40 =	vadd.s32 $0x32, v3  }
0xc1: {  	[tilespmem:s19+$0xB100] =	vst v7  }
0xc2: {  	v7 =	vld.idx.msk [tilespmem:v37+s3+$0x0], $0xffff;
	[tilespmem:s19+$0xB110] =	vst v9  }
0xc3: {  	v41 =	vadd.s32 $0x34, v6;
	v9 =	vld.idx.msk [tilespmem:v38+s3+$0x0], $0xffff;
	[tilespmem:s19+$0xB120] =	vst v11  }
0xc4: {  	v42 =	vadd.s32 $0x34, v4;
	[tilespmem:s19+$0xB130] =	vst v13;
	v11 =	vld.idx.msk [tilespmem:v39+s3+$0x0], $0xffff  }
0xc5: {  	v43 =	vadd.s32 $0x34, v5;
	v13 =	vld.idx.msk [tilespmem:v40+s3+$0x0], $0xffff  }
0xc6: {  	v44 =	vadd.s32 $0x34, v3  }
0xc7: {  	[tilespmem:s19+$0xB200] =	vst v7  }
0xc8: {  	v7 =	vld.idx.msk [tilespmem:v41+s3+$0x0], $0xffff;
	[tilespmem:s19+$0xB210] =	vst v9  }
0xc9: {  	v45 =	vadd.s32 $0x36, v6;
	v9 =	vld.idx.msk [tilespmem:v42+s3+$0x0], $0xffff;
	[tilespmem:s19+$0xB220] =	vst v11  }
0xca: {  	v46 =	vadd.s32 $0x36, v4;
	[tilespmem:s19+$0xB230] =	vst v13;
	v11 =	vld.idx.msk [tilespmem:v43+s3+$0x0], $0xffff  }
0xcb: {  	v47 =	vadd.s32 $0x36, v5;
	v13 =	vld.idx.msk [tilespmem:v44+s3+$0x0], $0xffff  }
0xcc: {  	v48 =	vadd.s32 $0x36, v3  }
0xcd: {  	[tilespmem:s19+$0xB300] =	vst v7  }
0xce: {  	v7 =	vld.idx.msk [tilespmem:v45+s3+$0x0], $0xffff;
	[tilespmem:s19+$0xB310] =	vst v9  }
0xcf: {  	v49 =	vadd.s32 $0x38, v6;
	v9 =	vld.idx.msk [tilespmem:v46+s3+$0x0], $0xffff;
	[tilespmem:s19+$0xB320] =	vst v11  }
0xd0: {  	v50 =	vadd.s32 $0x38, v4;
	[tilespmem:s19+$0xB330] =	vst v13;
	v11 =	vld.idx.msk [tilespmem:v47+s3+$0x0], $0xffff  }
0xd1: {  	v51 =	vadd.s32 $0x38, v5;
	v13 =	vld.idx.msk [tilespmem:v48+s3+$0x0], $0xffff  }
0xd2: {  	v52 =	vadd.s32 $0x38, v3  }
0xd3: {  	[tilespmem:s19+$0xB400] =	vst v7  }
0xd4: {  	v7 =	vld.idx.msk [tilespmem:v49+s3+$0x0], $0xffff;
	[tilespmem:s19+$0xB410] =	vst v9  }
0xd5: {  	v53 =	vadd.s32 $0x3A, v6;
	v9 =	vld.idx.msk [tilespmem:v50+s3+$0x0], $0xffff;
	[tilespmem:s19+$0xB420] =	vst v11  }
0xd6: {  	v54 =	vadd.s32 $0x3A, v4;
	[tilespmem:s19+$0xB430] =	vst v13;
	v11 =	vld.idx.msk [tilespmem:v51+s3+$0x0], $0xffff  }
0xd7: {  	v55 =	vadd.s32 $0x3A, v5;
	v13 =	vld.idx.msk [tilespmem:v52+s3+$0x0], $0xffff  }
0xd8: {  	v56 =	vadd.s32 $0x3A, v3  }
0xd9: {  	[tilespmem:s19+$0xB500] =	vst v7  }
0xda: {  	v7 =	vld.idx.msk [tilespmem:v53+s3+$0x0], $0xffff;
	[tilespmem:s19+$0xB510] =	vst v9  }
0xdb: {  	v57 =	vadd.s32 $0x3C, v6;
	v9 =	vld.idx.msk [tilespmem:v54+s3+$0x0], $0xffff;
	[tilespmem:s19+$0xB520] =	vst v11  }
0xdc: {  	v58 =	vadd.s32 $0x3C, v4;
	[tilespmem:s19+$0xB530] =	vst v13;
	v11 =	vld.idx.msk [tilespmem:v55+s3+$0x0], $0xffff  }
0xdd: {  	v59 =	vadd.s32 $0x3C, v5;
	v13 =	vld.idx.msk [tilespmem:v56+s3+$0x0], $0xffff  }
0xde: {  	v60 =	vadd.s32 $0x3C, v3  }
0xdf: {  	[tilespmem:s19+$0xB600] =	vst v7  }
0xe0: {  	[tilespmem:s19+$0xB610] =	vst v9;
	v7 =	vld.idx.msk [tilespmem:v57+s3+$0x0], $0xffff  }
0xe1: {  	v6 =	vadd.s32 $0x3E, v6;
	[tilespmem:s19+$0xB620] =	vst v11;
	v61 =	vld.idx.msk [tilespmem:v58+s3+$0x0], $0xffff  }
0xe2: {  	v4 =	vadd.s32 $0x3E, v4;
	[tilespmem:s19+$0xB630] =	vst v13;
	v62 =	vld.idx.msk [tilespmem:v59+s3+$0x0], $0xffff  }
0xe3: {  	v5 =	vadd.s32 $0x3E, v5;
	v63 =	vld.idx.msk [tilespmem:v60+s3+$0x0], $0xffff  }
0xe4: {  	v3 =	vadd.s32 $0x3E, v3  }
0xe5: {  	[tilespmem:s19+$0xB700] =	vst v7  }
0xe6: {  	[tilespmem:s19+$0xB710] =	vst v61;
	v6 =	vld.idx.msk [tilespmem:v6+s3+$0x0], $0xffff  }
0xe7: {  	[tilespmem:s19+$0xB720] =	vst v62;
	v4 =	vld.idx.msk [tilespmem:v4+s3+$0x0], $0xffff  }
0xe8: {  	[tilespmem:s19+$0xB730] =	vst v63;
	v5 =	vld.idx.msk [tilespmem:v5+s3+$0x0], $0xffff  }
0xe9: {  	p2 =	por p1, p1;
	v3 =	vld.idx.msk [tilespmem:v3+s3+$0x0], $0xffff  }
.Ltmp0:
0xea: {  	_ = 	snop;
	(pc) =	sbr.rel @p2 .LBB2_3-.Ltmp0, $4  }
0xeb: {  	[tilespmem:s19+$0xB800] =	vst v6  }
0xec: {  	[tilespmem:s19+$0xB810] =	vst v4  }
0xed: {  	[tilespmem:s19+$0xB820] =	vst v5  }
0xee: {  	p1 =	por $0x0, $0x0;
	[tilespmem:s19+$0xB830] =	vst v3;
	s19 =	simm.s32 $0x40  }
0xef: {  	s19 =	sor.u32 $0x1, s18  }
0xf0: {  	p1 =	por $0x1, $0x1;
	v1 =	vmov s19;
	s19 =	simm.s32 $0x0  }
.LBB2_5:
0xf1: {  	v2 =	vmov s19;
	s20 =	sor.u32 $0x10, s19  }
0xf2: {  	s30 =	sor.u32 $0x20, s19;
	v2 =	vmul.u32 $0xC8, v2;
	v3 =	vmov s20  }
0xf3: {  	s31 =	sor.u32 $0x30, s19;
	v4 =	vmov s30;
	v3 =	vmul.u32 $0xC8, v3  }
0xf4: {  	v5 =	vmov s31;
	v4 =	vmul.u32 $0xC8, v4;
	v2 =	vadd.s32 v1, v2  }
0xf5: {  	v5 =	vmul.u32 $0xC8, v5;
	v2 =	vbroadcast v2, $0x0;
	v3 =	vadd.s32 v1, v3  }
0xf6: {  	v4 =	vadd.s32 v1, v4;
	v3 =	vbroadcast v3, $0x0  }
0xf7: {  	v5 =	vadd.s32 v1, v5;
	v4 =	vbroadcast v4, $0x0;
	v2 =	vadd.s32 v0, v2  }
0xf8: {  	v5 =	vbroadcast v5, $0x0;
	v3 =	vadd.s32 v0, v3  }
0xf9: {  	v4 =	vadd.s32 v0, v4  }
0xfa: {  	v5 =	vadd.s32 v0, v5;
	_ =	sdelay $0x1  }
0xfb: {  	v2 =	vld.idx.msk [tilespmem:v2+s9+$0x0], $0xffff  }
0xfc: {  	v3 =	vld.idx.msk [tilespmem:v3+s9+$0x0], $0xffff  }
0xfd: {  	v6 =	vld.idx.msk [tilespmem:v4+s9+$0x0], $0xffff  }
0xfe: {  	v7 =	vld.idx.msk [tilespmem:v5+s9+$0x0], $0xffff;
	_ =	sdelay $0x1  }
0xff: {  	v5 =	vmul.u32 $0x41, v2  }
0x100: {  	v4 =	vmul.u32 $0x41, v3  }
0x101: {  	v3 =	vmul.u32 $0x41, v6  }
0x102: {  	v2 =	vmul.u32 $0x41, v7;
	_ =	sdelay $0x2  }
0x103: {  	v39 =	vld.idx.msk [tilespmem:v5+s3+$0x0], $0xffff  }
0x104: {  	v40 =	vadd.s32 $0x2, v5;
	v8 =	vld.idx.msk [tilespmem:v4+s3+$0x0], $0xffff  }
0x105: {  	v9 =	vadd.s32 $0x2, v4;
	v10 =	vld.idx.msk [tilespmem:v3+s3+$0x0], $0xffff  }
0x106: {  	v11 =	vadd.s32 $0x2, v3;
	v12 =	vld.idx.msk [tilespmem:v2+s3+$0x0], $0xffff  }
0x107: {  	v13 =	vadd.s32 $0x2, v2  }
0x108: {  	[tilespmem:s19+$0xB900] =	vst v39  }
0x109: {  	v6 =	vld.idx.msk [tilespmem:v40+s3+$0x0], $0xffff;
	[tilespmem:s19+$0xB910] =	vst v8  }
0x10a: {  	v41 =	vadd.s32 $0x4, v5;
	[tilespmem:s19+$0xB920] =	vst v10;
	v8 =	vld.idx.msk [tilespmem:v9+s3+$0x0], $0xffff  }
0x10b: {  	v42 =	vadd.s32 $0x4, v4;
	[tilespmem:s19+$0xB930] =	vst v12;
	v10 =	vld.idx.msk [tilespmem:v11+s3+$0x0], $0xffff  }
0x10c: {  	v43 =	vadd.s32 $0x4, v3;
	v12 =	vld.idx.msk [tilespmem:v13+s3+$0x0], $0xffff  }
0x10d: {  	v44 =	vadd.s32 $0x4, v2  }
0x10e: {  	[tilespmem:s19+$0xBA00] =	vst v6  }
0x10f: {  	v6 =	vld.idx.msk [tilespmem:v41+s3+$0x0], $0xffff;
	[tilespmem:s19+$0xBA10] =	vst v8  }
0x110: {  	v45 =	vadd.s32 $0x6, v5;
	[tilespmem:s19+$0xBA20] =	vst v10;
	v8 =	vld.idx.msk [tilespmem:v42+s3+$0x0], $0xffff  }
0x111: {  	v46 =	vadd.s32 $0x6, v4;
	[tilespmem:s19+$0xBA30] =	vst v12;
	v10 =	vld.idx.msk [tilespmem:v43+s3+$0x0], $0xffff  }
0x112: {  	v47 =	vadd.s32 $0x6, v3;
	v12 =	vld.idx.msk [tilespmem:v44+s3+$0x0], $0xffff  }
0x113: {  	v48 =	vadd.s32 $0x6, v2  }
0x114: {  	[tilespmem:s19+$0xBB00] =	vst v6  }
0x115: {  	v6 =	vld.idx.msk [tilespmem:v45+s3+$0x0], $0xffff;
	[tilespmem:s19+$0xBB10] =	vst v8  }
0x116: {  	v49 =	vadd.s32 $0x8, v5;
	[tilespmem:s19+$0xBB20] =	vst v10;
	v8 =	vld.idx.msk [tilespmem:v46+s3+$0x0], $0xffff  }
0x117: {  	v50 =	vadd.s32 $0x8, v4;
	[tilespmem:s19+$0xBB30] =	vst v12;
	v10 =	vld.idx.msk [tilespmem:v47+s3+$0x0], $0xffff  }
0x118: {  	v51 =	vadd.s32 $0x8, v3;
	v12 =	vld.idx.msk [tilespmem:v48+s3+$0x0], $0xffff  }
0x119: {  	v52 =	vadd.s32 $0x8, v2  }
0x11a: {  	[tilespmem:s19+$0xBC00] =	vst v6  }
0x11b: {  	v6 =	vld.idx.msk [tilespmem:v49+s3+$0x0], $0xffff;
	[tilespmem:s19+$0xBC10] =	vst v8  }
0x11c: {  	v53 =	vadd.s32 $0xA, v5;
	[tilespmem:s19+$0xBC20] =	vst v10;
	v8 =	vld.idx.msk [tilespmem:v50+s3+$0x0], $0xffff  }
0x11d: {  	v54 =	vadd.s32 $0xA, v4;
	[tilespmem:s19+$0xBC30] =	vst v12;
	v10 =	vld.idx.msk [tilespmem:v51+s3+$0x0], $0xffff  }
0x11e: {  	v55 =	vadd.s32 $0xA, v3;
	v12 =	vld.idx.msk [tilespmem:v52+s3+$0x0], $0xffff  }
0x11f: {  	v56 =	vadd.s32 $0xA, v2  }
0x120: {  	[tilespmem:s19+$0xBD00] =	vst v6  }
0x121: {  	v6 =	vld.idx.msk [tilespmem:v53+s3+$0x0], $0xffff;
	[tilespmem:s19+$0xBD10] =	vst v8  }
0x122: {  	v57 =	vadd.s32 $0xC, v5;
	[tilespmem:s19+$0xBD20] =	vst v10;
	v8 =	vld.idx.msk [tilespmem:v54+s3+$0x0], $0xffff  }
0x123: {  	v58 =	vadd.s32 $0xC, v4;
	[tilespmem:s19+$0xBD30] =	vst v12;
	v10 =	vld.idx.msk [tilespmem:v55+s3+$0x0], $0xffff  }
0x124: {  	v59 =	vadd.s32 $0xC, v3;
	v12 =	vld.idx.msk [tilespmem:v56+s3+$0x0], $0xffff  }
0x125: {  	v60 =	vadd.s32 $0xC, v2  }
0x126: {  	[tilespmem:s19+$0xBE00] =	vst v6  }
0x127: {  	v6 =	vld.idx.msk [tilespmem:v57+s3+$0x0], $0xffff;
	[tilespmem:s19+$0xBE10] =	vst v8  }
0x128: {  	v61 =	vadd.s32 $0xE, v5;
	[tilespmem:s19+$0xBE20] =	vst v10;
	v8 =	vld.idx.msk [tilespmem:v58+s3+$0x0], $0xffff  }
0x129: {  	v62 =	vadd.s32 $0xE, v4;
	[tilespmem:s19+$0xBE30] =	vst v12;
	v10 =	vld.idx.msk [tilespmem:v59+s3+$0x0], $0xffff  }
0x12a: {  	v63 =	vadd.s32 $0xE, v3;
	v12 =	vld.idx.msk [tilespmem:v60+s3+$0x0], $0xffff  }
0x12b: {  	v16 =	vadd.s32 $0xE, v2  }
0x12c: {  	[tilespmem:s19+$0xBF00] =	vst v6  }
0x12d: {  	v6 =	vld.idx.msk [tilespmem:v61+s3+$0x0], $0xffff;
	[tilespmem:s19+$0xBF10] =	vst v8  }
0x12e: {  	v17 =	vadd.s32 $0x10, v5;
	[tilespmem:s19+$0xBF20] =	vst v10;
	v8 =	vld.idx.msk [tilespmem:v62+s3+$0x0], $0xffff  }
0x12f: {  	v18 =	vadd.s32 $0x10, v4;
	[tilespmem:s19+$0xBF30] =	vst v12;
	v10 =	vld.idx.msk [tilespmem:v63+s3+$0x0], $0xffff  }
0x130: {  	v19 =	vadd.s32 $0x10, v3;
	v12 =	vld.idx.msk [tilespmem:v16+s3+$0x0], $0xffff  }
0x131: {  	v20 =	vadd.s32 $0x10, v2  }
0x132: {  	[tilespmem:s19+$0xC000] =	vst v6  }
0x133: {  	v6 =	vld.idx.msk [tilespmem:v17+s3+$0x0], $0xffff;
	[tilespmem:s19+$0xC010] =	vst v8  }
0x134: {  	v21 =	vadd.s32 $0x12, v5;
	[tilespmem:s19+$0xC020] =	vst v10;
	v8 =	vld.idx.msk [tilespmem:v18+s3+$0x0], $0xffff  }
0x135: {  	v22 =	vadd.s32 $0x12, v4;
	[tilespmem:s19+$0xC030] =	vst v12;
	v10 =	vld.idx.msk [tilespmem:v19+s3+$0x0], $0xffff  }
0x136: {  	v23 =	vadd.s32 $0x12, v3;
	v12 =	vld.idx.msk [tilespmem:v20+s3+$0x0], $0xffff  }
0x137: {  	v24 =	vadd.s32 $0x12, v2  }
0x138: {  	[tilespmem:s19+$0xC100] =	vst v6  }
0x139: {  	v6 =	vld.idx.msk [tilespmem:v21+s3+$0x0], $0xffff;
	[tilespmem:s19+$0xC110] =	vst v8  }
0x13a: {  	v25 =	vadd.s32 $0x14, v5;
	[tilespmem:s19+$0xC120] =	vst v10;
	v8 =	vld.idx.msk [tilespmem:v22+s3+$0x0], $0xffff  }
0x13b: {  	v26 =	vadd.s32 $0x14, v4;
	[tilespmem:s19+$0xC130] =	vst v12;
	v10 =	vld.idx.msk [tilespmem:v23+s3+$0x0], $0xffff  }
0x13c: {  	v27 =	vadd.s32 $0x14, v3;
	v12 =	vld.idx.msk [tilespmem:v24+s3+$0x0], $0xffff  }
0x13d: {  	v28 =	vadd.s32 $0x14, v2  }
0x13e: {  	[tilespmem:s19+$0xC200] =	vst v6  }
0x13f: {  	v6 =	vld.idx.msk [tilespmem:v25+s3+$0x0], $0xffff;
	[tilespmem:s19+$0xC210] =	vst v8  }
0x140: {  	v29 =	vadd.s32 $0x16, v5;
	[tilespmem:s19+$0xC220] =	vst v10;
	v8 =	vld.idx.msk [tilespmem:v26+s3+$0x0], $0xffff  }
0x141: {  	v30 =	vadd.s32 $0x16, v4;
	[tilespmem:s19+$0xC230] =	vst v12;
	v10 =	vld.idx.msk [tilespmem:v27+s3+$0x0], $0xffff  }
0x142: {  	v31 =	vadd.s32 $0x16, v3;
	v12 =	vld.idx.msk [tilespmem:v28+s3+$0x0], $0xffff  }
0x143: {  	v32 =	vadd.s32 $0x16, v2  }
0x144: {  	[tilespmem:s19+$0xC300] =	vst v6  }
0x145: {  	v6 =	vld.idx.msk [tilespmem:v29+s3+$0x0], $0xffff;
	[tilespmem:s19+$0xC310] =	vst v8  }
0x146: {  	v33 =	vadd.s32 $0x18, v5;
	[tilespmem:s19+$0xC320] =	vst v10;
	v8 =	vld.idx.msk [tilespmem:v30+s3+$0x0], $0xffff  }
0x147: {  	v34 =	vadd.s32 $0x18, v4;
	[tilespmem:s19+$0xC330] =	vst v12;
	v10 =	vld.idx.msk [tilespmem:v31+s3+$0x0], $0xffff  }
0x148: {  	v35 =	vadd.s32 $0x18, v3;
	v12 =	vld.idx.msk [tilespmem:v32+s3+$0x0], $0xffff  }
0x149: {  	v36 =	vadd.s32 $0x18, v2  }
0x14a: {  	[tilespmem:s19+$0xC400] =	vst v6  }
0x14b: {  	v6 =	vld.idx.msk [tilespmem:v33+s3+$0x0], $0xffff;
	[tilespmem:s19+$0xC410] =	vst v8  }
0x14c: {  	v37 =	vadd.s32 $0x1A, v5;
	[tilespmem:s19+$0xC420] =	vst v10;
	v8 =	vld.idx.msk [tilespmem:v34+s3+$0x0], $0xffff  }
0x14d: {  	v38 =	vadd.s32 $0x1A, v4;
	[tilespmem:s19+$0xC430] =	vst v12;
	v10 =	vld.idx.msk [tilespmem:v35+s3+$0x0], $0xffff  }
0x14e: {  	v39 =	vadd.s32 $0x1A, v3;
	v12 =	vld.idx.msk [tilespmem:v36+s3+$0x0], $0xffff  }
0x14f: {  	v40 =	vadd.s32 $0x1A, v2  }
0x150: {  	[tilespmem:s19+$0xC500] =	vst v6  }
0x151: {  	v6 =	vld.idx.msk [tilespmem:v37+s3+$0x0], $0xffff;
	[tilespmem:s19+$0xC510] =	vst v8  }
0x152: {  	v41 =	vadd.s32 $0x1C, v5;
	[tilespmem:s19+$0xC520] =	vst v10;
	v8 =	vld.idx.msk [tilespmem:v38+s3+$0x0], $0xffff  }
0x153: {  	v42 =	vadd.s32 $0x1C, v4;
	[tilespmem:s19+$0xC530] =	vst v12;
	v10 =	vld.idx.msk [tilespmem:v39+s3+$0x0], $0xffff  }
0x154: {  	v43 =	vadd.s32 $0x1C, v3;
	v12 =	vld.idx.msk [tilespmem:v40+s3+$0x0], $0xffff  }
0x155: {  	v44 =	vadd.s32 $0x1C, v2  }
0x156: {  	[tilespmem:s19+$0xC600] =	vst v6  }
0x157: {  	v6 =	vld.idx.msk [tilespmem:v41+s3+$0x0], $0xffff;
	[tilespmem:s19+$0xC610] =	vst v8  }
0x158: {  	v45 =	vadd.s32 $0x1E, v5;
	[tilespmem:s19+$0xC620] =	vst v10;
	v8 =	vld.idx.msk [tilespmem:v42+s3+$0x0], $0xffff  }
0x159: {  	v46 =	vadd.s32 $0x1E, v4;
	[tilespmem:s19+$0xC630] =	vst v12;
	v10 =	vld.idx.msk [tilespmem:v43+s3+$0x0], $0xffff  }
0x15a: {  	v47 =	vadd.s32 $0x1E, v3;
	v12 =	vld.idx.msk [tilespmem:v44+s3+$0x0], $0xffff  }
0x15b: {  	v48 =	vadd.s32 $0x1E, v2  }
0x15c: {  	[tilespmem:s19+$0xC700] =	vst v6  }
0x15d: {  	v6 =	vld.idx.msk [tilespmem:v45+s3+$0x0], $0xffff;
	[tilespmem:s19+$0xC710] =	vst v8  }
0x15e: {  	v49 =	vadd.s32 $0x20, v5;
	[tilespmem:s19+$0xC720] =	vst v10;
	v8 =	vld.idx.msk [tilespmem:v46+s3+$0x0], $0xffff  }
0x15f: {  	v50 =	vadd.s32 $0x20, v4;
	[tilespmem:s19+$0xC730] =	vst v12;
	v10 =	vld.idx.msk [tilespmem:v47+s3+$0x0], $0xffff  }
0x160: {  	v51 =	vadd.s32 $0x20, v3;
	v12 =	vld.idx.msk [tilespmem:v48+s3+$0x0], $0xffff  }
0x161: {  	v52 =	vadd.s32 $0x20, v2  }
0x162: {  	[tilespmem:s19+$0xC800] =	vst v6  }
0x163: {  	v6 =	vld.idx.msk [tilespmem:v49+s3+$0x0], $0xffff;
	[tilespmem:s19+$0xC810] =	vst v8  }
0x164: {  	v53 =	vadd.s32 $0x22, v5;
	[tilespmem:s19+$0xC820] =	vst v10;
	v8 =	vld.idx.msk [tilespmem:v50+s3+$0x0], $0xffff  }
0x165: {  	v54 =	vadd.s32 $0x22, v4;
	[tilespmem:s19+$0xC830] =	vst v12;
	v10 =	vld.idx.msk [tilespmem:v51+s3+$0x0], $0xffff  }
0x166: {  	v55 =	vadd.s32 $0x22, v3;
	v12 =	vld.idx.msk [tilespmem:v52+s3+$0x0], $0xffff  }
0x167: {  	v56 =	vadd.s32 $0x22, v2  }
0x168: {  	[tilespmem:s19+$0xC900] =	vst v6  }
0x169: {  	v6 =	vld.idx.msk [tilespmem:v53+s3+$0x0], $0xffff;
	[tilespmem:s19+$0xC910] =	vst v8  }
0x16a: {  	v57 =	vadd.s32 $0x24, v5;
	[tilespmem:s19+$0xC920] =	vst v10;
	v8 =	vld.idx.msk [tilespmem:v54+s3+$0x0], $0xffff  }
0x16b: {  	v58 =	vadd.s32 $0x24, v4;
	[tilespmem:s19+$0xC930] =	vst v12;
	v10 =	vld.idx.msk [tilespmem:v55+s3+$0x0], $0xffff  }
0x16c: {  	v59 =	vadd.s32 $0x24, v3;
	v12 =	vld.idx.msk [tilespmem:v56+s3+$0x0], $0xffff  }
0x16d: {  	v60 =	vadd.s32 $0x24, v2  }
0x16e: {  	[tilespmem:s19+$0xCA00] =	vst v6  }
0x16f: {  	v6 =	vld.idx.msk [tilespmem:v57+s3+$0x0], $0xffff;
	[tilespmem:s19+$0xCA10] =	vst v8  }
0x170: {  	v61 =	vadd.s32 $0x26, v5;
	[tilespmem:s19+$0xCA20] =	vst v10;
	v8 =	vld.idx.msk [tilespmem:v58+s3+$0x0], $0xffff  }
0x171: {  	v62 =	vadd.s32 $0x26, v4;
	[tilespmem:s19+$0xCA30] =	vst v12;
	v10 =	vld.idx.msk [tilespmem:v59+s3+$0x0], $0xffff  }
0x172: {  	v63 =	vadd.s32 $0x26, v3;
	v12 =	vld.idx.msk [tilespmem:v60+s3+$0x0], $0xffff  }
0x173: {  	v16 =	vadd.s32 $0x26, v2  }
0x174: {  	[tilespmem:s19+$0xCB00] =	vst v6  }
0x175: {  	v6 =	vld.idx.msk [tilespmem:v61+s3+$0x0], $0xffff;
	[tilespmem:s19+$0xCB10] =	vst v8  }
0x176: {  	v17 =	vadd.s32 $0x28, v5;
	[tilespmem:s19+$0xCB20] =	vst v10;
	v8 =	vld.idx.msk [tilespmem:v62+s3+$0x0], $0xffff  }
0x177: {  	v18 =	vadd.s32 $0x28, v4;
	[tilespmem:s19+$0xCB30] =	vst v12;
	v10 =	vld.idx.msk [tilespmem:v63+s3+$0x0], $0xffff  }
0x178: {  	v19 =	vadd.s32 $0x28, v3;
	v12 =	vld.idx.msk [tilespmem:v16+s3+$0x0], $0xffff  }
0x179: {  	v20 =	vadd.s32 $0x28, v2  }
0x17a: {  	[tilespmem:s19+$0xCC00] =	vst v6  }
0x17b: {  	v6 =	vld.idx.msk [tilespmem:v17+s3+$0x0], $0xffff;
	[tilespmem:s19+$0xCC10] =	vst v8  }
0x17c: {  	v21 =	vadd.s32 $0x2A, v5;
	[tilespmem:s19+$0xCC20] =	vst v10;
	v8 =	vld.idx.msk [tilespmem:v18+s3+$0x0], $0xffff  }
0x17d: {  	v22 =	vadd.s32 $0x2A, v4;
	[tilespmem:s19+$0xCC30] =	vst v12;
	v10 =	vld.idx.msk [tilespmem:v19+s3+$0x0], $0xffff  }
0x17e: {  	v23 =	vadd.s32 $0x2A, v3;
	v12 =	vld.idx.msk [tilespmem:v20+s3+$0x0], $0xffff  }
0x17f: {  	v24 =	vadd.s32 $0x2A, v2  }
0x180: {  	[tilespmem:s19+$0xCD00] =	vst v6  }
0x181: {  	v6 =	vld.idx.msk [tilespmem:v21+s3+$0x0], $0xffff;
	[tilespmem:s19+$0xCD10] =	vst v8  }
0x182: {  	v25 =	vadd.s32 $0x2C, v5;
	[tilespmem:s19+$0xCD20] =	vst v10;
	v8 =	vld.idx.msk [tilespmem:v22+s3+$0x0], $0xffff  }
0x183: {  	v26 =	vadd.s32 $0x2C, v4;
	[tilespmem:s19+$0xCD30] =	vst v12;
	v10 =	vld.idx.msk [tilespmem:v23+s3+$0x0], $0xffff  }
0x184: {  	v27 =	vadd.s32 $0x2C, v3;
	v12 =	vld.idx.msk [tilespmem:v24+s3+$0x0], $0xffff  }
0x185: {  	v28 =	vadd.s32 $0x2C, v2  }
0x186: {  	[tilespmem:s19+$0xCE00] =	vst v6  }
0x187: {  	v6 =	vld.idx.msk [tilespmem:v25+s3+$0x0], $0xffff;
	[tilespmem:s19+$0xCE10] =	vst v8  }
0x188: {  	v29 =	vadd.s32 $0x2E, v5;
	[tilespmem:s19+$0xCE20] =	vst v10;
	v8 =	vld.idx.msk [tilespmem:v26+s3+$0x0], $0xffff  }
0x189: {  	v30 =	vadd.s32 $0x2E, v4;
	[tilespmem:s19+$0xCE30] =	vst v12;
	v10 =	vld.idx.msk [tilespmem:v27+s3+$0x0], $0xffff  }
0x18a: {  	v31 =	vadd.s32 $0x2E, v3;
	v12 =	vld.idx.msk [tilespmem:v28+s3+$0x0], $0xffff  }
0x18b: {  	v32 =	vadd.s32 $0x2E, v2  }
0x18c: {  	[tilespmem:s19+$0xCF00] =	vst v6  }
0x18d: {  	v6 =	vld.idx.msk [tilespmem:v29+s3+$0x0], $0xffff;
	[tilespmem:s19+$0xCF10] =	vst v8  }
0x18e: {  	v33 =	vadd.s32 $0x30, v5;
	[tilespmem:s19+$0xCF20] =	vst v10;
	v8 =	vld.idx.msk [tilespmem:v30+s3+$0x0], $0xffff  }
0x18f: {  	v34 =	vadd.s32 $0x30, v4;
	[tilespmem:s19+$0xCF30] =	vst v12;
	v10 =	vld.idx.msk [tilespmem:v31+s3+$0x0], $0xffff  }
0x190: {  	v35 =	vadd.s32 $0x30, v3;
	v12 =	vld.idx.msk [tilespmem:v32+s3+$0x0], $0xffff  }
0x191: {  	v36 =	vadd.s32 $0x30, v2  }
0x192: {  	[tilespmem:s19+$0xD000] =	vst v6  }
0x193: {  	v6 =	vld.idx.msk [tilespmem:v33+s3+$0x0], $0xffff;
	[tilespmem:s19+$0xD010] =	vst v8  }
0x194: {  	v37 =	vadd.s32 $0x32, v5;
	[tilespmem:s19+$0xD020] =	vst v10;
	v8 =	vld.idx.msk [tilespmem:v34+s3+$0x0], $0xffff  }
0x195: {  	v38 =	vadd.s32 $0x32, v4;
	[tilespmem:s19+$0xD030] =	vst v12;
	v10 =	vld.idx.msk [tilespmem:v35+s3+$0x0], $0xffff  }
0x196: {  	v39 =	vadd.s32 $0x32, v3;
	v12 =	vld.idx.msk [tilespmem:v36+s3+$0x0], $0xffff  }
0x197: {  	v40 =	vadd.s32 $0x32, v2  }
0x198: {  	[tilespmem:s19+$0xD100] =	vst v6  }
0x199: {  	v6 =	vld.idx.msk [tilespmem:v37+s3+$0x0], $0xffff;
	[tilespmem:s19+$0xD110] =	vst v8  }
0x19a: {  	v41 =	vadd.s32 $0x34, v5;
	[tilespmem:s19+$0xD120] =	vst v10;
	v8 =	vld.idx.msk [tilespmem:v38+s3+$0x0], $0xffff  }
0x19b: {  	v42 =	vadd.s32 $0x34, v4;
	[tilespmem:s19+$0xD130] =	vst v12;
	v10 =	vld.idx.msk [tilespmem:v39+s3+$0x0], $0xffff  }
0x19c: {  	v43 =	vadd.s32 $0x34, v3;
	v12 =	vld.idx.msk [tilespmem:v40+s3+$0x0], $0xffff  }
0x19d: {  	v44 =	vadd.s32 $0x34, v2  }
0x19e: {  	[tilespmem:s19+$0xD200] =	vst v6  }
0x19f: {  	v6 =	vld.idx.msk [tilespmem:v41+s3+$0x0], $0xffff;
	[tilespmem:s19+$0xD210] =	vst v8  }
0x1a0: {  	v45 =	vadd.s32 $0x36, v5;
	[tilespmem:s19+$0xD220] =	vst v10;
	v8 =	vld.idx.msk [tilespmem:v42+s3+$0x0], $0xffff  }
0x1a1: {  	v46 =	vadd.s32 $0x36, v4;
	[tilespmem:s19+$0xD230] =	vst v12;
	v10 =	vld.idx.msk [tilespmem:v43+s3+$0x0], $0xffff  }
0x1a2: {  	v47 =	vadd.s32 $0x36, v3;
	v12 =	vld.idx.msk [tilespmem:v44+s3+$0x0], $0xffff  }
0x1a3: {  	v48 =	vadd.s32 $0x36, v2  }
0x1a4: {  	[tilespmem:s19+$0xD300] =	vst v6  }
0x1a5: {  	v6 =	vld.idx.msk [tilespmem:v45+s3+$0x0], $0xffff;
	[tilespmem:s19+$0xD310] =	vst v8  }
0x1a6: {  	v49 =	vadd.s32 $0x38, v5;
	[tilespmem:s19+$0xD320] =	vst v10;
	v8 =	vld.idx.msk [tilespmem:v46+s3+$0x0], $0xffff  }
0x1a7: {  	v50 =	vadd.s32 $0x38, v4;
	[tilespmem:s19+$0xD330] =	vst v12;
	v10 =	vld.idx.msk [tilespmem:v47+s3+$0x0], $0xffff  }
0x1a8: {  	v51 =	vadd.s32 $0x38, v3;
	v12 =	vld.idx.msk [tilespmem:v48+s3+$0x0], $0xffff  }
0x1a9: {  	v52 =	vadd.s32 $0x38, v2  }
0x1aa: {  	[tilespmem:s19+$0xD400] =	vst v6  }
0x1ab: {  	v6 =	vld.idx.msk [tilespmem:v49+s3+$0x0], $0xffff;
	[tilespmem:s19+$0xD410] =	vst v8  }
0x1ac: {  	v53 =	vadd.s32 $0x3A, v5;
	[tilespmem:s19+$0xD420] =	vst v10;
	v8 =	vld.idx.msk [tilespmem:v50+s3+$0x0], $0xffff  }
0x1ad: {  	v54 =	vadd.s32 $0x3A, v4;
	[tilespmem:s19+$0xD430] =	vst v12;
	v10 =	vld.idx.msk [tilespmem:v51+s3+$0x0], $0xffff  }
0x1ae: {  	v55 =	vadd.s32 $0x3A, v3;
	v12 =	vld.idx.msk [tilespmem:v52+s3+$0x0], $0xffff  }
0x1af: {  	v56 =	vadd.s32 $0x3A, v2  }
0x1b0: {  	[tilespmem:s19+$0xD500] =	vst v6  }
0x1b1: {  	v6 =	vld.idx.msk [tilespmem:v53+s3+$0x0], $0xffff;
	[tilespmem:s19+$0xD510] =	vst v8  }
0x1b2: {  	v57 =	vadd.s32 $0x3C, v5;
	[tilespmem:s19+$0xD520] =	vst v10;
	v8 =	vld.idx.msk [tilespmem:v54+s3+$0x0], $0xffff  }
0x1b3: {  	v58 =	vadd.s32 $0x3C, v4;
	[tilespmem:s19+$0xD530] =	vst v12;
	v10 =	vld.idx.msk [tilespmem:v55+s3+$0x0], $0xffff  }
0x1b4: {  	v59 =	vadd.s32 $0x3C, v3;
	v12 =	vld.idx.msk [tilespmem:v56+s3+$0x0], $0xffff  }
0x1b5: {  	v60 =	vadd.s32 $0x3C, v2  }
0x1b6: {  	[tilespmem:s19+$0xD600] =	vst v6  }
0x1b7: {  	[tilespmem:s19+$0xD610] =	vst v8;
	v6 =	vld.idx.msk [tilespmem:v57+s3+$0x0], $0xffff  }
0x1b8: {  	v5 =	vadd.s32 $0x3E, v5;
	[tilespmem:s19+$0xD620] =	vst v10;
	v61 =	vld.idx.msk [tilespmem:v58+s3+$0x0], $0xffff  }
0x1b9: {  	v4 =	vadd.s32 $0x3E, v4;
	[tilespmem:s19+$0xD630] =	vst v12;
	v62 =	vld.idx.msk [tilespmem:v59+s3+$0x0], $0xffff  }
0x1ba: {  	v3 =	vadd.s32 $0x3E, v3;
	v63 =	vld.idx.msk [tilespmem:v60+s3+$0x0], $0xffff  }
0x1bb: {  	v2 =	vadd.s32 $0x3E, v2  }
0x1bc: {  	[tilespmem:s19+$0xD700] =	vst v6  }
0x1bd: {  	[tilespmem:s19+$0xD710] =	vst v61;
	v5 =	vld.idx.msk [tilespmem:v5+s3+$0x0], $0xffff  }
0x1be: {  	[tilespmem:s19+$0xD720] =	vst v62;
	v4 =	vld.idx.msk [tilespmem:v4+s3+$0x0], $0xffff  }
0x1bf: {  	[tilespmem:s19+$0xD730] =	vst v63;
	v3 =	vld.idx.msk [tilespmem:v3+s3+$0x0], $0xffff  }
0x1c0: {  	p2 =	por p1, p1;
	v2 =	vld.idx.msk [tilespmem:v2+s3+$0x0], $0xffff  }
.Ltmp1:
0x1c1: {  	_ = 	snop;
	(pc) =	sbr.rel @p2 .LBB2_5-.Ltmp1, $4  }
0x1c2: {  	[tilespmem:s19+$0xD800] =	vst v5  }
0x1c3: {  	[tilespmem:s19+$0xD810] =	vst v4  }
0x1c4: {  	[tilespmem:s19+$0xD820] =	vst v3  }
0x1c5: {  	p1 =	por $0x0, $0x0;
	[tilespmem:s19+$0xD830] =	vst v2;
	s19 =	simm.s32 $0x40  }
0x1c6: {  	s19 =	sor.u32 $0x2, s18  }
0x1c7: {  	p1 =	por $0x1, $0x1;
	v1 =	vmov s19;
	s19 =	simm.s32 $0x0  }
.LBB2_7:
0x1c8: {  	v2 =	vmov s19;
	s20 =	sor.u32 $0x10, s19  }
0x1c9: {  	s30 =	sor.u32 $0x20, s19;
	v2 =	vmul.u32 $0xC8, v2;
	v3 =	vmov s20  }
0x1ca: {  	s31 =	sor.u32 $0x30, s19;
	v4 =	vmov s30;
	v3 =	vmul.u32 $0xC8, v3  }
0x1cb: {  	v5 =	vmov s31;
	v4 =	vmul.u32 $0xC8, v4;
	v2 =	vadd.s32 v1, v2  }
0x1cc: {  	v5 =	vmul.u32 $0xC8, v5;
	v2 =	vbroadcast v2, $0x0;
	v3 =	vadd.s32 v1, v3  }
0x1cd: {  	v4 =	vadd.s32 v1, v4;
	v3 =	vbroadcast v3, $0x0  }
0x1ce: {  	v5 =	vadd.s32 v1, v5;
	v4 =	vbroadcast v4, $0x0;
	v2 =	vadd.s32 v0, v2  }
0x1cf: {  	v5 =	vbroadcast v5, $0x0;
	v3 =	vadd.s32 v0, v3  }
0x1d0: {  	v4 =	vadd.s32 v0, v4  }
0x1d1: {  	v5 =	vadd.s32 v0, v5;
	_ =	sdelay $0x1  }
0x1d2: {  	v2 =	vld.idx.msk [tilespmem:v2+s9+$0x0], $0xffff  }
0x1d3: {  	v3 =	vld.idx.msk [tilespmem:v3+s9+$0x0], $0xffff  }
0x1d4: {  	v6 =	vld.idx.msk [tilespmem:v4+s9+$0x0], $0xffff  }
0x1d5: {  	v7 =	vld.idx.msk [tilespmem:v5+s9+$0x0], $0xffff;
	_ =	sdelay $0x1  }
0x1d6: {  	v5 =	vmul.u32 $0x41, v2  }
0x1d7: {  	v4 =	vmul.u32 $0x41, v3  }
0x1d8: {  	v3 =	vmul.u32 $0x41, v6  }
0x1d9: {  	v2 =	vmul.u32 $0x41, v7;
	_ =	sdelay $0x2  }
0x1da: {  	v39 =	vld.idx.msk [tilespmem:v5+s3+$0x0], $0xffff  }
0x1db: {  	v40 =	vadd.s32 $0x2, v5;
	v8 =	vld.idx.msk [tilespmem:v4+s3+$0x0], $0xffff  }
0x1dc: {  	v9 =	vadd.s32 $0x2, v4;
	v10 =	vld.idx.msk [tilespmem:v3+s3+$0x0], $0xffff  }
0x1dd: {  	v11 =	vadd.s32 $0x2, v3;
	v12 =	vld.idx.msk [tilespmem:v2+s3+$0x0], $0xffff  }
0x1de: {  	v13 =	vadd.s32 $0x2, v2  }
0x1df: {  	[tilespmem:s19+$0xD900] =	vst v39  }
0x1e0: {  	v6 =	vld.idx.msk [tilespmem:v40+s3+$0x0], $0xffff;
	[tilespmem:s19+$0xD910] =	vst v8  }
0x1e1: {  	v41 =	vadd.s32 $0x4, v5;
	[tilespmem:s19+$0xD920] =	vst v10;
	v8 =	vld.idx.msk [tilespmem:v9+s3+$0x0], $0xffff  }
0x1e2: {  	v42 =	vadd.s32 $0x4, v4;
	[tilespmem:s19+$0xD930] =	vst v12;
	v10 =	vld.idx.msk [tilespmem:v11+s3+$0x0], $0xffff  }
0x1e3: {  	v43 =	vadd.s32 $0x4, v3;
	v12 =	vld.idx.msk [tilespmem:v13+s3+$0x0], $0xffff  }
0x1e4: {  	v44 =	vadd.s32 $0x4, v2  }
0x1e5: {  	[tilespmem:s19+$0xDA00] =	vst v6  }
0x1e6: {  	v6 =	vld.idx.msk [tilespmem:v41+s3+$0x0], $0xffff;
	[tilespmem:s19+$0xDA10] =	vst v8  }
0x1e7: {  	v45 =	vadd.s32 $0x6, v5;
	[tilespmem:s19+$0xDA20] =	vst v10;
	v8 =	vld.idx.msk [tilespmem:v42+s3+$0x0], $0xffff  }
0x1e8: {  	v46 =	vadd.s32 $0x6, v4;
	[tilespmem:s19+$0xDA30] =	vst v12;
	v10 =	vld.idx.msk [tilespmem:v43+s3+$0x0], $0xffff  }
0x1e9: {  	v47 =	vadd.s32 $0x6, v3;
	v12 =	vld.idx.msk [tilespmem:v44+s3+$0x0], $0xffff  }
0x1ea: {  	v48 =	vadd.s32 $0x6, v2  }
0x1eb: {  	[tilespmem:s19+$0xDB00] =	vst v6  }
0x1ec: {  	v6 =	vld.idx.msk [tilespmem:v45+s3+$0x0], $0xffff;
	[tilespmem:s19+$0xDB10] =	vst v8  }
0x1ed: {  	v49 =	vadd.s32 $0x8, v5;
	[tilespmem:s19+$0xDB20] =	vst v10;
	v8 =	vld.idx.msk [tilespmem:v46+s3+$0x0], $0xffff  }
0x1ee: {  	v50 =	vadd.s32 $0x8, v4;
	[tilespmem:s19+$0xDB30] =	vst v12;
	v10 =	vld.idx.msk [tilespmem:v47+s3+$0x0], $0xffff  }
0x1ef: {  	v51 =	vadd.s32 $0x8, v3;
	v12 =	vld.idx.msk [tilespmem:v48+s3+$0x0], $0xffff  }
0x1f0: {  	v52 =	vadd.s32 $0x8, v2  }
0x1f1: {  	[tilespmem:s19+$0xDC00] =	vst v6  }
0x1f2: {  	v6 =	vld.idx.msk [tilespmem:v49+s3+$0x0], $0xffff;
	[tilespmem:s19+$0xDC10] =	vst v8  }
0x1f3: {  	v53 =	vadd.s32 $0xA, v5;
	[tilespmem:s19+$0xDC20] =	vst v10;
	v8 =	vld.idx.msk [tilespmem:v50+s3+$0x0], $0xffff  }
0x1f4: {  	v54 =	vadd.s32 $0xA, v4;
	[tilespmem:s19+$0xDC30] =	vst v12;
	v10 =	vld.idx.msk [tilespmem:v51+s3+$0x0], $0xffff  }
0x1f5: {  	v55 =	vadd.s32 $0xA, v3;
	v12 =	vld.idx.msk [tilespmem:v52+s3+$0x0], $0xffff  }
0x1f6: {  	v56 =	vadd.s32 $0xA, v2  }
0x1f7: {  	[tilespmem:s19+$0xDD00] =	vst v6  }
0x1f8: {  	v6 =	vld.idx.msk [tilespmem:v53+s3+$0x0], $0xffff;
	[tilespmem:s19+$0xDD10] =	vst v8  }
0x1f9: {  	v57 =	vadd.s32 $0xC, v5;
	[tilespmem:s19+$0xDD20] =	vst v10;
	v8 =	vld.idx.msk [tilespmem:v54+s3+$0x0], $0xffff  }
0x1fa: {  	v58 =	vadd.s32 $0xC, v4;
	[tilespmem:s19+$0xDD30] =	vst v12;
	v10 =	vld.idx.msk [tilespmem:v55+s3+$0x0], $0xffff  }
0x1fb: {  	v59 =	vadd.s32 $0xC, v3;
	v12 =	vld.idx.msk [tilespmem:v56+s3+$0x0], $0xffff  }
0x1fc: {  	v60 =	vadd.s32 $0xC, v2  }
0x1fd: {  	[tilespmem:s19+$0xDE00] =	vst v6  }
0x1fe: {  	v6 =	vld.idx.msk [tilespmem:v57+s3+$0x0], $0xffff;
	[tilespmem:s19+$0xDE10] =	vst v8  }
0x1ff: {  	v61 =	vadd.s32 $0xE, v5;
	[tilespmem:s19+$0xDE20] =	vst v10;
	v8 =	vld.idx.msk [tilespmem:v58+s3+$0x0], $0xffff  }
0x200: {  	v62 =	vadd.s32 $0xE, v4;
	[tilespmem:s19+$0xDE30] =	vst v12;
	v10 =	vld.idx.msk [tilespmem:v59+s3+$0x0], $0xffff  }
0x201: {  	v63 =	vadd.s32 $0xE, v3;
	v12 =	vld.idx.msk [tilespmem:v60+s3+$0x0], $0xffff  }
0x202: {  	v16 =	vadd.s32 $0xE, v2  }
0x203: {  	[tilespmem:s19+$0xDF00] =	vst v6  }
0x204: {  	v6 =	vld.idx.msk [tilespmem:v61+s3+$0x0], $0xffff;
	[tilespmem:s19+$0xDF10] =	vst v8  }
0x205: {  	v17 =	vadd.s32 $0x10, v5;
	[tilespmem:s19+$0xDF20] =	vst v10;
	v8 =	vld.idx.msk [tilespmem:v62+s3+$0x0], $0xffff  }
0x206: {  	v18 =	vadd.s32 $0x10, v4;
	[tilespmem:s19+$0xDF30] =	vst v12;
	v10 =	vld.idx.msk [tilespmem:v63+s3+$0x0], $0xffff  }
0x207: {  	v19 =	vadd.s32 $0x10, v3;
	v12 =	vld.idx.msk [tilespmem:v16+s3+$0x0], $0xffff  }
0x208: {  	v20 =	vadd.s32 $0x10, v2  }
0x209: {  	[tilespmem:s19+$0xE000] =	vst v6  }
0x20a: {  	v6 =	vld.idx.msk [tilespmem:v17+s3+$0x0], $0xffff;
	[tilespmem:s19+$0xE010] =	vst v8  }
0x20b: {  	v21 =	vadd.s32 $0x12, v5;
	[tilespmem:s19+$0xE020] =	vst v10;
	v8 =	vld.idx.msk [tilespmem:v18+s3+$0x0], $0xffff  }
0x20c: {  	v22 =	vadd.s32 $0x12, v4;
	[tilespmem:s19+$0xE030] =	vst v12;
	v10 =	vld.idx.msk [tilespmem:v19+s3+$0x0], $0xffff  }
0x20d: {  	v23 =	vadd.s32 $0x12, v3;
	v12 =	vld.idx.msk [tilespmem:v20+s3+$0x0], $0xffff  }
0x20e: {  	v24 =	vadd.s32 $0x12, v2  }
0x20f: {  	[tilespmem:s19+$0xE100] =	vst v6  }
0x210: {  	v6 =	vld.idx.msk [tilespmem:v21+s3+$0x0], $0xffff;
	[tilespmem:s19+$0xE110] =	vst v8  }
0x211: {  	v25 =	vadd.s32 $0x14, v5;
	[tilespmem:s19+$0xE120] =	vst v10;
	v8 =	vld.idx.msk [tilespmem:v22+s3+$0x0], $0xffff  }
0x212: {  	v26 =	vadd.s32 $0x14, v4;
	[tilespmem:s19+$0xE130] =	vst v12;
	v10 =	vld.idx.msk [tilespmem:v23+s3+$0x0], $0xffff  }
0x213: {  	v27 =	vadd.s32 $0x14, v3;
	v12 =	vld.idx.msk [tilespmem:v24+s3+$0x0], $0xffff  }
0x214: {  	v28 =	vadd.s32 $0x14, v2  }
0x215: {  	[tilespmem:s19+$0xE200] =	vst v6  }
0x216: {  	v6 =	vld.idx.msk [tilespmem:v25+s3+$0x0], $0xffff;
	[tilespmem:s19+$0xE210] =	vst v8  }
0x217: {  	v29 =	vadd.s32 $0x16, v5;
	[tilespmem:s19+$0xE220] =	vst v10;
	v8 =	vld.idx.msk [tilespmem:v26+s3+$0x0], $0xffff  }
0x218: {  	v30 =	vadd.s32 $0x16, v4;
	[tilespmem:s19+$0xE230] =	vst v12;
	v10 =	vld.idx.msk [tilespmem:v27+s3+$0x0], $0xffff  }
0x219: {  	v31 =	vadd.s32 $0x16, v3;
	v12 =	vld.idx.msk [tilespmem:v28+s3+$0x0], $0xffff  }
0x21a: {  	v32 =	vadd.s32 $0x16, v2  }
0x21b: {  	[tilespmem:s19+$0xE300] =	vst v6  }
0x21c: {  	v6 =	vld.idx.msk [tilespmem:v29+s3+$0x0], $0xffff;
	[tilespmem:s19+$0xE310] =	vst v8  }
0x21d: {  	v33 =	vadd.s32 $0x18, v5;
	[tilespmem:s19+$0xE320] =	vst v10;
	v8 =	vld.idx.msk [tilespmem:v30+s3+$0x0], $0xffff  }
0x21e: {  	v34 =	vadd.s32 $0x18, v4;
	[tilespmem:s19+$0xE330] =	vst v12;
	v10 =	vld.idx.msk [tilespmem:v31+s3+$0x0], $0xffff  }
0x21f: {  	v35 =	vadd.s32 $0x18, v3;
	v12 =	vld.idx.msk [tilespmem:v32+s3+$0x0], $0xffff  }
0x220: {  	v36 =	vadd.s32 $0x18, v2  }
0x221: {  	[tilespmem:s19+$0xE400] =	vst v6  }
0x222: {  	v6 =	vld.idx.msk [tilespmem:v33+s3+$0x0], $0xffff;
	[tilespmem:s19+$0xE410] =	vst v8  }
0x223: {  	v37 =	vadd.s32 $0x1A, v5;
	[tilespmem:s19+$0xE420] =	vst v10;
	v8 =	vld.idx.msk [tilespmem:v34+s3+$0x0], $0xffff  }
0x224: {  	v38 =	vadd.s32 $0x1A, v4;
	[tilespmem:s19+$0xE430] =	vst v12;
	v10 =	vld.idx.msk [tilespmem:v35+s3+$0x0], $0xffff  }
0x225: {  	v39 =	vadd.s32 $0x1A, v3;
	v12 =	vld.idx.msk [tilespmem:v36+s3+$0x0], $0xffff  }
0x226: {  	v40 =	vadd.s32 $0x1A, v2  }
0x227: {  	[tilespmem:s19+$0xE500] =	vst v6  }
0x228: {  	v6 =	vld.idx.msk [tilespmem:v37+s3+$0x0], $0xffff;
	[tilespmem:s19+$0xE510] =	vst v8  }
0x229: {  	v41 =	vadd.s32 $0x1C, v5;
	[tilespmem:s19+$0xE520] =	vst v10;
	v8 =	vld.idx.msk [tilespmem:v38+s3+$0x0], $0xffff  }
0x22a: {  	v42 =	vadd.s32 $0x1C, v4;
	[tilespmem:s19+$0xE530] =	vst v12;
	v10 =	vld.idx.msk [tilespmem:v39+s3+$0x0], $0xffff  }
0x22b: {  	v43 =	vadd.s32 $0x1C, v3;
	v12 =	vld.idx.msk [tilespmem:v40+s3+$0x0], $0xffff  }
0x22c: {  	v44 =	vadd.s32 $0x1C, v2  }
0x22d: {  	[tilespmem:s19+$0xE600] =	vst v6  }
0x22e: {  	v6 =	vld.idx.msk [tilespmem:v41+s3+$0x0], $0xffff;
	[tilespmem:s19+$0xE610] =	vst v8  }
0x22f: {  	v45 =	vadd.s32 $0x1E, v5;
	[tilespmem:s19+$0xE620] =	vst v10;
	v8 =	vld.idx.msk [tilespmem:v42+s3+$0x0], $0xffff  }
0x230: {  	v46 =	vadd.s32 $0x1E, v4;
	[tilespmem:s19+$0xE630] =	vst v12;
	v10 =	vld.idx.msk [tilespmem:v43+s3+$0x0], $0xffff  }
0x231: {  	v47 =	vadd.s32 $0x1E, v3;
	v12 =	vld.idx.msk [tilespmem:v44+s3+$0x0], $0xffff  }
0x232: {  	v48 =	vadd.s32 $0x1E, v2  }
0x233: {  	[tilespmem:s19+$0xE700] =	vst v6  }
0x234: {  	v6 =	vld.idx.msk [tilespmem:v45+s3+$0x0], $0xffff;
	[tilespmem:s19+$0xE710] =	vst v8  }
0x235: {  	v49 =	vadd.s32 $0x20, v5;
	[tilespmem:s19+$0xE720] =	vst v10;
	v8 =	vld.idx.msk [tilespmem:v46+s3+$0x0], $0xffff  }
0x236: {  	v50 =	vadd.s32 $0x20, v4;
	[tilespmem:s19+$0xE730] =	vst v12;
	v10 =	vld.idx.msk [tilespmem:v47+s3+$0x0], $0xffff  }
0x237: {  	v51 =	vadd.s32 $0x20, v3;
	v12 =	vld.idx.msk [tilespmem:v48+s3+$0x0], $0xffff  }
0x238: {  	v52 =	vadd.s32 $0x20, v2  }
0x239: {  	[tilespmem:s19+$0xE800] =	vst v6  }
0x23a: {  	v6 =	vld.idx.msk [tilespmem:v49+s3+$0x0], $0xffff;
	[tilespmem:s19+$0xE810] =	vst v8  }
0x23b: {  	v53 =	vadd.s32 $0x22, v5;
	[tilespmem:s19+$0xE820] =	vst v10;
	v8 =	vld.idx.msk [tilespmem:v50+s3+$0x0], $0xffff  }
0x23c: {  	v54 =	vadd.s32 $0x22, v4;
	[tilespmem:s19+$0xE830] =	vst v12;
	v10 =	vld.idx.msk [tilespmem:v51+s3+$0x0], $0xffff  }
0x23d: {  	v55 =	vadd.s32 $0x22, v3;
	v12 =	vld.idx.msk [tilespmem:v52+s3+$0x0], $0xffff  }
0x23e: {  	v56 =	vadd.s32 $0x22, v2  }
0x23f: {  	[tilespmem:s19+$0xE900] =	vst v6  }
0x240: {  	v6 =	vld.idx.msk [tilespmem:v53+s3+$0x0], $0xffff;
	[tilespmem:s19+$0xE910] =	vst v8  }
0x241: {  	v57 =	vadd.s32 $0x24, v5;
	[tilespmem:s19+$0xE920] =	vst v10;
	v8 =	vld.idx.msk [tilespmem:v54+s3+$0x0], $0xffff  }
0x242: {  	v58 =	vadd.s32 $0x24, v4;
	[tilespmem:s19+$0xE930] =	vst v12;
	v10 =	vld.idx.msk [tilespmem:v55+s3+$0x0], $0xffff  }
0x243: {  	v59 =	vadd.s32 $0x24, v3;
	v12 =	vld.idx.msk [tilespmem:v56+s3+$0x0], $0xffff  }
0x244: {  	v60 =	vadd.s32 $0x24, v2  }
0x245: {  	[tilespmem:s19+$0xEA00] =	vst v6  }
0x246: {  	v6 =	vld.idx.msk [tilespmem:v57+s3+$0x0], $0xffff;
	[tilespmem:s19+$0xEA10] =	vst v8  }
0x247: {  	v61 =	vadd.s32 $0x26, v5;
	[tilespmem:s19+$0xEA20] =	vst v10;
	v8 =	vld.idx.msk [tilespmem:v58+s3+$0x0], $0xffff  }
0x248: {  	v62 =	vadd.s32 $0x26, v4;
	[tilespmem:s19+$0xEA30] =	vst v12;
	v10 =	vld.idx.msk [tilespmem:v59+s3+$0x0], $0xffff  }
0x249: {  	v63 =	vadd.s32 $0x26, v3;
	v12 =	vld.idx.msk [tilespmem:v60+s3+$0x0], $0xffff  }
0x24a: {  	v16 =	vadd.s32 $0x26, v2  }
0x24b: {  	[tilespmem:s19+$0xEB00] =	vst v6  }
0x24c: {  	v6 =	vld.idx.msk [tilespmem:v61+s3+$0x0], $0xffff;
	[tilespmem:s19+$0xEB10] =	vst v8  }
0x24d: {  	v17 =	vadd.s32 $0x28, v5;
	[tilespmem:s19+$0xEB20] =	vst v10;
	v8 =	vld.idx.msk [tilespmem:v62+s3+$0x0], $0xffff  }
0x24e: {  	v18 =	vadd.s32 $0x28, v4;
	[tilespmem:s19+$0xEB30] =	vst v12;
	v10 =	vld.idx.msk [tilespmem:v63+s3+$0x0], $0xffff  }
0x24f: {  	v19 =	vadd.s32 $0x28, v3;
	v12 =	vld.idx.msk [tilespmem:v16+s3+$0x0], $0xffff  }
0x250: {  	v20 =	vadd.s32 $0x28, v2  }
0x251: {  	[tilespmem:s19+$0xEC00] =	vst v6  }
0x252: {  	v6 =	vld.idx.msk [tilespmem:v17+s3+$0x0], $0xffff;
	[tilespmem:s19+$0xEC10] =	vst v8  }
0x253: {  	v21 =	vadd.s32 $0x2A, v5;
	[tilespmem:s19+$0xEC20] =	vst v10;
	v8 =	vld.idx.msk [tilespmem:v18+s3+$0x0], $0xffff  }
0x254: {  	v22 =	vadd.s32 $0x2A, v4;
	[tilespmem:s19+$0xEC30] =	vst v12;
	v10 =	vld.idx.msk [tilespmem:v19+s3+$0x0], $0xffff  }
0x255: {  	v23 =	vadd.s32 $0x2A, v3;
	v12 =	vld.idx.msk [tilespmem:v20+s3+$0x0], $0xffff  }
0x256: {  	v24 =	vadd.s32 $0x2A, v2  }
0x257: {  	[tilespmem:s19+$0xED00] =	vst v6  }
0x258: {  	v6 =	vld.idx.msk [tilespmem:v21+s3+$0x0], $0xffff;
	[tilespmem:s19+$0xED10] =	vst v8  }
0x259: {  	v25 =	vadd.s32 $0x2C, v5;
	[tilespmem:s19+$0xED20] =	vst v10;
	v8 =	vld.idx.msk [tilespmem:v22+s3+$0x0], $0xffff  }
0x25a: {  	v26 =	vadd.s32 $0x2C, v4;
	[tilespmem:s19+$0xED30] =	vst v12;
	v10 =	vld.idx.msk [tilespmem:v23+s3+$0x0], $0xffff  }
0x25b: {  	v27 =	vadd.s32 $0x2C, v3;
	v12 =	vld.idx.msk [tilespmem:v24+s3+$0x0], $0xffff  }
0x25c: {  	v28 =	vadd.s32 $0x2C, v2  }
0x25d: {  	[tilespmem:s19+$0xEE00] =	vst v6  }
0x25e: {  	v6 =	vld.idx.msk [tilespmem:v25+s3+$0x0], $0xffff;
	[tilespmem:s19+$0xEE10] =	vst v8  }
0x25f: {  	v29 =	vadd.s32 $0x2E, v5;
	[tilespmem:s19+$0xEE20] =	vst v10;
	v8 =	vld.idx.msk [tilespmem:v26+s3+$0x0], $0xffff  }
0x260: {  	v30 =	vadd.s32 $0x2E, v4;
	[tilespmem:s19+$0xEE30] =	vst v12;
	v10 =	vld.idx.msk [tilespmem:v27+s3+$0x0], $0xffff  }
0x261: {  	v31 =	vadd.s32 $0x2E, v3;
	v12 =	vld.idx.msk [tilespmem:v28+s3+$0x0], $0xffff  }
0x262: {  	v32 =	vadd.s32 $0x2E, v2  }
0x263: {  	[tilespmem:s19+$0xEF00] =	vst v6  }
0x264: {  	v6 =	vld.idx.msk [tilespmem:v29+s3+$0x0], $0xffff;
	[tilespmem:s19+$0xEF10] =	vst v8  }
0x265: {  	v33 =	vadd.s32 $0x30, v5;
	[tilespmem:s19+$0xEF20] =	vst v10;
	v8 =	vld.idx.msk [tilespmem:v30+s3+$0x0], $0xffff  }
0x266: {  	v34 =	vadd.s32 $0x30, v4;
	[tilespmem:s19+$0xEF30] =	vst v12;
	v10 =	vld.idx.msk [tilespmem:v31+s3+$0x0], $0xffff  }
0x267: {  	v35 =	vadd.s32 $0x30, v3;
	v12 =	vld.idx.msk [tilespmem:v32+s3+$0x0], $0xffff  }
0x268: {  	v36 =	vadd.s32 $0x30, v2  }
0x269: {  	[tilespmem:s19+$0xF000] =	vst v6  }
0x26a: {  	v6 =	vld.idx.msk [tilespmem:v33+s3+$0x0], $0xffff;
	[tilespmem:s19+$0xF010] =	vst v8  }
0x26b: {  	v37 =	vadd.s32 $0x32, v5;
	[tilespmem:s19+$0xF020] =	vst v10;
	v8 =	vld.idx.msk [tilespmem:v34+s3+$0x0], $0xffff  }
0x26c: {  	v38 =	vadd.s32 $0x32, v4;
	[tilespmem:s19+$0xF030] =	vst v12;
	v10 =	vld.idx.msk [tilespmem:v35+s3+$0x0], $0xffff  }
0x26d: {  	v39 =	vadd.s32 $0x32, v3;
	v12 =	vld.idx.msk [tilespmem:v36+s3+$0x0], $0xffff  }
0x26e: {  	v40 =	vadd.s32 $0x32, v2  }
0x26f: {  	[tilespmem:s19+$0xF100] =	vst v6  }
0x270: {  	v6 =	vld.idx.msk [tilespmem:v37+s3+$0x0], $0xffff;
	[tilespmem:s19+$0xF110] =	vst v8  }
0x271: {  	v41 =	vadd.s32 $0x34, v5;
	[tilespmem:s19+$0xF120] =	vst v10;
	v8 =	vld.idx.msk [tilespmem:v38+s3+$0x0], $0xffff  }
0x272: {  	v42 =	vadd.s32 $0x34, v4;
	[tilespmem:s19+$0xF130] =	vst v12;
	v10 =	vld.idx.msk [tilespmem:v39+s3+$0x0], $0xffff  }
0x273: {  	v43 =	vadd.s32 $0x34, v3;
	v12 =	vld.idx.msk [tilespmem:v40+s3+$0x0], $0xffff  }
0x274: {  	v44 =	vadd.s32 $0x34, v2  }
0x275: {  	[tilespmem:s19+$0xF200] =	vst v6  }
0x276: {  	v6 =	vld.idx.msk [tilespmem:v41+s3+$0x0], $0xffff;
	[tilespmem:s19+$0xF210] =	vst v8  }
0x277: {  	v45 =	vadd.s32 $0x36, v5;
	[tilespmem:s19+$0xF220] =	vst v10;
	v8 =	vld.idx.msk [tilespmem:v42+s3+$0x0], $0xffff  }
0x278: {  	v46 =	vadd.s32 $0x36, v4;
	[tilespmem:s19+$0xF230] =	vst v12;
	v10 =	vld.idx.msk [tilespmem:v43+s3+$0x0], $0xffff  }
0x279: {  	v47 =	vadd.s32 $0x36, v3;
	v12 =	vld.idx.msk [tilespmem:v44+s3+$0x0], $0xffff  }
0x27a: {  	v48 =	vadd.s32 $0x36, v2  }
0x27b: {  	[tilespmem:s19+$0xF300] =	vst v6  }
0x27c: {  	v6 =	vld.idx.msk [tilespmem:v45+s3+$0x0], $0xffff;
	[tilespmem:s19+$0xF310] =	vst v8  }
0x27d: {  	v49 =	vadd.s32 $0x38, v5;
	[tilespmem:s19+$0xF320] =	vst v10;
	v8 =	vld.idx.msk [tilespmem:v46+s3+$0x0], $0xffff  }
0x27e: {  	v50 =	vadd.s32 $0x38, v4;
	[tilespmem:s19+$0xF330] =	vst v12;
	v10 =	vld.idx.msk [tilespmem:v47+s3+$0x0], $0xffff  }
0x27f: {  	v51 =	vadd.s32 $0x38, v3;
	v12 =	vld.idx.msk [tilespmem:v48+s3+$0x0], $0xffff  }
0x280: {  	v52 =	vadd.s32 $0x38, v2  }
0x281: {  	[tilespmem:s19+$0xF400] =	vst v6  }
0x282: {  	v6 =	vld.idx.msk [tilespmem:v49+s3+$0x0], $0xffff;
	[tilespmem:s19+$0xF410] =	vst v8  }
0x283: {  	v53 =	vadd.s32 $0x3A, v5;
	[tilespmem:s19+$0xF420] =	vst v10;
	v8 =	vld.idx.msk [tilespmem:v50+s3+$0x0], $0xffff  }
0x284: {  	v54 =	vadd.s32 $0x3A, v4;
	[tilespmem:s19+$0xF430] =	vst v12;
	v10 =	vld.idx.msk [tilespmem:v51+s3+$0x0], $0xffff  }
0x285: {  	v55 =	vadd.s32 $0x3A, v3;
	v12 =	vld.idx.msk [tilespmem:v52+s3+$0x0], $0xffff  }
0x286: {  	v56 =	vadd.s32 $0x3A, v2  }
0x287: {  	[tilespmem:s19+$0xF500] =	vst v6  }
0x288: {  	v6 =	vld.idx.msk [tilespmem:v53+s3+$0x0], $0xffff;
	[tilespmem:s19+$0xF510] =	vst v8  }
0x289: {  	v57 =	vadd.s32 $0x3C, v5;
	[tilespmem:s19+$0xF520] =	vst v10;
	v8 =	vld.idx.msk [tilespmem:v54+s3+$0x0], $0xffff  }
0x28a: {  	v58 =	vadd.s32 $0x3C, v4;
	[tilespmem:s19+$0xF530] =	vst v12;
	v10 =	vld.idx.msk [tilespmem:v55+s3+$0x0], $0xffff  }
0x28b: {  	v59 =	vadd.s32 $0x3C, v3;
	v12 =	vld.idx.msk [tilespmem:v56+s3+$0x0], $0xffff  }
0x28c: {  	v60 =	vadd.s32 $0x3C, v2  }
0x28d: {  	[tilespmem:s19+$0xF600] =	vst v6  }
0x28e: {  	[tilespmem:s19+$0xF610] =	vst v8;
	v6 =	vld.idx.msk [tilespmem:v57+s3+$0x0], $0xffff  }
0x28f: {  	v5 =	vadd.s32 $0x3E, v5;
	[tilespmem:s19+$0xF620] =	vst v10;
	v61 =	vld.idx.msk [tilespmem:v58+s3+$0x0], $0xffff  }
0x290: {  	v4 =	vadd.s32 $0x3E, v4;
	[tilespmem:s19+$0xF630] =	vst v12;
	v62 =	vld.idx.msk [tilespmem:v59+s3+$0x0], $0xffff  }
0x291: {  	v3 =	vadd.s32 $0x3E, v3;
	v63 =	vld.idx.msk [tilespmem:v60+s3+$0x0], $0xffff  }
0x292: {  	v2 =	vadd.s32 $0x3E, v2  }
0x293: {  	[tilespmem:s19+$0xF700] =	vst v6  }
0x294: {  	[tilespmem:s19+$0xF710] =	vst v61;
	v5 =	vld.idx.msk [tilespmem:v5+s3+$0x0], $0xffff  }
0x295: {  	[tilespmem:s19+$0xF720] =	vst v62;
	v4 =	vld.idx.msk [tilespmem:v4+s3+$0x0], $0xffff  }
0x296: {  	[tilespmem:s19+$0xF730] =	vst v63;
	v3 =	vld.idx.msk [tilespmem:v3+s3+$0x0], $0xffff  }
0x297: {  	p2 =	por p1, p1;
	v2 =	vld.idx.msk [tilespmem:v2+s3+$0x0], $0xffff  }
.Ltmp2:
0x298: {  	_ = 	snop;
	(pc) =	sbr.rel @p2 .LBB2_7-.Ltmp2, $4  }
0x299: {  	[tilespmem:s19+$0xF800] =	vst v5  }
0x29a: {  	[tilespmem:s19+$0xF810] =	vst v4  }
0x29b: {  	[tilespmem:s19+$0xF820] =	vst v3  }
0x29c: {  	p1 =	por $0x0, $0x0;
	[tilespmem:s19+$0xF830] =	vst v2;
	s19 =	simm.s32 $0x40  }
0x29d: {  	s19 =	sor.u32 $0x3, s18  }
0x29e: {  	p1 =	por $0x1, $0x1;
	v1 =	vmov s19;
	s19 =	simm.s32 $0x0  }
.LBB2_9:
0x29f: {  	v2 =	vmov s19;
	s20 =	sor.u32 $0x10, s19  }
0x2a0: {  	s30 =	sor.u32 $0x20, s19;
	v2 =	vmul.u32 $0xC8, v2;
	v3 =	vmov s20  }
0x2a1: {  	s31 =	sor.u32 $0x30, s19;
	v4 =	vmov s30;
	v3 =	vmul.u32 $0xC8, v3  }
0x2a2: {  	v5 =	vmov s31;
	v4 =	vmul.u32 $0xC8, v4;
	v2 =	vadd.s32 v1, v2  }
0x2a3: {  	v5 =	vmul.u32 $0xC8, v5;
	v2 =	vbroadcast v2, $0x0;
	v3 =	vadd.s32 v1, v3  }
0x2a4: {  	v4 =	vadd.s32 v1, v4;
	v3 =	vbroadcast v3, $0x0  }
0x2a5: {  	v5 =	vadd.s32 v1, v5;
	v4 =	vbroadcast v4, $0x0;
	v2 =	vadd.s32 v0, v2  }
0x2a6: {  	v5 =	vbroadcast v5, $0x0;
	v3 =	vadd.s32 v0, v3  }
0x2a7: {  	v4 =	vadd.s32 v0, v4  }
0x2a8: {  	v5 =	vadd.s32 v0, v5;
	_ =	sdelay $0x1  }
0x2a9: {  	v2 =	vld.idx.msk [tilespmem:v2+s9+$0x0], $0xffff  }
0x2aa: {  	v3 =	vld.idx.msk [tilespmem:v3+s9+$0x0], $0xffff  }
0x2ab: {  	v6 =	vld.idx.msk [tilespmem:v4+s9+$0x0], $0xffff  }
0x2ac: {  	v7 =	vld.idx.msk [tilespmem:v5+s9+$0x0], $0xffff;
	_ =	sdelay $0x1  }
0x2ad: {  	v5 =	vmul.u32 $0x41, v2  }
0x2ae: {  	v4 =	vmul.u32 $0x41, v3  }
0x2af: {  	v3 =	vmul.u32 $0x41, v6  }
0x2b0: {  	v2 =	vmul.u32 $0x41, v7;
	_ =	sdelay $0x2  }
0x2b1: {  	v39 =	vld.idx.msk [tilespmem:v5+s3+$0x0], $0xffff  }
0x2b2: {  	v40 =	vadd.s32 $0x2, v5;
	v8 =	vld.idx.msk [tilespmem:v4+s3+$0x0], $0xffff  }
0x2b3: {  	v9 =	vadd.s32 $0x2, v4;
	v10 =	vld.idx.msk [tilespmem:v3+s3+$0x0], $0xffff  }
0x2b4: {  	v11 =	vadd.s32 $0x2, v3;
	v12 =	vld.idx.msk [tilespmem:v2+s3+$0x0], $0xffff  }
0x2b5: {  	v13 =	vadd.s32 $0x2, v2  }
0x2b6: {  	[tilespmem:s19+$0xF900] =	vst v39  }
0x2b7: {  	v6 =	vld.idx.msk [tilespmem:v40+s3+$0x0], $0xffff;
	[tilespmem:s19+$0xF910] =	vst v8  }
0x2b8: {  	v41 =	vadd.s32 $0x4, v5;
	[tilespmem:s19+$0xF920] =	vst v10;
	v8 =	vld.idx.msk [tilespmem:v9+s3+$0x0], $0xffff  }
0x2b9: {  	v42 =	vadd.s32 $0x4, v4;
	[tilespmem:s19+$0xF930] =	vst v12;
	v10 =	vld.idx.msk [tilespmem:v11+s3+$0x0], $0xffff  }
0x2ba: {  	v43 =	vadd.s32 $0x4, v3;
	v12 =	vld.idx.msk [tilespmem:v13+s3+$0x0], $0xffff  }
0x2bb: {  	v44 =	vadd.s32 $0x4, v2  }
0x2bc: {  	[tilespmem:s19+$0xFA00] =	vst v6  }
0x2bd: {  	v6 =	vld.idx.msk [tilespmem:v41+s3+$0x0], $0xffff;
	[tilespmem:s19+$0xFA10] =	vst v8  }
0x2be: {  	v45 =	vadd.s32 $0x6, v5;
	[tilespmem:s19+$0xFA20] =	vst v10;
	v8 =	vld.idx.msk [tilespmem:v42+s3+$0x0], $0xffff  }
0x2bf: {  	v46 =	vadd.s32 $0x6, v4;
	[tilespmem:s19+$0xFA30] =	vst v12;
	v10 =	vld.idx.msk [tilespmem:v43+s3+$0x0], $0xffff  }
0x2c0: {  	v47 =	vadd.s32 $0x6, v3;
	v12 =	vld.idx.msk [tilespmem:v44+s3+$0x0], $0xffff  }
0x2c1: {  	v48 =	vadd.s32 $0x6, v2  }
0x2c2: {  	[tilespmem:s19+$0xFB00] =	vst v6  }
0x2c3: {  	v6 =	vld.idx.msk [tilespmem:v45+s3+$0x0], $0xffff;
	[tilespmem:s19+$0xFB10] =	vst v8  }
0x2c4: {  	v49 =	vadd.s32 $0x8, v5;
	[tilespmem:s19+$0xFB20] =	vst v10;
	v8 =	vld.idx.msk [tilespmem:v46+s3+$0x0], $0xffff  }
0x2c5: {  	v50 =	vadd.s32 $0x8, v4;
	[tilespmem:s19+$0xFB30] =	vst v12;
	v10 =	vld.idx.msk [tilespmem:v47+s3+$0x0], $0xffff  }
0x2c6: {  	v51 =	vadd.s32 $0x8, v3;
	v12 =	vld.idx.msk [tilespmem:v48+s3+$0x0], $0xffff  }
0x2c7: {  	v52 =	vadd.s32 $0x8, v2  }
0x2c8: {  	[tilespmem:s19+$0xFC00] =	vst v6  }
0x2c9: {  	v6 =	vld.idx.msk [tilespmem:v49+s3+$0x0], $0xffff;
	[tilespmem:s19+$0xFC10] =	vst v8  }
0x2ca: {  	v53 =	vadd.s32 $0xA, v5;
	[tilespmem:s19+$0xFC20] =	vst v10;
	v8 =	vld.idx.msk [tilespmem:v50+s3+$0x0], $0xffff  }
0x2cb: {  	v54 =	vadd.s32 $0xA, v4;
	[tilespmem:s19+$0xFC30] =	vst v12;
	v10 =	vld.idx.msk [tilespmem:v51+s3+$0x0], $0xffff  }
0x2cc: {  	v55 =	vadd.s32 $0xA, v3;
	v12 =	vld.idx.msk [tilespmem:v52+s3+$0x0], $0xffff  }
0x2cd: {  	v56 =	vadd.s32 $0xA, v2  }
0x2ce: {  	[tilespmem:s19+$0xFD00] =	vst v6  }
0x2cf: {  	v6 =	vld.idx.msk [tilespmem:v53+s3+$0x0], $0xffff;
	[tilespmem:s19+$0xFD10] =	vst v8  }
0x2d0: {  	v57 =	vadd.s32 $0xC, v5;
	[tilespmem:s19+$0xFD20] =	vst v10;
	v8 =	vld.idx.msk [tilespmem:v54+s3+$0x0], $0xffff  }
0x2d1: {  	v58 =	vadd.s32 $0xC, v4;
	[tilespmem:s19+$0xFD30] =	vst v12;
	v10 =	vld.idx.msk [tilespmem:v55+s3+$0x0], $0xffff  }
0x2d2: {  	v59 =	vadd.s32 $0xC, v3;
	v12 =	vld.idx.msk [tilespmem:v56+s3+$0x0], $0xffff  }
0x2d3: {  	v60 =	vadd.s32 $0xC, v2  }
0x2d4: {  	[tilespmem:s19+$0xFE00] =	vst v6  }
0x2d5: {  	v6 =	vld.idx.msk [tilespmem:v57+s3+$0x0], $0xffff;
	[tilespmem:s19+$0xFE10] =	vst v8  }
0x2d6: {  	v61 =	vadd.s32 $0xE, v5;
	[tilespmem:s19+$0xFE20] =	vst v10;
	v8 =	vld.idx.msk [tilespmem:v58+s3+$0x0], $0xffff  }
0x2d7: {  	v62 =	vadd.s32 $0xE, v4;
	[tilespmem:s19+$0xFE30] =	vst v12;
	v10 =	vld.idx.msk [tilespmem:v59+s3+$0x0], $0xffff  }
0x2d8: {  	v63 =	vadd.s32 $0xE, v3;
	v12 =	vld.idx.msk [tilespmem:v60+s3+$0x0], $0xffff  }
0x2d9: {  	v16 =	vadd.s32 $0xE, v2  }
0x2da: {  	[tilespmem:s19+$0xFF00] =	vst v6  }
0x2db: {  	v6 =	vld.idx.msk [tilespmem:v61+s3+$0x0], $0xffff;
	[tilespmem:s19+$0xFF10] =	vst v8  }
0x2dc: {  	v17 =	vadd.s32 $0x10, v5;
	[tilespmem:s19+$0xFF20] =	vst v10;
	v8 =	vld.idx.msk [tilespmem:v62+s3+$0x0], $0xffff  }
0x2dd: {  	v18 =	vadd.s32 $0x10, v4;
	[tilespmem:s19+$0xFF30] =	vst v12;
	v10 =	vld.idx.msk [tilespmem:v63+s3+$0x0], $0xffff  }
0x2de: {  	v19 =	vadd.s32 $0x10, v3;
	v12 =	vld.idx.msk [tilespmem:v16+s3+$0x0], $0xffff  }
0x2df: {  	v20 =	vadd.s32 $0x10, v2  }
0x2e0: {  	[tilespmem:s19+$0x10000] =	vst v6  }
0x2e1: {  	v6 =	vld.idx.msk [tilespmem:v17+s3+$0x0], $0xffff;
	[tilespmem:s19+$0x10010] =	vst v8  }
0x2e2: {  	v21 =	vadd.s32 $0x12, v5;
	[tilespmem:s19+$0x10020] =	vst v10;
	v8 =	vld.idx.msk [tilespmem:v18+s3+$0x0], $0xffff  }
0x2e3: {  	v22 =	vadd.s32 $0x12, v4;
	[tilespmem:s19+$0x10030] =	vst v12;
	v10 =	vld.idx.msk [tilespmem:v19+s3+$0x0], $0xffff  }
0x2e4: {  	v23 =	vadd.s32 $0x12, v3;
	v12 =	vld.idx.msk [tilespmem:v20+s3+$0x0], $0xffff  }
0x2e5: {  	v24 =	vadd.s32 $0x12, v2  }
0x2e6: {  	[tilespmem:s19+$0x10100] =	vst v6  }
0x2e7: {  	v6 =	vld.idx.msk [tilespmem:v21+s3+$0x0], $0xffff;
	[tilespmem:s19+$0x10110] =	vst v8  }
0x2e8: {  	v25 =	vadd.s32 $0x14, v5;
	[tilespmem:s19+$0x10120] =	vst v10;
	v8 =	vld.idx.msk [tilespmem:v22+s3+$0x0], $0xffff  }
0x2e9: {  	v26 =	vadd.s32 $0x14, v4;
	[tilespmem:s19+$0x10130] =	vst v12;
	v10 =	vld.idx.msk [tilespmem:v23+s3+$0x0], $0xffff  }
0x2ea: {  	v27 =	vadd.s32 $0x14, v3;
	v12 =	vld.idx.msk [tilespmem:v24+s3+$0x0], $0xffff  }
0x2eb: {  	v28 =	vadd.s32 $0x14, v2  }
0x2ec: {  	[tilespmem:s19+$0x10200] =	vst v6  }
0x2ed: {  	v6 =	vld.idx.msk [tilespmem:v25+s3+$0x0], $0xffff;
	[tilespmem:s19+$0x10210] =	vst v8  }
0x2ee: {  	v29 =	vadd.s32 $0x16, v5;
	[tilespmem:s19+$0x10220] =	vst v10;
	v8 =	vld.idx.msk [tilespmem:v26+s3+$0x0], $0xffff  }
0x2ef: {  	v30 =	vadd.s32 $0x16, v4;
	[tilespmem:s19+$0x10230] =	vst v12;
	v10 =	vld.idx.msk [tilespmem:v27+s3+$0x0], $0xffff  }
0x2f0: {  	v31 =	vadd.s32 $0x16, v3;
	v12 =	vld.idx.msk [tilespmem:v28+s3+$0x0], $0xffff  }
0x2f1: {  	v32 =	vadd.s32 $0x16, v2  }
0x2f2: {  	[tilespmem:s19+$0x10300] =	vst v6  }
0x2f3: {  	v6 =	vld.idx.msk [tilespmem:v29+s3+$0x0], $0xffff;
	[tilespmem:s19+$0x10310] =	vst v8  }
0x2f4: {  	v33 =	vadd.s32 $0x18, v5;
	[tilespmem:s19+$0x10320] =	vst v10;
	v8 =	vld.idx.msk [tilespmem:v30+s3+$0x0], $0xffff  }
0x2f5: {  	v34 =	vadd.s32 $0x18, v4;
	[tilespmem:s19+$0x10330] =	vst v12;
	v10 =	vld.idx.msk [tilespmem:v31+s3+$0x0], $0xffff  }
0x2f6: {  	v35 =	vadd.s32 $0x18, v3;
	v12 =	vld.idx.msk [tilespmem:v32+s3+$0x0], $0xffff  }
0x2f7: {  	v36 =	vadd.s32 $0x18, v2  }
0x2f8: {  	[tilespmem:s19+$0x10400] =	vst v6  }
0x2f9: {  	v6 =	vld.idx.msk [tilespmem:v33+s3+$0x0], $0xffff;
	[tilespmem:s19+$0x10410] =	vst v8  }
0x2fa: {  	v37 =	vadd.s32 $0x1A, v5;
	[tilespmem:s19+$0x10420] =	vst v10;
	v8 =	vld.idx.msk [tilespmem:v34+s3+$0x0], $0xffff  }
0x2fb: {  	v38 =	vadd.s32 $0x1A, v4;
	[tilespmem:s19+$0x10430] =	vst v12;
	v10 =	vld.idx.msk [tilespmem:v35+s3+$0x0], $0xffff  }
0x2fc: {  	v39 =	vadd.s32 $0x1A, v3;
	v12 =	vld.idx.msk [tilespmem:v36+s3+$0x0], $0xffff  }
0x2fd: {  	v40 =	vadd.s32 $0x1A, v2  }
0x2fe: {  	[tilespmem:s19+$0x10500] =	vst v6  }
0x2ff: {  	v6 =	vld.idx.msk [tilespmem:v37+s3+$0x0], $0xffff;
	[tilespmem:s19+$0x10510] =	vst v8  }
0x300: {  	v41 =	vadd.s32 $0x1C, v5;
	[tilespmem:s19+$0x10520] =	vst v10;
	v8 =	vld.idx.msk [tilespmem:v38+s3+$0x0], $0xffff  }
0x301: {  	v42 =	vadd.s32 $0x1C, v4;
	[tilespmem:s19+$0x10530] =	vst v12;
	v10 =	vld.idx.msk [tilespmem:v39+s3+$0x0], $0xffff  }
0x302: {  	v43 =	vadd.s32 $0x1C, v3;
	v12 =	vld.idx.msk [tilespmem:v40+s3+$0x0], $0xffff  }
0x303: {  	v44 =	vadd.s32 $0x1C, v2  }
0x304: {  	[tilespmem:s19+$0x10600] =	vst v6  }
0x305: {  	v6 =	vld.idx.msk [tilespmem:v41+s3+$0x0], $0xffff;
	[tilespmem:s19+$0x10610] =	vst v8  }
0x306: {  	v45 =	vadd.s32 $0x1E, v5;
	[tilespmem:s19+$0x10620] =	vst v10;
	v8 =	vld.idx.msk [tilespmem:v42+s3+$0x0], $0xffff  }
0x307: {  	v46 =	vadd.s32 $0x1E, v4;
	[tilespmem:s19+$0x10630] =	vst v12;
	v10 =	vld.idx.msk [tilespmem:v43+s3+$0x0], $0xffff  }
0x308: {  	v47 =	vadd.s32 $0x1E, v3;
	v12 =	vld.idx.msk [tilespmem:v44+s3+$0x0], $0xffff  }
0x309: {  	v48 =	vadd.s32 $0x1E, v2  }
0x30a: {  	[tilespmem:s19+$0x10700] =	vst v6  }
0x30b: {  	v6 =	vld.idx.msk [tilespmem:v45+s3+$0x0], $0xffff;
	[tilespmem:s19+$0x10710] =	vst v8  }
0x30c: {  	v49 =	vadd.s32 $0x20, v5;
	[tilespmem:s19+$0x10720] =	vst v10;
	v8 =	vld.idx.msk [tilespmem:v46+s3+$0x0], $0xffff  }
0x30d: {  	v50 =	vadd.s32 $0x20, v4;
	[tilespmem:s19+$0x10730] =	vst v12;
	v10 =	vld.idx.msk [tilespmem:v47+s3+$0x0], $0xffff  }
0x30e: {  	v51 =	vadd.s32 $0x20, v3;
	v12 =	vld.idx.msk [tilespmem:v48+s3+$0x0], $0xffff  }
0x30f: {  	v52 =	vadd.s32 $0x20, v2  }
0x310: {  	[tilespmem:s19+$0x10800] =	vst v6  }
0x311: {  	v6 =	vld.idx.msk [tilespmem:v49+s3+$0x0], $0xffff;
	[tilespmem:s19+$0x10810] =	vst v8  }
0x312: {  	v53 =	vadd.s32 $0x22, v5;
	[tilespmem:s19+$0x10820] =	vst v10;
	v8 =	vld.idx.msk [tilespmem:v50+s3+$0x0], $0xffff  }
0x313: {  	v54 =	vadd.s32 $0x22, v4;
	[tilespmem:s19+$0x10830] =	vst v12;
	v10 =	vld.idx.msk [tilespmem:v51+s3+$0x0], $0xffff  }
0x314: {  	v55 =	vadd.s32 $0x22, v3;
	v12 =	vld.idx.msk [tilespmem:v52+s3+$0x0], $0xffff  }
0x315: {  	v56 =	vadd.s32 $0x22, v2  }
0x316: {  	[tilespmem:s19+$0x10900] =	vst v6  }
0x317: {  	v6 =	vld.idx.msk [tilespmem:v53+s3+$0x0], $0xffff;
	[tilespmem:s19+$0x10910] =	vst v8  }
0x318: {  	v57 =	vadd.s32 $0x24, v5;
	[tilespmem:s19+$0x10920] =	vst v10;
	v8 =	vld.idx.msk [tilespmem:v54+s3+$0x0], $0xffff  }
0x319: {  	v58 =	vadd.s32 $0x24, v4;
	[tilespmem:s19+$0x10930] =	vst v12;
	v10 =	vld.idx.msk [tilespmem:v55+s3+$0x0], $0xffff  }
0x31a: {  	v59 =	vadd.s32 $0x24, v3;
	v12 =	vld.idx.msk [tilespmem:v56+s3+$0x0], $0xffff  }
0x31b: {  	v60 =	vadd.s32 $0x24, v2  }
0x31c: {  	[tilespmem:s19+$0x10A00] =	vst v6  }
0x31d: {  	v6 =	vld.idx.msk [tilespmem:v57+s3+$0x0], $0xffff;
	[tilespmem:s19+$0x10A10] =	vst v8  }
0x31e: {  	v61 =	vadd.s32 $0x26, v5;
	[tilespmem:s19+$0x10A20] =	vst v10;
	v8 =	vld.idx.msk [tilespmem:v58+s3+$0x0], $0xffff  }
0x31f: {  	v62 =	vadd.s32 $0x26, v4;
	[tilespmem:s19+$0x10A30] =	vst v12;
	v10 =	vld.idx.msk [tilespmem:v59+s3+$0x0], $0xffff  }
0x320: {  	v63 =	vadd.s32 $0x26, v3;
	v12 =	vld.idx.msk [tilespmem:v60+s3+$0x0], $0xffff  }
0x321: {  	v16 =	vadd.s32 $0x26, v2  }
0x322: {  	[tilespmem:s19+$0x10B00] =	vst v6  }
0x323: {  	v6 =	vld.idx.msk [tilespmem:v61+s3+$0x0], $0xffff;
	[tilespmem:s19+$0x10B10] =	vst v8  }
0x324: {  	v17 =	vadd.s32 $0x28, v5;
	[tilespmem:s19+$0x10B20] =	vst v10;
	v8 =	vld.idx.msk [tilespmem:v62+s3+$0x0], $0xffff  }
0x325: {  	v18 =	vadd.s32 $0x28, v4;
	[tilespmem:s19+$0x10B30] =	vst v12;
	v10 =	vld.idx.msk [tilespmem:v63+s3+$0x0], $0xffff  }
0x326: {  	v19 =	vadd.s32 $0x28, v3;
	v12 =	vld.idx.msk [tilespmem:v16+s3+$0x0], $0xffff  }
0x327: {  	v20 =	vadd.s32 $0x28, v2  }
0x328: {  	[tilespmem:s19+$0x10C00] =	vst v6  }
0x329: {  	v6 =	vld.idx.msk [tilespmem:v17+s3+$0x0], $0xffff;
	[tilespmem:s19+$0x10C10] =	vst v8  }
0x32a: {  	v21 =	vadd.s32 $0x2A, v5;
	[tilespmem:s19+$0x10C20] =	vst v10;
	v8 =	vld.idx.msk [tilespmem:v18+s3+$0x0], $0xffff  }
0x32b: {  	v22 =	vadd.s32 $0x2A, v4;
	[tilespmem:s19+$0x10C30] =	vst v12;
	v10 =	vld.idx.msk [tilespmem:v19+s3+$0x0], $0xffff  }
0x32c: {  	v23 =	vadd.s32 $0x2A, v3;
	v12 =	vld.idx.msk [tilespmem:v20+s3+$0x0], $0xffff  }
0x32d: {  	v24 =	vadd.s32 $0x2A, v2  }
0x32e: {  	[tilespmem:s19+$0x10D00] =	vst v6  }
0x32f: {  	v6 =	vld.idx.msk [tilespmem:v21+s3+$0x0], $0xffff;
	[tilespmem:s19+$0x10D10] =	vst v8  }
0x330: {  	v25 =	vadd.s32 $0x2C, v5;
	[tilespmem:s19+$0x10D20] =	vst v10;
	v8 =	vld.idx.msk [tilespmem:v22+s3+$0x0], $0xffff  }
0x331: {  	v26 =	vadd.s32 $0x2C, v4;
	[tilespmem:s19+$0x10D30] =	vst v12;
	v10 =	vld.idx.msk [tilespmem:v23+s3+$0x0], $0xffff  }
0x332: {  	v27 =	vadd.s32 $0x2C, v3;
	v12 =	vld.idx.msk [tilespmem:v24+s3+$0x0], $0xffff  }
0x333: {  	v28 =	vadd.s32 $0x2C, v2  }
0x334: {  	[tilespmem:s19+$0x10E00] =	vst v6  }
0x335: {  	v6 =	vld.idx.msk [tilespmem:v25+s3+$0x0], $0xffff;
	[tilespmem:s19+$0x10E10] =	vst v8  }
0x336: {  	v29 =	vadd.s32 $0x2E, v5;
	[tilespmem:s19+$0x10E20] =	vst v10;
	v8 =	vld.idx.msk [tilespmem:v26+s3+$0x0], $0xffff  }
0x337: {  	v30 =	vadd.s32 $0x2E, v4;
	[tilespmem:s19+$0x10E30] =	vst v12;
	v10 =	vld.idx.msk [tilespmem:v27+s3+$0x0], $0xffff  }
0x338: {  	v31 =	vadd.s32 $0x2E, v3;
	v12 =	vld.idx.msk [tilespmem:v28+s3+$0x0], $0xffff  }
0x339: {  	v32 =	vadd.s32 $0x2E, v2  }
0x33a: {  	[tilespmem:s19+$0x10F00] =	vst v6  }
0x33b: {  	v6 =	vld.idx.msk [tilespmem:v29+s3+$0x0], $0xffff;
	[tilespmem:s19+$0x10F10] =	vst v8  }
0x33c: {  	v33 =	vadd.s32 $0x30, v5;
	[tilespmem:s19+$0x10F20] =	vst v10;
	v8 =	vld.idx.msk [tilespmem:v30+s3+$0x0], $0xffff  }
0x33d: {  	v34 =	vadd.s32 $0x30, v4;
	[tilespmem:s19+$0x10F30] =	vst v12;
	v10 =	vld.idx.msk [tilespmem:v31+s3+$0x0], $0xffff  }
0x33e: {  	v35 =	vadd.s32 $0x30, v3;
	v12 =	vld.idx.msk [tilespmem:v32+s3+$0x0], $0xffff  }
0x33f: {  	v36 =	vadd.s32 $0x30, v2  }
0x340: {  	[tilespmem:s19+$0x11000] =	vst v6  }
0x341: {  	v6 =	vld.idx.msk [tilespmem:v33+s3+$0x0], $0xffff;
	[tilespmem:s19+$0x11010] =	vst v8  }
0x342: {  	v37 =	vadd.s32 $0x32, v5;
	[tilespmem:s19+$0x11020] =	vst v10;
	v8 =	vld.idx.msk [tilespmem:v34+s3+$0x0], $0xffff  }
0x343: {  	v38 =	vadd.s32 $0x32, v4;
	[tilespmem:s19+$0x11030] =	vst v12;
	v10 =	vld.idx.msk [tilespmem:v35+s3+$0x0], $0xffff  }
0x344: {  	v39 =	vadd.s32 $0x32, v3;
	v12 =	vld.idx.msk [tilespmem:v36+s3+$0x0], $0xffff  }
0x345: {  	v40 =	vadd.s32 $0x32, v2  }
0x346: {  	[tilespmem:s19+$0x11100] =	vst v6  }
0x347: {  	v6 =	vld.idx.msk [tilespmem:v37+s3+$0x0], $0xffff;
	[tilespmem:s19+$0x11110] =	vst v8  }
0x348: {  	v41 =	vadd.s32 $0x34, v5;
	[tilespmem:s19+$0x11120] =	vst v10;
	v8 =	vld.idx.msk [tilespmem:v38+s3+$0x0], $0xffff  }
0x349: {  	v42 =	vadd.s32 $0x34, v4;
	[tilespmem:s19+$0x11130] =	vst v12;
	v10 =	vld.idx.msk [tilespmem:v39+s3+$0x0], $0xffff  }
0x34a: {  	v43 =	vadd.s32 $0x34, v3;
	v12 =	vld.idx.msk [tilespmem:v40+s3+$0x0], $0xffff  }
0x34b: {  	v44 =	vadd.s32 $0x34, v2  }
0x34c: {  	[tilespmem:s19+$0x11200] =	vst v6  }
0x34d: {  	v6 =	vld.idx.msk [tilespmem:v41+s3+$0x0], $0xffff;
	[tilespmem:s19+$0x11210] =	vst v8  }
0x34e: {  	v45 =	vadd.s32 $0x36, v5;
	[tilespmem:s19+$0x11220] =	vst v10;
	v8 =	vld.idx.msk [tilespmem:v42+s3+$0x0], $0xffff  }
0x34f: {  	v46 =	vadd.s32 $0x36, v4;
	[tilespmem:s19+$0x11230] =	vst v12;
	v10 =	vld.idx.msk [tilespmem:v43+s3+$0x0], $0xffff  }
0x350: {  	v47 =	vadd.s32 $0x36, v3;
	v12 =	vld.idx.msk [tilespmem:v44+s3+$0x0], $0xffff  }
0x351: {  	v48 =	vadd.s32 $0x36, v2  }
0x352: {  	[tilespmem:s19+$0x11300] =	vst v6  }
0x353: {  	v6 =	vld.idx.msk [tilespmem:v45+s3+$0x0], $0xffff;
	[tilespmem:s19+$0x11310] =	vst v8  }
0x354: {  	v49 =	vadd.s32 $0x38, v5;
	[tilespmem:s19+$0x11320] =	vst v10;
	v8 =	vld.idx.msk [tilespmem:v46+s3+$0x0], $0xffff  }
0x355: {  	v50 =	vadd.s32 $0x38, v4;
	[tilespmem:s19+$0x11330] =	vst v12;
	v10 =	vld.idx.msk [tilespmem:v47+s3+$0x0], $0xffff  }
0x356: {  	v51 =	vadd.s32 $0x38, v3;
	v12 =	vld.idx.msk [tilespmem:v48+s3+$0x0], $0xffff  }
0x357: {  	v52 =	vadd.s32 $0x38, v2  }
0x358: {  	[tilespmem:s19+$0x11400] =	vst v6  }
0x359: {  	v6 =	vld.idx.msk [tilespmem:v49+s3+$0x0], $0xffff;
	[tilespmem:s19+$0x11410] =	vst v8  }
0x35a: {  	v53 =	vadd.s32 $0x3A, v5;
	[tilespmem:s19+$0x11420] =	vst v10;
	v8 =	vld.idx.msk [tilespmem:v50+s3+$0x0], $0xffff  }
0x35b: {  	v54 =	vadd.s32 $0x3A, v4;
	[tilespmem:s19+$0x11430] =	vst v12;
	v10 =	vld.idx.msk [tilespmem:v51+s3+$0x0], $0xffff  }
0x35c: {  	v55 =	vadd.s32 $0x3A, v3;
	v12 =	vld.idx.msk [tilespmem:v52+s3+$0x0], $0xffff  }
0x35d: {  	v56 =	vadd.s32 $0x3A, v2  }
0x35e: {  	[tilespmem:s19+$0x11500] =	vst v6  }
0x35f: {  	v6 =	vld.idx.msk [tilespmem:v53+s3+$0x0], $0xffff;
	[tilespmem:s19+$0x11510] =	vst v8  }
0x360: {  	v57 =	vadd.s32 $0x3C, v5;
	[tilespmem:s19+$0x11520] =	vst v10;
	v8 =	vld.idx.msk [tilespmem:v54+s3+$0x0], $0xffff  }
0x361: {  	v58 =	vadd.s32 $0x3C, v4;
	[tilespmem:s19+$0x11530] =	vst v12;
	v10 =	vld.idx.msk [tilespmem:v55+s3+$0x0], $0xffff  }
0x362: {  	v59 =	vadd.s32 $0x3C, v3;
	v12 =	vld.idx.msk [tilespmem:v56+s3+$0x0], $0xffff  }
0x363: {  	v60 =	vadd.s32 $0x3C, v2  }
0x364: {  	[tilespmem:s19+$0x11600] =	vst v6  }
0x365: {  	[tilespmem:s19+$0x11610] =	vst v8;
	v6 =	vld.idx.msk [tilespmem:v57+s3+$0x0], $0xffff  }
0x366: {  	v5 =	vadd.s32 $0x3E, v5;
	[tilespmem:s19+$0x11620] =	vst v10;
	v61 =	vld.idx.msk [tilespmem:v58+s3+$0x0], $0xffff  }
0x367: {  	v4 =	vadd.s32 $0x3E, v4;
	[tilespmem:s19+$0x11630] =	vst v12;
	v62 =	vld.idx.msk [tilespmem:v59+s3+$0x0], $0xffff  }
0x368: {  	v3 =	vadd.s32 $0x3E, v3;
	v63 =	vld.idx.msk [tilespmem:v60+s3+$0x0], $0xffff  }
0x369: {  	v2 =	vadd.s32 $0x3E, v2  }
0x36a: {  	[tilespmem:s19+$0x11700] =	vst v6  }
0x36b: {  	[tilespmem:s19+$0x11710] =	vst v61;
	v5 =	vld.idx.msk [tilespmem:v5+s3+$0x0], $0xffff  }
0x36c: {  	[tilespmem:s19+$0x11720] =	vst v62;
	v4 =	vld.idx.msk [tilespmem:v4+s3+$0x0], $0xffff  }
0x36d: {  	[tilespmem:s19+$0x11730] =	vst v63;
	v3 =	vld.idx.msk [tilespmem:v3+s3+$0x0], $0xffff  }
0x36e: {  	p2 =	por p1, p1;
	v2 =	vld.idx.msk [tilespmem:v2+s3+$0x0], $0xffff  }
.Ltmp3:
0x36f: {  	_ = 	snop;
	(pc) =	sbr.rel @p2 .LBB2_9-.Ltmp3, $4  }
0x370: {  	[tilespmem:s19+$0x11800] =	vst v5  }
0x371: {  	[tilespmem:s19+$0x11810] =	vst v4  }
0x372: {  	[tilespmem:s19+$0x11820] =	vst v3  }
0x373: {  	p1 =	por $0x0, $0x0;
	[tilespmem:s19+$0x11830] =	vst v2;
	s19 =	simm.s32 $0x40  }
0x374: {  	s19 =	sshll.u32 s17, $0x15  }
0x375: {  	s19 =	sor.u32 s6, s19  }
0x376: {  	s19 =	sshrl.u32 s19, $0x3  }
0x377: {  	s20 =	simm.s32 @!p0 $0x2;
	s19 =	sadd.s32 s2, s19  }
0x378: {  	[hbm4b:s19+s10] =	stream.strided.scatter [tilespmem:s12], [sflag:$0x1], $0x8000, s11, s10, $0x38;
	[tilespmem:$0x19900] =	vst v63  }
0x379: {  	_ =	swait.ge @!p0 [sflag:s20], $0x8000  }
0x37a: {  	s19 =	sor.u32 $0x4, s18;
	[sflag:s20] =	ssyncset.done @!p0 $0x0  }
0x37b: {  	v1 =	vmov s19;
	[sflag:s20] =	ssyncadd.s32 @!p0 $0xFFFF8000;
	s20 =	simm.s32 $0x0;
	p0 =	por $0x1, $0x1  }
.LBB2_11:
0x37c: {  	v2 =	vmov s20;
	s21 =	sor.u32 $0x10, s20  }
0x37d: {  	s30 =	sor.u32 $0x20, s20;
	v2 =	vmul.u32 $0xC8, v2;
	v3 =	vmov s21  }
0x37e: {  	s31 =	sor.u32 $0x30, s20;
	v4 =	vmov s30;
	v3 =	vmul.u32 $0xC8, v3  }
0x37f: {  	v5 =	vmov s31;
	v4 =	vmul.u32 $0xC8, v4;
	v2 =	vadd.s32 v1, v2  }
0x380: {  	v5 =	vmul.u32 $0xC8, v5;
	v2 =	vbroadcast v2, $0x0;
	v3 =	vadd.s32 v1, v3  }
0x381: {  	v4 =	vadd.s32 v1, v4;
	v3 =	vbroadcast v3, $0x0  }
0x382: {  	v5 =	vadd.s32 v1, v5;
	v4 =	vbroadcast v4, $0x0;
	v2 =	vadd.s32 v0, v2  }
0x383: {  	v5 =	vbroadcast v5, $0x0;
	v3 =	vadd.s32 v0, v3  }
0x384: {  	v4 =	vadd.s32 v0, v4  }
0x385: {  	v5 =	vadd.s32 v0, v5;
	_ =	sdelay $0x1  }
0x386: {  	v2 =	vld.idx.msk [tilespmem:v2+s9+$0x0], $0xffff  }
0x387: {  	v3 =	vld.idx.msk [tilespmem:v3+s9+$0x0], $0xffff  }
0x388: {  	v6 =	vld.idx.msk [tilespmem:v4+s9+$0x0], $0xffff  }
0x389: {  	v7 =	vld.idx.msk [tilespmem:v5+s9+$0x0], $0xffff;
	_ =	sdelay $0x1  }
0x38a: {  	v5 =	vmul.u32 $0x41, v2  }
0x38b: {  	v4 =	vmul.u32 $0x41, v3  }
0x38c: {  	v3 =	vmul.u32 $0x41, v6  }
0x38d: {  	v2 =	vmul.u32 $0x41, v7;
	_ =	sdelay $0x2  }
0x38e: {  	v39 =	vld.idx.msk [tilespmem:v5+s3+$0x0], $0xffff  }
0x38f: {  	v40 =	vadd.s32 $0x2, v5;
	v8 =	vld.idx.msk [tilespmem:v4+s3+$0x0], $0xffff  }
0x390: {  	v9 =	vadd.s32 $0x2, v4;
	v10 =	vld.idx.msk [tilespmem:v3+s3+$0x0], $0xffff  }
0x391: {  	v11 =	vadd.s32 $0x2, v3;
	v12 =	vld.idx.msk [tilespmem:v2+s3+$0x0], $0xffff  }
0x392: {  	v13 =	vadd.s32 $0x2, v2  }
0x393: {  	[tilespmem:s20+$0x11900] =	vst v39  }
0x394: {  	v6 =	vld.idx.msk [tilespmem:v40+s3+$0x0], $0xffff;
	[tilespmem:s20+$0x11910] =	vst v8  }
0x395: {  	v41 =	vadd.s32 $0x4, v5;
	[tilespmem:s20+$0x11920] =	vst v10;
	v8 =	vld.idx.msk [tilespmem:v9+s3+$0x0], $0xffff  }
0x396: {  	v42 =	vadd.s32 $0x4, v4;
	[tilespmem:s20+$0x11930] =	vst v12;
	v10 =	vld.idx.msk [tilespmem:v11+s3+$0x0], $0xffff  }
0x397: {  	v43 =	vadd.s32 $0x4, v3;
	v12 =	vld.idx.msk [tilespmem:v13+s3+$0x0], $0xffff  }
0x398: {  	v44 =	vadd.s32 $0x4, v2  }
0x399: {  	[tilespmem:s20+$0x11A00] =	vst v6  }
0x39a: {  	v6 =	vld.idx.msk [tilespmem:v41+s3+$0x0], $0xffff;
	[tilespmem:s20+$0x11A10] =	vst v8  }
0x39b: {  	v45 =	vadd.s32 $0x6, v5;
	[tilespmem:s20+$0x11A20] =	vst v10;
	v8 =	vld.idx.msk [tilespmem:v42+s3+$0x0], $0xffff  }
0x39c: {  	v46 =	vadd.s32 $0x6, v4;
	[tilespmem:s20+$0x11A30] =	vst v12;
	v10 =	vld.idx.msk [tilespmem:v43+s3+$0x0], $0xffff  }
0x39d: {  	v47 =	vadd.s32 $0x6, v3;
	v12 =	vld.idx.msk [tilespmem:v44+s3+$0x0], $0xffff  }
0x39e: {  	v48 =	vadd.s32 $0x6, v2  }
0x39f: {  	[tilespmem:s20+$0x11B00] =	vst v6  }
0x3a0: {  	v6 =	vld.idx.msk [tilespmem:v45+s3+$0x0], $0xffff;
	[tilespmem:s20+$0x11B10] =	vst v8  }
0x3a1: {  	v49 =	vadd.s32 $0x8, v5;
	[tilespmem:s20+$0x11B20] =	vst v10;
	v8 =	vld.idx.msk [tilespmem:v46+s3+$0x0], $0xffff  }
0x3a2: {  	v50 =	vadd.s32 $0x8, v4;
	[tilespmem:s20+$0x11B30] =	vst v12;
	v10 =	vld.idx.msk [tilespmem:v47+s3+$0x0], $0xffff  }
0x3a3: {  	v51 =	vadd.s32 $0x8, v3;
	v12 =	vld.idx.msk [tilespmem:v48+s3+$0x0], $0xffff  }
0x3a4: {  	v52 =	vadd.s32 $0x8, v2  }
0x3a5: {  	[tilespmem:s20+$0x11C00] =	vst v6  }
0x3a6: {  	v6 =	vld.idx.msk [tilespmem:v49+s3+$0x0], $0xffff;
	[tilespmem:s20+$0x11C10] =	vst v8  }
0x3a7: {  	v53 =	vadd.s32 $0xA, v5;
	[tilespmem:s20+$0x11C20] =	vst v10;
	v8 =	vld.idx.msk [tilespmem:v50+s3+$0x0], $0xffff  }
0x3a8: {  	v54 =	vadd.s32 $0xA, v4;
	[tilespmem:s20+$0x11C30] =	vst v12;
	v10 =	vld.idx.msk [tilespmem:v51+s3+$0x0], $0xffff  }
0x3a9: {  	v55 =	vadd.s32 $0xA, v3;
	v12 =	vld.idx.msk [tilespmem:v52+s3+$0x0], $0xffff  }
0x3aa: {  	v56 =	vadd.s32 $0xA, v2  }
0x3ab: {  	[tilespmem:s20+$0x11D00] =	vst v6  }
0x3ac: {  	v6 =	vld.idx.msk [tilespmem:v53+s3+$0x0], $0xffff;
	[tilespmem:s20+$0x11D10] =	vst v8  }
0x3ad: {  	v57 =	vadd.s32 $0xC, v5;
	[tilespmem:s20+$0x11D20] =	vst v10;
	v8 =	vld.idx.msk [tilespmem:v54+s3+$0x0], $0xffff  }
0x3ae: {  	v58 =	vadd.s32 $0xC, v4;
	[tilespmem:s20+$0x11D30] =	vst v12;
	v10 =	vld.idx.msk [tilespmem:v55+s3+$0x0], $0xffff  }
0x3af: {  	v59 =	vadd.s32 $0xC, v3;
	v12 =	vld.idx.msk [tilespmem:v56+s3+$0x0], $0xffff  }
0x3b0: {  	v60 =	vadd.s32 $0xC, v2  }
0x3b1: {  	[tilespmem:s20+$0x11E00] =	vst v6  }
0x3b2: {  	v6 =	vld.idx.msk [tilespmem:v57+s3+$0x0], $0xffff;
	[tilespmem:s20+$0x11E10] =	vst v8  }
0x3b3: {  	v61 =	vadd.s32 $0xE, v5;
	[tilespmem:s20+$0x11E20] =	vst v10;
	v8 =	vld.idx.msk [tilespmem:v58+s3+$0x0], $0xffff  }
0x3b4: {  	v62 =	vadd.s32 $0xE, v4;
	[tilespmem:s20+$0x11E30] =	vst v12;
	v10 =	vld.idx.msk [tilespmem:v59+s3+$0x0], $0xffff  }
0x3b5: {  	v63 =	vadd.s32 $0xE, v3;
	v12 =	vld.idx.msk [tilespmem:v60+s3+$0x0], $0xffff  }
0x3b6: {  	v16 =	vadd.s32 $0xE, v2  }
0x3b7: {  	[tilespmem:s20+$0x11F00] =	vst v6  }
0x3b8: {  	v6 =	vld.idx.msk [tilespmem:v61+s3+$0x0], $0xffff;
	[tilespmem:s20+$0x11F10] =	vst v8  }
0x3b9: {  	v17 =	vadd.s32 $0x10, v5;
	[tilespmem:s20+$0x11F20] =	vst v10;
	v8 =	vld.idx.msk [tilespmem:v62+s3+$0x0], $0xffff  }
0x3ba: {  	v18 =	vadd.s32 $0x10, v4;
	[tilespmem:s20+$0x11F30] =	vst v12;
	v10 =	vld.idx.msk [tilespmem:v63+s3+$0x0], $0xffff  }
0x3bb: {  	v19 =	vadd.s32 $0x10, v3;
	v12 =	vld.idx.msk [tilespmem:v16+s3+$0x0], $0xffff  }
0x3bc: {  	v20 =	vadd.s32 $0x10, v2  }
0x3bd: {  	[tilespmem:s20+$0x12000] =	vst v6  }
0x3be: {  	v6 =	vld.idx.msk [tilespmem:v17+s3+$0x0], $0xffff;
	[tilespmem:s20+$0x12010] =	vst v8  }
0x3bf: {  	v21 =	vadd.s32 $0x12, v5;
	[tilespmem:s20+$0x12020] =	vst v10;
	v8 =	vld.idx.msk [tilespmem:v18+s3+$0x0], $0xffff  }
0x3c0: {  	v22 =	vadd.s32 $0x12, v4;
	[tilespmem:s20+$0x12030] =	vst v12;
	v10 =	vld.idx.msk [tilespmem:v19+s3+$0x0], $0xffff  }
0x3c1: {  	v23 =	vadd.s32 $0x12, v3;
	v12 =	vld.idx.msk [tilespmem:v20+s3+$0x0], $0xffff  }
0x3c2: {  	v24 =	vadd.s32 $0x12, v2  }
0x3c3: {  	[tilespmem:s20+$0x12100] =	vst v6  }
0x3c4: {  	v6 =	vld.idx.msk [tilespmem:v21+s3+$0x0], $0xffff;
	[tilespmem:s20+$0x12110] =	vst v8  }
0x3c5: {  	v25 =	vadd.s32 $0x14, v5;
	[tilespmem:s20+$0x12120] =	vst v10;
	v8 =	vld.idx.msk [tilespmem:v22+s3+$0x0], $0xffff  }
0x3c6: {  	v26 =	vadd.s32 $0x14, v4;
	[tilespmem:s20+$0x12130] =	vst v12;
	v10 =	vld.idx.msk [tilespmem:v23+s3+$0x0], $0xffff  }
0x3c7: {  	v27 =	vadd.s32 $0x14, v3;
	v12 =	vld.idx.msk [tilespmem:v24+s3+$0x0], $0xffff  }
0x3c8: {  	v28 =	vadd.s32 $0x14, v2  }
0x3c9: {  	[tilespmem:s20+$0x12200] =	vst v6  }
0x3ca: {  	v6 =	vld.idx.msk [tilespmem:v25+s3+$0x0], $0xffff;
	[tilespmem:s20+$0x12210] =	vst v8  }
0x3cb: {  	v29 =	vadd.s32 $0x16, v5;
	[tilespmem:s20+$0x12220] =	vst v10;
	v8 =	vld.idx.msk [tilespmem:v26+s3+$0x0], $0xffff  }
0x3cc: {  	v30 =	vadd.s32 $0x16, v4;
	[tilespmem:s20+$0x12230] =	vst v12;
	v10 =	vld.idx.msk [tilespmem:v27+s3+$0x0], $0xffff  }
0x3cd: {  	v31 =	vadd.s32 $0x16, v3;
	v12 =	vld.idx.msk [tilespmem:v28+s3+$0x0], $0xffff  }
0x3ce: {  	v32 =	vadd.s32 $0x16, v2  }
0x3cf: {  	[tilespmem:s20+$0x12300] =	vst v6  }
0x3d0: {  	v6 =	vld.idx.msk [tilespmem:v29+s3+$0x0], $0xffff;
	[tilespmem:s20+$0x12310] =	vst v8  }
0x3d1: {  	v33 =	vadd.s32 $0x18, v5;
	[tilespmem:s20+$0x12320] =	vst v10;
	v8 =	vld.idx.msk [tilespmem:v30+s3+$0x0], $0xffff  }
0x3d2: {  	v34 =	vadd.s32 $0x18, v4;
	[tilespmem:s20+$0x12330] =	vst v12;
	v10 =	vld.idx.msk [tilespmem:v31+s3+$0x0], $0xffff  }
0x3d3: {  	v35 =	vadd.s32 $0x18, v3;
	v12 =	vld.idx.msk [tilespmem:v32+s3+$0x0], $0xffff  }
0x3d4: {  	v36 =	vadd.s32 $0x18, v2  }
0x3d5: {  	[tilespmem:s20+$0x12400] =	vst v6  }
0x3d6: {  	v6 =	vld.idx.msk [tilespmem:v33+s3+$0x0], $0xffff;
	[tilespmem:s20+$0x12410] =	vst v8  }
0x3d7: {  	v37 =	vadd.s32 $0x1A, v5;
	[tilespmem:s20+$0x12420] =	vst v10;
	v8 =	vld.idx.msk [tilespmem:v34+s3+$0x0], $0xffff  }
0x3d8: {  	v38 =	vadd.s32 $0x1A, v4;
	[tilespmem:s20+$0x12430] =	vst v12;
	v10 =	vld.idx.msk [tilespmem:v35+s3+$0x0], $0xffff  }
0x3d9: {  	v39 =	vadd.s32 $0x1A, v3;
	v12 =	vld.idx.msk [tilespmem:v36+s3+$0x0], $0xffff  }
0x3da: {  	v40 =	vadd.s32 $0x1A, v2  }
0x3db: {  	[tilespmem:s20+$0x12500] =	vst v6  }
0x3dc: {  	v6 =	vld.idx.msk [tilespmem:v37+s3+$0x0], $0xffff;
	[tilespmem:s20+$0x12510] =	vst v8  }
0x3dd: {  	v41 =	vadd.s32 $0x1C, v5;
	[tilespmem:s20+$0x12520] =	vst v10;
	v8 =	vld.idx.msk [tilespmem:v38+s3+$0x0], $0xffff  }
0x3de: {  	v42 =	vadd.s32 $0x1C, v4;
	[tilespmem:s20+$0x12530] =	vst v12;
	v10 =	vld.idx.msk [tilespmem:v39+s3+$0x0], $0xffff  }
0x3df: {  	v43 =	vadd.s32 $0x1C, v3;
	v12 =	vld.idx.msk [tilespmem:v40+s3+$0x0], $0xffff  }
0x3e0: {  	v44 =	vadd.s32 $0x1C, v2  }
0x3e1: {  	[tilespmem:s20+$0x12600] =	vst v6  }
0x3e2: {  	v6 =	vld.idx.msk [tilespmem:v41+s3+$0x0], $0xffff;
	[tilespmem:s20+$0x12610] =	vst v8  }
0x3e3: {  	v45 =	vadd.s32 $0x1E, v5;
	[tilespmem:s20+$0x12620] =	vst v10;
	v8 =	vld.idx.msk [tilespmem:v42+s3+$0x0], $0xffff  }
0x3e4: {  	v46 =	vadd.s32 $0x1E, v4;
	[tilespmem:s20+$0x12630] =	vst v12;
	v10 =	vld.idx.msk [tilespmem:v43+s3+$0x0], $0xffff  }
0x3e5: {  	v47 =	vadd.s32 $0x1E, v3;
	v12 =	vld.idx.msk [tilespmem:v44+s3+$0x0], $0xffff  }
0x3e6: {  	v48 =	vadd.s32 $0x1E, v2  }
0x3e7: {  	[tilespmem:s20+$0x12700] =	vst v6  }
0x3e8: {  	v6 =	vld.idx.msk [tilespmem:v45+s3+$0x0], $0xffff;
	[tilespmem:s20+$0x12710] =	vst v8  }
0x3e9: {  	v49 =	vadd.s32 $0x20, v5;
	[tilespmem:s20+$0x12720] =	vst v10;
	v8 =	vld.idx.msk [tilespmem:v46+s3+$0x0], $0xffff  }
0x3ea: {  	v50 =	vadd.s32 $0x20, v4;
	[tilespmem:s20+$0x12730] =	vst v12;
	v10 =	vld.idx.msk [tilespmem:v47+s3+$0x0], $0xffff  }
0x3eb: {  	v51 =	vadd.s32 $0x20, v3;
	v12 =	vld.idx.msk [tilespmem:v48+s3+$0x0], $0xffff  }
0x3ec: {  	v52 =	vadd.s32 $0x20, v2  }
0x3ed: {  	[tilespmem:s20+$0x12800] =	vst v6  }
0x3ee: {  	v6 =	vld.idx.msk [tilespmem:v49+s3+$0x0], $0xffff;
	[tilespmem:s20+$0x12810] =	vst v8  }
0x3ef: {  	v53 =	vadd.s32 $0x22, v5;
	[tilespmem:s20+$0x12820] =	vst v10;
	v8 =	vld.idx.msk [tilespmem:v50+s3+$0x0], $0xffff  }
0x3f0: {  	v54 =	vadd.s32 $0x22, v4;
	[tilespmem:s20+$0x12830] =	vst v12;
	v10 =	vld.idx.msk [tilespmem:v51+s3+$0x0], $0xffff  }
0x3f1: {  	v55 =	vadd.s32 $0x22, v3;
	v12 =	vld.idx.msk [tilespmem:v52+s3+$0x0], $0xffff  }
0x3f2: {  	v56 =	vadd.s32 $0x22, v2  }
0x3f3: {  	[tilespmem:s20+$0x12900] =	vst v6  }
0x3f4: {  	v6 =	vld.idx.msk [tilespmem:v53+s3+$0x0], $0xffff;
	[tilespmem:s20+$0x12910] =	vst v8  }
0x3f5: {  	v57 =	vadd.s32 $0x24, v5;
	[tilespmem:s20+$0x12920] =	vst v10;
	v8 =	vld.idx.msk [tilespmem:v54+s3+$0x0], $0xffff  }
0x3f6: {  	v58 =	vadd.s32 $0x24, v4;
	[tilespmem:s20+$0x12930] =	vst v12;
	v10 =	vld.idx.msk [tilespmem:v55+s3+$0x0], $0xffff  }
0x3f7: {  	v59 =	vadd.s32 $0x24, v3;
	v12 =	vld.idx.msk [tilespmem:v56+s3+$0x0], $0xffff  }
0x3f8: {  	v60 =	vadd.s32 $0x24, v2  }
0x3f9: {  	[tilespmem:s20+$0x12A00] =	vst v6  }
0x3fa: {  	v6 =	vld.idx.msk [tilespmem:v57+s3+$0x0], $0xffff;
	[tilespmem:s20+$0x12A10] =	vst v8  }
0x3fb: {  	v61 =	vadd.s32 $0x26, v5;
	[tilespmem:s20+$0x12A20] =	vst v10;
	v8 =	vld.idx.msk [tilespmem:v58+s3+$0x0], $0xffff  }
0x3fc: {  	v62 =	vadd.s32 $0x26, v4;
	[tilespmem:s20+$0x12A30] =	vst v12;
	v10 =	vld.idx.msk [tilespmem:v59+s3+$0x0], $0xffff  }
0x3fd: {  	v63 =	vadd.s32 $0x26, v3;
	v12 =	vld.idx.msk [tilespmem:v60+s3+$0x0], $0xffff  }
0x3fe: {  	v16 =	vadd.s32 $0x26, v2  }
0x3ff: {  	[tilespmem:s20+$0x12B00] =	vst v6  }
0x400: {  	v6 =	vld.idx.msk [tilespmem:v61+s3+$0x0], $0xffff;
	[tilespmem:s20+$0x12B10] =	vst v8  }
0x401: {  	v17 =	vadd.s32 $0x28, v5;
	[tilespmem:s20+$0x12B20] =	vst v10;
	v8 =	vld.idx.msk [tilespmem:v62+s3+$0x0], $0xffff  }
0x402: {  	v18 =	vadd.s32 $0x28, v4;
	[tilespmem:s20+$0x12B30] =	vst v12;
	v10 =	vld.idx.msk [tilespmem:v63+s3+$0x0], $0xffff  }
0x403: {  	v19 =	vadd.s32 $0x28, v3;
	v12 =	vld.idx.msk [tilespmem:v16+s3+$0x0], $0xffff  }
0x404: {  	v20 =	vadd.s32 $0x28, v2  }
0x405: {  	[tilespmem:s20+$0x12C00] =	vst v6  }
0x406: {  	v6 =	vld.idx.msk [tilespmem:v17+s3+$0x0], $0xffff;
	[tilespmem:s20+$0x12C10] =	vst v8  }
0x407: {  	v21 =	vadd.s32 $0x2A, v5;
	[tilespmem:s20+$0x12C20] =	vst v10;
	v8 =	vld.idx.msk [tilespmem:v18+s3+$0x0], $0xffff  }
0x408: {  	v22 =	vadd.s32 $0x2A, v4;
	[tilespmem:s20+$0x12C30] =	vst v12;
	v10 =	vld.idx.msk [tilespmem:v19+s3+$0x0], $0xffff  }
0x409: {  	v23 =	vadd.s32 $0x2A, v3;
	v12 =	vld.idx.msk [tilespmem:v20+s3+$0x0], $0xffff  }
0x40a: {  	v24 =	vadd.s32 $0x2A, v2  }
0x40b: {  	[tilespmem:s20+$0x12D00] =	vst v6  }
0x40c: {  	v6 =	vld.idx.msk [tilespmem:v21+s3+$0x0], $0xffff;
	[tilespmem:s20+$0x12D10] =	vst v8  }
0x40d: {  	v25 =	vadd.s32 $0x2C, v5;
	[tilespmem:s20+$0x12D20] =	vst v10;
	v8 =	vld.idx.msk [tilespmem:v22+s3+$0x0], $0xffff  }
0x40e: {  	v26 =	vadd.s32 $0x2C, v4;
	[tilespmem:s20+$0x12D30] =	vst v12;
	v10 =	vld.idx.msk [tilespmem:v23+s3+$0x0], $0xffff  }
0x40f: {  	v27 =	vadd.s32 $0x2C, v3;
	v12 =	vld.idx.msk [tilespmem:v24+s3+$0x0], $0xffff  }
0x410: {  	v28 =	vadd.s32 $0x2C, v2  }
0x411: {  	[tilespmem:s20+$0x12E00] =	vst v6  }
0x412: {  	v6 =	vld.idx.msk [tilespmem:v25+s3+$0x0], $0xffff;
	[tilespmem:s20+$0x12E10] =	vst v8  }
0x413: {  	v29 =	vadd.s32 $0x2E, v5;
	[tilespmem:s20+$0x12E20] =	vst v10;
	v8 =	vld.idx.msk [tilespmem:v26+s3+$0x0], $0xffff  }
0x414: {  	v30 =	vadd.s32 $0x2E, v4;
	[tilespmem:s20+$0x12E30] =	vst v12;
	v10 =	vld.idx.msk [tilespmem:v27+s3+$0x0], $0xffff  }
0x415: {  	v31 =	vadd.s32 $0x2E, v3;
	v12 =	vld.idx.msk [tilespmem:v28+s3+$0x0], $0xffff  }
0x416: {  	v32 =	vadd.s32 $0x2E, v2  }
0x417: {  	[tilespmem:s20+$0x12F00] =	vst v6  }
0x418: {  	v6 =	vld.idx.msk [tilespmem:v29+s3+$0x0], $0xffff;
	[tilespmem:s20+$0x12F10] =	vst v8  }
0x419: {  	v33 =	vadd.s32 $0x30, v5;
	[tilespmem:s20+$0x12F20] =	vst v10;
	v8 =	vld.idx.msk [tilespmem:v30+s3+$0x0], $0xffff  }
0x41a: {  	v34 =	vadd.s32 $0x30, v4;
	[tilespmem:s20+$0x12F30] =	vst v12;
	v10 =	vld.idx.msk [tilespmem:v31+s3+$0x0], $0xffff  }
0x41b: {  	v35 =	vadd.s32 $0x30, v3;
	v12 =	vld.idx.msk [tilespmem:v32+s3+$0x0], $0xffff  }
0x41c: {  	v36 =	vadd.s32 $0x30, v2  }
0x41d: {  	[tilespmem:s20+$0x13000] =	vst v6  }
0x41e: {  	v6 =	vld.idx.msk [tilespmem:v33+s3+$0x0], $0xffff;
	[tilespmem:s20+$0x13010] =	vst v8  }
0x41f: {  	v37 =	vadd.s32 $0x32, v5;
	[tilespmem:s20+$0x13020] =	vst v10;
	v8 =	vld.idx.msk [tilespmem:v34+s3+$0x0], $0xffff  }
0x420: {  	v38 =	vadd.s32 $0x32, v4;
	[tilespmem:s20+$0x13030] =	vst v12;
	v10 =	vld.idx.msk [tilespmem:v35+s3+$0x0], $0xffff  }
0x421: {  	v39 =	vadd.s32 $0x32, v3;
	v12 =	vld.idx.msk [tilespmem:v36+s3+$0x0], $0xffff  }
0x422: {  	v40 =	vadd.s32 $0x32, v2  }
0x423: {  	[tilespmem:s20+$0x13100] =	vst v6  }
0x424: {  	v6 =	vld.idx.msk [tilespmem:v37+s3+$0x0], $0xffff;
	[tilespmem:s20+$0x13110] =	vst v8  }
0x425: {  	v41 =	vadd.s32 $0x34, v5;
	[tilespmem:s20+$0x13120] =	vst v10;
	v8 =	vld.idx.msk [tilespmem:v38+s3+$0x0], $0xffff  }
0x426: {  	v42 =	vadd.s32 $0x34, v4;
	[tilespmem:s20+$0x13130] =	vst v12;
	v10 =	vld.idx.msk [tilespmem:v39+s3+$0x0], $0xffff  }
0x427: {  	v43 =	vadd.s32 $0x34, v3;
	v12 =	vld.idx.msk [tilespmem:v40+s3+$0x0], $0xffff  }
0x428: {  	v44 =	vadd.s32 $0x34, v2  }
0x429: {  	[tilespmem:s20+$0x13200] =	vst v6  }
0x42a: {  	v6 =	vld.idx.msk [tilespmem:v41+s3+$0x0], $0xffff;
	[tilespmem:s20+$0x13210] =	vst v8  }
0x42b: {  	v45 =	vadd.s32 $0x36, v5;
	[tilespmem:s20+$0x13220] =	vst v10;
	v8 =	vld.idx.msk [tilespmem:v42+s3+$0x0], $0xffff  }
0x42c: {  	v46 =	vadd.s32 $0x36, v4;
	[tilespmem:s20+$0x13230] =	vst v12;
	v10 =	vld.idx.msk [tilespmem:v43+s3+$0x0], $0xffff  }
0x42d: {  	v47 =	vadd.s32 $0x36, v3;
	v12 =	vld.idx.msk [tilespmem:v44+s3+$0x0], $0xffff  }
0x42e: {  	v48 =	vadd.s32 $0x36, v2  }
0x42f: {  	[tilespmem:s20+$0x13300] =	vst v6  }
0x430: {  	v6 =	vld.idx.msk [tilespmem:v45+s3+$0x0], $0xffff;
	[tilespmem:s20+$0x13310] =	vst v8  }
0x431: {  	v49 =	vadd.s32 $0x38, v5;
	[tilespmem:s20+$0x13320] =	vst v10;
	v8 =	vld.idx.msk [tilespmem:v46+s3+$0x0], $0xffff  }
0x432: {  	v50 =	vadd.s32 $0x38, v4;
	[tilespmem:s20+$0x13330] =	vst v12;
	v10 =	vld.idx.msk [tilespmem:v47+s3+$0x0], $0xffff  }
0x433: {  	v51 =	vadd.s32 $0x38, v3;
	v12 =	vld.idx.msk [tilespmem:v48+s3+$0x0], $0xffff  }
0x434: {  	v52 =	vadd.s32 $0x38, v2  }
0x435: {  	[tilespmem:s20+$0x13400] =	vst v6  }
0x436: {  	v6 =	vld.idx.msk [tilespmem:v49+s3+$0x0], $0xffff;
	[tilespmem:s20+$0x13410] =	vst v8  }
0x437: {  	v53 =	vadd.s32 $0x3A, v5;
	[tilespmem:s20+$0x13420] =	vst v10;
	v8 =	vld.idx.msk [tilespmem:v50+s3+$0x0], $0xffff  }
0x438: {  	v54 =	vadd.s32 $0x3A, v4;
	[tilespmem:s20+$0x13430] =	vst v12;
	v10 =	vld.idx.msk [tilespmem:v51+s3+$0x0], $0xffff  }
0x439: {  	v55 =	vadd.s32 $0x3A, v3;
	v12 =	vld.idx.msk [tilespmem:v52+s3+$0x0], $0xffff  }
0x43a: {  	v56 =	vadd.s32 $0x3A, v2  }
0x43b: {  	[tilespmem:s20+$0x13500] =	vst v6  }
0x43c: {  	v6 =	vld.idx.msk [tilespmem:v53+s3+$0x0], $0xffff;
	[tilespmem:s20+$0x13510] =	vst v8  }
0x43d: {  	v57 =	vadd.s32 $0x3C, v5;
	[tilespmem:s20+$0x13520] =	vst v10;
	v8 =	vld.idx.msk [tilespmem:v54+s3+$0x0], $0xffff  }
0x43e: {  	v58 =	vadd.s32 $0x3C, v4;
	[tilespmem:s20+$0x13530] =	vst v12;
	v10 =	vld.idx.msk [tilespmem:v55+s3+$0x0], $0xffff  }
0x43f: {  	v59 =	vadd.s32 $0x3C, v3;
	v12 =	vld.idx.msk [tilespmem:v56+s3+$0x0], $0xffff  }
0x440: {  	v60 =	vadd.s32 $0x3C, v2  }
0x441: {  	[tilespmem:s20+$0x13600] =	vst v6  }
0x442: {  	[tilespmem:s20+$0x13610] =	vst v8;
	v6 =	vld.idx.msk [tilespmem:v57+s3+$0x0], $0xffff  }
0x443: {  	v5 =	vadd.s32 $0x3E, v5;
	[tilespmem:s20+$0x13620] =	vst v10;
	v61 =	vld.idx.msk [tilespmem:v58+s3+$0x0], $0xffff  }
0x444: {  	v4 =	vadd.s32 $0x3E, v4;
	[tilespmem:s20+$0x13630] =	vst v12;
	v62 =	vld.idx.msk [tilespmem:v59+s3+$0x0], $0xffff  }
0x445: {  	v3 =	vadd.s32 $0x3E, v3;
	v63 =	vld.idx.msk [tilespmem:v60+s3+$0x0], $0xffff  }
0x446: {  	v2 =	vadd.s32 $0x3E, v2  }
0x447: {  	[tilespmem:s20+$0x13700] =	vst v6  }
0x448: {  	[tilespmem:s20+$0x13710] =	vst v61;
	v5 =	vld.idx.msk [tilespmem:v5+s3+$0x0], $0xffff  }
0x449: {  	[tilespmem:s20+$0x13720] =	vst v62;
	v4 =	vld.idx.msk [tilespmem:v4+s3+$0x0], $0xffff  }
0x44a: {  	[tilespmem:s20+$0x13730] =	vst v63;
	v3 =	vld.idx.msk [tilespmem:v3+s3+$0x0], $0xffff  }
0x44b: {  	p1 =	por p0, p0;
	v2 =	vld.idx.msk [tilespmem:v2+s3+$0x0], $0xffff  }
.Ltmp4:
0x44c: {  	_ = 	snop;
	(pc) =	sbr.rel @p1 .LBB2_11-.Ltmp4, $4  }
0x44d: {  	[tilespmem:s20+$0x13800] =	vst v5  }
0x44e: {  	[tilespmem:s20+$0x13810] =	vst v4  }
0x44f: {  	[tilespmem:s20+$0x13820] =	vst v3  }
0x450: {  	p0 =	por $0x0, $0x0;
	[tilespmem:s20+$0x13830] =	vst v2;
	s20 =	simm.s32 $0x40  }
0x451: {  	s20 =	sor.u32 $0x5, s18  }
0x452: {  	p0 =	por $0x1, $0x1;
	v1 =	vmov s20;
	s20 =	simm.s32 $0x0  }
.LBB2_13:
0x453: {  	v2 =	vmov s20;
	s21 =	sor.u32 $0x10, s20  }
0x454: {  	s30 =	sor.u32 $0x20, s20;
	v2 =	vmul.u32 $0xC8, v2;
	v3 =	vmov s21  }
0x455: {  	s31 =	sor.u32 $0x30, s20;
	v4 =	vmov s30;
	v3 =	vmul.u32 $0xC8, v3  }
0x456: {  	v5 =	vmov s31;
	v4 =	vmul.u32 $0xC8, v4;
	v2 =	vadd.s32 v1, v2  }
0x457: {  	v5 =	vmul.u32 $0xC8, v5;
	v2 =	vbroadcast v2, $0x0;
	v3 =	vadd.s32 v1, v3  }
0x458: {  	v4 =	vadd.s32 v1, v4;
	v3 =	vbroadcast v3, $0x0  }
0x459: {  	v5 =	vadd.s32 v1, v5;
	v4 =	vbroadcast v4, $0x0;
	v2 =	vadd.s32 v0, v2  }
0x45a: {  	v5 =	vbroadcast v5, $0x0;
	v3 =	vadd.s32 v0, v3  }
0x45b: {  	v4 =	vadd.s32 v0, v4  }
0x45c: {  	v5 =	vadd.s32 v0, v5;
	_ =	sdelay $0x1  }
0x45d: {  	v2 =	vld.idx.msk [tilespmem:v2+s9+$0x0], $0xffff  }
0x45e: {  	v3 =	vld.idx.msk [tilespmem:v3+s9+$0x0], $0xffff  }
0x45f: {  	v6 =	vld.idx.msk [tilespmem:v4+s9+$0x0], $0xffff  }
0x460: {  	v7 =	vld.idx.msk [tilespmem:v5+s9+$0x0], $0xffff;
	_ =	sdelay $0x1  }
0x461: {  	v5 =	vmul.u32 $0x41, v2  }
0x462: {  	v4 =	vmul.u32 $0x41, v3  }
0x463: {  	v3 =	vmul.u32 $0x41, v6  }
0x464: {  	v2 =	vmul.u32 $0x41, v7;
	_ =	sdelay $0x2  }
0x465: {  	v39 =	vld.idx.msk [tilespmem:v5+s3+$0x0], $0xffff  }
0x466: {  	v40 =	vadd.s32 $0x2, v5;
	v8 =	vld.idx.msk [tilespmem:v4+s3+$0x0], $0xffff  }
0x467: {  	v9 =	vadd.s32 $0x2, v4;
	v10 =	vld.idx.msk [tilespmem:v3+s3+$0x0], $0xffff  }
0x468: {  	v11 =	vadd.s32 $0x2, v3;
	v12 =	vld.idx.msk [tilespmem:v2+s3+$0x0], $0xffff  }
0x469: {  	v13 =	vadd.s32 $0x2, v2  }
0x46a: {  	[tilespmem:s20+$0x13900] =	vst v39  }
0x46b: {  	v6 =	vld.idx.msk [tilespmem:v40+s3+$0x0], $0xffff;
	[tilespmem:s20+$0x13910] =	vst v8  }
0x46c: {  	v41 =	vadd.s32 $0x4, v5;
	[tilespmem:s20+$0x13920] =	vst v10;
	v8 =	vld.idx.msk [tilespmem:v9+s3+$0x0], $0xffff  }
0x46d: {  	v42 =	vadd.s32 $0x4, v4;
	[tilespmem:s20+$0x13930] =	vst v12;
	v10 =	vld.idx.msk [tilespmem:v11+s3+$0x0], $0xffff  }
0x46e: {  	v43 =	vadd.s32 $0x4, v3;
	v12 =	vld.idx.msk [tilespmem:v13+s3+$0x0], $0xffff  }
0x46f: {  	v44 =	vadd.s32 $0x4, v2  }
0x470: {  	[tilespmem:s20+$0x13A00] =	vst v6  }
0x471: {  	v6 =	vld.idx.msk [tilespmem:v41+s3+$0x0], $0xffff;
	[tilespmem:s20+$0x13A10] =	vst v8  }
0x472: {  	v45 =	vadd.s32 $0x6, v5;
	[tilespmem:s20+$0x13A20] =	vst v10;
	v8 =	vld.idx.msk [tilespmem:v42+s3+$0x0], $0xffff  }
0x473: {  	v46 =	vadd.s32 $0x6, v4;
	[tilespmem:s20+$0x13A30] =	vst v12;
	v10 =	vld.idx.msk [tilespmem:v43+s3+$0x0], $0xffff  }
0x474: {  	v47 =	vadd.s32 $0x6, v3;
	v12 =	vld.idx.msk [tilespmem:v44+s3+$0x0], $0xffff  }
0x475: {  	v48 =	vadd.s32 $0x6, v2  }
0x476: {  	[tilespmem:s20+$0x13B00] =	vst v6  }
0x477: {  	v6 =	vld.idx.msk [tilespmem:v45+s3+$0x0], $0xffff;
	[tilespmem:s20+$0x13B10] =	vst v8  }
0x478: {  	v49 =	vadd.s32 $0x8, v5;
	[tilespmem:s20+$0x13B20] =	vst v10;
	v8 =	vld.idx.msk [tilespmem:v46+s3+$0x0], $0xffff  }
0x479: {  	v50 =	vadd.s32 $0x8, v4;
	[tilespmem:s20+$0x13B30] =	vst v12;
	v10 =	vld.idx.msk [tilespmem:v47+s3+$0x0], $0xffff  }
0x47a: {  	v51 =	vadd.s32 $0x8, v3;
	v12 =	vld.idx.msk [tilespmem:v48+s3+$0x0], $0xffff  }
0x47b: {  	v52 =	vadd.s32 $0x8, v2  }
0x47c: {  	[tilespmem:s20+$0x13C00] =	vst v6  }
0x47d: {  	v6 =	vld.idx.msk [tilespmem:v49+s3+$0x0], $0xffff;
	[tilespmem:s20+$0x13C10] =	vst v8  }
0x47e: {  	v53 =	vadd.s32 $0xA, v5;
	[tilespmem:s20+$0x13C20] =	vst v10;
	v8 =	vld.idx.msk [tilespmem:v50+s3+$0x0], $0xffff  }
0x47f: {  	v54 =	vadd.s32 $0xA, v4;
	[tilespmem:s20+$0x13C30] =	vst v12;
	v10 =	vld.idx.msk [tilespmem:v51+s3+$0x0], $0xffff  }
0x480: {  	v55 =	vadd.s32 $0xA, v3;
	v12 =	vld.idx.msk [tilespmem:v52+s3+$0x0], $0xffff  }
0x481: {  	v56 =	vadd.s32 $0xA, v2  }
0x482: {  	[tilespmem:s20+$0x13D00] =	vst v6  }
0x483: {  	v6 =	vld.idx.msk [tilespmem:v53+s3+$0x0], $0xffff;
	[tilespmem:s20+$0x13D10] =	vst v8  }
0x484: {  	v57 =	vadd.s32 $0xC, v5;
	[tilespmem:s20+$0x13D20] =	vst v10;
	v8 =	vld.idx.msk [tilespmem:v54+s3+$0x0], $0xffff  }
0x485: {  	v58 =	vadd.s32 $0xC, v4;
	[tilespmem:s20+$0x13D30] =	vst v12;
	v10 =	vld.idx.msk [tilespmem:v55+s3+$0x0], $0xffff  }
0x486: {  	v59 =	vadd.s32 $0xC, v3;
	v12 =	vld.idx.msk [tilespmem:v56+s3+$0x0], $0xffff  }
0x487: {  	v60 =	vadd.s32 $0xC, v2  }
0x488: {  	[tilespmem:s20+$0x13E00] =	vst v6  }
0x489: {  	v6 =	vld.idx.msk [tilespmem:v57+s3+$0x0], $0xffff;
	[tilespmem:s20+$0x13E10] =	vst v8  }
0x48a: {  	v61 =	vadd.s32 $0xE, v5;
	[tilespmem:s20+$0x13E20] =	vst v10;
	v8 =	vld.idx.msk [tilespmem:v58+s3+$0x0], $0xffff  }
0x48b: {  	v62 =	vadd.s32 $0xE, v4;
	[tilespmem:s20+$0x13E30] =	vst v12;
	v10 =	vld.idx.msk [tilespmem:v59+s3+$0x0], $0xffff  }
0x48c: {  	v63 =	vadd.s32 $0xE, v3;
	v12 =	vld.idx.msk [tilespmem:v60+s3+$0x0], $0xffff  }
0x48d: {  	v16 =	vadd.s32 $0xE, v2  }
0x48e: {  	[tilespmem:s20+$0x13F00] =	vst v6  }
0x48f: {  	v6 =	vld.idx.msk [tilespmem:v61+s3+$0x0], $0xffff;
	[tilespmem:s20+$0x13F10] =	vst v8  }
0x490: {  	v17 =	vadd.s32 $0x10, v5;
	[tilespmem:s20+$0x13F20] =	vst v10;
	v8 =	vld.idx.msk [tilespmem:v62+s3+$0x0], $0xffff  }
0x491: {  	v18 =	vadd.s32 $0x10, v4;
	[tilespmem:s20+$0x13F30] =	vst v12;
	v10 =	vld.idx.msk [tilespmem:v63+s3+$0x0], $0xffff  }
0x492: {  	v19 =	vadd.s32 $0x10, v3;
	v12 =	vld.idx.msk [tilespmem:v16+s3+$0x0], $0xffff  }
0x493: {  	v20 =	vadd.s32 $0x10, v2  }
0x494: {  	[tilespmem:s20+$0x14000] =	vst v6  }
0x495: {  	v6 =	vld.idx.msk [tilespmem:v17+s3+$0x0], $0xffff;
	[tilespmem:s20+$0x14010] =	vst v8  }
0x496: {  	v21 =	vadd.s32 $0x12, v5;
	[tilespmem:s20+$0x14020] =	vst v10;
	v8 =	vld.idx.msk [tilespmem:v18+s3+$0x0], $0xffff  }
0x497: {  	v22 =	vadd.s32 $0x12, v4;
	[tilespmem:s20+$0x14030] =	vst v12;
	v10 =	vld.idx.msk [tilespmem:v19+s3+$0x0], $0xffff  }
0x498: {  	v23 =	vadd.s32 $0x12, v3;
	v12 =	vld.idx.msk [tilespmem:v20+s3+$0x0], $0xffff  }
0x499: {  	v24 =	vadd.s32 $0x12, v2  }
0x49a: {  	[tilespmem:s20+$0x14100] =	vst v6  }
0x49b: {  	v6 =	vld.idx.msk [tilespmem:v21+s3+$0x0], $0xffff;
	[tilespmem:s20+$0x14110] =	vst v8  }
0x49c: {  	v25 =	vadd.s32 $0x14, v5;
	[tilespmem:s20+$0x14120] =	vst v10;
	v8 =	vld.idx.msk [tilespmem:v22+s3+$0x0], $0xffff  }
0x49d: {  	v26 =	vadd.s32 $0x14, v4;
	[tilespmem:s20+$0x14130] =	vst v12;
	v10 =	vld.idx.msk [tilespmem:v23+s3+$0x0], $0xffff  }
0x49e: {  	v27 =	vadd.s32 $0x14, v3;
	v12 =	vld.idx.msk [tilespmem:v24+s3+$0x0], $0xffff  }
0x49f: {  	v28 =	vadd.s32 $0x14, v2  }
0x4a0: {  	[tilespmem:s20+$0x14200] =	vst v6  }
0x4a1: {  	v6 =	vld.idx.msk [tilespmem:v25+s3+$0x0], $0xffff;
	[tilespmem:s20+$0x14210] =	vst v8  }
0x4a2: {  	v29 =	vadd.s32 $0x16, v5;
	[tilespmem:s20+$0x14220] =	vst v10;
	v8 =	vld.idx.msk [tilespmem:v26+s3+$0x0], $0xffff  }
0x4a3: {  	v30 =	vadd.s32 $0x16, v4;
	[tilespmem:s20+$0x14230] =	vst v12;
	v10 =	vld.idx.msk [tilespmem:v27+s3+$0x0], $0xffff  }
0x4a4: {  	v31 =	vadd.s32 $0x16, v3;
	v12 =	vld.idx.msk [tilespmem:v28+s3+$0x0], $0xffff  }
0x4a5: {  	v32 =	vadd.s32 $0x16, v2  }
0x4a6: {  	[tilespmem:s20+$0x14300] =	vst v6  }
0x4a7: {  	v6 =	vld.idx.msk [tilespmem:v29+s3+$0x0], $0xffff;
	[tilespmem:s20+$0x14310] =	vst v8  }
0x4a8: {  	v33 =	vadd.s32 $0x18, v5;
	[tilespmem:s20+$0x14320] =	vst v10;
	v8 =	vld.idx.msk [tilespmem:v30+s3+$0x0], $0xffff  }
0x4a9: {  	v34 =	vadd.s32 $0x18, v4;
	[tilespmem:s20+$0x14330] =	vst v12;
	v10 =	vld.idx.msk [tilespmem:v31+s3+$0x0], $0xffff  }
0x4aa: {  	v35 =	vadd.s32 $0x18, v3;
	v12 =	vld.idx.msk [tilespmem:v32+s3+$0x0], $0xffff  }
0x4ab: {  	v36 =	vadd.s32 $0x18, v2  }
0x4ac: {  	[tilespmem:s20+$0x14400] =	vst v6  }
0x4ad: {  	v6 =	vld.idx.msk [tilespmem:v33+s3+$0x0], $0xffff;
	[tilespmem:s20+$0x14410] =	vst v8  }
0x4ae: {  	v37 =	vadd.s32 $0x1A, v5;
	[tilespmem:s20+$0x14420] =	vst v10;
	v8 =	vld.idx.msk [tilespmem:v34+s3+$0x0], $0xffff  }
0x4af: {  	v38 =	vadd.s32 $0x1A, v4;
	[tilespmem:s20+$0x14430] =	vst v12;
	v10 =	vld.idx.msk [tilespmem:v35+s3+$0x0], $0xffff  }
0x4b0: {  	v39 =	vadd.s32 $0x1A, v3;
	v12 =	vld.idx.msk [tilespmem:v36+s3+$0x0], $0xffff  }
0x4b1: {  	v40 =	vadd.s32 $0x1A, v2  }
0x4b2: {  	[tilespmem:s20+$0x14500] =	vst v6  }
0x4b3: {  	v6 =	vld.idx.msk [tilespmem:v37+s3+$0x0], $0xffff;
	[tilespmem:s20+$0x14510] =	vst v8  }
0x4b4: {  	v41 =	vadd.s32 $0x1C, v5;
	[tilespmem:s20+$0x14520] =	vst v10;
	v8 =	vld.idx.msk [tilespmem:v38+s3+$0x0], $0xffff  }
0x4b5: {  	v42 =	vadd.s32 $0x1C, v4;
	[tilespmem:s20+$0x14530] =	vst v12;
	v10 =	vld.idx.msk [tilespmem:v39+s3+$0x0], $0xffff  }
0x4b6: {  	v43 =	vadd.s32 $0x1C, v3;
	v12 =	vld.idx.msk [tilespmem:v40+s3+$0x0], $0xffff  }
0x4b7: {  	v44 =	vadd.s32 $0x1C, v2  }
0x4b8: {  	[tilespmem:s20+$0x14600] =	vst v6  }
0x4b9: {  	v6 =	vld.idx.msk [tilespmem:v41+s3+$0x0], $0xffff;
	[tilespmem:s20+$0x14610] =	vst v8  }
0x4ba: {  	v45 =	vadd.s32 $0x1E, v5;
	[tilespmem:s20+$0x14620] =	vst v10;
	v8 =	vld.idx.msk [tilespmem:v42+s3+$0x0], $0xffff  }
0x4bb: {  	v46 =	vadd.s32 $0x1E, v4;
	[tilespmem:s20+$0x14630] =	vst v12;
	v10 =	vld.idx.msk [tilespmem:v43+s3+$0x0], $0xffff  }
0x4bc: {  	v47 =	vadd.s32 $0x1E, v3;
	v12 =	vld.idx.msk [tilespmem:v44+s3+$0x0], $0xffff  }
0x4bd: {  	v48 =	vadd.s32 $0x1E, v2  }
0x4be: {  	[tilespmem:s20+$0x14700] =	vst v6  }
0x4bf: {  	v6 =	vld.idx.msk [tilespmem:v45+s3+$0x0], $0xffff;
	[tilespmem:s20+$0x14710] =	vst v8  }
0x4c0: {  	v49 =	vadd.s32 $0x20, v5;
	[tilespmem:s20+$0x14720] =	vst v10;
	v8 =	vld.idx.msk [tilespmem:v46+s3+$0x0], $0xffff  }
0x4c1: {  	v50 =	vadd.s32 $0x20, v4;
	[tilespmem:s20+$0x14730] =	vst v12;
	v10 =	vld.idx.msk [tilespmem:v47+s3+$0x0], $0xffff  }
0x4c2: {  	v51 =	vadd.s32 $0x20, v3;
	v12 =	vld.idx.msk [tilespmem:v48+s3+$0x0], $0xffff  }
0x4c3: {  	v52 =	vadd.s32 $0x20, v2  }
0x4c4: {  	[tilespmem:s20+$0x14800] =	vst v6  }
0x4c5: {  	v6 =	vld.idx.msk [tilespmem:v49+s3+$0x0], $0xffff;
	[tilespmem:s20+$0x14810] =	vst v8  }
0x4c6: {  	v53 =	vadd.s32 $0x22, v5;
	[tilespmem:s20+$0x14820] =	vst v10;
	v8 =	vld.idx.msk [tilespmem:v50+s3+$0x0], $0xffff  }
0x4c7: {  	v54 =	vadd.s32 $0x22, v4;
	[tilespmem:s20+$0x14830] =	vst v12;
	v10 =	vld.idx.msk [tilespmem:v51+s3+$0x0], $0xffff  }
0x4c8: {  	v55 =	vadd.s32 $0x22, v3;
	v12 =	vld.idx.msk [tilespmem:v52+s3+$0x0], $0xffff  }
0x4c9: {  	v56 =	vadd.s32 $0x22, v2  }
0x4ca: {  	[tilespmem:s20+$0x14900] =	vst v6  }
0x4cb: {  	v6 =	vld.idx.msk [tilespmem:v53+s3+$0x0], $0xffff;
	[tilespmem:s20+$0x14910] =	vst v8  }
0x4cc: {  	v57 =	vadd.s32 $0x24, v5;
	[tilespmem:s20+$0x14920] =	vst v10;
	v8 =	vld.idx.msk [tilespmem:v54+s3+$0x0], $0xffff  }
0x4cd: {  	v58 =	vadd.s32 $0x24, v4;
	[tilespmem:s20+$0x14930] =	vst v12;
	v10 =	vld.idx.msk [tilespmem:v55+s3+$0x0], $0xffff  }
0x4ce: {  	v59 =	vadd.s32 $0x24, v3;
	v12 =	vld.idx.msk [tilespmem:v56+s3+$0x0], $0xffff  }
0x4cf: {  	v60 =	vadd.s32 $0x24, v2  }
0x4d0: {  	[tilespmem:s20+$0x14A00] =	vst v6  }
0x4d1: {  	v6 =	vld.idx.msk [tilespmem:v57+s3+$0x0], $0xffff;
	[tilespmem:s20+$0x14A10] =	vst v8  }
0x4d2: {  	v61 =	vadd.s32 $0x26, v5;
	[tilespmem:s20+$0x14A20] =	vst v10;
	v8 =	vld.idx.msk [tilespmem:v58+s3+$0x0], $0xffff  }
0x4d3: {  	v62 =	vadd.s32 $0x26, v4;
	[tilespmem:s20+$0x14A30] =	vst v12;
	v10 =	vld.idx.msk [tilespmem:v59+s3+$0x0], $0xffff  }
0x4d4: {  	v63 =	vadd.s32 $0x26, v3;
	v12 =	vld.idx.msk [tilespmem:v60+s3+$0x0], $0xffff  }
0x4d5: {  	v16 =	vadd.s32 $0x26, v2  }
0x4d6: {  	[tilespmem:s20+$0x14B00] =	vst v6  }
0x4d7: {  	v6 =	vld.idx.msk [tilespmem:v61+s3+$0x0], $0xffff;
	[tilespmem:s20+$0x14B10] =	vst v8  }
0x4d8: {  	v17 =	vadd.s32 $0x28, v5;
	[tilespmem:s20+$0x14B20] =	vst v10;
	v8 =	vld.idx.msk [tilespmem:v62+s3+$0x0], $0xffff  }
0x4d9: {  	v18 =	vadd.s32 $0x28, v4;
	[tilespmem:s20+$0x14B30] =	vst v12;
	v10 =	vld.idx.msk [tilespmem:v63+s3+$0x0], $0xffff  }
0x4da: {  	v19 =	vadd.s32 $0x28, v3;
	v12 =	vld.idx.msk [tilespmem:v16+s3+$0x0], $0xffff  }
0x4db: {  	v20 =	vadd.s32 $0x28, v2  }
0x4dc: {  	[tilespmem:s20+$0x14C00] =	vst v6  }
0x4dd: {  	v6 =	vld.idx.msk [tilespmem:v17+s3+$0x0], $0xffff;
	[tilespmem:s20+$0x14C10] =	vst v8  }
0x4de: {  	v21 =	vadd.s32 $0x2A, v5;
	[tilespmem:s20+$0x14C20] =	vst v10;
	v8 =	vld.idx.msk [tilespmem:v18+s3+$0x0], $0xffff  }
0x4df: {  	v22 =	vadd.s32 $0x2A, v4;
	[tilespmem:s20+$0x14C30] =	vst v12;
	v10 =	vld.idx.msk [tilespmem:v19+s3+$0x0], $0xffff  }
0x4e0: {  	v23 =	vadd.s32 $0x2A, v3;
	v12 =	vld.idx.msk [tilespmem:v20+s3+$0x0], $0xffff  }
0x4e1: {  	v24 =	vadd.s32 $0x2A, v2  }
0x4e2: {  	[tilespmem:s20+$0x14D00] =	vst v6  }
0x4e3: {  	v6 =	vld.idx.msk [tilespmem:v21+s3+$0x0], $0xffff;
	[tilespmem:s20+$0x14D10] =	vst v8  }
0x4e4: {  	v25 =	vadd.s32 $0x2C, v5;
	[tilespmem:s20+$0x14D20] =	vst v10;
	v8 =	vld.idx.msk [tilespmem:v22+s3+$0x0], $0xffff  }
0x4e5: {  	v26 =	vadd.s32 $0x2C, v4;
	[tilespmem:s20+$0x14D30] =	vst v12;
	v10 =	vld.idx.msk [tilespmem:v23+s3+$0x0], $0xffff  }
0x4e6: {  	v27 =	vadd.s32 $0x2C, v3;
	v12 =	vld.idx.msk [tilespmem:v24+s3+$0x0], $0xffff  }
0x4e7: {  	v28 =	vadd.s32 $0x2C, v2  }
0x4e8: {  	[tilespmem:s20+$0x14E00] =	vst v6  }
0x4e9: {  	v6 =	vld.idx.msk [tilespmem:v25+s3+$0x0], $0xffff;
	[tilespmem:s20+$0x14E10] =	vst v8  }
0x4ea: {  	v29 =	vadd.s32 $0x2E, v5;
	[tilespmem:s20+$0x14E20] =	vst v10;
	v8 =	vld.idx.msk [tilespmem:v26+s3+$0x0], $0xffff  }
0x4eb: {  	v30 =	vadd.s32 $0x2E, v4;
	[tilespmem:s20+$0x14E30] =	vst v12;
	v10 =	vld.idx.msk [tilespmem:v27+s3+$0x0], $0xffff  }
0x4ec: {  	v31 =	vadd.s32 $0x2E, v3;
	v12 =	vld.idx.msk [tilespmem:v28+s3+$0x0], $0xffff  }
0x4ed: {  	v32 =	vadd.s32 $0x2E, v2  }
0x4ee: {  	[tilespmem:s20+$0x14F00] =	vst v6  }
0x4ef: {  	v6 =	vld.idx.msk [tilespmem:v29+s3+$0x0], $0xffff;
	[tilespmem:s20+$0x14F10] =	vst v8  }
0x4f0: {  	v33 =	vadd.s32 $0x30, v5;
	[tilespmem:s20+$0x14F20] =	vst v10;
	v8 =	vld.idx.msk [tilespmem:v30+s3+$0x0], $0xffff  }
0x4f1: {  	v34 =	vadd.s32 $0x30, v4;
	[tilespmem:s20+$0x14F30] =	vst v12;
	v10 =	vld.idx.msk [tilespmem:v31+s3+$0x0], $0xffff  }
0x4f2: {  	v35 =	vadd.s32 $0x30, v3;
	v12 =	vld.idx.msk [tilespmem:v32+s3+$0x0], $0xffff  }
0x4f3: {  	v36 =	vadd.s32 $0x30, v2  }
0x4f4: {  	[tilespmem:s20+$0x15000] =	vst v6  }
0x4f5: {  	v6 =	vld.idx.msk [tilespmem:v33+s3+$0x0], $0xffff;
	[tilespmem:s20+$0x15010] =	vst v8  }
0x4f6: {  	v37 =	vadd.s32 $0x32, v5;
	[tilespmem:s20+$0x15020] =	vst v10;
	v8 =	vld.idx.msk [tilespmem:v34+s3+$0x0], $0xffff  }
0x4f7: {  	v38 =	vadd.s32 $0x32, v4;
	[tilespmem:s20+$0x15030] =	vst v12;
	v10 =	vld.idx.msk [tilespmem:v35+s3+$0x0], $0xffff  }
0x4f8: {  	v39 =	vadd.s32 $0x32, v3;
	v12 =	vld.idx.msk [tilespmem:v36+s3+$0x0], $0xffff  }
0x4f9: {  	v40 =	vadd.s32 $0x32, v2  }
0x4fa: {  	[tilespmem:s20+$0x15100] =	vst v6  }
0x4fb: {  	v6 =	vld.idx.msk [tilespmem:v37+s3+$0x0], $0xffff;
	[tilespmem:s20+$0x15110] =	vst v8  }
0x4fc: {  	v41 =	vadd.s32 $0x34, v5;
	[tilespmem:s20+$0x15120] =	vst v10;
	v8 =	vld.idx.msk [tilespmem:v38+s3+$0x0], $0xffff  }
0x4fd: {  	v42 =	vadd.s32 $0x34, v4;
	[tilespmem:s20+$0x15130] =	vst v12;
	v10 =	vld.idx.msk [tilespmem:v39+s3+$0x0], $0xffff  }
0x4fe: {  	v43 =	vadd.s32 $0x34, v3;
	v12 =	vld.idx.msk [tilespmem:v40+s3+$0x0], $0xffff  }
0x4ff: {  	v44 =	vadd.s32 $0x34, v2  }
0x500: {  	[tilespmem:s20+$0x15200] =	vst v6  }
0x501: {  	v6 =	vld.idx.msk [tilespmem:v41+s3+$0x0], $0xffff;
	[tilespmem:s20+$0x15210] =	vst v8  }
0x502: {  	v45 =	vadd.s32 $0x36, v5;
	[tilespmem:s20+$0x15220] =	vst v10;
	v8 =	vld.idx.msk [tilespmem:v42+s3+$0x0], $0xffff  }
0x503: {  	v46 =	vadd.s32 $0x36, v4;
	[tilespmem:s20+$0x15230] =	vst v12;
	v10 =	vld.idx.msk [tilespmem:v43+s3+$0x0], $0xffff  }
0x504: {  	v47 =	vadd.s32 $0x36, v3;
	v12 =	vld.idx.msk [tilespmem:v44+s3+$0x0], $0xffff  }
0x505: {  	v48 =	vadd.s32 $0x36, v2  }
0x506: {  	[tilespmem:s20+$0x15300] =	vst v6  }
0x507: {  	v6 =	vld.idx.msk [tilespmem:v45+s3+$0x0], $0xffff;
	[tilespmem:s20+$0x15310] =	vst v8  }
0x508: {  	v49 =	vadd.s32 $0x38, v5;
	[tilespmem:s20+$0x15320] =	vst v10;
	v8 =	vld.idx.msk [tilespmem:v46+s3+$0x0], $0xffff  }
0x509: {  	v50 =	vadd.s32 $0x38, v4;
	[tilespmem:s20+$0x15330] =	vst v12;
	v10 =	vld.idx.msk [tilespmem:v47+s3+$0x0], $0xffff  }
0x50a: {  	v51 =	vadd.s32 $0x38, v3;
	v12 =	vld.idx.msk [tilespmem:v48+s3+$0x0], $0xffff  }
0x50b: {  	v52 =	vadd.s32 $0x38, v2  }
0x50c: {  	[tilespmem:s20+$0x15400] =	vst v6  }
0x50d: {  	v6 =	vld.idx.msk [tilespmem:v49+s3+$0x0], $0xffff;
	[tilespmem:s20+$0x15410] =	vst v8  }
0x50e: {  	v53 =	vadd.s32 $0x3A, v5;
	[tilespmem:s20+$0x15420] =	vst v10;
	v8 =	vld.idx.msk [tilespmem:v50+s3+$0x0], $0xffff  }
0x50f: {  	v54 =	vadd.s32 $0x3A, v4;
	[tilespmem:s20+$0x15430] =	vst v12;
	v10 =	vld.idx.msk [tilespmem:v51+s3+$0x0], $0xffff  }
0x510: {  	v55 =	vadd.s32 $0x3A, v3;
	v12 =	vld.idx.msk [tilespmem:v52+s3+$0x0], $0xffff  }
0x511: {  	v56 =	vadd.s32 $0x3A, v2  }
0x512: {  	[tilespmem:s20+$0x15500] =	vst v6  }
0x513: {  	v6 =	vld.idx.msk [tilespmem:v53+s3+$0x0], $0xffff;
	[tilespmem:s20+$0x15510] =	vst v8  }
0x514: {  	v57 =	vadd.s32 $0x3C, v5;
	[tilespmem:s20+$0x15520] =	vst v10;
	v8 =	vld.idx.msk [tilespmem:v54+s3+$0x0], $0xffff  }
0x515: {  	v58 =	vadd.s32 $0x3C, v4;
	[tilespmem:s20+$0x15530] =	vst v12;
	v10 =	vld.idx.msk [tilespmem:v55+s3+$0x0], $0xffff  }
0x516: {  	v59 =	vadd.s32 $0x3C, v3;
	v12 =	vld.idx.msk [tilespmem:v56+s3+$0x0], $0xffff  }
0x517: {  	v60 =	vadd.s32 $0x3C, v2  }
0x518: {  	[tilespmem:s20+$0x15600] =	vst v6  }
0x519: {  	[tilespmem:s20+$0x15610] =	vst v8;
	v6 =	vld.idx.msk [tilespmem:v57+s3+$0x0], $0xffff  }
0x51a: {  	v5 =	vadd.s32 $0x3E, v5;
	[tilespmem:s20+$0x15620] =	vst v10;
	v61 =	vld.idx.msk [tilespmem:v58+s3+$0x0], $0xffff  }
0x51b: {  	v4 =	vadd.s32 $0x3E, v4;
	[tilespmem:s20+$0x15630] =	vst v12;
	v62 =	vld.idx.msk [tilespmem:v59+s3+$0x0], $0xffff  }
0x51c: {  	v3 =	vadd.s32 $0x3E, v3;
	v63 =	vld.idx.msk [tilespmem:v60+s3+$0x0], $0xffff  }
0x51d: {  	v2 =	vadd.s32 $0x3E, v2  }
0x51e: {  	[tilespmem:s20+$0x15700] =	vst v6  }
0x51f: {  	[tilespmem:s20+$0x15710] =	vst v61;
	v5 =	vld.idx.msk [tilespmem:v5+s3+$0x0], $0xffff  }
0x520: {  	[tilespmem:s20+$0x15720] =	vst v62;
	v4 =	vld.idx.msk [tilespmem:v4+s3+$0x0], $0xffff  }
0x521: {  	[tilespmem:s20+$0x15730] =	vst v63;
	v3 =	vld.idx.msk [tilespmem:v3+s3+$0x0], $0xffff  }
0x522: {  	p1 =	por p0, p0;
	v2 =	vld.idx.msk [tilespmem:v2+s3+$0x0], $0xffff  }
.Ltmp5:
0x523: {  	_ = 	snop;
	(pc) =	sbr.rel @p1 .LBB2_13-.Ltmp5, $4  }
0x524: {  	[tilespmem:s20+$0x15800] =	vst v5  }
0x525: {  	[tilespmem:s20+$0x15810] =	vst v4  }
0x526: {  	[tilespmem:s20+$0x15820] =	vst v3  }
0x527: {  	p0 =	por $0x0, $0x0;
	[tilespmem:s20+$0x15830] =	vst v2;
	s20 =	simm.s32 $0x40  }
0x528: {  	s20 =	sor.u32 $0x6, s18  }
0x529: {  	p0 =	por $0x1, $0x1;
	v1 =	vmov s20;
	s20 =	simm.s32 $0x0  }
.LBB2_15:
0x52a: {  	v2 =	vmov s20;
	s21 =	sor.u32 $0x10, s20  }
0x52b: {  	s30 =	sor.u32 $0x20, s20;
	v2 =	vmul.u32 $0xC8, v2;
	v3 =	vmov s21  }
0x52c: {  	s31 =	sor.u32 $0x30, s20;
	v4 =	vmov s30;
	v3 =	vmul.u32 $0xC8, v3  }
0x52d: {  	v5 =	vmov s31;
	v4 =	vmul.u32 $0xC8, v4;
	v2 =	vadd.s32 v1, v2  }
0x52e: {  	v5 =	vmul.u32 $0xC8, v5;
	v2 =	vbroadcast v2, $0x0;
	v3 =	vadd.s32 v1, v3  }
0x52f: {  	v4 =	vadd.s32 v1, v4;
	v3 =	vbroadcast v3, $0x0  }
0x530: {  	v5 =	vadd.s32 v1, v5;
	v4 =	vbroadcast v4, $0x0;
	v2 =	vadd.s32 v0, v2  }
0x531: {  	v5 =	vbroadcast v5, $0x0;
	v3 =	vadd.s32 v0, v3  }
0x532: {  	v4 =	vadd.s32 v0, v4  }
0x533: {  	v5 =	vadd.s32 v0, v5;
	_ =	sdelay $0x1  }
0x534: {  	v2 =	vld.idx.msk [tilespmem:v2+s9+$0x0], $0xffff  }
0x535: {  	v3 =	vld.idx.msk [tilespmem:v3+s9+$0x0], $0xffff  }
0x536: {  	v6 =	vld.idx.msk [tilespmem:v4+s9+$0x0], $0xffff  }
0x537: {  	v7 =	vld.idx.msk [tilespmem:v5+s9+$0x0], $0xffff;
	_ =	sdelay $0x1  }
0x538: {  	v5 =	vmul.u32 $0x41, v2  }
0x539: {  	v4 =	vmul.u32 $0x41, v3  }
0x53a: {  	v3 =	vmul.u32 $0x41, v6  }
0x53b: {  	v2 =	vmul.u32 $0x41, v7;
	_ =	sdelay $0x2  }
0x53c: {  	v39 =	vld.idx.msk [tilespmem:v5+s3+$0x0], $0xffff  }
0x53d: {  	v40 =	vadd.s32 $0x2, v5;
	v8 =	vld.idx.msk [tilespmem:v4+s3+$0x0], $0xffff  }
0x53e: {  	v9 =	vadd.s32 $0x2, v4;
	v10 =	vld.idx.msk [tilespmem:v3+s3+$0x0], $0xffff  }
0x53f: {  	v11 =	vadd.s32 $0x2, v3;
	v12 =	vld.idx.msk [tilespmem:v2+s3+$0x0], $0xffff  }
0x540: {  	v13 =	vadd.s32 $0x2, v2  }
0x541: {  	[tilespmem:s20+$0x15900] =	vst v39  }
0x542: {  	v6 =	vld.idx.msk [tilespmem:v40+s3+$0x0], $0xffff;
	[tilespmem:s20+$0x15910] =	vst v8  }
0x543: {  	v41 =	vadd.s32 $0x4, v5;
	[tilespmem:s20+$0x15920] =	vst v10;
	v8 =	vld.idx.msk [tilespmem:v9+s3+$0x0], $0xffff  }
0x544: {  	v42 =	vadd.s32 $0x4, v4;
	[tilespmem:s20+$0x15930] =	vst v12;
	v10 =	vld.idx.msk [tilespmem:v11+s3+$0x0], $0xffff  }
0x545: {  	v43 =	vadd.s32 $0x4, v3;
	v12 =	vld.idx.msk [tilespmem:v13+s3+$0x0], $0xffff  }
0x546: {  	v44 =	vadd.s32 $0x4, v2  }
0x547: {  	[tilespmem:s20+$0x15A00] =	vst v6  }
0x548: {  	v6 =	vld.idx.msk [tilespmem:v41+s3+$0x0], $0xffff;
	[tilespmem:s20+$0x15A10] =	vst v8  }
0x549: {  	v45 =	vadd.s32 $0x6, v5;
	[tilespmem:s20+$0x15A20] =	vst v10;
	v8 =	vld.idx.msk [tilespmem:v42+s3+$0x0], $0xffff  }
0x54a: {  	v46 =	vadd.s32 $0x6, v4;
	[tilespmem:s20+$0x15A30] =	vst v12;
	v10 =	vld.idx.msk [tilespmem:v43+s3+$0x0], $0xffff  }
0x54b: {  	v47 =	vadd.s32 $0x6, v3;
	v12 =	vld.idx.msk [tilespmem:v44+s3+$0x0], $0xffff  }
0x54c: {  	v48 =	vadd.s32 $0x6, v2  }
0x54d: {  	[tilespmem:s20+$0x15B00] =	vst v6  }
0x54e: {  	v6 =	vld.idx.msk [tilespmem:v45+s3+$0x0], $0xffff;
	[tilespmem:s20+$0x15B10] =	vst v8  }
0x54f: {  	v49 =	vadd.s32 $0x8, v5;
	[tilespmem:s20+$0x15B20] =	vst v10;
	v8 =	vld.idx.msk [tilespmem:v46+s3+$0x0], $0xffff  }
0x550: {  	v50 =	vadd.s32 $0x8, v4;
	[tilespmem:s20+$0x15B30] =	vst v12;
	v10 =	vld.idx.msk [tilespmem:v47+s3+$0x0], $0xffff  }
0x551: {  	v51 =	vadd.s32 $0x8, v3;
	v12 =	vld.idx.msk [tilespmem:v48+s3+$0x0], $0xffff  }
0x552: {  	v52 =	vadd.s32 $0x8, v2  }
0x553: {  	[tilespmem:s20+$0x15C00] =	vst v6  }
0x554: {  	v6 =	vld.idx.msk [tilespmem:v49+s3+$0x0], $0xffff;
	[tilespmem:s20+$0x15C10] =	vst v8  }
0x555: {  	v53 =	vadd.s32 $0xA, v5;
	[tilespmem:s20+$0x15C20] =	vst v10;
	v8 =	vld.idx.msk [tilespmem:v50+s3+$0x0], $0xffff  }
0x556: {  	v54 =	vadd.s32 $0xA, v4;
	[tilespmem:s20+$0x15C30] =	vst v12;
	v10 =	vld.idx.msk [tilespmem:v51+s3+$0x0], $0xffff  }
0x557: {  	v55 =	vadd.s32 $0xA, v3;
	v12 =	vld.idx.msk [tilespmem:v52+s3+$0x0], $0xffff  }
0x558: {  	v56 =	vadd.s32 $0xA, v2  }
0x559: {  	[tilespmem:s20+$0x15D00] =	vst v6  }
0x55a: {  	v6 =	vld.idx.msk [tilespmem:v53+s3+$0x0], $0xffff;
	[tilespmem:s20+$0x15D10] =	vst v8  }
0x55b: {  	v57 =	vadd.s32 $0xC, v5;
	[tilespmem:s20+$0x15D20] =	vst v10;
	v8 =	vld.idx.msk [tilespmem:v54+s3+$0x0], $0xffff  }
0x55c: {  	v58 =	vadd.s32 $0xC, v4;
	[tilespmem:s20+$0x15D30] =	vst v12;
	v10 =	vld.idx.msk [tilespmem:v55+s3+$0x0], $0xffff  }
0x55d: {  	v59 =	vadd.s32 $0xC, v3;
	v12 =	vld.idx.msk [tilespmem:v56+s3+$0x0], $0xffff  }
0x55e: {  	v60 =	vadd.s32 $0xC, v2  }
0x55f: {  	[tilespmem:s20+$0x15E00] =	vst v6  }
0x560: {  	v6 =	vld.idx.msk [tilespmem:v57+s3+$0x0], $0xffff;
	[tilespmem:s20+$0x15E10] =	vst v8  }
0x561: {  	v61 =	vadd.s32 $0xE, v5;
	[tilespmem:s20+$0x15E20] =	vst v10;
	v8 =	vld.idx.msk [tilespmem:v58+s3+$0x0], $0xffff  }
0x562: {  	v62 =	vadd.s32 $0xE, v4;
	[tilespmem:s20+$0x15E30] =	vst v12;
	v10 =	vld.idx.msk [tilespmem:v59+s3+$0x0], $0xffff  }
0x563: {  	v63 =	vadd.s32 $0xE, v3;
	v12 =	vld.idx.msk [tilespmem:v60+s3+$0x0], $0xffff  }
0x564: {  	v16 =	vadd.s32 $0xE, v2  }
0x565: {  	[tilespmem:s20+$0x15F00] =	vst v6  }
0x566: {  	v6 =	vld.idx.msk [tilespmem:v61+s3+$0x0], $0xffff;
	[tilespmem:s20+$0x15F10] =	vst v8  }
0x567: {  	v17 =	vadd.s32 $0x10, v5;
	[tilespmem:s20+$0x15F20] =	vst v10;
	v8 =	vld.idx.msk [tilespmem:v62+s3+$0x0], $0xffff  }
0x568: {  	v18 =	vadd.s32 $0x10, v4;
	[tilespmem:s20+$0x15F30] =	vst v12;
	v10 =	vld.idx.msk [tilespmem:v63+s3+$0x0], $0xffff  }
0x569: {  	v19 =	vadd.s32 $0x10, v3;
	v12 =	vld.idx.msk [tilespmem:v16+s3+$0x0], $0xffff  }
0x56a: {  	v20 =	vadd.s32 $0x10, v2  }
0x56b: {  	[tilespmem:s20+$0x16000] =	vst v6  }
0x56c: {  	v6 =	vld.idx.msk [tilespmem:v17+s3+$0x0], $0xffff;
	[tilespmem:s20+$0x16010] =	vst v8  }
0x56d: {  	v21 =	vadd.s32 $0x12, v5;
	[tilespmem:s20+$0x16020] =	vst v10;
	v8 =	vld.idx.msk [tilespmem:v18+s3+$0x0], $0xffff  }
0x56e: {  	v22 =	vadd.s32 $0x12, v4;
	[tilespmem:s20+$0x16030] =	vst v12;
	v10 =	vld.idx.msk [tilespmem:v19+s3+$0x0], $0xffff  }
0x56f: {  	v23 =	vadd.s32 $0x12, v3;
	v12 =	vld.idx.msk [tilespmem:v20+s3+$0x0], $0xffff  }
0x570: {  	v24 =	vadd.s32 $0x12, v2  }
0x571: {  	[tilespmem:s20+$0x16100] =	vst v6  }
0x572: {  	v6 =	vld.idx.msk [tilespmem:v21+s3+$0x0], $0xffff;
	[tilespmem:s20+$0x16110] =	vst v8  }
0x573: {  	v25 =	vadd.s32 $0x14, v5;
	[tilespmem:s20+$0x16120] =	vst v10;
	v8 =	vld.idx.msk [tilespmem:v22+s3+$0x0], $0xffff  }
0x574: {  	v26 =	vadd.s32 $0x14, v4;
	[tilespmem:s20+$0x16130] =	vst v12;
	v10 =	vld.idx.msk [tilespmem:v23+s3+$0x0], $0xffff  }
0x575: {  	v27 =	vadd.s32 $0x14, v3;
	v12 =	vld.idx.msk [tilespmem:v24+s3+$0x0], $0xffff  }
0x576: {  	v28 =	vadd.s32 $0x14, v2  }
0x577: {  	[tilespmem:s20+$0x16200] =	vst v6  }
0x578: {  	v6 =	vld.idx.msk [tilespmem:v25+s3+$0x0], $0xffff;
	[tilespmem:s20+$0x16210] =	vst v8  }
0x579: {  	v29 =	vadd.s32 $0x16, v5;
	[tilespmem:s20+$0x16220] =	vst v10;
	v8 =	vld.idx.msk [tilespmem:v26+s3+$0x0], $0xffff  }
0x57a: {  	v30 =	vadd.s32 $0x16, v4;
	[tilespmem:s20+$0x16230] =	vst v12;
	v10 =	vld.idx.msk [tilespmem:v27+s3+$0x0], $0xffff  }
0x57b: {  	v31 =	vadd.s32 $0x16, v3;
	v12 =	vld.idx.msk [tilespmem:v28+s3+$0x0], $0xffff  }
0x57c: {  	v32 =	vadd.s32 $0x16, v2  }
0x57d: {  	[tilespmem:s20+$0x16300] =	vst v6  }
0x57e: {  	v6 =	vld.idx.msk [tilespmem:v29+s3+$0x0], $0xffff;
	[tilespmem:s20+$0x16310] =	vst v8  }
0x57f: {  	v33 =	vadd.s32 $0x18, v5;
	[tilespmem:s20+$0x16320] =	vst v10;
	v8 =	vld.idx.msk [tilespmem:v30+s3+$0x0], $0xffff  }
0x580: {  	v34 =	vadd.s32 $0x18, v4;
	[tilespmem:s20+$0x16330] =	vst v12;
	v10 =	vld.idx.msk [tilespmem:v31+s3+$0x0], $0xffff  }
0x581: {  	v35 =	vadd.s32 $0x18, v3;
	v12 =	vld.idx.msk [tilespmem:v32+s3+$0x0], $0xffff  }
0x582: {  	v36 =	vadd.s32 $0x18, v2  }
0x583: {  	[tilespmem:s20+$0x16400] =	vst v6  }
0x584: {  	v6 =	vld.idx.msk [tilespmem:v33+s3+$0x0], $0xffff;
	[tilespmem:s20+$0x16410] =	vst v8  }
0x585: {  	v37 =	vadd.s32 $0x1A, v5;
	[tilespmem:s20+$0x16420] =	vst v10;
	v8 =	vld.idx.msk [tilespmem:v34+s3+$0x0], $0xffff  }
0x586: {  	v38 =	vadd.s32 $0x1A, v4;
	[tilespmem:s20+$0x16430] =	vst v12;
	v10 =	vld.idx.msk [tilespmem:v35+s3+$0x0], $0xffff  }
0x587: {  	v39 =	vadd.s32 $0x1A, v3;
	v12 =	vld.idx.msk [tilespmem:v36+s3+$0x0], $0xffff  }
0x588: {  	v40 =	vadd.s32 $0x1A, v2  }
0x589: {  	[tilespmem:s20+$0x16500] =	vst v6  }
0x58a: {  	v6 =	vld.idx.msk [tilespmem:v37+s3+$0x0], $0xffff;
	[tilespmem:s20+$0x16510] =	vst v8  }
0x58b: {  	v41 =	vadd.s32 $0x1C, v5;
	[tilespmem:s20+$0x16520] =	vst v10;
	v8 =	vld.idx.msk [tilespmem:v38+s3+$0x0], $0xffff  }
0x58c: {  	v42 =	vadd.s32 $0x1C, v4;
	[tilespmem:s20+$0x16530] =	vst v12;
	v10 =	vld.idx.msk [tilespmem:v39+s3+$0x0], $0xffff  }
0x58d: {  	v43 =	vadd.s32 $0x1C, v3;
	v12 =	vld.idx.msk [tilespmem:v40+s3+$0x0], $0xffff  }
0x58e: {  	v44 =	vadd.s32 $0x1C, v2  }
0x58f: {  	[tilespmem:s20+$0x16600] =	vst v6  }
0x590: {  	v6 =	vld.idx.msk [tilespmem:v41+s3+$0x0], $0xffff;
	[tilespmem:s20+$0x16610] =	vst v8  }
0x591: {  	v45 =	vadd.s32 $0x1E, v5;
	[tilespmem:s20+$0x16620] =	vst v10;
	v8 =	vld.idx.msk [tilespmem:v42+s3+$0x0], $0xffff  }
0x592: {  	v46 =	vadd.s32 $0x1E, v4;
	[tilespmem:s20+$0x16630] =	vst v12;
	v10 =	vld.idx.msk [tilespmem:v43+s3+$0x0], $0xffff  }
0x593: {  	v47 =	vadd.s32 $0x1E, v3;
	v12 =	vld.idx.msk [tilespmem:v44+s3+$0x0], $0xffff  }
0x594: {  	v48 =	vadd.s32 $0x1E, v2  }
0x595: {  	[tilespmem:s20+$0x16700] =	vst v6  }
0x596: {  	v6 =	vld.idx.msk [tilespmem:v45+s3+$0x0], $0xffff;
	[tilespmem:s20+$0x16710] =	vst v8  }
0x597: {  	v49 =	vadd.s32 $0x20, v5;
	[tilespmem:s20+$0x16720] =	vst v10;
	v8 =	vld.idx.msk [tilespmem:v46+s3+$0x0], $0xffff  }
0x598: {  	v50 =	vadd.s32 $0x20, v4;
	[tilespmem:s20+$0x16730] =	vst v12;
	v10 =	vld.idx.msk [tilespmem:v47+s3+$0x0], $0xffff  }
0x599: {  	v51 =	vadd.s32 $0x20, v3;
	v12 =	vld.idx.msk [tilespmem:v48+s3+$0x0], $0xffff  }
0x59a: {  	v52 =	vadd.s32 $0x20, v2  }
0x59b: {  	[tilespmem:s20+$0x16800] =	vst v6  }
0x59c: {  	v6 =	vld.idx.msk [tilespmem:v49+s3+$0x0], $0xffff;
	[tilespmem:s20+$0x16810] =	vst v8  }
0x59d: {  	v53 =	vadd.s32 $0x22, v5;
	[tilespmem:s20+$0x16820] =	vst v10;
	v8 =	vld.idx.msk [tilespmem:v50+s3+$0x0], $0xffff  }
0x59e: {  	v54 =	vadd.s32 $0x22, v4;
	[tilespmem:s20+$0x16830] =	vst v12;
	v10 =	vld.idx.msk [tilespmem:v51+s3+$0x0], $0xffff  }
0x59f: {  	v55 =	vadd.s32 $0x22, v3;
	v12 =	vld.idx.msk [tilespmem:v52+s3+$0x0], $0xffff  }
0x5a0: {  	v56 =	vadd.s32 $0x22, v2  }
0x5a1: {  	[tilespmem:s20+$0x16900] =	vst v6  }
0x5a2: {  	v6 =	vld.idx.msk [tilespmem:v53+s3+$0x0], $0xffff;
	[tilespmem:s20+$0x16910] =	vst v8  }
0x5a3: {  	v57 =	vadd.s32 $0x24, v5;
	[tilespmem:s20+$0x16920] =	vst v10;
	v8 =	vld.idx.msk [tilespmem:v54+s3+$0x0], $0xffff  }
0x5a4: {  	v58 =	vadd.s32 $0x24, v4;
	[tilespmem:s20+$0x16930] =	vst v12;
	v10 =	vld.idx.msk [tilespmem:v55+s3+$0x0], $0xffff  }
0x5a5: {  	v59 =	vadd.s32 $0x24, v3;
	v12 =	vld.idx.msk [tilespmem:v56+s3+$0x0], $0xffff  }
0x5a6: {  	v60 =	vadd.s32 $0x24, v2  }
0x5a7: {  	[tilespmem:s20+$0x16A00] =	vst v6  }
0x5a8: {  	v6 =	vld.idx.msk [tilespmem:v57+s3+$0x0], $0xffff;
	[tilespmem:s20+$0x16A10] =	vst v8  }
0x5a9: {  	v61 =	vadd.s32 $0x26, v5;
	[tilespmem:s20+$0x16A20] =	vst v10;
	v8 =	vld.idx.msk [tilespmem:v58+s3+$0x0], $0xffff  }
0x5aa: {  	v62 =	vadd.s32 $0x26, v4;
	[tilespmem:s20+$0x16A30] =	vst v12;
	v10 =	vld.idx.msk [tilespmem:v59+s3+$0x0], $0xffff  }
0x5ab: {  	v63 =	vadd.s32 $0x26, v3;
	v12 =	vld.idx.msk [tilespmem:v60+s3+$0x0], $0xffff  }
0x5ac: {  	v16 =	vadd.s32 $0x26, v2  }
0x5ad: {  	[tilespmem:s20+$0x16B00] =	vst v6  }
0x5ae: {  	v6 =	vld.idx.msk [tilespmem:v61+s3+$0x0], $0xffff;
	[tilespmem:s20+$0x16B10] =	vst v8  }
0x5af: {  	v17 =	vadd.s32 $0x28, v5;
	[tilespmem:s20+$0x16B20] =	vst v10;
	v8 =	vld.idx.msk [tilespmem:v62+s3+$0x0], $0xffff  }
0x5b0: {  	v18 =	vadd.s32 $0x28, v4;
	[tilespmem:s20+$0x16B30] =	vst v12;
	v10 =	vld.idx.msk [tilespmem:v63+s3+$0x0], $0xffff  }
0x5b1: {  	v19 =	vadd.s32 $0x28, v3;
	v12 =	vld.idx.msk [tilespmem:v16+s3+$0x0], $0xffff  }
0x5b2: {  	v20 =	vadd.s32 $0x28, v2  }
0x5b3: {  	[tilespmem:s20+$0x16C00] =	vst v6  }
0x5b4: {  	v6 =	vld.idx.msk [tilespmem:v17+s3+$0x0], $0xffff;
	[tilespmem:s20+$0x16C10] =	vst v8  }
0x5b5: {  	v21 =	vadd.s32 $0x2A, v5;
	[tilespmem:s20+$0x16C20] =	vst v10;
	v8 =	vld.idx.msk [tilespmem:v18+s3+$0x0], $0xffff  }
0x5b6: {  	v22 =	vadd.s32 $0x2A, v4;
	[tilespmem:s20+$0x16C30] =	vst v12;
	v10 =	vld.idx.msk [tilespmem:v19+s3+$0x0], $0xffff  }
0x5b7: {  	v23 =	vadd.s32 $0x2A, v3;
	v12 =	vld.idx.msk [tilespmem:v20+s3+$0x0], $0xffff  }
0x5b8: {  	v24 =	vadd.s32 $0x2A, v2  }
0x5b9: {  	[tilespmem:s20+$0x16D00] =	vst v6  }
0x5ba: {  	v6 =	vld.idx.msk [tilespmem:v21+s3+$0x0], $0xffff;
	[tilespmem:s20+$0x16D10] =	vst v8  }
0x5bb: {  	v25 =	vadd.s32 $0x2C, v5;
	[tilespmem:s20+$0x16D20] =	vst v10;
	v8 =	vld.idx.msk [tilespmem:v22+s3+$0x0], $0xffff  }
0x5bc: {  	v26 =	vadd.s32 $0x2C, v4;
	[tilespmem:s20+$0x16D30] =	vst v12;
	v10 =	vld.idx.msk [tilespmem:v23+s3+$0x0], $0xffff  }
0x5bd: {  	v27 =	vadd.s32 $0x2C, v3;
	v12 =	vld.idx.msk [tilespmem:v24+s3+$0x0], $0xffff  }
0x5be: {  	v28 =	vadd.s32 $0x2C, v2  }
0x5bf: {  	[tilespmem:s20+$0x16E00] =	vst v6  }
0x5c0: {  	v6 =	vld.idx.msk [tilespmem:v25+s3+$0x0], $0xffff;
	[tilespmem:s20+$0x16E10] =	vst v8  }
0x5c1: {  	v29 =	vadd.s32 $0x2E, v5;
	[tilespmem:s20+$0x16E20] =	vst v10;
	v8 =	vld.idx.msk [tilespmem:v26+s3+$0x0], $0xffff  }
0x5c2: {  	v30 =	vadd.s32 $0x2E, v4;
	[tilespmem:s20+$0x16E30] =	vst v12;
	v10 =	vld.idx.msk [tilespmem:v27+s3+$0x0], $0xffff  }
0x5c3: {  	v31 =	vadd.s32 $0x2E, v3;
	v12 =	vld.idx.msk [tilespmem:v28+s3+$0x0], $0xffff  }
0x5c4: {  	v32 =	vadd.s32 $0x2E, v2  }
0x5c5: {  	[tilespmem:s20+$0x16F00] =	vst v6  }
0x5c6: {  	v6 =	vld.idx.msk [tilespmem:v29+s3+$0x0], $0xffff;
	[tilespmem:s20+$0x16F10] =	vst v8  }
0x5c7: {  	v33 =	vadd.s32 $0x30, v5;
	[tilespmem:s20+$0x16F20] =	vst v10;
	v8 =	vld.idx.msk [tilespmem:v30+s3+$0x0], $0xffff  }
0x5c8: {  	v34 =	vadd.s32 $0x30, v4;
	[tilespmem:s20+$0x16F30] =	vst v12;
	v10 =	vld.idx.msk [tilespmem:v31+s3+$0x0], $0xffff  }
0x5c9: {  	v35 =	vadd.s32 $0x30, v3;
	v12 =	vld.idx.msk [tilespmem:v32+s3+$0x0], $0xffff  }
0x5ca: {  	v36 =	vadd.s32 $0x30, v2  }
0x5cb: {  	[tilespmem:s20+$0x17000] =	vst v6  }
0x5cc: {  	v6 =	vld.idx.msk [tilespmem:v33+s3+$0x0], $0xffff;
	[tilespmem:s20+$0x17010] =	vst v8  }
0x5cd: {  	v37 =	vadd.s32 $0x32, v5;
	[tilespmem:s20+$0x17020] =	vst v10;
	v8 =	vld.idx.msk [tilespmem:v34+s3+$0x0], $0xffff  }
0x5ce: {  	v38 =	vadd.s32 $0x32, v4;
	[tilespmem:s20+$0x17030] =	vst v12;
	v10 =	vld.idx.msk [tilespmem:v35+s3+$0x0], $0xffff  }
0x5cf: {  	v39 =	vadd.s32 $0x32, v3;
	v12 =	vld.idx.msk [tilespmem:v36+s3+$0x0], $0xffff  }
0x5d0: {  	v40 =	vadd.s32 $0x32, v2  }
0x5d1: {  	[tilespmem:s20+$0x17100] =	vst v6  }
0x5d2: {  	v6 =	vld.idx.msk [tilespmem:v37+s3+$0x0], $0xffff;
	[tilespmem:s20+$0x17110] =	vst v8  }
0x5d3: {  	v41 =	vadd.s32 $0x34, v5;
	[tilespmem:s20+$0x17120] =	vst v10;
	v8 =	vld.idx.msk [tilespmem:v38+s3+$0x0], $0xffff  }
0x5d4: {  	v42 =	vadd.s32 $0x34, v4;
	[tilespmem:s20+$0x17130] =	vst v12;
	v10 =	vld.idx.msk [tilespmem:v39+s3+$0x0], $0xffff  }
0x5d5: {  	v43 =	vadd.s32 $0x34, v3;
	v12 =	vld.idx.msk [tilespmem:v40+s3+$0x0], $0xffff  }
0x5d6: {  	v44 =	vadd.s32 $0x34, v2  }
0x5d7: {  	[tilespmem:s20+$0x17200] =	vst v6  }
0x5d8: {  	v6 =	vld.idx.msk [tilespmem:v41+s3+$0x0], $0xffff;
	[tilespmem:s20+$0x17210] =	vst v8  }
0x5d9: {  	v45 =	vadd.s32 $0x36, v5;
	[tilespmem:s20+$0x17220] =	vst v10;
	v8 =	vld.idx.msk [tilespmem:v42+s3+$0x0], $0xffff  }
0x5da: {  	v46 =	vadd.s32 $0x36, v4;
	[tilespmem:s20+$0x17230] =	vst v12;
	v10 =	vld.idx.msk [tilespmem:v43+s3+$0x0], $0xffff  }
0x5db: {  	v47 =	vadd.s32 $0x36, v3;
	v12 =	vld.idx.msk [tilespmem:v44+s3+$0x0], $0xffff  }
0x5dc: {  	v48 =	vadd.s32 $0x36, v2  }
0x5dd: {  	[tilespmem:s20+$0x17300] =	vst v6  }
0x5de: {  	v6 =	vld.idx.msk [tilespmem:v45+s3+$0x0], $0xffff;
	[tilespmem:s20+$0x17310] =	vst v8  }
0x5df: {  	v49 =	vadd.s32 $0x38, v5;
	[tilespmem:s20+$0x17320] =	vst v10;
	v8 =	vld.idx.msk [tilespmem:v46+s3+$0x0], $0xffff  }
0x5e0: {  	v50 =	vadd.s32 $0x38, v4;
	[tilespmem:s20+$0x17330] =	vst v12;
	v10 =	vld.idx.msk [tilespmem:v47+s3+$0x0], $0xffff  }
0x5e1: {  	v51 =	vadd.s32 $0x38, v3;
	v12 =	vld.idx.msk [tilespmem:v48+s3+$0x0], $0xffff  }
0x5e2: {  	v52 =	vadd.s32 $0x38, v2  }
0x5e3: {  	[tilespmem:s20+$0x17400] =	vst v6  }
0x5e4: {  	v6 =	vld.idx.msk [tilespmem:v49+s3+$0x0], $0xffff;
	[tilespmem:s20+$0x17410] =	vst v8  }
0x5e5: {  	v53 =	vadd.s32 $0x3A, v5;
	[tilespmem:s20+$0x17420] =	vst v10;
	v8 =	vld.idx.msk [tilespmem:v50+s3+$0x0], $0xffff  }
0x5e6: {  	v54 =	vadd.s32 $0x3A, v4;
	[tilespmem:s20+$0x17430] =	vst v12;
	v10 =	vld.idx.msk [tilespmem:v51+s3+$0x0], $0xffff  }
0x5e7: {  	v55 =	vadd.s32 $0x3A, v3;
	v12 =	vld.idx.msk [tilespmem:v52+s3+$0x0], $0xffff  }
0x5e8: {  	v56 =	vadd.s32 $0x3A, v2  }
0x5e9: {  	[tilespmem:s20+$0x17500] =	vst v6  }
0x5ea: {  	v6 =	vld.idx.msk [tilespmem:v53+s3+$0x0], $0xffff;
	[tilespmem:s20+$0x17510] =	vst v8  }
0x5eb: {  	v57 =	vadd.s32 $0x3C, v5;
	[tilespmem:s20+$0x17520] =	vst v10;
	v8 =	vld.idx.msk [tilespmem:v54+s3+$0x0], $0xffff  }
0x5ec: {  	v58 =	vadd.s32 $0x3C, v4;
	[tilespmem:s20+$0x17530] =	vst v12;
	v10 =	vld.idx.msk [tilespmem:v55+s3+$0x0], $0xffff  }
0x5ed: {  	v59 =	vadd.s32 $0x3C, v3;
	v12 =	vld.idx.msk [tilespmem:v56+s3+$0x0], $0xffff  }
0x5ee: {  	v60 =	vadd.s32 $0x3C, v2  }
0x5ef: {  	[tilespmem:s20+$0x17600] =	vst v6  }
0x5f0: {  	[tilespmem:s20+$0x17610] =	vst v8;
	v6 =	vld.idx.msk [tilespmem:v57+s3+$0x0], $0xffff  }
0x5f1: {  	v5 =	vadd.s32 $0x3E, v5;
	[tilespmem:s20+$0x17620] =	vst v10;
	v61 =	vld.idx.msk [tilespmem:v58+s3+$0x0], $0xffff  }
0x5f2: {  	v4 =	vadd.s32 $0x3E, v4;
	[tilespmem:s20+$0x17630] =	vst v12;
	v62 =	vld.idx.msk [tilespmem:v59+s3+$0x0], $0xffff  }
0x5f3: {  	v3 =	vadd.s32 $0x3E, v3;
	v63 =	vld.idx.msk [tilespmem:v60+s3+$0x0], $0xffff  }
0x5f4: {  	v2 =	vadd.s32 $0x3E, v2  }
0x5f5: {  	[tilespmem:s20+$0x17700] =	vst v6  }
0x5f6: {  	[tilespmem:s20+$0x17710] =	vst v61;
	v5 =	vld.idx.msk [tilespmem:v5+s3+$0x0], $0xffff  }
0x5f7: {  	[tilespmem:s20+$0x17720] =	vst v62;
	v4 =	vld.idx.msk [tilespmem:v4+s3+$0x0], $0xffff  }
0x5f8: {  	[tilespmem:s20+$0x17730] =	vst v63;
	v3 =	vld.idx.msk [tilespmem:v3+s3+$0x0], $0xffff  }
0x5f9: {  	p1 =	por p0, p0;
	v2 =	vld.idx.msk [tilespmem:v2+s3+$0x0], $0xffff  }
.Ltmp6:
0x5fa: {  	_ = 	snop;
	(pc) =	sbr.rel @p1 .LBB2_15-.Ltmp6, $4  }
0x5fb: {  	[tilespmem:s20+$0x17800] =	vst v5  }
0x5fc: {  	[tilespmem:s20+$0x17810] =	vst v4  }
0x5fd: {  	[tilespmem:s20+$0x17820] =	vst v3  }
0x5fe: {  	p0 =	por $0x0, $0x0;
	[tilespmem:s20+$0x17830] =	vst v2;
	s20 =	simm.s32 $0x40  }
0x5ff: {  	s18 =	sor.u32 $0x7, s18  }
0x600: {  	p0 =	por $0x1, $0x1;
	v1 =	vmov s18;
	s18 =	simm.s32 $0x0  }
.LBB2_17:
0x601: {  	v2 =	vmov s18;
	s20 =	sor.u32 $0x10, s18  }
0x602: {  	s30 =	sor.u32 $0x20, s18;
	v2 =	vmul.u32 $0xC8, v2;
	v3 =	vmov s20  }
0x603: {  	s31 =	sor.u32 $0x30, s18;
	v4 =	vmov s30;
	v3 =	vmul.u32 $0xC8, v3  }
0x604: {  	v5 =	vmov s31;
	v4 =	vmul.u32 $0xC8, v4;
	v2 =	vadd.s32 v1, v2  }
0x605: {  	v5 =	vmul.u32 $0xC8, v5;
	v2 =	vbroadcast v2, $0x0;
	v3 =	vadd.s32 v1, v3  }
0x606: {  	v4 =	vadd.s32 v1, v4;
	v3 =	vbroadcast v3, $0x0  }
0x607: {  	v5 =	vadd.s32 v1, v5;
	v4 =	vbroadcast v4, $0x0;
	v2 =	vadd.s32 v0, v2  }
0x608: {  	v5 =	vbroadcast v5, $0x0;
	v3 =	vadd.s32 v0, v3  }
0x609: {  	v4 =	vadd.s32 v0, v4  }
0x60a: {  	v5 =	vadd.s32 v0, v5;
	_ =	sdelay $0x1  }
0x60b: {  	v2 =	vld.idx.msk [tilespmem:v2+s9+$0x0], $0xffff  }
0x60c: {  	v3 =	vld.idx.msk [tilespmem:v3+s9+$0x0], $0xffff  }
0x60d: {  	v6 =	vld.idx.msk [tilespmem:v4+s9+$0x0], $0xffff  }
0x60e: {  	v7 =	vld.idx.msk [tilespmem:v5+s9+$0x0], $0xffff;
	_ =	sdelay $0x1  }
0x60f: {  	v5 =	vmul.u32 $0x41, v2  }
0x610: {  	v4 =	vmul.u32 $0x41, v3  }
0x611: {  	v3 =	vmul.u32 $0x41, v6  }
0x612: {  	v2 =	vmul.u32 $0x41, v7;
	_ =	sdelay $0x2  }
0x613: {  	v39 =	vld.idx.msk [tilespmem:v5+s3+$0x0], $0xffff  }
0x614: {  	v40 =	vadd.s32 $0x2, v5;
	v8 =	vld.idx.msk [tilespmem:v4+s3+$0x0], $0xffff  }
0x615: {  	v9 =	vadd.s32 $0x2, v4;
	v10 =	vld.idx.msk [tilespmem:v3+s3+$0x0], $0xffff  }
0x616: {  	v11 =	vadd.s32 $0x2, v3;
	v12 =	vld.idx.msk [tilespmem:v2+s3+$0x0], $0xffff  }
0x617: {  	v13 =	vadd.s32 $0x2, v2  }
0x618: {  	[tilespmem:s18+$0x17900] =	vst v39  }
0x619: {  	v6 =	vld.idx.msk [tilespmem:v40+s3+$0x0], $0xffff;
	[tilespmem:s18+$0x17910] =	vst v8  }
0x61a: {  	v41 =	vadd.s32 $0x4, v5;
	[tilespmem:s18+$0x17920] =	vst v10;
	v8 =	vld.idx.msk [tilespmem:v9+s3+$0x0], $0xffff  }
0x61b: {  	v42 =	vadd.s32 $0x4, v4;
	[tilespmem:s18+$0x17930] =	vst v12;
	v10 =	vld.idx.msk [tilespmem:v11+s3+$0x0], $0xffff  }
0x61c: {  	v43 =	vadd.s32 $0x4, v3;
	v12 =	vld.idx.msk [tilespmem:v13+s3+$0x0], $0xffff  }
0x61d: {  	v44 =	vadd.s32 $0x4, v2  }
0x61e: {  	[tilespmem:s18+$0x17A00] =	vst v6  }
0x61f: {  	v6 =	vld.idx.msk [tilespmem:v41+s3+$0x0], $0xffff;
	[tilespmem:s18+$0x17A10] =	vst v8  }
0x620: {  	v45 =	vadd.s32 $0x6, v5;
	[tilespmem:s18+$0x17A20] =	vst v10;
	v8 =	vld.idx.msk [tilespmem:v42+s3+$0x0], $0xffff  }
0x621: {  	v46 =	vadd.s32 $0x6, v4;
	[tilespmem:s18+$0x17A30] =	vst v12;
	v10 =	vld.idx.msk [tilespmem:v43+s3+$0x0], $0xffff  }
0x622: {  	v47 =	vadd.s32 $0x6, v3;
	v12 =	vld.idx.msk [tilespmem:v44+s3+$0x0], $0xffff  }
0x623: {  	v48 =	vadd.s32 $0x6, v2  }
0x624: {  	[tilespmem:s18+$0x17B00] =	vst v6  }
0x625: {  	v6 =	vld.idx.msk [tilespmem:v45+s3+$0x0], $0xffff;
	[tilespmem:s18+$0x17B10] =	vst v8  }
0x626: {  	v49 =	vadd.s32 $0x8, v5;
	[tilespmem:s18+$0x17B20] =	vst v10;
	v8 =	vld.idx.msk [tilespmem:v46+s3+$0x0], $0xffff  }
0x627: {  	v50 =	vadd.s32 $0x8, v4;
	[tilespmem:s18+$0x17B30] =	vst v12;
	v10 =	vld.idx.msk [tilespmem:v47+s3+$0x0], $0xffff  }
0x628: {  	v51 =	vadd.s32 $0x8, v3;
	v12 =	vld.idx.msk [tilespmem:v48+s3+$0x0], $0xffff  }
0x629: {  	v52 =	vadd.s32 $0x8, v2  }
0x62a: {  	[tilespmem:s18+$0x17C00] =	vst v6  }
0x62b: {  	v6 =	vld.idx.msk [tilespmem:v49+s3+$0x0], $0xffff;
	[tilespmem:s18+$0x17C10] =	vst v8  }
0x62c: {  	v53 =	vadd.s32 $0xA, v5;
	[tilespmem:s18+$0x17C20] =	vst v10;
	v8 =	vld.idx.msk [tilespmem:v50+s3+$0x0], $0xffff  }
0x62d: {  	v54 =	vadd.s32 $0xA, v4;
	[tilespmem:s18+$0x17C30] =	vst v12;
	v10 =	vld.idx.msk [tilespmem:v51+s3+$0x0], $0xffff  }
0x62e: {  	v55 =	vadd.s32 $0xA, v3;
	v12 =	vld.idx.msk [tilespmem:v52+s3+$0x0], $0xffff  }
0x62f: {  	v56 =	vadd.s32 $0xA, v2  }
0x630: {  	[tilespmem:s18+$0x17D00] =	vst v6  }
0x631: {  	v6 =	vld.idx.msk [tilespmem:v53+s3+$0x0], $0xffff;
	[tilespmem:s18+$0x17D10] =	vst v8  }
0x632: {  	v57 =	vadd.s32 $0xC, v5;
	[tilespmem:s18+$0x17D20] =	vst v10;
	v8 =	vld.idx.msk [tilespmem:v54+s3+$0x0], $0xffff  }
0x633: {  	v58 =	vadd.s32 $0xC, v4;
	[tilespmem:s18+$0x17D30] =	vst v12;
	v10 =	vld.idx.msk [tilespmem:v55+s3+$0x0], $0xffff  }
0x634: {  	v59 =	vadd.s32 $0xC, v3;
	v12 =	vld.idx.msk [tilespmem:v56+s3+$0x0], $0xffff  }
0x635: {  	v60 =	vadd.s32 $0xC, v2  }
0x636: {  	[tilespmem:s18+$0x17E00] =	vst v6  }
0x637: {  	v6 =	vld.idx.msk [tilespmem:v57+s3+$0x0], $0xffff;
	[tilespmem:s18+$0x17E10] =	vst v8  }
0x638: {  	v61 =	vadd.s32 $0xE, v5;
	[tilespmem:s18+$0x17E20] =	vst v10;
	v8 =	vld.idx.msk [tilespmem:v58+s3+$0x0], $0xffff  }
0x639: {  	v62 =	vadd.s32 $0xE, v4;
	[tilespmem:s18+$0x17E30] =	vst v12;
	v10 =	vld.idx.msk [tilespmem:v59+s3+$0x0], $0xffff  }
0x63a: {  	v63 =	vadd.s32 $0xE, v3;
	v12 =	vld.idx.msk [tilespmem:v60+s3+$0x0], $0xffff  }
0x63b: {  	v16 =	vadd.s32 $0xE, v2  }
0x63c: {  	[tilespmem:s18+$0x17F00] =	vst v6  }
0x63d: {  	v6 =	vld.idx.msk [tilespmem:v61+s3+$0x0], $0xffff;
	[tilespmem:s18+$0x17F10] =	vst v8  }
0x63e: {  	v17 =	vadd.s32 $0x10, v5;
	[tilespmem:s18+$0x17F20] =	vst v10;
	v8 =	vld.idx.msk [tilespmem:v62+s3+$0x0], $0xffff  }
0x63f: {  	v18 =	vadd.s32 $0x10, v4;
	[tilespmem:s18+$0x17F30] =	vst v12;
	v10 =	vld.idx.msk [tilespmem:v63+s3+$0x0], $0xffff  }
0x640: {  	v19 =	vadd.s32 $0x10, v3;
	v12 =	vld.idx.msk [tilespmem:v16+s3+$0x0], $0xffff  }
0x641: {  	v20 =	vadd.s32 $0x10, v2  }
0x642: {  	[tilespmem:s18+$0x18000] =	vst v6  }
0x643: {  	v6 =	vld.idx.msk [tilespmem:v17+s3+$0x0], $0xffff;
	[tilespmem:s18+$0x18010] =	vst v8  }
0x644: {  	v21 =	vadd.s32 $0x12, v5;
	[tilespmem:s18+$0x18020] =	vst v10;
	v8 =	vld.idx.msk [tilespmem:v18+s3+$0x0], $0xffff  }
0x645: {  	v22 =	vadd.s32 $0x12, v4;
	[tilespmem:s18+$0x18030] =	vst v12;
	v10 =	vld.idx.msk [tilespmem:v19+s3+$0x0], $0xffff  }
0x646: {  	v23 =	vadd.s32 $0x12, v3;
	v12 =	vld.idx.msk [tilespmem:v20+s3+$0x0], $0xffff  }
0x647: {  	v24 =	vadd.s32 $0x12, v2  }
0x648: {  	[tilespmem:s18+$0x18100] =	vst v6  }
0x649: {  	v6 =	vld.idx.msk [tilespmem:v21+s3+$0x0], $0xffff;
	[tilespmem:s18+$0x18110] =	vst v8  }
0x64a: {  	v25 =	vadd.s32 $0x14, v5;
	[tilespmem:s18+$0x18120] =	vst v10;
	v8 =	vld.idx.msk [tilespmem:v22+s3+$0x0], $0xffff  }
0x64b: {  	v26 =	vadd.s32 $0x14, v4;
	[tilespmem:s18+$0x18130] =	vst v12;
	v10 =	vld.idx.msk [tilespmem:v23+s3+$0x0], $0xffff  }
0x64c: {  	v27 =	vadd.s32 $0x14, v3;
	v12 =	vld.idx.msk [tilespmem:v24+s3+$0x0], $0xffff  }
0x64d: {  	v28 =	vadd.s32 $0x14, v2  }
0x64e: {  	[tilespmem:s18+$0x18200] =	vst v6  }
0x64f: {  	v6 =	vld.idx.msk [tilespmem:v25+s3+$0x0], $0xffff;
	[tilespmem:s18+$0x18210] =	vst v8  }
0x650: {  	v29 =	vadd.s32 $0x16, v5;
	[tilespmem:s18+$0x18220] =	vst v10;
	v8 =	vld.idx.msk [tilespmem:v26+s3+$0x0], $0xffff  }
0x651: {  	v30 =	vadd.s32 $0x16, v4;
	[tilespmem:s18+$0x18230] =	vst v12;
	v10 =	vld.idx.msk [tilespmem:v27+s3+$0x0], $0xffff  }
0x652: {  	v31 =	vadd.s32 $0x16, v3;
	v12 =	vld.idx.msk [tilespmem:v28+s3+$0x0], $0xffff  }
0x653: {  	v32 =	vadd.s32 $0x16, v2  }
0x654: {  	[tilespmem:s18+$0x18300] =	vst v6  }
0x655: {  	v6 =	vld.idx.msk [tilespmem:v29+s3+$0x0], $0xffff;
	[tilespmem:s18+$0x18310] =	vst v8  }
0x656: {  	v33 =	vadd.s32 $0x18, v5;
	[tilespmem:s18+$0x18320] =	vst v10;
	v8 =	vld.idx.msk [tilespmem:v30+s3+$0x0], $0xffff  }
0x657: {  	v34 =	vadd.s32 $0x18, v4;
	[tilespmem:s18+$0x18330] =	vst v12;
	v10 =	vld.idx.msk [tilespmem:v31+s3+$0x0], $0xffff  }
0x658: {  	v35 =	vadd.s32 $0x18, v3;
	v12 =	vld.idx.msk [tilespmem:v32+s3+$0x0], $0xffff  }
0x659: {  	v36 =	vadd.s32 $0x18, v2  }
0x65a: {  	[tilespmem:s18+$0x18400] =	vst v6  }
0x65b: {  	v6 =	vld.idx.msk [tilespmem:v33+s3+$0x0], $0xffff;
	[tilespmem:s18+$0x18410] =	vst v8  }
0x65c: {  	v37 =	vadd.s32 $0x1A, v5;
	[tilespmem:s18+$0x18420] =	vst v10;
	v8 =	vld.idx.msk [tilespmem:v34+s3+$0x0], $0xffff  }
0x65d: {  	v38 =	vadd.s32 $0x1A, v4;
	[tilespmem:s18+$0x18430] =	vst v12;
	v10 =	vld.idx.msk [tilespmem:v35+s3+$0x0], $0xffff  }
0x65e: {  	v39 =	vadd.s32 $0x1A, v3;
	v12 =	vld.idx.msk [tilespmem:v36+s3+$0x0], $0xffff  }
0x65f: {  	v40 =	vadd.s32 $0x1A, v2  }
0x660: {  	[tilespmem:s18+$0x18500] =	vst v6  }
0x661: {  	v6 =	vld.idx.msk [tilespmem:v37+s3+$0x0], $0xffff;
	[tilespmem:s18+$0x18510] =	vst v8  }
0x662: {  	v41 =	vadd.s32 $0x1C, v5;
	[tilespmem:s18+$0x18520] =	vst v10;
	v8 =	vld.idx.msk [tilespmem:v38+s3+$0x0], $0xffff  }
0x663: {  	v42 =	vadd.s32 $0x1C, v4;
	[tilespmem:s18+$0x18530] =	vst v12;
	v10 =	vld.idx.msk [tilespmem:v39+s3+$0x0], $0xffff  }
0x664: {  	v43 =	vadd.s32 $0x1C, v3;
	v12 =	vld.idx.msk [tilespmem:v40+s3+$0x0], $0xffff  }
0x665: {  	v44 =	vadd.s32 $0x1C, v2  }
0x666: {  	[tilespmem:s18+$0x18600] =	vst v6  }
0x667: {  	v6 =	vld.idx.msk [tilespmem:v41+s3+$0x0], $0xffff;
	[tilespmem:s18+$0x18610] =	vst v8  }
0x668: {  	v45 =	vadd.s32 $0x1E, v5;
	[tilespmem:s18+$0x18620] =	vst v10;
	v8 =	vld.idx.msk [tilespmem:v42+s3+$0x0], $0xffff  }
0x669: {  	v46 =	vadd.s32 $0x1E, v4;
	[tilespmem:s18+$0x18630] =	vst v12;
	v10 =	vld.idx.msk [tilespmem:v43+s3+$0x0], $0xffff  }
0x66a: {  	v47 =	vadd.s32 $0x1E, v3;
	v12 =	vld.idx.msk [tilespmem:v44+s3+$0x0], $0xffff  }
0x66b: {  	v48 =	vadd.s32 $0x1E, v2  }
0x66c: {  	[tilespmem:s18+$0x18700] =	vst v6  }
0x66d: {  	v6 =	vld.idx.msk [tilespmem:v45+s3+$0x0], $0xffff;
	[tilespmem:s18+$0x18710] =	vst v8  }
0x66e: {  	v49 =	vadd.s32 $0x20, v5;
	[tilespmem:s18+$0x18720] =	vst v10;
	v8 =	vld.idx.msk [tilespmem:v46+s3+$0x0], $0xffff  }
0x66f: {  	v50 =	vadd.s32 $0x20, v4;
	[tilespmem:s18+$0x18730] =	vst v12;
	v10 =	vld.idx.msk [tilespmem:v47+s3+$0x0], $0xffff  }
0x670: {  	v51 =	vadd.s32 $0x20, v3;
	v12 =	vld.idx.msk [tilespmem:v48+s3+$0x0], $0xffff  }
0x671: {  	v52 =	vadd.s32 $0x20, v2  }
0x672: {  	[tilespmem:s18+$0x18800] =	vst v6  }
0x673: {  	v6 =	vld.idx.msk [tilespmem:v49+s3+$0x0], $0xffff;
	[tilespmem:s18+$0x18810] =	vst v8  }
0x674: {  	v53 =	vadd.s32 $0x22, v5;
	[tilespmem:s18+$0x18820] =	vst v10;
	v8 =	vld.idx.msk [tilespmem:v50+s3+$0x0], $0xffff  }
0x675: {  	v54 =	vadd.s32 $0x22, v4;
	[tilespmem:s18+$0x18830] =	vst v12;
	v10 =	vld.idx.msk [tilespmem:v51+s3+$0x0], $0xffff  }
0x676: {  	v55 =	vadd.s32 $0x22, v3;
	v12 =	vld.idx.msk [tilespmem:v52+s3+$0x0], $0xffff  }
0x677: {  	v56 =	vadd.s32 $0x22, v2  }
0x678: {  	[tilespmem:s18+$0x18900] =	vst v6  }
0x679: {  	v6 =	vld.idx.msk [tilespmem:v53+s3+$0x0], $0xffff;
	[tilespmem:s18+$0x18910] =	vst v8  }
0x67a: {  	v57 =	vadd.s32 $0x24, v5;
	[tilespmem:s18+$0x18920] =	vst v10;
	v8 =	vld.idx.msk [tilespmem:v54+s3+$0x0], $0xffff  }
0x67b: {  	v58 =	vadd.s32 $0x24, v4;
	[tilespmem:s18+$0x18930] =	vst v12;
	v10 =	vld.idx.msk [tilespmem:v55+s3+$0x0], $0xffff  }
0x67c: {  	v59 =	vadd.s32 $0x24, v3;
	v12 =	vld.idx.msk [tilespmem:v56+s3+$0x0], $0xffff  }
0x67d: {  	v60 =	vadd.s32 $0x24, v2  }
0x67e: {  	[tilespmem:s18+$0x18A00] =	vst v6  }
0x67f: {  	v6 =	vld.idx.msk [tilespmem:v57+s3+$0x0], $0xffff;
	[tilespmem:s18+$0x18A10] =	vst v8  }
0x680: {  	v61 =	vadd.s32 $0x26, v5;
	[tilespmem:s18+$0x18A20] =	vst v10;
	v8 =	vld.idx.msk [tilespmem:v58+s3+$0x0], $0xffff  }
0x681: {  	v62 =	vadd.s32 $0x26, v4;
	[tilespmem:s18+$0x18A30] =	vst v12;
	v10 =	vld.idx.msk [tilespmem:v59+s3+$0x0], $0xffff  }
0x682: {  	v63 =	vadd.s32 $0x26, v3;
	v12 =	vld.idx.msk [tilespmem:v60+s3+$0x0], $0xffff  }
0x683: {  	v16 =	vadd.s32 $0x26, v2  }
0x684: {  	[tilespmem:s18+$0x18B00] =	vst v6  }
0x685: {  	v6 =	vld.idx.msk [tilespmem:v61+s3+$0x0], $0xffff;
	[tilespmem:s18+$0x18B10] =	vst v8  }
0x686: {  	v17 =	vadd.s32 $0x28, v5;
	[tilespmem:s18+$0x18B20] =	vst v10;
	v8 =	vld.idx.msk [tilespmem:v62+s3+$0x0], $0xffff  }
0x687: {  	v18 =	vadd.s32 $0x28, v4;
	[tilespmem:s18+$0x18B30] =	vst v12;
	v10 =	vld.idx.msk [tilespmem:v63+s3+$0x0], $0xffff  }
0x688: {  	v19 =	vadd.s32 $0x28, v3;
	v12 =	vld.idx.msk [tilespmem:v16+s3+$0x0], $0xffff  }
0x689: {  	v20 =	vadd.s32 $0x28, v2  }
0x68a: {  	[tilespmem:s18+$0x18C00] =	vst v6  }
0x68b: {  	v6 =	vld.idx.msk [tilespmem:v17+s3+$0x0], $0xffff;
	[tilespmem:s18+$0x18C10] =	vst v8  }
0x68c: {  	v21 =	vadd.s32 $0x2A, v5;
	[tilespmem:s18+$0x18C20] =	vst v10;
	v8 =	vld.idx.msk [tilespmem:v18+s3+$0x0], $0xffff  }
0x68d: {  	v22 =	vadd.s32 $0x2A, v4;
	[tilespmem:s18+$0x18C30] =	vst v12;
	v10 =	vld.idx.msk [tilespmem:v19+s3+$0x0], $0xffff  }
0x68e: {  	v23 =	vadd.s32 $0x2A, v3;
	v12 =	vld.idx.msk [tilespmem:v20+s3+$0x0], $0xffff  }
0x68f: {  	v24 =	vadd.s32 $0x2A, v2  }
0x690: {  	[tilespmem:s18+$0x18D00] =	vst v6  }
0x691: {  	v6 =	vld.idx.msk [tilespmem:v21+s3+$0x0], $0xffff;
	[tilespmem:s18+$0x18D10] =	vst v8  }
0x692: {  	v25 =	vadd.s32 $0x2C, v5;
	[tilespmem:s18+$0x18D20] =	vst v10;
	v8 =	vld.idx.msk [tilespmem:v22+s3+$0x0], $0xffff  }
0x693: {  	v26 =	vadd.s32 $0x2C, v4;
	[tilespmem:s18+$0x18D30] =	vst v12;
	v10 =	vld.idx.msk [tilespmem:v23+s3+$0x0], $0xffff  }
0x694: {  	v27 =	vadd.s32 $0x2C, v3;
	v12 =	vld.idx.msk [tilespmem:v24+s3+$0x0], $0xffff  }
0x695: {  	v28 =	vadd.s32 $0x2C, v2  }
0x696: {  	[tilespmem:s18+$0x18E00] =	vst v6  }
0x697: {  	v6 =	vld.idx.msk [tilespmem:v25+s3+$0x0], $0xffff;
	[tilespmem:s18+$0x18E10] =	vst v8  }
0x698: {  	v29 =	vadd.s32 $0x2E, v5;
	[tilespmem:s18+$0x18E20] =	vst v10;
	v8 =	vld.idx.msk [tilespmem:v26+s3+$0x0], $0xffff  }
0x699: {  	v30 =	vadd.s32 $0x2E, v4;
	[tilespmem:s18+$0x18E30] =	vst v12;
	v10 =	vld.idx.msk [tilespmem:v27+s3+$0x0], $0xffff  }
0x69a: {  	v31 =	vadd.s32 $0x2E, v3;
	v12 =	vld.idx.msk [tilespmem:v28+s3+$0x0], $0xffff  }
0x69b: {  	v32 =	vadd.s32 $0x2E, v2  }
0x69c: {  	[tilespmem:s18+$0x18F00] =	vst v6  }
0x69d: {  	v6 =	vld.idx.msk [tilespmem:v29+s3+$0x0], $0xffff;
	[tilespmem:s18+$0x18F10] =	vst v8  }
0x69e: {  	v33 =	vadd.s32 $0x30, v5;
	[tilespmem:s18+$0x18F20] =	vst v10;
	v8 =	vld.idx.msk [tilespmem:v30+s3+$0x0], $0xffff  }
0x69f: {  	v34 =	vadd.s32 $0x30, v4;
	[tilespmem:s18+$0x18F30] =	vst v12;
	v10 =	vld.idx.msk [tilespmem:v31+s3+$0x0], $0xffff  }
0x6a0: {  	v35 =	vadd.s32 $0x30, v3;
	v12 =	vld.idx.msk [tilespmem:v32+s3+$0x0], $0xffff  }
0x6a1: {  	v36 =	vadd.s32 $0x30, v2  }
0x6a2: {  	[tilespmem:s18+$0x19000] =	vst v6  }
0x6a3: {  	v6 =	vld.idx.msk [tilespmem:v33+s3+$0x0], $0xffff;
	[tilespmem:s18+$0x19010] =	vst v8  }
0x6a4: {  	v37 =	vadd.s32 $0x32, v5;
	[tilespmem:s18+$0x19020] =	vst v10;
	v8 =	vld.idx.msk [tilespmem:v34+s3+$0x0], $0xffff  }
0x6a5: {  	v38 =	vadd.s32 $0x32, v4;
	[tilespmem:s18+$0x19030] =	vst v12;
	v10 =	vld.idx.msk [tilespmem:v35+s3+$0x0], $0xffff  }
0x6a6: {  	v39 =	vadd.s32 $0x32, v3;
	v12 =	vld.idx.msk [tilespmem:v36+s3+$0x0], $0xffff  }
0x6a7: {  	v40 =	vadd.s32 $0x32, v2  }
0x6a8: {  	[tilespmem:s18+$0x19100] =	vst v6  }
0x6a9: {  	v6 =	vld.idx.msk [tilespmem:v37+s3+$0x0], $0xffff;
	[tilespmem:s18+$0x19110] =	vst v8  }
0x6aa: {  	v41 =	vadd.s32 $0x34, v5;
	[tilespmem:s18+$0x19120] =	vst v10;
	v8 =	vld.idx.msk [tilespmem:v38+s3+$0x0], $0xffff  }
0x6ab: {  	v42 =	vadd.s32 $0x34, v4;
	[tilespmem:s18+$0x19130] =	vst v12;
	v10 =	vld.idx.msk [tilespmem:v39+s3+$0x0], $0xffff  }
0x6ac: {  	v43 =	vadd.s32 $0x34, v3;
	v12 =	vld.idx.msk [tilespmem:v40+s3+$0x0], $0xffff  }
0x6ad: {  	v44 =	vadd.s32 $0x34, v2  }
0x6ae: {  	[tilespmem:s18+$0x19200] =	vst v6  }
0x6af: {  	v6 =	vld.idx.msk [tilespmem:v41+s3+$0x0], $0xffff;
	[tilespmem:s18+$0x19210] =	vst v8  }
0x6b0: {  	v45 =	vadd.s32 $0x36, v5;
	[tilespmem:s18+$0x19220] =	vst v10;
	v8 =	vld.idx.msk [tilespmem:v42+s3+$0x0], $0xffff  }
0x6b1: {  	v46 =	vadd.s32 $0x36, v4;
	[tilespmem:s18+$0x19230] =	vst v12;
	v10 =	vld.idx.msk [tilespmem:v43+s3+$0x0], $0xffff  }
0x6b2: {  	v47 =	vadd.s32 $0x36, v3;
	v12 =	vld.idx.msk [tilespmem:v44+s3+$0x0], $0xffff  }
0x6b3: {  	v48 =	vadd.s32 $0x36, v2  }
0x6b4: {  	[tilespmem:s18+$0x19300] =	vst v6  }
0x6b5: {  	v6 =	vld.idx.msk [tilespmem:v45+s3+$0x0], $0xffff;
	[tilespmem:s18+$0x19310] =	vst v8  }
0x6b6: {  	v49 =	vadd.s32 $0x38, v5;
	[tilespmem:s18+$0x19320] =	vst v10;
	v8 =	vld.idx.msk [tilespmem:v46+s3+$0x0], $0xffff  }
0x6b7: {  	v50 =	vadd.s32 $0x38, v4;
	[tilespmem:s18+$0x19330] =	vst v12;
	v10 =	vld.idx.msk [tilespmem:v47+s3+$0x0], $0xffff  }
0x6b8: {  	v51 =	vadd.s32 $0x38, v3;
	v12 =	vld.idx.msk [tilespmem:v48+s3+$0x0], $0xffff  }
0x6b9: {  	v52 =	vadd.s32 $0x38, v2  }
0x6ba: {  	[tilespmem:s18+$0x19400] =	vst v6  }
0x6bb: {  	v6 =	vld.idx.msk [tilespmem:v49+s3+$0x0], $0xffff;
	[tilespmem:s18+$0x19410] =	vst v8  }
0x6bc: {  	v53 =	vadd.s32 $0x3A, v5;
	[tilespmem:s18+$0x19420] =	vst v10;
	v8 =	vld.idx.msk [tilespmem:v50+s3+$0x0], $0xffff  }
0x6bd: {  	v54 =	vadd.s32 $0x3A, v4;
	[tilespmem:s18+$0x19430] =	vst v12;
	v10 =	vld.idx.msk [tilespmem:v51+s3+$0x0], $0xffff  }
0x6be: {  	v55 =	vadd.s32 $0x3A, v3;
	v12 =	vld.idx.msk [tilespmem:v52+s3+$0x0], $0xffff  }
0x6bf: {  	v56 =	vadd.s32 $0x3A, v2  }
0x6c0: {  	[tilespmem:s18+$0x19500] =	vst v6  }
0x6c1: {  	v6 =	vld.idx.msk [tilespmem:v53+s3+$0x0], $0xffff;
	[tilespmem:s18+$0x19510] =	vst v8  }
0x6c2: {  	v57 =	vadd.s32 $0x3C, v5;
	[tilespmem:s18+$0x19520] =	vst v10;
	v8 =	vld.idx.msk [tilespmem:v54+s3+$0x0], $0xffff  }
0x6c3: {  	v58 =	vadd.s32 $0x3C, v4;
	[tilespmem:s18+$0x19530] =	vst v12;
	v10 =	vld.idx.msk [tilespmem:v55+s3+$0x0], $0xffff  }
0x6c4: {  	v59 =	vadd.s32 $0x3C, v3;
	v12 =	vld.idx.msk [tilespmem:v56+s3+$0x0], $0xffff  }
0x6c5: {  	v60 =	vadd.s32 $0x3C, v2  }
0x6c6: {  	[tilespmem:s18+$0x19600] =	vst v6  }
0x6c7: {  	[tilespmem:s18+$0x19610] =	vst v8;
	v6 =	vld.idx.msk [tilespmem:v57+s3+$0x0], $0xffff  }
0x6c8: {  	v5 =	vadd.s32 $0x3E, v5;
	[tilespmem:s18+$0x19620] =	vst v10;
	v61 =	vld.idx.msk [tilespmem:v58+s3+$0x0], $0xffff  }
0x6c9: {  	v4 =	vadd.s32 $0x3E, v4;
	[tilespmem:s18+$0x19630] =	vst v12;
	v62 =	vld.idx.msk [tilespmem:v59+s3+$0x0], $0xffff  }
0x6ca: {  	v3 =	vadd.s32 $0x3E, v3;
	v63 =	vld.idx.msk [tilespmem:v60+s3+$0x0], $0xffff  }
0x6cb: {  	v2 =	vadd.s32 $0x3E, v2  }
0x6cc: {  	[tilespmem:s18+$0x19700] =	vst v6  }
0x6cd: {  	[tilespmem:s18+$0x19710] =	vst v61;
	v5 =	vld.idx.msk [tilespmem:v5+s3+$0x0], $0xffff  }
0x6ce: {  	[tilespmem:s18+$0x19720] =	vst v62;
	v4 =	vld.idx.msk [tilespmem:v4+s3+$0x0], $0xffff  }
0x6cf: {  	[tilespmem:s18+$0x19730] =	vst v63;
	v3 =	vld.idx.msk [tilespmem:v3+s3+$0x0], $0xffff  }
0x6d0: {  	p1 =	por p0, p0;
	v2 =	vld.idx.msk [tilespmem:v2+s3+$0x0], $0xffff  }
.Ltmp7:
0x6d1: {  	_ = 	snop;
	(pc) =	sbr.rel @p1 .LBB2_17-.Ltmp7, $4  }
0x6d2: {  	[tilespmem:s18+$0x19800] =	vst v5  }
0x6d3: {  	[tilespmem:s18+$0x19810] =	vst v4  }
0x6d4: {  	[tilespmem:s18+$0x19820] =	vst v3  }
0x6d5: {  	p0 =	por $0x0, $0x0;
	[tilespmem:s18+$0x19830] =	vst v2;
	s18 =	simm.s32 $0x40  }
0x6d6: {  	s17 =	sadd.s32 $0x1, s17  }
0x6d7: {  	p0 =	sne.s32 s17, $0x19  }
.Ltmp8:
0x6d8: {  	s18 =	sshll.u32 s19, $0x12;
	(pc) =	sbr.rel @p0 .LBB2_2-.Ltmp8, $4  }
0x6d9: {  	s18 =	sor.u32 s6, s18  }
0x6da: {  	s18 =	sshrl.u32 s18, $0x3  }
0x6db: {  	s18 =	sadd.s32 s2, s18  }
0x6dc: {  	[hbm4b:s18+s10] =	stream.strided.scatter [tilespmem:s13], [sflag:$0x2], $0x8000, s11, s10, $0x38;
	[tilespmem:$0x19900] =	vst v63  }
0x6dd: {  	s16 =	sadd.s32 $0x1, s16  }
0x6de: {  	_ =	swait.ge [sflag:s14], $0x8000;
	p0 =	sne.s32 s16, s7  }
.Ltmp9:
0x6df: {  	[sflag:s14] =	ssyncset.done $0x0;
	(pc) =	sbr.rel @p0 .LBB2_1-.Ltmp9, $4  }
0x6e0: {  	[sflag:s14] =	ssyncadd.s32 $0xFFFF8000  }
0x6e1: {  	_ =	swait.ge [sflag:s15], $0x8000  }
0x6e2: {  	[sflag:s15] =	ssyncset.done $0x0  }
0x6e3: {  	[sflag:s15] =	ssyncadd.s32 $0xFFFF8000  }
0x6e4: {  	_ =	sfence.sel $0x180000  }
0x6e5: {  	[bflag:$0x0] =	sbarrier.arrive $0xFFFF  }
0x6e6: {  	p0 =	sne.s32 s0, $0x0;
	_ =	strace $0x90000047  }
0x6e7: {  	s0 =	sadd.s32 @!p0 $0x100000, s1;
	[bflag:$0x2] =	sbarrier.arrive $0xFFFF  }
0x6e8: {  	[sflag:s0] =	ssyncadd.tile.s32 @!p0 $0x1;
	_ =	shalt  }
.Lfunc_end2:
_tile_overlayer_lowered:
.L_overlay_start_2:
0x6e9: {  	(tag) =	ssettag $0x2  }
0x6ea: {  	s0 =	rddreg [dreg:$0x0];
	s2 =	stileid.u32  }
0x6eb: {  	s1 =	rddreg [dreg:$0x1];
	p0 =	sne.s32 s2, $0x0  }
0x6ec: {  	s3 =	rddreg [dreg:$0x2];
	[bflag:$0x3] =	sbarrier.arrive $0xFFFF;
	s2 =	simm.s32 @!p0 $0x1C03  }
0x6ed: {  	[timem:s3], [sflag:s2] =	dma.local @!p0 [hbm:s0], s1  }
0x6ee: {  	s0 =	simm.s32 @!p0 $0x3  }
0x6ef: {  	_ =	swait.ge @!p0 [sflag:s0], s1  }
0x6f0: {  	s1 =	ssub.s32 @!p0 $0x0, s1;
	[sflag:s0] =	ssyncset.done @!p0 $0x0  }
0x6f1: {  	[sflag:s0] =	ssyncadd.s32 @!p0 s1  }
0x6f2: {  	[bflag:$0x3] =	sbarrier.arrive $0xFFFF  }
0x6f3: {  	_ =	shalt  }

</sc_bundles>
